<compile_context>
chip_gen: v7x
topology: tpu7x:2x2x1
jax: 0.10.2.dev20260603
libtpu: 0.0.44.dev20260713+nightly
codegen_flags: <defaults>
</compile_context>

<pallas_src>
import jax
import jax.numpy as jnp
from jax import lax
from jax.experimental import pallas as pl
from jax.experimental.pallas import tpu as pltpu
from jax.experimental.pallas import tpu_sc as plsc

_MU = 3.5
_B = 16384
_K = 90
_D = 128
_NC = 2
_NS = 16
_NW = _NC * _NS
_BPW = _B // _NW
_CH = 128
_NCHUNK = _BPW // _CH
_L = 16
_NG = _BPW // _L
_DEPTH = 2


def _sc_body(p_hbm, q_hbm, bu_hbm, bi_hbm, uidx_hbm, iidx_hbm, out_hbm,
             uidx_v, iidx_v, p_v, q_v, bu_v, bi_v, out_v, bsem,
             sem_a, sem_b, sem_c, sem_d):
    c = lax.axis_index("c")
    s = lax.axis_index("s")
    wid = s * _NC + c

    pltpu.sync_copy(uidx_hbm.at[pl.ds(wid * _NCHUNK, _NCHUNK)], uidx_v)
    pltpu.sync_copy(iidx_hbm.at[pl.ds(wid * _NCHUNK, _NCHUNK)], iidx_v)

    bias_copies = []
    for j in range(_NCHUNK):
        dst = pl.ds(j * _CH, _CH)
        bias_copies.append(pltpu.async_copy(bu_hbm.at[uidx_v.at[j]], bu_v.at[dst], bsem))
        bias_copies.append(pltpu.async_copy(bi_hbm.at[iidx_v.at[j]], bi_v.at[dst], bsem))

    lane = lax.iota(jnp.int32, _L)
    tail_mask = lane >= 6
    zero = jnp.zeros((_L,), jnp.float32)

    def issue(g, slot, sem):
        j0 = g // 8
        off = (g % 8) * _L
        uvec = uidx_v[j0, pl.ds(off, _L)]
        ivec = iidx_v[j0, pl.ds(off, _L)]
        for j in range(_L):
            u = uvec[j]
            i = ivec[j]
            row = slot * _L + j
            pltpu.async_copy(p_hbm.at[pl.ds(u, 1), :],
                             p_v.at[pl.ds(row, 1), pl.ds(0, _K)], sem)
            pltpu.async_copy(q_hbm.at[pl.ds(i, 1), :],
                             q_v.at[pl.ds(row, 1), pl.ds(0, _K)], sem)

    def drain(slot, sem):
        base = slot * _L
        pltpu.make_async_copy(p_hbm.at[pl.ds(0, _L), :],
                              p_v.at[pl.ds(base, _L), pl.ds(0, _K)], sem).wait()
        pltpu.make_async_copy(q_hbm.at[pl.ds(0, _L), :],
                              q_v.at[pl.ds(base, _L), pl.ds(0, _K)], sem).wait()

    def compute(g, slot):
        res = zero
        for j in range(_L):
            r = slot * _L + j
            acc = p_v[r, pl.ds(0, _L)] * q_v[r, pl.ds(0, _L)]
            for cix in range(1, 5):
                acc = acc + p_v[r, pl.ds(cix * _L, _L)] * q_v[r, pl.ds(cix * _L, _L)]
            tp = p_v[r, pl.ds(74, _L)] * q_v[r, pl.ds(74, _L)]
            acc = acc + jnp.where(tail_mask, tp, zero)
            res = jnp.where(lane == j, jnp.sum(acc), res)
        base = g * _L
        out_v[pl.ds(base, _L)] = (res + bu_v[pl.ds(base, _L)]
                                  + bi_v[pl.ds(base, _L)] + jnp.float32(_MU))
        return res

    for cp in bias_copies:
        cp.wait()

    sems = [sem_a, sem_b, sem_c, sem_d]
    for k in range(_DEPTH - 1):
        issue(jnp.int32(k), k, sems[k])

    def quad(g4, carry):
        for k in range(_DEPTH):
            g = g4 * _DEPTH + k
            ahead = g + _DEPTH - 1

            @pl.when(ahead < _NG)
            def _(ahead=ahead, k=k):
                issue(ahead, (k + _DEPTH - 1) % _DEPTH, sems[(k + _DEPTH - 1) % _DEPTH])

            drain(k, sems[k])
            compute(g, k)
        return carry

    lax.fori_loop(0, _NG // _DEPTH, quad, 0)

    pltpu.sync_copy(out_v, out_hbm.at[pl.ds(wid * _BPW, _BPW)])


@jax.jit
def _run(P, Q, b_u, b_i, uidx2, iidx2):
    mesh = plsc.VectorSubcoreMesh(core_axis_name="c", subcore_axis_name="s")
    f = pl.kernel(
        _sc_body,
        out_type=jax.ShapeDtypeStruct((_B,), jnp.float32),
        mesh=mesh,
        compiler_params=pltpu.CompilerParams(needs_layout_passes=False),
        scratch_types=[
            pltpu.VMEM((_NCHUNK, _CH), jnp.int32),
            pltpu.VMEM((_NCHUNK, _CH), jnp.int32),
            pltpu.VMEM((_DEPTH * _L, _K), jnp.float32),
            pltpu.VMEM((_DEPTH * _L, _K), jnp.float32),
            pltpu.VMEM((_BPW,), jnp.float32),
            pltpu.VMEM((_BPW,), jnp.float32),
            pltpu.VMEM((_BPW,), jnp.float32),
            pltpu.SemaphoreType.DMA,
            pltpu.SemaphoreType.DMA,
            pltpu.SemaphoreType.DMA,
            pltpu.SemaphoreType.DMA,
            pltpu.SemaphoreType.DMA,
        ],
    )
    return f(P, Q, b_u, b_i, uidx2, iidx2)


def kernel(P, Q, b_u, b_i, user_idx, item_idx):
    uidx2 = user_idx.astype(jnp.int32).reshape(_B // _CH, _CH)
    iidx2 = item_idx.astype(jnp.int32).reshape(_B // _CH, _CH)
    return _run(P, Q, b_u.reshape(-1), b_i.reshape(-1), uidx2, iidx2)

# --- scband reference (transcript-rebuilt; emitter-appended) ---
"""Pipeline reference for scband-latent-factor-model-54417235640867 (READ-ONLY COPY).

The authoritative reference and input builder live on the scoring server;
editing this copy changes nothing except your own understanding.
"""

import jax, jax.numpy as jnp
import numpy as np

N_USERS = 100000
N_ITEMS = 100000
K = 90
MU = 3.5
B = 16384


def setup_inputs(seed: int = 0) -> dict:
    key = jax.random.key(seed)
    k1, k2, k3, k4 = jax.random.split(key, 4)
    # xavier_uniform init as in nn.init.xavier_uniform_
    bound_p = float(np.sqrt(6.0 / (N_USERS + K)))
    bound_q = float(np.sqrt(6.0 / (N_ITEMS + K)))
    P = jax.random.uniform(k1, (N_USERS, K), minval=-bound_p, maxval=bound_p, dtype=jnp.float32)
    Q = jax.random.uniform(k2, (N_ITEMS, K), minval=-bound_q, maxval=bound_q, dtype=jnp.float32)
    b_u = jnp.zeros((N_USERS, 1), dtype=jnp.float32)
    b_i = jnp.zeros((N_ITEMS, 1), dtype=jnp.float32)
    user_idx = jax.random.randint(k3, (B,), 0, N_USERS, dtype=jnp.int32).astype(jnp.int64) if jax.config.jax_enable_x64 else jax.random.randint(k3, (B,), 0, N_USERS)
    item_idx = jax.random.randint(k4, (B,), 0, N_ITEMS)
    return {"P": P, "Q": Q, "b_u": b_u, "b_i": b_i, "user_idx": user_idx, "item_idx": item_idx}


def reference(P, Q, b_u, b_i, user_idx, item_idx):
    # UEIEModel.forward: mu + b_u + b_i + <p_u, q_i>
    p_u = jnp.take(P, user_idx, axis=0)
    q_i = jnp.take(Q, item_idx, axis=0)
    bu = jnp.take(b_u, user_idx, axis=0).squeeze(-1)
    bi = jnp.take(b_i, item_idx, axis=0).squeeze(-1)
    dot_product = (p_u * q_i).sum(axis=1)
    return MU + bu + bi + dot_product

if __name__ == "__main__":
    import jax
    _d = setup_inputs()
    print(jax.jit(kernel)(*tuple(_d.values())))

</pallas_src>

<mosaic_0001>
#map = affine_map<(d0, d1) -> (0, 0)>
#map1 = affine_map<(d0, d1) -> (0)>
module attributes {stable_mosaic.version = 14 : i64} {
  func.func @_sc_body(%arg0: i32, %arg1: i32, %arg2: memref<100000x90xf32, #tpu.memory_space<hbm>>, %arg3: memref<100000x90xf32, #tpu.memory_space<hbm>>, %arg4: memref<100000xf32, #tpu.memory_space<hbm>>, %arg5: memref<100000xf32, #tpu.memory_space<hbm>>, %arg6: memref<128x128xi32, #tpu.memory_space<hbm>>, %arg7: memref<128x128xi32, #tpu.memory_space<hbm>>, %arg8: memref<16384xf32, #tpu.memory_space<hbm>>, %arg9: memref<4x128xi32, #tpu.memory_space<vmem>>, %arg10: memref<4x128xi32, #tpu.memory_space<vmem>>, %arg11: memref<32x90xf32, #tpu.memory_space<vmem>>, %arg12: memref<32x90xf32, #tpu.memory_space<vmem>>, %arg13: memref<512xf32, #tpu.memory_space<vmem>>, %arg14: memref<512xf32, #tpu.memory_space<vmem>>, %arg15: memref<512xf32, #tpu.memory_space<vmem>>, %arg16: memref<!tpu.dma_semaphore, #tpu.memory_space<semaphore_mem>>, %arg17: memref<!tpu.dma_semaphore, #tpu.memory_space<semaphore_mem>>, %arg18: memref<!tpu.dma_semaphore, #tpu.memory_space<semaphore_mem>>, %arg19: memref<!tpu.dma_semaphore, #tpu.memory_space<semaphore_mem>>, %arg20: memref<!tpu.dma_semaphore, #tpu.memory_space<semaphore_mem>>) attributes {dimension_semantics = [#tpu.dimension_semantics<core_parallel>, #tpu.dimension_semantics<subcore_parallel>], iteration_bounds = array<i64: 2, 16>, scalar_prefetch = 0 : i64, scratch_operands = 12 : i64, tpu.core_type = #tpu.core_type<sc_vector_subcore>, window_params = [{transform_indices = #map}, {transform_indices = #map}, {transform_indices = #map1}, {transform_indices = #map1}, {transform_indices = #map}, {transform_indices = #map}, {transform_indices = #map1}]} {
    %mul3A = arith.constant 2 : i32
    %mul3A_0 = arith.muli %arg1, %mul3A : i32
    %add3A = arith.addi %mul3A_0, %arg0 : i32
    %mul3A_1 = arith.constant 4 : i32
    %mul3A_2 = arith.muli %add3A, %mul3A_1 : i32
    "tpu.region"() ({
      %run_scoped3A = tpu.sem_alloc : memref<!tpu.dma_semaphore, #tpu.memory_space<semaphore_mem>>
      %dma_start3A_562 = arith.constant 0 : i32
      %dma_start3A_563 = tpu.memref_slice %arg6[%mul3A_2, %dma_start3A_562] : memref<128x128xi32, #tpu.memory_space<hbm>> -> memref<4x128xi32, #tpu.memory_space<hbm>>
      %dma_start3A_564 = arith.constant 0 : i32
      %dma_start3A_565 = tpu.memref_slice %arg6[%mul3A_2, %dma_start3A_564] : memref<128x128xi32, #tpu.memory_space<hbm>> -> memref<4x128xi32, #tpu.memory_space<hbm>>
      tpu.enqueue_dma source(%dma_start3A_565 : memref<4x128xi32, #tpu.memory_space<hbm>>) target(%arg9 : memref<4x128xi32, #tpu.memory_space<vmem>>) target_semaphore(%run_scoped3A : memref<!tpu.dma_semaphore, #tpu.memory_space<semaphore_mem>>)
      %dma_wait3A_566 = arith.constant 0 : i32
      %dma_wait3A_567 = tpu.memref_slice %arg6[%mul3A_2, %dma_wait3A_566] : memref<128x128xi32, #tpu.memory_space<hbm>> -> memref<4x128xi32, #tpu.memory_space<hbm>>
      %dma_wait3A_568 = arith.constant 0 : i32
      %dma_wait3A_569 = tpu.memref_slice %arg6[%mul3A_2, %dma_wait3A_568] : memref<128x128xi32, #tpu.memory_space<hbm>> -> memref<4x128xi32, #tpu.memory_space<hbm>>
      tpu.wait_dma2 semaphore(%run_scoped3A : memref<!tpu.dma_semaphore, #tpu.memory_space<semaphore_mem>>) src(%dma_wait3A_569 : memref<4x128xi32, #tpu.memory_space<hbm>>) dst(%arg9 : memref<4x128xi32, #tpu.memory_space<vmem>>)
      tpu.yield
    }) : () -> ()
    %mul3A_3 = arith.constant 4 : i32
    %mul3A_4 = arith.muli %add3A, %mul3A_3 : i32
    "tpu.region"() ({
      %run_scoped3A = tpu.sem_alloc : memref<!tpu.dma_semaphore, #tpu.memory_space<semaphore_mem>>
      %dma_start3A_562 = arith.constant 0 : i32
      %dma_start3A_563 = tpu.memref_slice %arg7[%mul3A_4, %dma_start3A_562] : memref<128x128xi32, #tpu.memory_space<hbm>> -> memref<4x128xi32, #tpu.memory_space<hbm>>
      %dma_start3A_564 = arith.constant 0 : i32
      %dma_start3A_565 = tpu.memref_slice %arg7[%mul3A_4, %dma_start3A_564] : memref<128x128xi32, #tpu.memory_space<hbm>> -> memref<4x128xi32, #tpu.memory_space<hbm>>
      tpu.enqueue_dma source(%dma_start3A_565 : memref<4x128xi32, #tpu.memory_space<hbm>>) target(%arg10 : memref<4x128xi32, #tpu.memory_space<vmem>>) target_semaphore(%run_scoped3A : memref<!tpu.dma_semaphore, #tpu.memory_space<semaphore_mem>>)
      %dma_wait3A_566 = arith.constant 0 : i32
      %dma_wait3A_567 = tpu.memref_slice %arg7[%mul3A_4, %dma_wait3A_566] : memref<128x128xi32, #tpu.memory_space<hbm>> -> memref<4x128xi32, #tpu.memory_space<hbm>>
      %dma_wait3A_568 = arith.constant 0 : i32
      %dma_wait3A_569 = tpu.memref_slice %arg7[%mul3A_4, %dma_wait3A_568] : memref<128x128xi32, #tpu.memory_space<hbm>> -> memref<4x128xi32, #tpu.memory_space<hbm>>
      tpu.wait_dma2 semaphore(%run_scoped3A : memref<!tpu.dma_semaphore, #tpu.memory_space<semaphore_mem>>) src(%dma_wait3A_569 : memref<4x128xi32, #tpu.memory_space<hbm>>) dst(%arg10 : memref<4x128xi32, #tpu.memory_space<vmem>>)
      tpu.yield
    }) : () -> ()
    %dma_start3A = arith.constant 0 : i32
    %dma_start3A_5 = arith.constant 0 : i32
    %dma_start3A_6 = tpu.memref_slice %arg13[%dma_start3A_5] : memref<512xf32, #tpu.memory_space<vmem>> -> memref<128xf32, #tpu.memory_space<vmem>>
    %dma_start3A_7 = arith.constant 0 : i32
    %dma_start3A_8 = tpu.memref_slice %arg9[%dma_start3A, %dma_start3A_7] : memref<4x128xi32, #tpu.memory_space<vmem>> -> memref<1x128xi32, #tpu.memory_space<vmem>>
    %dma_start3A_9 = tpu.memref_squeeze %dma_start3A_8 : memref<1x128xi32, #tpu.memory_space<vmem>> -> memref<128xi32, #tpu.memory_space<vmem>>
    %dma_start3A_10 = arith.constant 0 : i32
    %dma_start3A_11 = tpu.memref_slice %arg4[%dma_start3A_10] : memref<100000xf32, #tpu.memory_space<hbm>> -> memref<100000xf32, #tpu.memory_space<hbm>>
    tpu.enqueue_indirect_dma source(%dma_start3A_11 : memref<100000xf32, #tpu.memory_space<hbm>>) target(%dma_start3A_6 : memref<128xf32, #tpu.memory_space<vmem>>) offsets(%dma_start3A_9 : memref<128xi32, #tpu.memory_space<vmem>>) semaphore(%arg16 : memref<!tpu.dma_semaphore, #tpu.memory_space<semaphore_mem>>)
    %dma_start3A_12 = arith.constant 0 : i32
    %dma_start3A_13 = arith.constant 0 : i32
    %dma_start3A_14 = tpu.memref_slice %arg14[%dma_start3A_13] : memref<512xf32, #tpu.memory_space<vmem>> -> memref<128xf32, #tpu.memory_space<vmem>>
    %dma_start3A_15 = arith.constant 0 : i32
    %dma_start3A_16 = tpu.memref_slice %arg10[%dma_start3A_12, %dma_start3A_15] : memref<4x128xi32, #tpu.memory_space<vmem>> -> memref<1x128xi32, #tpu.memory_space<vmem>>
    %dma_start3A_17 = tpu.memref_squeeze %dma_start3A_16 : memref<1x128xi32, #tpu.memory_space<vmem>> -> memref<128xi32, #tpu.memory_space<vmem>>
    %dma_start3A_18 = arith.constant 0 : i32
    %dma_start3A_19 = tpu.memref_slice %arg5[%dma_start3A_18] : memref<100000xf32, #tpu.memory_space<hbm>> -> memref<100000xf32, #tpu.memory_space<hbm>>
    tpu.enqueue_indirect_dma source(%dma_start3A_19 : memref<100000xf32, #tpu.memory_space<hbm>>) target(%dma_start3A_14 : memref<128xf32, #tpu.memory_space<vmem>>) offsets(%dma_start3A_17 : memref<128xi32, #tpu.memory_space<vmem>>) semaphore(%arg16 : memref<!tpu.dma_semaphore, #tpu.memory_space<semaphore_mem>>)
    %dma_start3A_20 = arith.constant 1 : i32
    %dma_start3A_21 = arith.constant 128 : i32
    %dma_start3A_22 = tpu.memref_slice %arg13[%dma_start3A_21] : memref<512xf32, #tpu.memory_space<vmem>> -> memref<128xf32, #tpu.memory_space<vmem>>
    %dma_start3A_23 = arith.constant 0 : i32
    %dma_start3A_24 = tpu.memref_slice %arg9[%dma_start3A_20, %dma_start3A_23] : memref<4x128xi32, #tpu.memory_space<vmem>> -> memref<1x128xi32, #tpu.memory_space<vmem>>
    %dma_start3A_25 = tpu.memref_squeeze %dma_start3A_24 : memref<1x128xi32, #tpu.memory_space<vmem>> -> memref<128xi32, #tpu.memory_space<vmem>>
    %dma_start3A_26 = arith.constant 0 : i32
    %dma_start3A_27 = tpu.memref_slice %arg4[%dma_start3A_26] : memref<100000xf32, #tpu.memory_space<hbm>> -> memref<100000xf32, #tpu.memory_space<hbm>>
    tpu.enqueue_indirect_dma source(%dma_start3A_27 : memref<100000xf32, #tpu.memory_space<hbm>>) target(%dma_start3A_22 : memref<128xf32, #tpu.memory_space<vmem>>) offsets(%dma_start3A_25 : memref<128xi32, #tpu.memory_space<vmem>>) semaphore(%arg16 : memref<!tpu.dma_semaphore, #tpu.memory_space<semaphore_mem>>)
    %dma_start3A_28 = arith.constant 1 : i32
    %dma_start3A_29 = arith.constant 128 : i32
    %dma_start3A_30 = tpu.memref_slice %arg14[%dma_start3A_29] : memref<512xf32, #tpu.memory_space<vmem>> -> memref<128xf32, #tpu.memory_space<vmem>>
    %dma_start3A_31 = arith.constant 0 : i32
    %dma_start3A_32 = tpu.memref_slice %arg10[%dma_start3A_28, %dma_start3A_31] : memref<4x128xi32, #tpu.memory_space<vmem>> -> memref<1x128xi32, #tpu.memory_space<vmem>>
    %dma_start3A_33 = tpu.memref_squeeze %dma_start3A_32 : memref<1x128xi32, #tpu.memory_space<vmem>> -> memref<128xi32, #tpu.memory_space<vmem>>
    %dma_start3A_34 = arith.constant 0 : i32
    %dma_start3A_35 = tpu.memref_slice %arg5[%dma_start3A_34] : memref<100000xf32, #tpu.memory_space<hbm>> -> memref<100000xf32, #tpu.memory_space<hbm>>
    tpu.enqueue_indirect_dma source(%dma_start3A_35 : memref<100000xf32, #tpu.memory_space<hbm>>) target(%dma_start3A_30 : memref<128xf32, #tpu.memory_space<vmem>>) offsets(%dma_start3A_33 : memref<128xi32, #tpu.memory_space<vmem>>) semaphore(%arg16 : memref<!tpu.dma_semaphore, #tpu.memory_space<semaphore_mem>>)
    %dma_start3A_36 = arith.constant 2 : i32
    %dma_start3A_37 = arith.constant 256 : i32
    %dma_start3A_38 = tpu.memref_slice %arg13[%dma_start3A_37] : memref<512xf32, #tpu.memory_space<vmem>> -> memref<128xf32, #tpu.memory_space<vmem>>
    %dma_start3A_39 = arith.constant 0 : i32
    %dma_start3A_40 = tpu.memref_slice %arg9[%dma_start3A_36, %dma_start3A_39] : memref<4x128xi32, #tpu.memory_space<vmem>> -> memref<1x128xi32, #tpu.memory_space<vmem>>
    %dma_start3A_41 = tpu.memref_squeeze %dma_start3A_40 : memref<1x128xi32, #tpu.memory_space<vmem>> -> memref<128xi32, #tpu.memory_space<vmem>>
    %dma_start3A_42 = arith.constant 0 : i32
    %dma_start3A_43 = tpu.memref_slice %arg4[%dma_start3A_42] : memref<100000xf32, #tpu.memory_space<hbm>> -> memref<100000xf32, #tpu.memory_space<hbm>>
    tpu.enqueue_indirect_dma source(%dma_start3A_43 : memref<100000xf32, #tpu.memory_space<hbm>>) target(%dma_start3A_38 : memref<128xf32, #tpu.memory_space<vmem>>) offsets(%dma_start3A_41 : memref<128xi32, #tpu.memory_space<vmem>>) semaphore(%arg16 : memref<!tpu.dma_semaphore, #tpu.memory_space<semaphore_mem>>)
    %dma_start3A_44 = arith.constant 2 : i32
    %dma_start3A_45 = arith.constant 256 : i32
    %dma_start3A_46 = tpu.memref_slice %arg14[%dma_start3A_45] : memref<512xf32, #tpu.memory_space<vmem>> -> memref<128xf32, #tpu.memory_space<vmem>>
    %dma_start3A_47 = arith.constant 0 : i32
    %dma_start3A_48 = tpu.memref_slice %arg10[%dma_start3A_44, %dma_start3A_47] : memref<4x128xi32, #tpu.memory_space<vmem>> -> memref<1x128xi32, #tpu.memory_space<vmem>>
    %dma_start3A_49 = tpu.memref_squeeze %dma_start3A_48 : memref<1x128xi32, #tpu.memory_space<vmem>> -> memref<128xi32, #tpu.memory_space<vmem>>
    %dma_start3A_50 = arith.constant 0 : i32
    %dma_start3A_51 = tpu.memref_slice %arg5[%dma_start3A_50] : memref<100000xf32, #tpu.memory_space<hbm>> -> memref<100000xf32, #tpu.memory_space<hbm>>
    tpu.enqueue_indirect_dma source(%dma_start3A_51 : memref<100000xf32, #tpu.memory_space<hbm>>) target(%dma_start3A_46 : memref<128xf32, #tpu.memory_space<vmem>>) offsets(%dma_start3A_49 : memref<128xi32, #tpu.memory_space<vmem>>) semaphore(%arg16 : memref<!tpu.dma_semaphore, #tpu.memory_space<semaphore_mem>>)
    %dma_start3A_52 = arith.constant 3 : i32
    %dma_start3A_53 = arith.constant 384 : i32
    %dma_start3A_54 = tpu.memref_slice %arg13[%dma_start3A_53] : memref<512xf32, #tpu.memory_space<vmem>> -> memref<128xf32, #tpu.memory_space<vmem>>
    %dma_start3A_55 = arith.constant 0 : i32
    %dma_start3A_56 = tpu.memref_slice %arg9[%dma_start3A_52, %dma_start3A_55] : memref<4x128xi32, #tpu.memory_space<vmem>> -> memref<1x128xi32, #tpu.memory_space<vmem>>
    %dma_start3A_57 = tpu.memref_squeeze %dma_start3A_56 : memref<1x128xi32, #tpu.memory_space<vmem>> -> memref<128xi32, #tpu.memory_space<vmem>>
    %dma_start3A_58 = arith.constant 0 : i32
    %dma_start3A_59 = tpu.memref_slice %arg4[%dma_start3A_58] : memref<100000xf32, #tpu.memory_space<hbm>> -> memref<100000xf32, #tpu.memory_space<hbm>>
    tpu.enqueue_indirect_dma source(%dma_start3A_59 : memref<100000xf32, #tpu.memory_space<hbm>>) target(%dma_start3A_54 : memref<128xf32, #tpu.memory_space<vmem>>) offsets(%dma_start3A_57 : memref<128xi32, #tpu.memory_space<vmem>>) semaphore(%arg16 : memref<!tpu.dma_semaphore, #tpu.memory_space<semaphore_mem>>)
    %dma_start3A_60 = arith.constant 3 : i32
    %dma_start3A_61 = arith.constant 384 : i32
    %dma_start3A_62 = tpu.memref_slice %arg14[%dma_start3A_61] : memref<512xf32, #tpu.memory_space<vmem>> -> memref<128xf32, #tpu.memory_space<vmem>>
    %dma_start3A_63 = arith.constant 0 : i32
    %dma_start3A_64 = tpu.memref_slice %arg10[%dma_start3A_60, %dma_start3A_63] : memref<4x128xi32, #tpu.memory_space<vmem>> -> memref<1x128xi32, #tpu.memory_space<vmem>>
    %dma_start3A_65 = tpu.memref_squeeze %dma_start3A_64 : memref<1x128xi32, #tpu.memory_space<vmem>> -> memref<128xi32, #tpu.memory_space<vmem>>
    %dma_start3A_66 = arith.constant 0 : i32
    %dma_start3A_67 = tpu.memref_slice %arg5[%dma_start3A_66] : memref<100000xf32, #tpu.memory_space<hbm>> -> memref<100000xf32, #tpu.memory_space<hbm>>
    tpu.enqueue_indirect_dma source(%dma_start3A_67 : memref<100000xf32, #tpu.memory_space<hbm>>) target(%dma_start3A_62 : memref<128xf32, #tpu.memory_space<vmem>>) offsets(%dma_start3A_65 : memref<128xi32, #tpu.memory_space<vmem>>) semaphore(%arg16 : memref<!tpu.dma_semaphore, #tpu.memory_space<semaphore_mem>>)
    %iota3A = tpu.iota {dimensions = array<i32: 0>} : vector<16xi32>
    %ge3A = arith.constant 6 : i32
    %ge3A_68 = vector.broadcast %ge3A : i32 to vector<16xi32>
    %ge3A_69 = arith.cmpi sge, %iota3A, %ge3A_68 : vector<16xi32>
    %broadcast_in_dim3A = arith.constant 0.000000e+00 : f32
    %broadcast_in_dim3A_70 = vector.broadcast %broadcast_in_dim3A : f32 to vector<16xf32>
    %dma_wait3A = arith.constant 0 : i32
    %dma_wait3A_71 = arith.constant 0 : i32
    %dma_wait3A_72 = tpu.memref_slice %arg13[%dma_wait3A_71] : memref<512xf32, #tpu.memory_space<vmem>> -> memref<128xf32, #tpu.memory_space<vmem>>
    %dma_wait3A_73 = arith.constant 0 : i32
    %dma_wait3A_74 = tpu.memref_slice %arg9[%dma_wait3A, %dma_wait3A_73] : memref<4x128xi32, #tpu.memory_space<vmem>> -> memref<1x128xi32, #tpu.memory_space<vmem>>
    %dma_wait3A_75 = tpu.memref_squeeze %dma_wait3A_74 : memref<1x128xi32, #tpu.memory_space<vmem>> -> memref<128xi32, #tpu.memory_space<vmem>>
    %dma_wait3A_76 = arith.constant 0 : i32
    %dma_wait3A_77 = tpu.memref_slice %arg4[%dma_wait3A_76] : memref<100000xf32, #tpu.memory_space<hbm>> -> memref<100000xf32, #tpu.memory_space<hbm>>
    tpu.wait_indirect_dma semaphore(%arg16 : memref<!tpu.dma_semaphore, #tpu.memory_space<semaphore_mem>>) src(%dma_wait3A_77 : memref<100000xf32, #tpu.memory_space<hbm>>) dst(%dma_wait3A_72 : memref<128xf32, #tpu.memory_space<vmem>>)
    %dma_wait3A_78 = arith.constant 0 : i32
    %dma_wait3A_79 = arith.constant 0 : i32
    %dma_wait3A_80 = tpu.memref_slice %arg14[%dma_wait3A_79] : memref<512xf32, #tpu.memory_space<vmem>> -> memref<128xf32, #tpu.memory_space<vmem>>
    %dma_wait3A_81 = arith.constant 0 : i32
    %dma_wait3A_82 = tpu.memref_slice %arg10[%dma_wait3A_78, %dma_wait3A_81] : memref<4x128xi32, #tpu.memory_space<vmem>> -> memref<1x128xi32, #tpu.memory_space<vmem>>
    %dma_wait3A_83 = tpu.memref_squeeze %dma_wait3A_82 : memref<1x128xi32, #tpu.memory_space<vmem>> -> memref<128xi32, #tpu.memory_space<vmem>>
    %dma_wait3A_84 = arith.constant 0 : i32
    %dma_wait3A_85 = tpu.memref_slice %arg5[%dma_wait3A_84] : memref<100000xf32, #tpu.memory_space<hbm>> -> memref<100000xf32, #tpu.memory_space<hbm>>
    tpu.wait_indirect_dma semaphore(%arg16 : memref<!tpu.dma_semaphore, #tpu.memory_space<semaphore_mem>>) src(%dma_wait3A_85 : memref<100000xf32, #tpu.memory_space<hbm>>) dst(%dma_wait3A_80 : memref<128xf32, #tpu.memory_space<vmem>>)
    %dma_wait3A_86 = arith.constant 1 : i32
    %dma_wait3A_87 = arith.constant 128 : i32
    %dma_wait3A_88 = tpu.memref_slice %arg13[%dma_wait3A_87] : memref<512xf32, #tpu.memory_space<vmem>> -> memref<128xf32, #tpu.memory_space<vmem>>
    %dma_wait3A_89 = arith.constant 0 : i32
    %dma_wait3A_90 = tpu.memref_slice %arg9[%dma_wait3A_86, %dma_wait3A_89] : memref<4x128xi32, #tpu.memory_space<vmem>> -> memref<1x128xi32, #tpu.memory_space<vmem>>
    %dma_wait3A_91 = tpu.memref_squeeze %dma_wait3A_90 : memref<1x128xi32, #tpu.memory_space<vmem>> -> memref<128xi32, #tpu.memory_space<vmem>>
    %dma_wait3A_92 = arith.constant 0 : i32
    %dma_wait3A_93 = tpu.memref_slice %arg4[%dma_wait3A_92] : memref<100000xf32, #tpu.memory_space<hbm>> -> memref<100000xf32, #tpu.memory_space<hbm>>
    tpu.wait_indirect_dma semaphore(%arg16 : memref<!tpu.dma_semaphore, #tpu.memory_space<semaphore_mem>>) src(%dma_wait3A_93 : memref<100000xf32, #tpu.memory_space<hbm>>) dst(%dma_wait3A_88 : memref<128xf32, #tpu.memory_space<vmem>>)
    %dma_wait3A_94 = arith.constant 1 : i32
    %dma_wait3A_95 = arith.constant 128 : i32
    %dma_wait3A_96 = tpu.memref_slice %arg14[%dma_wait3A_95] : memref<512xf32, #tpu.memory_space<vmem>> -> memref<128xf32, #tpu.memory_space<vmem>>
    %dma_wait3A_97 = arith.constant 0 : i32
    %dma_wait3A_98 = tpu.memref_slice %arg10[%dma_wait3A_94, %dma_wait3A_97] : memref<4x128xi32, #tpu.memory_space<vmem>> -> memref<1x128xi32, #tpu.memory_space<vmem>>
    %dma_wait3A_99 = tpu.memref_squeeze %dma_wait3A_98 : memref<1x128xi32, #tpu.memory_space<vmem>> -> memref<128xi32, #tpu.memory_space<vmem>>
    %dma_wait3A_100 = arith.constant 0 : i32
    %dma_wait3A_101 = tpu.memref_slice %arg5[%dma_wait3A_100] : memref<100000xf32, #tpu.memory_space<hbm>> -> memref<100000xf32, #tpu.memory_space<hbm>>
    tpu.wait_indirect_dma semaphore(%arg16 : memref<!tpu.dma_semaphore, #tpu.memory_space<semaphore_mem>>) src(%dma_wait3A_101 : memref<100000xf32, #tpu.memory_space<hbm>>) dst(%dma_wait3A_96 : memref<128xf32, #tpu.memory_space<vmem>>)
    %dma_wait3A_102 = arith.constant 2 : i32
    %dma_wait3A_103 = arith.constant 256 : i32
    %dma_wait3A_104 = tpu.memref_slice %arg13[%dma_wait3A_103] : memref<512xf32, #tpu.memory_space<vmem>> -> memref<128xf32, #tpu.memory_space<vmem>>
    %dma_wait3A_105 = arith.constant 0 : i32
    %dma_wait3A_106 = tpu.memref_slice %arg9[%dma_wait3A_102, %dma_wait3A_105] : memref<4x128xi32, #tpu.memory_space<vmem>> -> memref<1x128xi32, #tpu.memory_space<vmem>>
    %dma_wait3A_107 = tpu.memref_squeeze %dma_wait3A_106 : memref<1x128xi32, #tpu.memory_space<vmem>> -> memref<128xi32, #tpu.memory_space<vmem>>
    %dma_wait3A_108 = arith.constant 0 : i32
    %dma_wait3A_109 = tpu.memref_slice %arg4[%dma_wait3A_108] : memref<100000xf32, #tpu.memory_space<hbm>> -> memref<100000xf32, #tpu.memory_space<hbm>>
    tpu.wait_indirect_dma semaphore(%arg16 : memref<!tpu.dma_semaphore, #tpu.memory_space<semaphore_mem>>) src(%dma_wait3A_109 : memref<100000xf32, #tpu.memory_space<hbm>>) dst(%dma_wait3A_104 : memref<128xf32, #tpu.memory_space<vmem>>)
    %dma_wait3A_110 = arith.constant 2 : i32
    %dma_wait3A_111 = arith.constant 256 : i32
    %dma_wait3A_112 = tpu.memref_slice %arg14[%dma_wait3A_111] : memref<512xf32, #tpu.memory_space<vmem>> -> memref<128xf32, #tpu.memory_space<vmem>>
    %dma_wait3A_113 = arith.constant 0 : i32
    %dma_wait3A_114 = tpu.memref_slice %arg10[%dma_wait3A_110, %dma_wait3A_113] : memref<4x128xi32, #tpu.memory_space<vmem>> -> memref<1x128xi32, #tpu.memory_space<vmem>>
    %dma_wait3A_115 = tpu.memref_squeeze %dma_wait3A_114 : memref<1x128xi32, #tpu.memory_space<vmem>> -> memref<128xi32, #tpu.memory_space<vmem>>
    %dma_wait3A_116 = arith.constant 0 : i32
    %dma_wait3A_117 = tpu.memref_slice %arg5[%dma_wait3A_116] : memref<100000xf32, #tpu.memory_space<hbm>> -> memref<100000xf32, #tpu.memory_space<hbm>>
    tpu.wait_indirect_dma semaphore(%arg16 : memref<!tpu.dma_semaphore, #tpu.memory_space<semaphore_mem>>) src(%dma_wait3A_117 : memref<100000xf32, #tpu.memory_space<hbm>>) dst(%dma_wait3A_112 : memref<128xf32, #tpu.memory_space<vmem>>)
    %dma_wait3A_118 = arith.constant 3 : i32
    %dma_wait3A_119 = arith.constant 384 : i32
    %dma_wait3A_120 = tpu.memref_slice %arg13[%dma_wait3A_119] : memref<512xf32, #tpu.memory_space<vmem>> -> memref<128xf32, #tpu.memory_space<vmem>>
    %dma_wait3A_121 = arith.constant 0 : i32
    %dma_wait3A_122 = tpu.memref_slice %arg9[%dma_wait3A_118, %dma_wait3A_121] : memref<4x128xi32, #tpu.memory_space<vmem>> -> memref<1x128xi32, #tpu.memory_space<vmem>>
    %dma_wait3A_123 = tpu.memref_squeeze %dma_wait3A_122 : memref<1x128xi32, #tpu.memory_space<vmem>> -> memref<128xi32, #tpu.memory_space<vmem>>
    %dma_wait3A_124 = arith.constant 0 : i32
    %dma_wait3A_125 = tpu.memref_slice %arg4[%dma_wait3A_124] : memref<100000xf32, #tpu.memory_space<hbm>> -> memref<100000xf32, #tpu.memory_space<hbm>>
    tpu.wait_indirect_dma semaphore(%arg16 : memref<!tpu.dma_semaphore, #tpu.memory_space<semaphore_mem>>) src(%dma_wait3A_125 : memref<100000xf32, #tpu.memory_space<hbm>>) dst(%dma_wait3A_120 : memref<128xf32, #tpu.memory_space<vmem>>)
    %dma_wait3A_126 = arith.constant 3 : i32
    %dma_wait3A_127 = arith.constant 384 : i32
    %dma_wait3A_128 = tpu.memref_slice %arg14[%dma_wait3A_127] : memref<512xf32, #tpu.memory_space<vmem>> -> memref<128xf32, #tpu.memory_space<vmem>>
    %dma_wait3A_129 = arith.constant 0 : i32
    %dma_wait3A_130 = tpu.memref_slice %arg10[%dma_wait3A_126, %dma_wait3A_129] : memref<4x128xi32, #tpu.memory_space<vmem>> -> memref<1x128xi32, #tpu.memory_space<vmem>>
    %dma_wait3A_131 = tpu.memref_squeeze %dma_wait3A_130 : memref<1x128xi32, #tpu.memory_space<vmem>> -> memref<128xi32, #tpu.memory_space<vmem>>
    %dma_wait3A_132 = arith.constant 0 : i32
    %dma_wait3A_133 = tpu.memref_slice %arg5[%dma_wait3A_132] : memref<100000xf32, #tpu.memory_space<hbm>> -> memref<100000xf32, #tpu.memory_space<hbm>>
    tpu.wait_indirect_dma semaphore(%arg16 : memref<!tpu.dma_semaphore, #tpu.memory_space<semaphore_mem>>) src(%dma_wait3A_133 : memref<100000xf32, #tpu.memory_space<hbm>>) dst(%dma_wait3A_128 : memref<128xf32, #tpu.memory_space<vmem>>)
    %jit3A = arith.constant 0 : i32
    %jit3A_134 = arith.constant 8 : i32
    %div3A = arith.divsi %jit3A, %jit3A_134 : i32
    %sign3A = arith.constant 0 : i32
    %sign3A_135 = arith.cmpi sgt, %jit3A, %sign3A : i32
    %sign3A_136 = arith.extui %sign3A_135 : i1 to i32
    %sign3A_137 = arith.constant 0 : i32
    %sign3A_138 = arith.cmpi slt, %jit3A, %sign3A_137 : i32
    %sign3A_139 = arith.extui %sign3A_138 : i1 to i32
    %sign3A_140 = arith.subi %sign3A_136, %sign3A_139 : i32
    %sign3A_141 = arith.constant 0 : i32
    %sign3A_142 = arith.cmpi sgt, %jit3A_134, %sign3A_141 : i32
    %sign3A_143 = arith.extui %sign3A_142 : i1 to i32
    %sign3A_144 = arith.constant 0 : i32
    %sign3A_145 = arith.cmpi slt, %jit3A_134, %sign3A_144 : i32
    %sign3A_146 = arith.extui %sign3A_145 : i1 to i32
    %sign3A_147 = arith.subi %sign3A_143, %sign3A_146 : i32
    %ne3A = arith.cmpi ne, %sign3A_140, %sign3A_147 : i32
    %rem3A = arith.remsi %jit3A, %jit3A_134 : i32
    %ne3A_148 = arith.constant 0 : i32
    %ne3A_149 = arith.cmpi ne, %rem3A, %ne3A_148 : i32
    %and3A = arith.andi %ne3A, %ne3A_149 : i1
    %sub3A = arith.constant 1 : i32
    %sub3A_150 = arith.subi %div3A, %sub3A : i32
    %select_n3A = arith.select %and3A, %sub3A_150, %div3A : i32
    %jit3A_151 = arith.constant 0 : i32
    %jit3A_152 = arith.constant 8 : i32
    %eq3A = arith.constant 0 : i32
    %eq3A_153 = arith.cmpi eq, %jit3A_152, %eq3A : i32
    %jit3A_154 = arith.constant 1 : i32
    %select_n3A_155 = arith.select %eq3A_153, %jit3A_154, %jit3A_152 : i32
    %rem3A_156 = arith.remsi %jit3A_151, %select_n3A_155 : i32
    %ne3A_157 = arith.constant 0 : i32
    %ne3A_158 = arith.cmpi ne, %rem3A_156, %ne3A_157 : i32
    %lt3A = arith.constant 0 : i32
    %lt3A_159 = arith.cmpi slt, %rem3A_156, %lt3A : i32
    %lt3A_160 = arith.constant 0 : i32
    %lt3A_161 = arith.cmpi slt, %select_n3A_155, %lt3A_160 : i32
    %ne3A_162 = arith.xori %lt3A_159, %lt3A_161 : i1
    %and3A_163 = arith.andi %ne3A_162, %ne3A_158 : i1
    %add3A_164 = arith.addi %rem3A_156, %select_n3A_155 : i32
    %select_n3A_165 = arith.select %and3A_163, %add3A_164, %rem3A_156 : i32
    %mul3A_166 = arith.constant 16 : i32
    %mul3A_167 = arith.muli %select_n3A_165, %mul3A_166 : i32
    %get3A = arith.index_cast %select_n3A : i32 to index
    %get3A_168 = arith.index_cast %mul3A_167 : i32 to index
    %get3A_169 = tpu.vector_load %arg9[%get3A, %get3A_168] {strides = array<i32>} : memref<4x128xi32, #tpu.memory_space<vmem>>, vector<16xi32>,
    %get3A_170 = arith.index_cast %select_n3A : i32 to index
    %get3A_171 = arith.index_cast %mul3A_167 : i32 to index
    %get3A_172 = tpu.vector_load %arg10[%get3A_170, %get3A_171] {strides = array<i32>} : memref<4x128xi32, #tpu.memory_space<vmem>>, vector<16xi32>,
    %slice3A = vector.extract_strided_slice %get3A_169 {offsets = [0], sizes = [1], strides = [1]} : vector<16xi32> to vector<1xi32>
    %squeeze3A = vector.extract %slice3A[0] : i32 from vector<1xi32>
    %slice3A_173 = vector.extract_strided_slice %get3A_172 {offsets = [0], sizes = [1], strides = [1]} : vector<16xi32> to vector<1xi32>
    %squeeze3A_174 = vector.extract %slice3A_173[0] : i32 from vector<1xi32>
    %dma_start3A_175 = arith.constant 0 : i32
    %dma_start3A_176 = arith.constant 0 : i32
    %dma_start3A_177 = tpu.memref_slice %arg11[%dma_start3A_175, %dma_start3A_176] : memref<32x90xf32, #tpu.memory_space<vmem>> -> memref<1x90xf32, #tpu.memory_space<vmem>>
    %dma_start3A_178 = arith.constant 0 : i32
    %dma_start3A_179 = tpu.memref_slice %arg2[%squeeze3A, %dma_start3A_178] : memref<100000x90xf32, #tpu.memory_space<hbm>> -> memref<1x90xf32, #tpu.memory_space<hbm>>
    %dma_start3A_180 = arith.constant 0 : i32
    %dma_start3A_181 = arith.constant 0 : i32
    %dma_start3A_182 = tpu.memref_slice %arg11[%dma_start3A_180, %dma_start3A_181] : memref<32x90xf32, #tpu.memory_space<vmem>> -> memref<1x90xf32, #tpu.memory_space<vmem>>
    %dma_start3A_183 = arith.constant 0 : i32
    %dma_start3A_184 = tpu.memref_slice %arg2[%squeeze3A, %dma_start3A_183] : memref<100000x90xf32, #tpu.memory_space<hbm>> -> memref<1x90xf32, #tpu.memory_space<hbm>>
    tpu.enqueue_dma source(%dma_start3A_184 : memref<1x90xf32, #tpu.memory_space<hbm>>) target(%dma_start3A_182 : memref<1x90xf32, #tpu.memory_space<vmem>>) target_semaphore(%arg17 : memref<!tpu.dma_semaphore, #tpu.memory_space<semaphore_mem>>)
    %dma_start3A_185 = arith.constant 0 : i32
    %dma_start3A_186 = arith.constant 0 : i32
    %dma_start3A_187 = tpu.memref_slice %arg12[%dma_start3A_185, %dma_start3A_186] : memref<32x90xf32, #tpu.memory_space<vmem>> -> memref<1x90xf32, #tpu.memory_space<vmem>>
    %dma_start3A_188 = arith.constant 0 : i32
    %dma_start3A_189 = tpu.memref_slice %arg3[%squeeze3A_174, %dma_start3A_188] : memref<100000x90xf32, #tpu.memory_space<hbm>> -> memref<1x90xf32, #tpu.memory_space<hbm>>
    %dma_start3A_190 = arith.constant 0 : i32
    %dma_start3A_191 = arith.constant 0 : i32
    %dma_start3A_192 = tpu.memref_slice %arg12[%dma_start3A_190, %dma_start3A_191] : memref<32x90xf32, #tpu.memory_space<vmem>> -> memref<1x90xf32, #tpu.memory_space<vmem>>
    %dma_start3A_193 = arith.constant 0 : i32
    %dma_start3A_194 = tpu.memref_slice %arg3[%squeeze3A_174, %dma_start3A_193] : memref<100000x90xf32, #tpu.memory_space<hbm>> -> memref<1x90xf32, #tpu.memory_space<hbm>>
    tpu.enqueue_dma source(%dma_start3A_194 : memref<1x90xf32, #tpu.memory_space<hbm>>) target(%dma_start3A_192 : memref<1x90xf32, #tpu.memory_space<vmem>>) target_semaphore(%arg17 : memref<!tpu.dma_semaphore, #tpu.memory_space<semaphore_mem>>)
    %slice3A_195 = vector.extract_strided_slice %get3A_169 {offsets = [1], sizes = [1], strides = [1]} : vector<16xi32> to vector<1xi32>
    %squeeze3A_196 = vector.extract %slice3A_195[0] : i32 from vector<1xi32>
    %slice3A_197 = vector.extract_strided_slice %get3A_172 {offsets = [1], sizes = [1], strides = [1]} : vector<16xi32> to vector<1xi32>
    %squeeze3A_198 = vector.extract %slice3A_197[0] : i32 from vector<1xi32>
    %dma_start3A_199 = arith.constant 1 : i32
    %dma_start3A_200 = arith.constant 0 : i32
    %dma_start3A_201 = tpu.memref_slice %arg11[%dma_start3A_199, %dma_start3A_200] : memref<32x90xf32, #tpu.memory_space<vmem>> -> memref<1x90xf32, #tpu.memory_space<vmem>>
    %dma_start3A_202 = arith.constant 0 : i32
    %dma_start3A_203 = tpu.memref_slice %arg2[%squeeze3A_196, %dma_start3A_202] : memref<100000x90xf32, #tpu.memory_space<hbm>> -> memref<1x90xf32, #tpu.memory_space<hbm>>
    %dma_start3A_204 = arith.constant 1 : i32
    %dma_start3A_205 = arith.constant 0 : i32
    %dma_start3A_206 = tpu.memref_slice %arg11[%dma_start3A_204, %dma_start3A_205] : memref<32x90xf32, #tpu.memory_space<vmem>> -> memref<1x90xf32, #tpu.memory_space<vmem>>
    %dma_start3A_207 = arith.constant 0 : i32
    %dma_start3A_208 = tpu.memref_slice %arg2[%squeeze3A_196, %dma_start3A_207] : memref<100000x90xf32, #tpu.memory_space<hbm>> -> memref<1x90xf32, #tpu.memory_space<hbm>>
    tpu.enqueue_dma source(%dma_start3A_208 : memref<1x90xf32, #tpu.memory_space<hbm>>) target(%dma_start3A_206 : memref<1x90xf32, #tpu.memory_space<vmem>>) target_semaphore(%arg17 : memref<!tpu.dma_semaphore, #tpu.memory_space<semaphore_mem>>)
    %dma_start3A_209 = arith.constant 1 : i32
    %dma_start3A_210 = arith.constant 0 : i32
    %dma_start3A_211 = tpu.memref_slice %arg12[%dma_start3A_209, %dma_start3A_210] : memref<32x90xf32, #tpu.memory_space<vmem>> -> memref<1x90xf32, #tpu.memory_space<vmem>>
    %dma_start3A_212 = arith.constant 0 : i32
    %dma_start3A_213 = tpu.memref_slice %arg3[%squeeze3A_198, %dma_start3A_212] : memref<100000x90xf32, #tpu.memory_space<hbm>> -> memref<1x90xf32, #tpu.memory_space<hbm>>
    %dma_start3A_214 = arith.constant 1 : i32
    %dma_start3A_215 = arith.constant 0 : i32
    %dma_start3A_216 = tpu.memref_slice %arg12[%dma_start3A_214, %dma_start3A_215] : memref<32x90xf32, #tpu.memory_space<vmem>> -> memref<1x90xf32, #tpu.memory_space<vmem>>
    %dma_start3A_217 = arith.constant 0 : i32
    %dma_start3A_218 = tpu.memref_slice %arg3[%squeeze3A_198, %dma_start3A_217] : memref<100000x90xf32, #tpu.memory_space<hbm>> -> memref<1x90xf32, #tpu.memory_space<hbm>>
    tpu.enqueue_dma source(%dma_start3A_218 : memref<1x90xf32, #tpu.memory_space<hbm>>) target(%dma_start3A_216 : memref<1x90xf32, #tpu.memory_space<vmem>>) target_semaphore(%arg17 : memref<!tpu.dma_semaphore, #tpu.memory_space<semaphore_mem>>)
    %slice3A_219 = vector.extract_strided_slice %get3A_169 {offsets = [2], sizes = [1], strides = [1]} : vector<16xi32> to vector<1xi32>
    %squeeze3A_220 = vector.extract %slice3A_219[0] : i32 from vector<1xi32>
    %slice3A_221 = vector.extract_strided_slice %get3A_172 {offsets = [2], sizes = [1], strides = [1]} : vector<16xi32> to vector<1xi32>
    %squeeze3A_222 = vector.extract %slice3A_221[0] : i32 from vector<1xi32>
    %dma_start3A_223 = arith.constant 2 : i32
    %dma_start3A_224 = arith.constant 0 : i32
    %dma_start3A_225 = tpu.memref_slice %arg11[%dma_start3A_223, %dma_start3A_224] : memref<32x90xf32, #tpu.memory_space<vmem>> -> memref<1x90xf32, #tpu.memory_space<vmem>>
    %dma_start3A_226 = arith.constant 0 : i32
    %dma_start3A_227 = tpu.memref_slice %arg2[%squeeze3A_220, %dma_start3A_226] : memref<100000x90xf32, #tpu.memory_space<hbm>> -> memref<1x90xf32, #tpu.memory_space<hbm>>
    %dma_start3A_228 = arith.constant 2 : i32
    %dma_start3A_229 = arith.constant 0 : i32
    %dma_start3A_230 = tpu.memref_slice %arg11[%dma_start3A_228, %dma_start3A_229] : memref<32x90xf32, #tpu.memory_space<vmem>> -> memref<1x90xf32, #tpu.memory_space<vmem>>
    %dma_start3A_231 = arith.constant 0 : i32
    %dma_start3A_232 = tpu.memref_slice %arg2[%squeeze3A_220, %dma_start3A_231] : memref<100000x90xf32, #tpu.memory_space<hbm>> -> memref<1x90xf32, #tpu.memory_space<hbm>>
    tpu.enqueue_dma source(%dma_start3A_232 : memref<1x90xf32, #tpu.memory_space<hbm>>) target(%dma_start3A_230 : memref<1x90xf32, #tpu.memory_space<vmem>>) target_semaphore(%arg17 : memref<!tpu.dma_semaphore, #tpu.memory_space<semaphore_mem>>)
    %dma_start3A_233 = arith.constant 2 : i32
    %dma_start3A_234 = arith.constant 0 : i32
    %dma_start3A_235 = tpu.memref_slice %arg12[%dma_start3A_233, %dma_start3A_234] : memref<32x90xf32, #tpu.memory_space<vmem>> -> memref<1x90xf32, #tpu.memory_space<vmem>>
    %dma_start3A_236 = arith.constant 0 : i32
    %dma_start3A_237 = tpu.memref_slice %arg3[%squeeze3A_222, %dma_start3A_236] : memref<100000x90xf32, #tpu.memory_space<hbm>> -> memref<1x90xf32, #tpu.memory_space<hbm>>
    %dma_start3A_238 = arith.constant 2 : i32
    %dma_start3A_239 = arith.constant 0 : i32
    %dma_start3A_240 = tpu.memref_slice %arg12[%dma_start3A_238, %dma_start3A_239] : memref<32x90xf32, #tpu.memory_space<vmem>> -> memref<1x90xf32, #tpu.memory_space<vmem>>
    %dma_start3A_241 = arith.constant 0 : i32
    %dma_start3A_242 = tpu.memref_slice %arg3[%squeeze3A_222, %dma_start3A_241] : memref<100000x90xf32, #tpu.memory_space<hbm>> -> memref<1x90xf32, #tpu.memory_space<hbm>>
    tpu.enqueue_dma source(%dma_start3A_242 : memref<1x90xf32, #tpu.memory_space<hbm>>) target(%dma_start3A_240 : memref<1x90xf32, #tpu.memory_space<vmem>>) target_semaphore(%arg17 : memref<!tpu.dma_semaphore, #tpu.memory_space<semaphore_mem>>)
    %slice3A_243 = vector.extract_strided_slice %get3A_169 {offsets = [3], sizes = [1], strides = [1]} : vector<16xi32> to vector<1xi32>
    %squeeze3A_244 = vector.extract %slice3A_243[0] : i32 from vector<1xi32>
    %slice3A_245 = vector.extract_strided_slice %get3A_172 {offsets = [3], sizes = [1], strides = [1]} : vector<16xi32> to vector<1xi32>
    %squeeze3A_246 = vector.extract %slice3A_245[0] : i32 from vector<1xi32>
    %dma_start3A_247 = arith.constant 3 : i32
    %dma_start3A_248 = arith.constant 0 : i32
    %dma_start3A_249 = tpu.memref_slice %arg11[%dma_start3A_247, %dma_start3A_248] : memref<32x90xf32, #tpu.memory_space<vmem>> -> memref<1x90xf32, #tpu.memory_space<vmem>>
    %dma_start3A_250 = arith.constant 0 : i32
    %dma_start3A_251 = tpu.memref_slice %arg2[%squeeze3A_244, %dma_start3A_250] : memref<100000x90xf32, #tpu.memory_space<hbm>> -> memref<1x90xf32, #tpu.memory_space<hbm>>
    %dma_start3A_252 = arith.constant 3 : i32
    %dma_start3A_253 = arith.constant 0 : i32
    %dma_start3A_254 = tpu.memref_slice %arg11[%dma_start3A_252, %dma_start3A_253] : memref<32x90xf32, #tpu.memory_space<vmem>> -> memref<1x90xf32, #tpu.memory_space<vmem>>
    %dma_start3A_255 = arith.constant 0 : i32
    %dma_start3A_256 = tpu.memref_slice %arg2[%squeeze3A_244, %dma_start3A_255] : memref<100000x90xf32, #tpu.memory_space<hbm>> -> memref<1x90xf32, #tpu.memory_space<hbm>>
    tpu.enqueue_dma source(%dma_start3A_256 : memref<1x90xf32, #tpu.memory_space<hbm>>) target(%dma_start3A_254 : memref<1x90xf32, #tpu.memory_space<vmem>>) target_semaphore(%arg17 : memref<!tpu.dma_semaphore, #tpu.memory_space<semaphore_mem>>)
    %dma_start3A_257 = arith.constant 3 : i32
    %dma_start3A_258 = arith.constant 0 : i32
    %dma_start3A_259 = tpu.memref_slice %arg12[%dma_start3A_257, %dma_start3A_258] : memref<32x90xf32, #tpu.memory_space<vmem>> -> memref<1x90xf32, #tpu.memory_space<vmem>>
    %dma_start3A_260 = arith.constant 0 : i32
    %dma_start3A_261 = tpu.memref_slice %arg3[%squeeze3A_246, %dma_start3A_260] : memref<100000x90xf32, #tpu.memory_space<hbm>> -> memref<1x90xf32, #tpu.memory_space<hbm>>
    %dma_start3A_262 = arith.constant 3 : i32
    %dma_start3A_263 = arith.constant 0 : i32
    %dma_start3A_264 = tpu.memref_slice %arg12[%dma_start3A_262, %dma_start3A_263] : memref<32x90xf32, #tpu.memory_space<vmem>> -> memref<1x90xf32, #tpu.memory_space<vmem>>
    %dma_start3A_265 = arith.constant 0 : i32
    %dma_start3A_266 = tpu.memref_slice %arg3[%squeeze3A_246, %dma_start3A_265] : memref<100000x90xf32, #tpu.memory_space<hbm>> -> memref<1x90xf32, #tpu.memory_space<hbm>>
    tpu.enqueue_dma source(%dma_start3A_266 : memref<1x90xf32, #tpu.memory_space<hbm>>) target(%dma_start3A_264 : memref<1x90xf32, #tpu.memory_space<vmem>>) target_semaphore(%arg17 : memref<!tpu.dma_semaphore, #tpu.memory_space<semaphore_mem>>)
    %slice3A_267 = vector.extract_strided_slice %get3A_169 {offsets = [4], sizes = [1], strides = [1]} : vector<16xi32> to vector<1xi32>
    %squeeze3A_268 = vector.extract %slice3A_267[0] : i32 from vector<1xi32>
    %slice3A_269 = vector.extract_strided_slice %get3A_172 {offsets = [4], sizes = [1], strides = [1]} : vector<16xi32> to vector<1xi32>
    %squeeze3A_270 = vector.extract %slice3A_269[0] : i32 from vector<1xi32>
    %dma_start3A_271 = arith.constant 4 : i32
    %dma_start3A_272 = arith.constant 0 : i32
    %dma_start3A_273 = tpu.memref_slice %arg11[%dma_start3A_271, %dma_start3A_272] : memref<32x90xf32, #tpu.memory_space<vmem>> -> memref<1x90xf32, #tpu.memory_space<vmem>>
    %dma_start3A_274 = arith.constant 0 : i32
    %dma_start3A_275 = tpu.memref_slice %arg2[%squeeze3A_268, %dma_start3A_274] : memref<100000x90xf32, #tpu.memory_space<hbm>> -> memref<1x90xf32, #tpu.memory_space<hbm>>
    %dma_start3A_276 = arith.constant 4 : i32
    %dma_start3A_277 = arith.constant 0 : i32
    %dma_start3A_278 = tpu.memref_slice %arg11[%dma_start3A_276, %dma_start3A_277] : memref<32x90xf32, #tpu.memory_space<vmem>> -> memref<1x90xf32, #tpu.memory_space<vmem>>
    %dma_start3A_279 = arith.constant 0 : i32
    %dma_start3A_280 = tpu.memref_slice %arg2[%squeeze3A_268, %dma_start3A_279] : memref<100000x90xf32, #tpu.memory_space<hbm>> -> memref<1x90xf32, #tpu.memory_space<hbm>>
    tpu.enqueue_dma source(%dma_start3A_280 : memref<1x90xf32, #tpu.memory_space<hbm>>) target(%dma_start3A_278 : memref<1x90xf32, #tpu.memory_space<vmem>>) target_semaphore(%arg17 : memref<!tpu.dma_semaphore, #tpu.memory_space<semaphore_mem>>)
    %dma_start3A_281 = arith.constant 4 : i32
    %dma_start3A_282 = arith.constant 0 : i32
    %dma_start3A_283 = tpu.memref_slice %arg12[%dma_start3A_281, %dma_start3A_282] : memref<32x90xf32, #tpu.memory_space<vmem>> -> memref<1x90xf32, #tpu.memory_space<vmem>>
    %dma_start3A_284 = arith.constant 0 : i32
    %dma_start3A_285 = tpu.memref_slice %arg3[%squeeze3A_270, %dma_start3A_284] : memref<100000x90xf32, #tpu.memory_space<hbm>> -> memref<1x90xf32, #tpu.memory_space<hbm>>
    %dma_start3A_286 = arith.constant 4 : i32
    %dma_start3A_287 = arith.constant 0 : i32
    %dma_start3A_288 = tpu.memref_slice %arg12[%dma_start3A_286, %dma_start3A_287] : memref<32x90xf32, #tpu.memory_space<vmem>> -> memref<1x90xf32, #tpu.memory_space<vmem>>
    %dma_start3A_289 = arith.constant 0 : i32
    %dma_start3A_290 = tpu.memref_slice %arg3[%squeeze3A_270, %dma_start3A_289] : memref<100000x90xf32, #tpu.memory_space<hbm>> -> memref<1x90xf32, #tpu.memory_space<hbm>>
    tpu.enqueue_dma source(%dma_start3A_290 : memref<1x90xf32, #tpu.memory_space<hbm>>) target(%dma_start3A_288 : memref<1x90xf32, #tpu.memory_space<vmem>>) target_semaphore(%arg17 : memref<!tpu.dma_semaphore, #tpu.memory_space<semaphore_mem>>)
    %slice3A_291 = vector.extract_strided_slice %get3A_169 {offsets = [5], sizes = [1], strides = [1]} : vector<16xi32> to vector<1xi32>
    %squeeze3A_292 = vector.extract %slice3A_291[0] : i32 from vector<1xi32>
    %slice3A_293 = vector.extract_strided_slice %get3A_172 {offsets = [5], sizes = [1], strides = [1]} : vector<16xi32> to vector<1xi32>
    %squeeze3A_294 = vector.extract %slice3A_293[0] : i32 from vector<1xi32>
    %dma_start3A_295 = arith.constant 5 : i32
    %dma_start3A_296 = arith.constant 0 : i32
    %dma_start3A_297 = tpu.memref_slice %arg11[%dma_start3A_295, %dma_start3A_296] : memref<32x90xf32, #tpu.memory_space<vmem>> -> memref<1x90xf32, #tpu.memory_space<vmem>>
    %dma_start3A_298 = arith.constant 0 : i32
    %dma_start3A_299 = tpu.memref_slice %arg2[%squeeze3A_292, %dma_start3A_298] : memref<100000x90xf32, #tpu.memory_space<hbm>> -> memref<1x90xf32, #tpu.memory_space<hbm>>
    %dma_start3A_300 = arith.constant 5 : i32
    %dma_start3A_301 = arith.constant 0 : i32
    %dma_start3A_302 = tpu.memref_slice %arg11[%dma_start3A_300, %dma_start3A_301] : memref<32x90xf32, #tpu.memory_space<vmem>> -> memref<1x90xf32, #tpu.memory_space<vmem>>
    %dma_start3A_303 = arith.constant 0 : i32
    %dma_start3A_304 = tpu.memref_slice %arg2[%squeeze3A_292, %dma_start3A_303] : memref<100000x90xf32, #tpu.memory_space<hbm>> -> memref<1x90xf32, #tpu.memory_space<hbm>>
    tpu.enqueue_dma source(%dma_start3A_304 : memref<1x90xf32, #tpu.memory_space<hbm>>) target(%dma_start3A_302 : memref<1x90xf32, #tpu.memory_space<vmem>>) target_semaphore(%arg17 : memref<!tpu.dma_semaphore, #tpu.memory_space<semaphore_mem>>)
    %dma_start3A_305 = arith.constant 5 : i32
    %dma_start3A_306 = arith.constant 0 : i32
    %dma_start3A_307 = tpu.memref_slice %arg12[%dma_start3A_305, %dma_start3A_306] : memref<32x90xf32, #tpu.memory_space<vmem>> -> memref<1x90xf32, #tpu.memory_space<vmem>>
    %dma_start3A_308 = arith.constant 0 : i32
    %dma_start3A_309 = tpu.memref_slice %arg3[%squeeze3A_294, %dma_start3A_308] : memref<100000x90xf32, #tpu.memory_space<hbm>> -> memref<1x90xf32, #tpu.memory_space<hbm>>
    %dma_start3A_310 = arith.constant 5 : i32
    %dma_start3A_311 = arith.constant 0 : i32
    %dma_start3A_312 = tpu.memref_slice %arg12[%dma_start3A_310, %dma_start3A_311] : memref<32x90xf32, #tpu.memory_space<vmem>> -> memref<1x90xf32, #tpu.memory_space<vmem>>
    %dma_start3A_313 = arith.constant 0 : i32
    %dma_start3A_314 = tpu.memref_slice %arg3[%squeeze3A_294, %dma_start3A_313] : memref<100000x90xf32, #tpu.memory_space<hbm>> -> memref<1x90xf32, #tpu.memory_space<hbm>>
    tpu.enqueue_dma source(%dma_start3A_314 : memref<1x90xf32, #tpu.memory_space<hbm>>) target(%dma_start3A_312 : memref<1x90xf32, #tpu.memory_space<vmem>>) target_semaphore(%arg17 : memref<!tpu.dma_semaphore, #tpu.memory_space<semaphore_mem>>)
    %slice3A_315 = vector.extract_strided_slice %get3A_169 {offsets = [6], sizes = [1], strides = [1]} : vector<16xi32> to vector<1xi32>
    %squeeze3A_316 = vector.extract %slice3A_315[0] : i32 from vector<1xi32>
    %slice3A_317 = vector.extract_strided_slice %get3A_172 {offsets = [6], sizes = [1], strides = [1]} : vector<16xi32> to vector<1xi32>
    %squeeze3A_318 = vector.extract %slice3A_317[0] : i32 from vector<1xi32>
    %dma_start3A_319 = arith.constant 6 : i32
    %dma_start3A_320 = arith.constant 0 : i32
    %dma_start3A_321 = tpu.memref_slice %arg11[%dma_start3A_319, %dma_start3A_320] : memref<32x90xf32, #tpu.memory_space<vmem>> -> memref<1x90xf32, #tpu.memory_space<vmem>>
    %dma_start3A_322 = arith.constant 0 : i32
    %dma_start3A_323 = tpu.memref_slice %arg2[%squeeze3A_316, %dma_start3A_322] : memref<100000x90xf32, #tpu.memory_space<hbm>> -> memref<1x90xf32, #tpu.memory_space<hbm>>
    %dma_start3A_324 = arith.constant 6 : i32
    %dma_start3A_325 = arith.constant 0 : i32
    %dma_start3A_326 = tpu.memref_slice %arg11[%dma_start3A_324, %dma_start3A_325] : memref<32x90xf32, #tpu.memory_space<vmem>> -> memref<1x90xf32, #tpu.memory_space<vmem>>
    %dma_start3A_327 = arith.constant 0 : i32
    %dma_start3A_328 = tpu.memref_slice %arg2[%squeeze3A_316, %dma_start3A_327] : memref<100000x90xf32, #tpu.memory_space<hbm>> -> memref<1x90xf32, #tpu.memory_space<hbm>>
    tpu.enqueue_dma source(%dma_start3A_328 : memref<1x90xf32, #tpu.memory_space<hbm>>) target(%dma_start3A_326 : memref<1x90xf32, #tpu.memory_space<vmem>>) target_semaphore(%arg17 : memref<!tpu.dma_semaphore, #tpu.memory_space<semaphore_mem>>)
    %dma_start3A_329 = arith.constant 6 : i32
    %dma_start3A_330 = arith.constant 0 : i32
    %dma_start3A_331 = tpu.memref_slice %arg12[%dma_start3A_329, %dma_start3A_330] : memref<32x90xf32, #tpu.memory_space<vmem>> -> memref<1x90xf32, #tpu.memory_space<vmem>>
    %dma_start3A_332 = arith.constant 0 : i32
    %dma_start3A_333 = tpu.memref_slice %arg3[%squeeze3A_318, %dma_start3A_332] : memref<100000x90xf32, #tpu.memory_space<hbm>> -> memref<1x90xf32, #tpu.memory_space<hbm>>
    %dma_start3A_334 = arith.constant 6 : i32
    %dma_start3A_335 = arith.constant 0 : i32
    %dma_start3A_336 = tpu.memref_slice %arg12[%dma_start3A_334, %dma_start3A_335] : memref<32x90xf32, #tpu.memory_space<vmem>> -> memref<1x90xf32, #tpu.memory_space<vmem>>
    %dma_start3A_337 = arith.constant 0 : i32
    %dma_start3A_338 = tpu.memref_slice %arg3[%squeeze3A_318, %dma_start3A_337] : memref<100000x90xf32, #tpu.memory_space<hbm>> -> memref<1x90xf32, #tpu.memory_space<hbm>>
    tpu.enqueue_dma source(%dma_start3A_338 : memref<1x90xf32, #tpu.memory_space<hbm>>) target(%dma_start3A_336 : memref<1x90xf32, #tpu.memory_space<vmem>>) target_semaphore(%arg17 : memref<!tpu.dma_semaphore, #tpu.memory_space<semaphore_mem>>)
    %slice3A_339 = vector.extract_strided_slice %get3A_169 {offsets = [7], sizes = [1], strides = [1]} : vector<16xi32> to vector<1xi32>
    %squeeze3A_340 = vector.extract %slice3A_339[0] : i32 from vector<1xi32>
    %slice3A_341 = vector.extract_strided_slice %get3A_172 {offsets = [7], sizes = [1], strides = [1]} : vector<16xi32> to vector<1xi32>
    %squeeze3A_342 = vector.extract %slice3A_341[0] : i32 from vector<1xi32>
    %dma_start3A_343 = arith.constant 7 : i32
    %dma_start3A_344 = arith.constant 0 : i32
    %dma_start3A_345 = tpu.memref_slice %arg11[%dma_start3A_343, %dma_start3A_344] : memref<32x90xf32, #tpu.memory_space<vmem>> -> memref<1x90xf32, #tpu.memory_space<vmem>>
    %dma_start3A_346 = arith.constant 0 : i32
    %dma_start3A_347 = tpu.memref_slice %arg2[%squeeze3A_340, %dma_start3A_346] : memref<100000x90xf32, #tpu.memory_space<hbm>> -> memref<1x90xf32, #tpu.memory_space<hbm>>
    %dma_start3A_348 = arith.constant 7 : i32
    %dma_start3A_349 = arith.constant 0 : i32
    %dma_start3A_350 = tpu.memref_slice %arg11[%dma_start3A_348, %dma_start3A_349] : memref<32x90xf32, #tpu.memory_space<vmem>> -> memref<1x90xf32, #tpu.memory_space<vmem>>
    %dma_start3A_351 = arith.constant 0 : i32
    %dma_start3A_352 = tpu.memref_slice %arg2[%squeeze3A_340, %dma_start3A_351] : memref<100000x90xf32, #tpu.memory_space<hbm>> -> memref<1x90xf32, #tpu.memory_space<hbm>>
    tpu.enqueue_dma source(%dma_start3A_352 : memref<1x90xf32, #tpu.memory_space<hbm>>) target(%dma_start3A_350 : memref<1x90xf32, #tpu.memory_space<vmem>>) target_semaphore(%arg17 : memref<!tpu.dma_semaphore, #tpu.memory_space<semaphore_mem>>)
    %dma_start3A_353 = arith.constant 7 : i32
    %dma_start3A_354 = arith.constant 0 : i32
    %dma_start3A_355 = tpu.memref_slice %arg12[%dma_start3A_353, %dma_start3A_354] : memref<32x90xf32, #tpu.memory_space<vmem>> -> memref<1x90xf32, #tpu.memory_space<vmem>>
    %dma_start3A_356 = arith.constant 0 : i32
    %dma_start3A_357 = tpu.memref_slice %arg3[%squeeze3A_342, %dma_start3A_356] : memref<100000x90xf32, #tpu.memory_space<hbm>> -> memref<1x90xf32, #tpu.memory_space<hbm>>
    %dma_start3A_358 = arith.constant 7 : i32
    %dma_start3A_359 = arith.constant 0 : i32
    %dma_start3A_360 = tpu.memref_slice %arg12[%dma_start3A_358, %dma_start3A_359] : memref<32x90xf32, #tpu.memory_space<vmem>> -> memref<1x90xf32, #tpu.memory_space<vmem>>
    %dma_start3A_361 = arith.constant 0 : i32
    %dma_start3A_362 = tpu.memref_slice %arg3[%squeeze3A_342, %dma_start3A_361] : memref<100000x90xf32, #tpu.memory_space<hbm>> -> memref<1x90xf32, #tpu.memory_space<hbm>>
    tpu.enqueue_dma source(%dma_start3A_362 : memref<1x90xf32, #tpu.memory_space<hbm>>) target(%dma_start3A_360 : memref<1x90xf32, #tpu.memory_space<vmem>>) target_semaphore(%arg17 : memref<!tpu.dma_semaphore, #tpu.memory_space<semaphore_mem>>)
    %slice3A_363 = vector.extract_strided_slice %get3A_169 {offsets = [8], sizes = [1], strides = [1]} : vector<16xi32> to vector<1xi32>
    %squeeze3A_364 = vector.extract %slice3A_363[0] : i32 from vector<1xi32>
    %slice3A_365 = vector.extract_strided_slice %get3A_172 {offsets = [8], sizes = [1], strides = [1]} : vector<16xi32> to vector<1xi32>
    %squeeze3A_366 = vector.extract %slice3A_365[0] : i32 from vector<1xi32>
    %dma_start3A_367 = arith.constant 8 : i32
    %dma_start3A_368 = arith.constant 0 : i32
    %dma_start3A_369 = tpu.memref_slice %arg11[%dma_start3A_367, %dma_start3A_368] : memref<32x90xf32, #tpu.memory_space<vmem>> -> memref<1x90xf32, #tpu.memory_space<vmem>>
    %dma_start3A_370 = arith.constant 0 : i32
    %dma_start3A_371 = tpu.memref_slice %arg2[%squeeze3A_364, %dma_start3A_370] : memref<100000x90xf32, #tpu.memory_space<hbm>> -> memref<1x90xf32, #tpu.memory_space<hbm>>
    %dma_start3A_372 = arith.constant 8 : i32
    %dma_start3A_373 = arith.constant 0 : i32
    %dma_start3A_374 = tpu.memref_slice %arg11[%dma_start3A_372, %dma_start3A_373] : memref<32x90xf32, #tpu.memory_space<vmem>> -> memref<1x90xf32, #tpu.memory_space<vmem>>
    %dma_start3A_375 = arith.constant 0 : i32
    %dma_start3A_376 = tpu.memref_slice %arg2[%squeeze3A_364, %dma_start3A_375] : memref<100000x90xf32, #tpu.memory_space<hbm>> -> memref<1x90xf32, #tpu.memory_space<hbm>>
    tpu.enqueue_dma source(%dma_start3A_376 : memref<1x90xf32, #tpu.memory_space<hbm>>) target(%dma_start3A_374 : memref<1x90xf32, #tpu.memory_space<vmem>>) target_semaphore(%arg17 : memref<!tpu.dma_semaphore, #tpu.memory_space<semaphore_mem>>)
    %dma_start3A_377 = arith.constant 8 : i32
    %dma_start3A_378 = arith.constant 0 : i32
    %dma_start3A_379 = tpu.memref_slice %arg12[%dma_start3A_377, %dma_start3A_378] : memref<32x90xf32, #tpu.memory_space<vmem>> -> memref<1x90xf32, #tpu.memory_space<vmem>>
    %dma_start3A_380 = arith.constant 0 : i32
    %dma_start3A_381 = tpu.memref_slice %arg3[%squeeze3A_366, %dma_start3A_380] : memref<100000x90xf32, #tpu.memory_space<hbm>> -> memref<1x90xf32, #tpu.memory_space<hbm>>
    %dma_start3A_382 = arith.constant 8 : i32
    %dma_start3A_383 = arith.constant 0 : i32
    %dma_start3A_384 = tpu.memref_slice %arg12[%dma_start3A_382, %dma_start3A_383] : memref<32x90xf32, #tpu.memory_space<vmem>> -> memref<1x90xf32, #tpu.memory_space<vmem>>
    %dma_start3A_385 = arith.constant 0 : i32
    %dma_start3A_386 = tpu.memref_slice %arg3[%squeeze3A_366, %dma_start3A_385] : memref<100000x90xf32, #tpu.memory_space<hbm>> -> memref<1x90xf32, #tpu.memory_space<hbm>>
    tpu.enqueue_dma source(%dma_start3A_386 : memref<1x90xf32, #tpu.memory_space<hbm>>) target(%dma_start3A_384 : memref<1x90xf32, #tpu.memory_space<vmem>>) target_semaphore(%arg17 : memref<!tpu.dma_semaphore, #tpu.memory_space<semaphore_mem>>)
    %slice3A_387 = vector.extract_strided_slice %get3A_169 {offsets = [9], sizes = [1], strides = [1]} : vector<16xi32> to vector<1xi32>
    %squeeze3A_388 = vector.extract %slice3A_387[0] : i32 from vector<1xi32>
    %slice3A_389 = vector.extract_strided_slice %get3A_172 {offsets = [9], sizes = [1], strides = [1]} : vector<16xi32> to vector<1xi32>
    %squeeze3A_390 = vector.extract %slice3A_389[0] : i32 from vector<1xi32>
    %dma_start3A_391 = arith.constant 9 : i32
    %dma_start3A_392 = arith.constant 0 : i32
    %dma_start3A_393 = tpu.memref_slice %arg11[%dma_start3A_391, %dma_start3A_392] : memref<32x90xf32, #tpu.memory_space<vmem>> -> memref<1x90xf32, #tpu.memory_space<vmem>>
    %dma_start3A_394 = arith.constant 0 : i32
    %dma_start3A_395 = tpu.memref_slice %arg2[%squeeze3A_388, %dma_start3A_394] : memref<100000x90xf32, #tpu.memory_space<hbm>> -> memref<1x90xf32, #tpu.memory_space<hbm>>
    %dma_start3A_396 = arith.constant 9 : i32
    %dma_start3A_397 = arith.constant 0 : i32
    %dma_start3A_398 = tpu.memref_slice %arg11[%dma_start3A_396, %dma_start3A_397] : memref<32x90xf32, #tpu.memory_space<vmem>> -> memref<1x90xf32, #tpu.memory_space<vmem>>
    %dma_start3A_399 = arith.constant 0 : i32
    %dma_start3A_400 = tpu.memref_slice %arg2[%squeeze3A_388, %dma_start3A_399] : memref<100000x90xf32, #tpu.memory_space<hbm>> -> memref<1x90xf32, #tpu.memory_space<hbm>>
    tpu.enqueue_dma source(%dma_start3A_400 : memref<1x90xf32, #tpu.memory_space<hbm>>) target(%dma_start3A_398 : memref<1x90xf32, #tpu.memory_space<vmem>>) target_semaphore(%arg17 : memref<!tpu.dma_semaphore, #tpu.memory_space<semaphore_mem>>)
    %dma_start3A_401 = arith.constant 9 : i32
    %dma_start3A_402 = arith.constant 0 : i32
    %dma_start3A_403 = tpu.memref_slice %arg12[%dma_start3A_401, %dma_start3A_402] : memref<32x90xf32, #tpu.memory_space<vmem>> -> memref<1x90xf32, #tpu.memory_space<vmem>>
    %dma_start3A_404 = arith.constant 0 : i32
    %dma_start3A_405 = tpu.memref_slice %arg3[%squeeze3A_390, %dma_start3A_404] : memref<100000x90xf32, #tpu.memory_space<hbm>> -> memref<1x90xf32, #tpu.memory_space<hbm>>
    %dma_start3A_406 = arith.constant 9 : i32
    %dma_start3A_407 = arith.constant 0 : i32
    %dma_start3A_408 = tpu.memref_slice %arg12[%dma_start3A_406, %dma_start3A_407] : memref<32x90xf32, #tpu.memory_space<vmem>> -> memref<1x90xf32, #tpu.memory_space<vmem>>
    %dma_start3A_409 = arith.constant 0 : i32
    %dma_start3A_410 = tpu.memref_slice %arg3[%squeeze3A_390, %dma_start3A_409] : memref<100000x90xf32, #tpu.memory_space<hbm>> -> memref<1x90xf32, #tpu.memory_space<hbm>>
    tpu.enqueue_dma source(%dma_start3A_410 : memref<1x90xf32, #tpu.memory_space<hbm>>) target(%dma_start3A_408 : memref<1x90xf32, #tpu.memory_space<vmem>>) target_semaphore(%arg17 : memref<!tpu.dma_semaphore, #tpu.memory_space<semaphore_mem>>)
    %slice3A_411 = vector.extract_strided_slice %get3A_169 {offsets = [10], sizes = [1], strides = [1]} : vector<16xi32> to vector<1xi32>
    %squeeze3A_412 = vector.extract %slice3A_411[0] : i32 from vector<1xi32>
    %slice3A_413 = vector.extract_strided_slice %get3A_172 {offsets = [10], sizes = [1], strides = [1]} : vector<16xi32> to vector<1xi32>
    %squeeze3A_414 = vector.extract %slice3A_413[0] : i32 from vector<1xi32>
    %dma_start3A_415 = arith.constant 10 : i32
    %dma_start3A_416 = arith.constant 0 : i32
    %dma_start3A_417 = tpu.memref_slice %arg11[%dma_start3A_415, %dma_start3A_416] : memref<32x90xf32, #tpu.memory_space<vmem>> -> memref<1x90xf32, #tpu.memory_space<vmem>>
    %dma_start3A_418 = arith.constant 0 : i32
    %dma_start3A_419 = tpu.memref_slice %arg2[%squeeze3A_412, %dma_start3A_418] : memref<100000x90xf32, #tpu.memory_space<hbm>> -> memref<1x90xf32, #tpu.memory_space<hbm>>
    %dma_start3A_420 = arith.constant 10 : i32
    %dma_start3A_421 = arith.constant 0 : i32
    %dma_start3A_422 = tpu.memref_slice %arg11[%dma_start3A_420, %dma_start3A_421] : memref<32x90xf32, #tpu.memory_space<vmem>> -> memref<1x90xf32, #tpu.memory_space<vmem>>
    %dma_start3A_423 = arith.constant 0 : i32
    %dma_start3A_424 = tpu.memref_slice %arg2[%squeeze3A_412, %dma_start3A_423] : memref<100000x90xf32, #tpu.memory_space<hbm>> -> memref<1x90xf32, #tpu.memory_space<hbm>>
    tpu.enqueue_dma source(%dma_start3A_424 : memref<1x90xf32, #tpu.memory_space<hbm>>) target(%dma_start3A_422 : memref<1x90xf32, #tpu.memory_space<vmem>>) target_semaphore(%arg17 : memref<!tpu.dma_semaphore, #tpu.memory_space<semaphore_mem>>)
    %dma_start3A_425 = arith.constant 10 : i32
    %dma_start3A_426 = arith.constant 0 : i32
    %dma_start3A_427 = tpu.memref_slice %arg12[%dma_start3A_425, %dma_start3A_426] : memref<32x90xf32, #tpu.memory_space<vmem>> -> memref<1x90xf32, #tpu.memory_space<vmem>>
    %dma_start3A_428 = arith.constant 0 : i32
    %dma_start3A_429 = tpu.memref_slice %arg3[%squeeze3A_414, %dma_start3A_428] : memref<100000x90xf32, #tpu.memory_space<hbm>> -> memref<1x90xf32, #tpu.memory_space<hbm>>
    %dma_start3A_430 = arith.constant 10 : i32
    %dma_start3A_431 = arith.constant 0 : i32
    %dma_start3A_432 = tpu.memref_slice %arg12[%dma_start3A_430, %dma_start3A_431] : memref<32x90xf32, #tpu.memory_space<vmem>> -> memref<1x90xf32, #tpu.memory_space<vmem>>
    %dma_start3A_433 = arith.constant 0 : i32
    %dma_start3A_434 = tpu.memref_slice %arg3[%squeeze3A_414, %dma_start3A_433] : memref<100000x90xf32, #tpu.memory_space<hbm>> -> memref<1x90xf32, #tpu.memory_space<hbm>>
    tpu.enqueue_dma source(%dma_start3A_434 : memref<1x90xf32, #tpu.memory_space<hbm>>) target(%dma_start3A_432 : memref<1x90xf32, #tpu.memory_space<vmem>>) target_semaphore(%arg17 : memref<!tpu.dma_semaphore, #tpu.memory_space<semaphore_mem>>)
    %slice3A_435 = vector.extract_strided_slice %get3A_169 {offsets = [11], sizes = [1], strides = [1]} : vector<16xi32> to vector<1xi32>
    %squeeze3A_436 = vector.extract %slice3A_435[0] : i32 from vector<1xi32>
    %slice3A_437 = vector.extract_strided_slice %get3A_172 {offsets = [11], sizes = [1], strides = [1]} : vector<16xi32> to vector<1xi32>
    %squeeze3A_438 = vector.extract %slice3A_437[0] : i32 from vector<1xi32>
    %dma_start3A_439 = arith.constant 11 : i32
    %dma_start3A_440 = arith.constant 0 : i32
    %dma_start3A_441 = tpu.memref_slice %arg11[%dma_start3A_439, %dma_start3A_440] : memref<32x90xf32, #tpu.memory_space<vmem>> -> memref<1x90xf32, #tpu.memory_space<vmem>>
    %dma_start3A_442 = arith.constant 0 : i32
    %dma_start3A_443 = tpu.memref_slice %arg2[%squeeze3A_436, %dma_start3A_442] : memref<100000x90xf32, #tpu.memory_space<hbm>> -> memref<1x90xf32, #tpu.memory_space<hbm>>
    %dma_start3A_444 = arith.constant 11 : i32
    %dma_start3A_445 = arith.constant 0 : i32
    %dma_start3A_446 = tpu.memref_slice %arg11[%dma_start3A_444, %dma_start3A_445] : memref<32x90xf32, #tpu.memory_space<vmem>> -> memref<1x90xf32, #tpu.memory_space<vmem>>
    %dma_start3A_447 = arith.constant 0 : i32
    %dma_start3A_448 = tpu.memref_slice %arg2[%squeeze3A_436, %dma_start3A_447] : memref<100000x90xf32, #tpu.memory_space<hbm>> -> memref<1x90xf32, #tpu.memory_space<hbm>>
    tpu.enqueue_dma source(%dma_start3A_448 : memref<1x90xf32, #tpu.memory_space<hbm>>) target(%dma_start3A_446 : memref<1x90xf32, #tpu.memory_space<vmem>>) target_semaphore(%arg17 : memref<!tpu.dma_semaphore, #tpu.memory_space<semaphore_mem>>)
    %dma_start3A_449 = arith.constant 11 : i32
    %dma_start3A_450 = arith.constant 0 : i32
    %dma_start3A_451 = tpu.memref_slice %arg12[%dma_start3A_449, %dma_start3A_450] : memref<32x90xf32, #tpu.memory_space<vmem>> -> memref<1x90xf32, #tpu.memory_space<vmem>>
    %dma_start3A_452 = arith.constant 0 : i32
    %dma_start3A_453 = tpu.memref_slice %arg3[%squeeze3A_438, %dma_start3A_452] : memref<100000x90xf32, #tpu.memory_space<hbm>> -> memref<1x90xf32, #tpu.memory_space<hbm>>
    %dma_start3A_454 = arith.constant 11 : i32
    %dma_start3A_455 = arith.constant 0 : i32
    %dma_start3A_456 = tpu.memref_slice %arg12[%dma_start3A_454, %dma_start3A_455] : memref<32x90xf32, #tpu.memory_space<vmem>> -> memref<1x90xf32, #tpu.memory_space<vmem>>
    %dma_start3A_457 = arith.constant 0 : i32
    %dma_start3A_458 = tpu.memref_slice %arg3[%squeeze3A_438, %dma_start3A_457] : memref<100000x90xf32, #tpu.memory_space<hbm>> -> memref<1x90xf32, #tpu.memory_space<hbm>>
    tpu.enqueue_dma source(%dma_start3A_458 : memref<1x90xf32, #tpu.memory_space<hbm>>) target(%dma_start3A_456 : memref<1x90xf32, #tpu.memory_space<vmem>>) target_semaphore(%arg17 : memref<!tpu.dma_semaphore, #tpu.memory_space<semaphore_mem>>)
    %slice3A_459 = vector.extract_strided_slice %get3A_169 {offsets = [12], sizes = [1], strides = [1]} : vector<16xi32> to vector<1xi32>
    %squeeze3A_460 = vector.extract %slice3A_459[0] : i32 from vector<1xi32>
    %slice3A_461 = vector.extract_strided_slice %get3A_172 {offsets = [12], sizes = [1], strides = [1]} : vector<16xi32> to vector<1xi32>
    %squeeze3A_462 = vector.extract %slice3A_461[0] : i32 from vector<1xi32>
    %dma_start3A_463 = arith.constant 12 : i32
    %dma_start3A_464 = arith.constant 0 : i32
    %dma_start3A_465 = tpu.memref_slice %arg11[%dma_start3A_463, %dma_start3A_464] : memref<32x90xf32, #tpu.memory_space<vmem>> -> memref<1x90xf32, #tpu.memory_space<vmem>>
    %dma_start3A_466 = arith.constant 0 : i32
    %dma_start3A_467 = tpu.memref_slice %arg2[%squeeze3A_460, %dma_start3A_466] : memref<100000x90xf32, #tpu.memory_space<hbm>> -> memref<1x90xf32, #tpu.memory_space<hbm>>
    %dma_start3A_468 = arith.constant 12 : i32
    %dma_start3A_469 = arith.constant 0 : i32
    %dma_start3A_470 = tpu.memref_slice %arg11[%dma_start3A_468, %dma_start3A_469] : memref<32x90xf32, #tpu.memory_space<vmem>> -> memref<1x90xf32, #tpu.memory_space<vmem>>
    %dma_start3A_471 = arith.constant 0 : i32
    %dma_start3A_472 = tpu.memref_slice %arg2[%squeeze3A_460, %dma_start3A_471] : memref<100000x90xf32, #tpu.memory_space<hbm>> -> memref<1x90xf32, #tpu.memory_space<hbm>>
    tpu.enqueue_dma source(%dma_start3A_472 : memref<1x90xf32, #tpu.memory_space<hbm>>) target(%dma_start3A_470 : memref<1x90xf32, #tpu.memory_space<vmem>>) target_semaphore(%arg17 : memref<!tpu.dma_semaphore, #tpu.memory_space<semaphore_mem>>)
    %dma_start3A_473 = arith.constant 12 : i32
    %dma_start3A_474 = arith.constant 0 : i32
    %dma_start3A_475 = tpu.memref_slice %arg12[%dma_start3A_473, %dma_start3A_474] : memref<32x90xf32, #tpu.memory_space<vmem>> -> memref<1x90xf32, #tpu.memory_space<vmem>>
    %dma_start3A_476 = arith.constant 0 : i32
    %dma_start3A_477 = tpu.memref_slice %arg3[%squeeze3A_462, %dma_start3A_476] : memref<100000x90xf32, #tpu.memory_space<hbm>> -> memref<1x90xf32, #tpu.memory_space<hbm>>
    %dma_start3A_478 = arith.constant 12 : i32
    %dma_start3A_479 = arith.constant 0 : i32
    %dma_start3A_480 = tpu.memref_slice %arg12[%dma_start3A_478, %dma_start3A_479] : memref<32x90xf32, #tpu.memory_space<vmem>> -> memref<1x90xf32, #tpu.memory_space<vmem>>
    %dma_start3A_481 = arith.constant 0 : i32
    %dma_start3A_482 = tpu.memref_slice %arg3[%squeeze3A_462, %dma_start3A_481] : memref<100000x90xf32, #tpu.memory_space<hbm>> -> memref<1x90xf32, #tpu.memory_space<hbm>>
    tpu.enqueue_dma source(%dma_start3A_482 : memref<1x90xf32, #tpu.memory_space<hbm>>) target(%dma_start3A_480 : memref<1x90xf32, #tpu.memory_space<vmem>>) target_semaphore(%arg17 : memref<!tpu.dma_semaphore, #tpu.memory_space<semaphore_mem>>)
    %slice3A_483 = vector.extract_strided_slice %get3A_169 {offsets = [13], sizes = [1], strides = [1]} : vector<16xi32> to vector<1xi32>
    %squeeze3A_484 = vector.extract %slice3A_483[0] : i32 from vector<1xi32>
    %slice3A_485 = vector.extract_strided_slice %get3A_172 {offsets = [13], sizes = [1], strides = [1]} : vector<16xi32> to vector<1xi32>
    %squeeze3A_486 = vector.extract %slice3A_485[0] : i32 from vector<1xi32>
    %dma_start3A_487 = arith.constant 13 : i32
    %dma_start3A_488 = arith.constant 0 : i32
    %dma_start3A_489 = tpu.memref_slice %arg11[%dma_start3A_487, %dma_start3A_488] : memref<32x90xf32, #tpu.memory_space<vmem>> -> memref<1x90xf32, #tpu.memory_space<vmem>>
    %dma_start3A_490 = arith.constant 0 : i32
    %dma_start3A_491 = tpu.memref_slice %arg2[%squeeze3A_484, %dma_start3A_490] : memref<100000x90xf32, #tpu.memory_space<hbm>> -> memref<1x90xf32, #tpu.memory_space<hbm>>
    %dma_start3A_492 = arith.constant 13 : i32
    %dma_start3A_493 = arith.constant 0 : i32
    %dma_start3A_494 = tpu.memref_slice %arg11[%dma_start3A_492, %dma_start3A_493] : memref<32x90xf32, #tpu.memory_space<vmem>> -> memref<1x90xf32, #tpu.memory_space<vmem>>
    %dma_start3A_495 = arith.constant 0 : i32
    %dma_start3A_496 = tpu.memref_slice %arg2[%squeeze3A_484, %dma_start3A_495] : memref<100000x90xf32, #tpu.memory_space<hbm>> -> memref<1x90xf32, #tpu.memory_space<hbm>>
    tpu.enqueue_dma source(%dma_start3A_496 : memref<1x90xf32, #tpu.memory_space<hbm>>) target(%dma_start3A_494 : memref<1x90xf32, #tpu.memory_space<vmem>>) target_semaphore(%arg17 : memref<!tpu.dma_semaphore, #tpu.memory_space<semaphore_mem>>)
    %dma_start3A_497 = arith.constant 13 : i32
    %dma_start3A_498 = arith.constant 0 : i32
    %dma_start3A_499 = tpu.memref_slice %arg12[%dma_start3A_497, %dma_start3A_498] : memref<32x90xf32, #tpu.memory_space<vmem>> -> memref<1x90xf32, #tpu.memory_space<vmem>>
    %dma_start3A_500 = arith.constant 0 : i32
    %dma_start3A_501 = tpu.memref_slice %arg3[%squeeze3A_486, %dma_start3A_500] : memref<100000x90xf32, #tpu.memory_space<hbm>> -> memref<1x90xf32, #tpu.memory_space<hbm>>
    %dma_start3A_502 = arith.constant 13 : i32
    %dma_start3A_503 = arith.constant 0 : i32
    %dma_start3A_504 = tpu.memref_slice %arg12[%dma_start3A_502, %dma_start3A_503] : memref<32x90xf32, #tpu.memory_space<vmem>> -> memref<1x90xf32, #tpu.memory_space<vmem>>
    %dma_start3A_505 = arith.constant 0 : i32
    %dma_start3A_506 = tpu.memref_slice %arg3[%squeeze3A_486, %dma_start3A_505] : memref<100000x90xf32, #tpu.memory_space<hbm>> -> memref<1x90xf32, #tpu.memory_space<hbm>>
    tpu.enqueue_dma source(%dma_start3A_506 : memref<1x90xf32, #tpu.memory_space<hbm>>) target(%dma_start3A_504 : memref<1x90xf32, #tpu.memory_space<vmem>>) target_semaphore(%arg17 : memref<!tpu.dma_semaphore, #tpu.memory_space<semaphore_mem>>)
    %slice3A_507 = vector.extract_strided_slice %get3A_169 {offsets = [14], sizes = [1], strides = [1]} : vector<16xi32> to vector<1xi32>
    %squeeze3A_508 = vector.extract %slice3A_507[0] : i32 from vector<1xi32>
    %slice3A_509 = vector.extract_strided_slice %get3A_172 {offsets = [14], sizes = [1], strides = [1]} : vector<16xi32> to vector<1xi32>
    %squeeze3A_510 = vector.extract %slice3A_509[0] : i32 from vector<1xi32>
    %dma_start3A_511 = arith.constant 14 : i32
    %dma_start3A_512 = arith.constant 0 : i32
    %dma_start3A_513 = tpu.memref_slice %arg11[%dma_start3A_511, %dma_start3A_512] : memref<32x90xf32, #tpu.memory_space<vmem>> -> memref<1x90xf32, #tpu.memory_space<vmem>>
    %dma_start3A_514 = arith.constant 0 : i32
    %dma_start3A_515 = tpu.memref_slice %arg2[%squeeze3A_508, %dma_start3A_514] : memref<100000x90xf32, #tpu.memory_space<hbm>> -> memref<1x90xf32, #tpu.memory_space<hbm>>
    %dma_start3A_516 = arith.constant 14 : i32
    %dma_start3A_517 = arith.constant 0 : i32
    %dma_start3A_518 = tpu.memref_slice %arg11[%dma_start3A_516, %dma_start3A_517] : memref<32x90xf32, #tpu.memory_space<vmem>> -> memref<1x90xf32, #tpu.memory_space<vmem>>
    %dma_start3A_519 = arith.constant 0 : i32
    %dma_start3A_520 = tpu.memref_slice %arg2[%squeeze3A_508, %dma_start3A_519] : memref<100000x90xf32, #tpu.memory_space<hbm>> -> memref<1x90xf32, #tpu.memory_space<hbm>>
    tpu.enqueue_dma source(%dma_start3A_520 : memref<1x90xf32, #tpu.memory_space<hbm>>) target(%dma_start3A_518 : memref<1x90xf32, #tpu.memory_space<vmem>>) target_semaphore(%arg17 : memref<!tpu.dma_semaphore, #tpu.memory_space<semaphore_mem>>)
    %dma_start3A_521 = arith.constant 14 : i32
    %dma_start3A_522 = arith.constant 0 : i32
    %dma_start3A_523 = tpu.memref_slice %arg12[%dma_start3A_521, %dma_start3A_522] : memref<32x90xf32, #tpu.memory_space<vmem>> -> memref<1x90xf32, #tpu.memory_space<vmem>>
    %dma_start3A_524 = arith.constant 0 : i32
    %dma_start3A_525 = tpu.memref_slice %arg3[%squeeze3A_510, %dma_start3A_524] : memref<100000x90xf32, #tpu.memory_space<hbm>> -> memref<1x90xf32, #tpu.memory_space<hbm>>
    %dma_start3A_526 = arith.constant 14 : i32
    %dma_start3A_527 = arith.constant 0 : i32
    %dma_start3A_528 = tpu.memref_slice %arg12[%dma_start3A_526, %dma_start3A_527] : memref<32x90xf32, #tpu.memory_space<vmem>> -> memref<1x90xf32, #tpu.memory_space<vmem>>
    %dma_start3A_529 = arith.constant 0 : i32
    %dma_start3A_530 = tpu.memref_slice %arg3[%squeeze3A_510, %dma_start3A_529] : memref<100000x90xf32, #tpu.memory_space<hbm>> -> memref<1x90xf32, #tpu.memory_space<hbm>>
    tpu.enqueue_dma source(%dma_start3A_530 : memref<1x90xf32, #tpu.memory_space<hbm>>) target(%dma_start3A_528 : memref<1x90xf32, #tpu.memory_space<vmem>>) target_semaphore(%arg17 : memref<!tpu.dma_semaphore, #tpu.memory_space<semaphore_mem>>)
    %slice3A_531 = vector.extract_strided_slice %get3A_169 {offsets = [15], sizes = [1], strides = [1]} : vector<16xi32> to vector<1xi32>
    %squeeze3A_532 = vector.extract %slice3A_531[0] : i32 from vector<1xi32>
    %slice3A_533 = vector.extract_strided_slice %get3A_172 {offsets = [15], sizes = [1], strides = [1]} : vector<16xi32> to vector<1xi32>
    %squeeze3A_534 = vector.extract %slice3A_533[0] : i32 from vector<1xi32>
    %dma_start3A_535 = arith.constant 15 : i32
    %dma_start3A_536 = arith.constant 0 : i32
    %dma_start3A_537 = tpu.memref_slice %arg11[%dma_start3A_535, %dma_start3A_536] : memref<32x90xf32, #tpu.memory_space<vmem>> -> memref<1x90xf32, #tpu.memory_space<vmem>>
    %dma_start3A_538 = arith.constant 0 : i32
    %dma_start3A_539 = tpu.memref_slice %arg2[%squeeze3A_532, %dma_start3A_538] : memref<100000x90xf32, #tpu.memory_space<hbm>> -> memref<1x90xf32, #tpu.memory_space<hbm>>
    %dma_start3A_540 = arith.constant 15 : i32
    %dma_start3A_541 = arith.constant 0 : i32
    %dma_start3A_542 = tpu.memref_slice %arg11[%dma_start3A_540, %dma_start3A_541] : memref<32x90xf32, #tpu.memory_space<vmem>> -> memref<1x90xf32, #tpu.memory_space<vmem>>
    %dma_start3A_543 = arith.constant 0 : i32
    %dma_start3A_544 = tpu.memref_slice %arg2[%squeeze3A_532, %dma_start3A_543] : memref<100000x90xf32, #tpu.memory_space<hbm>> -> memref<1x90xf32, #tpu.memory_space<hbm>>
    tpu.enqueue_dma source(%dma_start3A_544 : memref<1x90xf32, #tpu.memory_space<hbm>>) target(%dma_start3A_542 : memref<1x90xf32, #tpu.memory_space<vmem>>) target_semaphore(%arg17 : memref<!tpu.dma_semaphore, #tpu.memory_space<semaphore_mem>>)
    %dma_start3A_545 = arith.constant 15 : i32
    %dma_start3A_546 = arith.constant 0 : i32
    %dma_start3A_547 = tpu.memref_slice %arg12[%dma_start3A_545, %dma_start3A_546] : memref<32x90xf32, #tpu.memory_space<vmem>> -> memref<1x90xf32, #tpu.memory_space<vmem>>
    %dma_start3A_548 = arith.constant 0 : i32
    %dma_start3A_549 = tpu.memref_slice %arg3[%squeeze3A_534, %dma_start3A_548] : memref<100000x90xf32, #tpu.memory_space<hbm>> -> memref<1x90xf32, #tpu.memory_space<hbm>>
    %dma_start3A_550 = arith.constant 15 : i32
    %dma_start3A_551 = arith.constant 0 : i32
    %dma_start3A_552 = tpu.memref_slice %arg12[%dma_start3A_550, %dma_start3A_551] : memref<32x90xf32, #tpu.memory_space<vmem>> -> memref<1x90xf32, #tpu.memory_space<vmem>>
    %dma_start3A_553 = arith.constant 0 : i32
    %dma_start3A_554 = tpu.memref_slice %arg3[%squeeze3A_534, %dma_start3A_553] : memref<100000x90xf32, #tpu.memory_space<hbm>> -> memref<1x90xf32, #tpu.memory_space<hbm>>
    tpu.enqueue_dma source(%dma_start3A_554 : memref<1x90xf32, #tpu.memory_space<hbm>>) target(%dma_start3A_552 : memref<1x90xf32, #tpu.memory_space<vmem>>) target_semaphore(%arg17 : memref<!tpu.dma_semaphore, #tpu.memory_space<semaphore_mem>>)
    %scan3A = arith.constant 0 : i32
    %scan3A_555 = arith.constant 0 : i32
    %scan3A_556 = arith.constant 16 : i32
    %scan3A_557 = arith.addi %scan3A_555, %scan3A_556 : i32
    %scan3A_558 = arith.constant 1 : i32
    scf.for %scan3A_562 = %scan3A_555 to %scan3A_557 step %scan3A_558  : i32 {
      %mul3A_563 = arith.constant 2 : i32
      %mul3A_564 = arith.muli %scan3A_562, %mul3A_563 : i32
      %add3A_565 = arith.constant 0 : i32
      %add3A_566 = arith.addi %mul3A_564, %add3A_565 : i32
      %add3A_567 = arith.constant 2 : i32
      %add3A_568 = arith.addi %add3A_566, %add3A_567 : i32
      %sub3A_569 = arith.constant 1 : i32
      %sub3A_570 = arith.subi %add3A_568, %sub3A_569 : i32
      %lt3A_571 = arith.constant 32 : i32
      %lt3A_572 = arith.cmpi slt, %sub3A_570, %lt3A_571 : i32
      %convert_element_type3A = arith.extui %lt3A_572 : i1 to i32
      %cond3A = arith.constant 0 : i32
      %cond3A_573 = arith.cmpi ne, %convert_element_type3A, %cond3A : i32
      scf.if %cond3A_573 {
        %jit3A_2867 = arith.constant 8 : i32
        %div3A_2868 = arith.divsi %sub3A_570, %jit3A_2867 : i32
        %sign3A_2869 = arith.constant 0 : i32
        %sign3A_2870 = arith.cmpi sgt, %sub3A_570, %sign3A_2869 : i32
        %sign3A_2871 = arith.extui %sign3A_2870 : i1 to i32
        %sign3A_2872 = arith.constant 0 : i32
        %sign3A_2873 = arith.cmpi slt, %sub3A_570, %sign3A_2872 : i32
        %sign3A_2874 = arith.extui %sign3A_2873 : i1 to i32
        %sign3A_2875 = arith.subi %sign3A_2871, %sign3A_2874 : i32
        %sign3A_2876 = arith.constant 0 : i32
        %sign3A_2877 = arith.cmpi sgt, %jit3A_2867, %sign3A_2876 : i32
        %sign3A_2878 = arith.extui %sign3A_2877 : i1 to i32
        %sign3A_2879 = arith.constant 0 : i32
        %sign3A_2880 = arith.cmpi slt, %jit3A_2867, %sign3A_2879 : i32
        %sign3A_2881 = arith.extui %sign3A_2880 : i1 to i32
        %sign3A_2882 = arith.subi %sign3A_2878, %sign3A_2881 : i32
        %ne3A_2883 = arith.cmpi ne, %sign3A_2875, %sign3A_2882 : i32
        %rem3A_2884 = arith.remsi %sub3A_570, %jit3A_2867 : i32
        %ne3A_2885 = arith.constant 0 : i32
        %ne3A_2886 = arith.cmpi ne, %rem3A_2884, %ne3A_2885 : i32
        %and3A_2887 = arith.andi %ne3A_2883, %ne3A_2886 : i1
        %sub3A_2888 = arith.constant 1 : i32
        %sub3A_2889 = arith.subi %div3A_2868, %sub3A_2888 : i32
        %select_n3A_2890 = arith.select %and3A_2887, %sub3A_2889, %div3A_2868 : i32
        %jit3A_2891 = arith.constant 8 : i32
        %eq3A_2892 = arith.constant 0 : i32
        %eq3A_2893 = arith.cmpi eq, %jit3A_2891, %eq3A_2892 : i32
        %jit3A_2894 = arith.constant 1 : i32
        %select_n3A_2895 = arith.select %eq3A_2893, %jit3A_2894, %jit3A_2891 : i32
        %rem3A_2896 = arith.remsi %sub3A_570, %select_n3A_2895 : i32
        %ne3A_2897 = arith.constant 0 : i32
        %ne3A_2898 = arith.cmpi ne, %rem3A_2896, %ne3A_2897 : i32
        %lt3A_2899 = arith.constant 0 : i32
        %lt3A_2900 = arith.cmpi slt, %rem3A_2896, %lt3A_2899 : i32
        %lt3A_2901 = arith.constant 0 : i32
        %lt3A_2902 = arith.cmpi slt, %select_n3A_2895, %lt3A_2901 : i32
        %ne3A_2903 = arith.xori %lt3A_2900, %lt3A_2902 : i1
        %and3A_2904 = arith.andi %ne3A_2903, %ne3A_2898 : i1
        %add3A_2905 = arith.addi %rem3A_2896, %select_n3A_2895 : i32
        %select_n3A_2906 = arith.select %and3A_2904, %add3A_2905, %rem3A_2896 : i32
        %mul3A_2907 = arith.constant 16 : i32
        %mul3A_2908 = arith.muli %select_n3A_2906, %mul3A_2907 : i32
        %get3A_2909 = arith.index_cast %select_n3A_2890 : i32 to index
        %get3A_2910 = arith.index_cast %mul3A_2908 : i32 to index
        %get3A_2911 = tpu.vector_load %arg9[%get3A_2909, %get3A_2910] {strides = array<i32>} : memref<4x128xi32, #tpu.memory_space<vmem>>, vector<16xi32>,
        %get3A_2912 = arith.index_cast %select_n3A_2890 : i32 to index
        %get3A_2913 = arith.index_cast %mul3A_2908 : i32 to index
        %get3A_2914 = tpu.vector_load %arg10[%get3A_2912, %get3A_2913] {strides = array<i32>} : memref<4x128xi32, #tpu.memory_space<vmem>>, vector<16xi32>,
        %slice3A_2915 = vector.extract_strided_slice %get3A_2911 {offsets = [0], sizes = [1], strides = [1]} : vector<16xi32> to vector<1xi32>
        %squeeze3A_2916 = vector.extract %slice3A_2915[0] : i32 from vector<1xi32>
        %slice3A_2917 = vector.extract_strided_slice %get3A_2914 {offsets = [0], sizes = [1], strides = [1]} : vector<16xi32> to vector<1xi32>
        %squeeze3A_2918 = vector.extract %slice3A_2917[0] : i32 from vector<1xi32>
        %dma_start3A_2919 = arith.constant 16 : i32
        %dma_start3A_2920 = arith.constant 0 : i32
        %dma_start3A_2921 = tpu.memref_slice %arg11[%dma_start3A_2919, %dma_start3A_2920] : memref<32x90xf32, #tpu.memory_space<vmem>> -> memref<1x90xf32, #tpu.memory_space<vmem>>
        %dma_start3A_2922 = arith.constant 0 : i32
        %dma_start3A_2923 = tpu.memref_slice %arg2[%squeeze3A_2916, %dma_start3A_2922] : memref<100000x90xf32, #tpu.memory_space<hbm>> -> memref<1x90xf32, #tpu.memory_space<hbm>>
        %dma_start3A_2924 = arith.constant 16 : i32
        %dma_start3A_2925 = arith.constant 0 : i32
        %dma_start3A_2926 = tpu.memref_slice %arg11[%dma_start3A_2924, %dma_start3A_2925] : memref<32x90xf32, #tpu.memory_space<vmem>> -> memref<1x90xf32, #tpu.memory_space<vmem>>
        %dma_start3A_2927 = arith.constant 0 : i32
        %dma_start3A_2928 = tpu.memref_slice %arg2[%squeeze3A_2916, %dma_start3A_2927] : memref<100000x90xf32, #tpu.memory_space<hbm>> -> memref<1x90xf32, #tpu.memory_space<hbm>>
        tpu.enqueue_dma source(%dma_start3A_2928 : memref<1x90xf32, #tpu.memory_space<hbm>>) target(%dma_start3A_2926 : memref<1x90xf32, #tpu.memory_space<vmem>>) target_semaphore(%arg18 : memref<!tpu.dma_semaphore, #tpu.memory_space<semaphore_mem>>)
        %dma_start3A_2929 = arith.constant 16 : i32
        %dma_start3A_2930 = arith.constant 0 : i32
        %dma_start3A_2931 = tpu.memref_slice %arg12[%dma_start3A_2929, %dma_start3A_2930] : memref<32x90xf32, #tpu.memory_space<vmem>> -> memref<1x90xf32, #tpu.memory_space<vmem>>
        %dma_start3A_2932 = arith.constant 0 : i32
        %dma_start3A_2933 = tpu.memref_slice %arg3[%squeeze3A_2918, %dma_start3A_2932] : memref<100000x90xf32, #tpu.memory_space<hbm>> -> memref<1x90xf32, #tpu.memory_space<hbm>>
        %dma_start3A_2934 = arith.constant 16 : i32
        %dma_start3A_2935 = arith.constant 0 : i32
        %dma_start3A_2936 = tpu.memref_slice %arg12[%dma_start3A_2934, %dma_start3A_2935] : memref<32x90xf32, #tpu.memory_space<vmem>> -> memref<1x90xf32, #tpu.memory_space<vmem>>
        %dma_start3A_2937 = arith.constant 0 : i32
        %dma_start3A_2938 = tpu.memref_slice %arg3[%squeeze3A_2918, %dma_start3A_2937] : memref<100000x90xf32, #tpu.memory_space<hbm>> -> memref<1x90xf32, #tpu.memory_space<hbm>>
        tpu.enqueue_dma source(%dma_start3A_2938 : memref<1x90xf32, #tpu.memory_space<hbm>>) target(%dma_start3A_2936 : memref<1x90xf32, #tpu.memory_space<vmem>>) target_semaphore(%arg18 : memref<!tpu.dma_semaphore, #tpu.memory_space<semaphore_mem>>)
        %slice3A_2939 = vector.extract_strided_slice %get3A_2911 {offsets = [1], sizes = [1], strides = [1]} : vector<16xi32> to vector<1xi32>
        %squeeze3A_2940 = vector.extract %slice3A_2939[0] : i32 from vector<1xi32>
        %slice3A_2941 = vector.extract_strided_slice %get3A_2914 {offsets = [1], sizes = [1], strides = [1]} : vector<16xi32> to vector<1xi32>
        %squeeze3A_2942 = vector.extract %slice3A_2941[0] : i32 from vector<1xi32>
        %dma_start3A_2943 = arith.constant 17 : i32
        %dma_start3A_2944 = arith.constant 0 : i32
        %dma_start3A_2945 = tpu.memref_slice %arg11[%dma_start3A_2943, %dma_start3A_2944] : memref<32x90xf32, #tpu.memory_space<vmem>> -> memref<1x90xf32, #tpu.memory_space<vmem>>
        %dma_start3A_2946 = arith.constant 0 : i32
        %dma_start3A_2947 = tpu.memref_slice %arg2[%squeeze3A_2940, %dma_start3A_2946] : memref<100000x90xf32, #tpu.memory_space<hbm>> -> memref<1x90xf32, #tpu.memory_space<hbm>>
        %dma_start3A_2948 = arith.constant 17 : i32
        %dma_start3A_2949 = arith.constant 0 : i32
        %dma_start3A_2950 = tpu.memref_slice %arg11[%dma_start3A_2948, %dma_start3A_2949] : memref<32x90xf32, #tpu.memory_space<vmem>> -> memref<1x90xf32, #tpu.memory_space<vmem>>
        %dma_start3A_2951 = arith.constant 0 : i32
        %dma_start3A_2952 = tpu.memref_slice %arg2[%squeeze3A_2940, %dma_start3A_2951] : memref<100000x90xf32, #tpu.memory_space<hbm>> -> memref<1x90xf32, #tpu.memory_space<hbm>>
        tpu.enqueue_dma source(%dma_start3A_2952 : memref<1x90xf32, #tpu.memory_space<hbm>>) target(%dma_start3A_2950 : memref<1x90xf32, #tpu.memory_space<vmem>>) target_semaphore(%arg18 : memref<!tpu.dma_semaphore, #tpu.memory_space<semaphore_mem>>)
        %dma_start3A_2953 = arith.constant 17 : i32
        %dma_start3A_2954 = arith.constant 0 : i32
        %dma_start3A_2955 = tpu.memref_slice %arg12[%dma_start3A_2953, %dma_start3A_2954] : memref<32x90xf32, #tpu.memory_space<vmem>> -> memref<1x90xf32, #tpu.memory_space<vmem>>
        %dma_start3A_2956 = arith.constant 0 : i32
        %dma_start3A_2957 = tpu.memref_slice %arg3[%squeeze3A_2942, %dma_start3A_2956] : memref<100000x90xf32, #tpu.memory_space<hbm>> -> memref<1x90xf32, #tpu.memory_space<hbm>>
        %dma_start3A_2958 = arith.constant 17 : i32
        %dma_start3A_2959 = arith.constant 0 : i32
        %dma_start3A_2960 = tpu.memref_slice %arg12[%dma_start3A_2958, %dma_start3A_2959] : memref<32x90xf32, #tpu.memory_space<vmem>> -> memref<1x90xf32, #tpu.memory_space<vmem>>
        %dma_start3A_2961 = arith.constant 0 : i32
        %dma_start3A_2962 = tpu.memref_slice %arg3[%squeeze3A_2942, %dma_start3A_2961] : memref<100000x90xf32, #tpu.memory_space<hbm>> -> memref<1x90xf32, #tpu.memory_space<hbm>>
        tpu.enqueue_dma source(%dma_start3A_2962 : memref<1x90xf32, #tpu.memory_space<hbm>>) target(%dma_start3A_2960 : memref<1x90xf32, #tpu.memory_space<vmem>>) target_semaphore(%arg18 : memref<!tpu.dma_semaphore, #tpu.memory_space<semaphore_mem>>)
        %slice3A_2963 = vector.extract_strided_slice %get3A_2911 {offsets = [2], sizes = [1], strides = [1]} : vector<16xi32> to vector<1xi32>
        %squeeze3A_2964 = vector.extract %slice3A_2963[0] : i32 from vector<1xi32>
        %slice3A_2965 = vector.extract_strided_slice %get3A_2914 {offsets = [2], sizes = [1], strides = [1]} : vector<16xi32> to vector<1xi32>
        %squeeze3A_2966 = vector.extract %slice3A_2965[0] : i32 from vector<1xi32>
        %dma_start3A_2967 = arith.constant 18 : i32
        %dma_start3A_2968 = arith.constant 0 : i32
        %dma_start3A_2969 = tpu.memref_slice %arg11[%dma_start3A_2967, %dma_start3A_2968] : memref<32x90xf32, #tpu.memory_space<vmem>> -> memref<1x90xf32, #tpu.memory_space<vmem>>
        %dma_start3A_2970 = arith.constant 0 : i32
        %dma_start3A_2971 = tpu.memref_slice %arg2[%squeeze3A_2964, %dma_start3A_2970] : memref<100000x90xf32, #tpu.memory_space<hbm>> -> memref<1x90xf32, #tpu.memory_space<hbm>>
        %dma_start3A_2972 = arith.constant 18 : i32
        %dma_start3A_2973 = arith.constant 0 : i32
        %dma_start3A_2974 = tpu.memref_slice %arg11[%dma_start3A_2972, %dma_start3A_2973] : memref<32x90xf32, #tpu.memory_space<vmem>> -> memref<1x90xf32, #tpu.memory_space<vmem>>
        %dma_start3A_2975 = arith.constant 0 : i32
        %dma_start3A_2976 = tpu.memref_slice %arg2[%squeeze3A_2964, %dma_start3A_2975] : memref<100000x90xf32, #tpu.memory_space<hbm>> -> memref<1x90xf32, #tpu.memory_space<hbm>>
        tpu.enqueue_dma source(%dma_start3A_2976 : memref<1x90xf32, #tpu.memory_space<hbm>>) target(%dma_start3A_2974 : memref<1x90xf32, #tpu.memory_space<vmem>>) target_semaphore(%arg18 : memref<!tpu.dma_semaphore, #tpu.memory_space<semaphore_mem>>)
        %dma_start3A_2977 = arith.constant 18 : i32
        %dma_start3A_2978 = arith.constant 0 : i32
        %dma_start3A_2979 = tpu.memref_slice %arg12[%dma_start3A_2977, %dma_start3A_2978] : memref<32x90xf32, #tpu.memory_space<vmem>> -> memref<1x90xf32, #tpu.memory_space<vmem>>
        %dma_start3A_2980 = arith.constant 0 : i32
        %dma_start3A_2981 = tpu.memref_slice %arg3[%squeeze3A_2966, %dma_start3A_2980] : memref<100000x90xf32, #tpu.memory_space<hbm>> -> memref<1x90xf32, #tpu.memory_space<hbm>>
        %dma_start3A_2982 = arith.constant 18 : i32
        %dma_start3A_2983 = arith.constant 0 : i32
        %dma_start3A_2984 = tpu.memref_slice %arg12[%dma_start3A_2982, %dma_start3A_2983] : memref<32x90xf32, #tpu.memory_space<vmem>> -> memref<1x90xf32, #tpu.memory_space<vmem>>
        %dma_start3A_2985 = arith.constant 0 : i32
        %dma_start3A_2986 = tpu.memref_slice %arg3[%squeeze3A_2966, %dma_start3A_2985] : memref<100000x90xf32, #tpu.memory_space<hbm>> -> memref<1x90xf32, #tpu.memory_space<hbm>>
        tpu.enqueue_dma source(%dma_start3A_2986 : memref<1x90xf32, #tpu.memory_space<hbm>>) target(%dma_start3A_2984 : memref<1x90xf32, #tpu.memory_space<vmem>>) target_semaphore(%arg18 : memref<!tpu.dma_semaphore, #tpu.memory_space<semaphore_mem>>)
        %slice3A_2987 = vector.extract_strided_slice %get3A_2911 {offsets = [3], sizes = [1], strides = [1]} : vector<16xi32> to vector<1xi32>
        %squeeze3A_2988 = vector.extract %slice3A_2987[0] : i32 from vector<1xi32>
        %slice3A_2989 = vector.extract_strided_slice %get3A_2914 {offsets = [3], sizes = [1], strides = [1]} : vector<16xi32> to vector<1xi32>
        %squeeze3A_2990 = vector.extract %slice3A_2989[0] : i32 from vector<1xi32>
        %dma_start3A_2991 = arith.constant 19 : i32
        %dma_start3A_2992 = arith.constant 0 : i32
        %dma_start3A_2993 = tpu.memref_slice %arg11[%dma_start3A_2991, %dma_start3A_2992] : memref<32x90xf32, #tpu.memory_space<vmem>> -> memref<1x90xf32, #tpu.memory_space<vmem>>
        %dma_start3A_2994 = arith.constant 0 : i32
        %dma_start3A_2995 = tpu.memref_slice %arg2[%squeeze3A_2988, %dma_start3A_2994] : memref<100000x90xf32, #tpu.memory_space<hbm>> -> memref<1x90xf32, #tpu.memory_space<hbm>>
        %dma_start3A_2996 = arith.constant 19 : i32
        %dma_start3A_2997 = arith.constant 0 : i32
        %dma_start3A_2998 = tpu.memref_slice %arg11[%dma_start3A_2996, %dma_start3A_2997] : memref<32x90xf32, #tpu.memory_space<vmem>> -> memref<1x90xf32, #tpu.memory_space<vmem>>
        %dma_start3A_2999 = arith.constant 0 : i32
        %dma_start3A_3000 = tpu.memref_slice %arg2[%squeeze3A_2988, %dma_start3A_2999] : memref<100000x90xf32, #tpu.memory_space<hbm>> -> memref<1x90xf32, #tpu.memory_space<hbm>>
        tpu.enqueue_dma source(%dma_start3A_3000 : memref<1x90xf32, #tpu.memory_space<hbm>>) target(%dma_start3A_2998 : memref<1x90xf32, #tpu.memory_space<vmem>>) target_semaphore(%arg18 : memref<!tpu.dma_semaphore, #tpu.memory_space<semaphore_mem>>)
        %dma_start3A_3001 = arith.constant 19 : i32
        %dma_start3A_3002 = arith.constant 0 : i32
        %dma_start3A_3003 = tpu.memref_slice %arg12[%dma_start3A_3001, %dma_start3A_3002] : memref<32x90xf32, #tpu.memory_space<vmem>> -> memref<1x90xf32, #tpu.memory_space<vmem>>
        %dma_start3A_3004 = arith.constant 0 : i32
        %dma_start3A_3005 = tpu.memref_slice %arg3[%squeeze3A_2990, %dma_start3A_3004] : memref<100000x90xf32, #tpu.memory_space<hbm>> -> memref<1x90xf32, #tpu.memory_space<hbm>>
        %dma_start3A_3006 = arith.constant 19 : i32
        %dma_start3A_3007 = arith.constant 0 : i32
        %dma_start3A_3008 = tpu.memref_slice %arg12[%dma_start3A_3006, %dma_start3A_3007] : memref<32x90xf32, #tpu.memory_space<vmem>> -> memref<1x90xf32, #tpu.memory_space<vmem>>
        %dma_start3A_3009 = arith.constant 0 : i32
        %dma_start3A_3010 = tpu.memref_slice %arg3[%squeeze3A_2990, %dma_start3A_3009] : memref<100000x90xf32, #tpu.memory_space<hbm>> -> memref<1x90xf32, #tpu.memory_space<hbm>>
        tpu.enqueue_dma source(%dma_start3A_3010 : memref<1x90xf32, #tpu.memory_space<hbm>>) target(%dma_start3A_3008 : memref<1x90xf32, #tpu.memory_space<vmem>>) target_semaphore(%arg18 : memref<!tpu.dma_semaphore, #tpu.memory_space<semaphore_mem>>)
        %slice3A_3011 = vector.extract_strided_slice %get3A_2911 {offsets = [4], sizes = [1], strides = [1]} : vector<16xi32> to vector<1xi32>
        %squeeze3A_3012 = vector.extract %slice3A_3011[0] : i32 from vector<1xi32>
        %slice3A_3013 = vector.extract_strided_slice %get3A_2914 {offsets = [4], sizes = [1], strides = [1]} : vector<16xi32> to vector<1xi32>
        %squeeze3A_3014 = vector.extract %slice3A_3013[0] : i32 from vector<1xi32>
        %dma_start3A_3015 = arith.constant 20 : i32
        %dma_start3A_3016 = arith.constant 0 : i32
        %dma_start3A_3017 = tpu.memref_slice %arg11[%dma_start3A_3015, %dma_start3A_3016] : memref<32x90xf32, #tpu.memory_space<vmem>> -> memref<1x90xf32, #tpu.memory_space<vmem>>
        %dma_start3A_3018 = arith.constant 0 : i32
        %dma_start3A_3019 = tpu.memref_slice %arg2[%squeeze3A_3012, %dma_start3A_3018] : memref<100000x90xf32, #tpu.memory_space<hbm>> -> memref<1x90xf32, #tpu.memory_space<hbm>>
        %dma_start3A_3020 = arith.constant 20 : i32
        %dma_start3A_3021 = arith.constant 0 : i32
        %dma_start3A_3022 = tpu.memref_slice %arg11[%dma_start3A_3020, %dma_start3A_3021] : memref<32x90xf32, #tpu.memory_space<vmem>> -> memref<1x90xf32, #tpu.memory_space<vmem>>
        %dma_start3A_3023 = arith.constant 0 : i32
        %dma_start3A_3024 = tpu.memref_slice %arg2[%squeeze3A_3012, %dma_start3A_3023] : memref<100000x90xf32, #tpu.memory_space<hbm>> -> memref<1x90xf32, #tpu.memory_space<hbm>>
        tpu.enqueue_dma source(%dma_start3A_3024 : memref<1x90xf32, #tpu.memory_space<hbm>>) target(%dma_start3A_3022 : memref<1x90xf32, #tpu.memory_space<vmem>>) target_semaphore(%arg18 : memref<!tpu.dma_semaphore, #tpu.memory_space<semaphore_mem>>)
        %dma_start3A_3025 = arith.constant 20 : i32
        %dma_start3A_3026 = arith.constant 0 : i32
        %dma_start3A_3027 = tpu.memref_slice %arg12[%dma_start3A_3025, %dma_start3A_3026] : memref<32x90xf32, #tpu.memory_space<vmem>> -> memref<1x90xf32, #tpu.memory_space<vmem>>
        %dma_start3A_3028 = arith.constant 0 : i32
        %dma_start3A_3029 = tpu.memref_slice %arg3[%squeeze3A_3014, %dma_start3A_3028] : memref<100000x90xf32, #tpu.memory_space<hbm>> -> memref<1x90xf32, #tpu.memory_space<hbm>>
        %dma_start3A_3030 = arith.constant 20 : i32
        %dma_start3A_3031 = arith.constant 0 : i32
        %dma_start3A_3032 = tpu.memref_slice %arg12[%dma_start3A_3030, %dma_start3A_3031] : memref<32x90xf32, #tpu.memory_space<vmem>> -> memref<1x90xf32, #tpu.memory_space<vmem>>
        %dma_start3A_3033 = arith.constant 0 : i32
        %dma_start3A_3034 = tpu.memref_slice %arg3[%squeeze3A_3014, %dma_start3A_3033] : memref<100000x90xf32, #tpu.memory_space<hbm>> -> memref<1x90xf32, #tpu.memory_space<hbm>>
        tpu.enqueue_dma source(%dma_start3A_3034 : memref<1x90xf32, #tpu.memory_space<hbm>>) target(%dma_start3A_3032 : memref<1x90xf32, #tpu.memory_space<vmem>>) target_semaphore(%arg18 : memref<!tpu.dma_semaphore, #tpu.memory_space<semaphore_mem>>)
        %slice3A_3035 = vector.extract_strided_slice %get3A_2911 {offsets = [5], sizes = [1], strides = [1]} : vector<16xi32> to vector<1xi32>
        %squeeze3A_3036 = vector.extract %slice3A_3035[0] : i32 from vector<1xi32>
        %slice3A_3037 = vector.extract_strided_slice %get3A_2914 {offsets = [5], sizes = [1], strides = [1]} : vector<16xi32> to vector<1xi32>
        %squeeze3A_3038 = vector.extract %slice3A_3037[0] : i32 from vector<1xi32>
        %dma_start3A_3039 = arith.constant 21 : i32
        %dma_start3A_3040 = arith.constant 0 : i32
        %dma_start3A_3041 = tpu.memref_slice %arg11[%dma_start3A_3039, %dma_start3A_3040] : memref<32x90xf32, #tpu.memory_space<vmem>> -> memref<1x90xf32, #tpu.memory_space<vmem>>
        %dma_start3A_3042 = arith.constant 0 : i32
        %dma_start3A_3043 = tpu.memref_slice %arg2[%squeeze3A_3036, %dma_start3A_3042] : memref<100000x90xf32, #tpu.memory_space<hbm>> -> memref<1x90xf32, #tpu.memory_space<hbm>>
        %dma_start3A_3044 = arith.constant 21 : i32
        %dma_start3A_3045 = arith.constant 0 : i32
        %dma_start3A_3046 = tpu.memref_slice %arg11[%dma_start3A_3044, %dma_start3A_3045] : memref<32x90xf32, #tpu.memory_space<vmem>> -> memref<1x90xf32, #tpu.memory_space<vmem>>
        %dma_start3A_3047 = arith.constant 0 : i32
        %dma_start3A_3048 = tpu.memref_slice %arg2[%squeeze3A_3036, %dma_start3A_3047] : memref<100000x90xf32, #tpu.memory_space<hbm>> -> memref<1x90xf32, #tpu.memory_space<hbm>>
        tpu.enqueue_dma source(%dma_start3A_3048 : memref<1x90xf32, #tpu.memory_space<hbm>>) target(%dma_start3A_3046 : memref<1x90xf32, #tpu.memory_space<vmem>>) target_semaphore(%arg18 : memref<!tpu.dma_semaphore, #tpu.memory_space<semaphore_mem>>)
        %dma_start3A_3049 = arith.constant 21 : i32
        %dma_start3A_3050 = arith.constant 0 : i32
        %dma_start3A_3051 = tpu.memref_slice %arg12[%dma_start3A_3049, %dma_start3A_3050] : memref<32x90xf32, #tpu.memory_space<vmem>> -> memref<1x90xf32, #tpu.memory_space<vmem>>
        %dma_start3A_3052 = arith.constant 0 : i32
        %dma_start3A_3053 = tpu.memref_slice %arg3[%squeeze3A_3038, %dma_start3A_3052] : memref<100000x90xf32, #tpu.memory_space<hbm>> -> memref<1x90xf32, #tpu.memory_space<hbm>>
        %dma_start3A_3054 = arith.constant 21 : i32
        %dma_start3A_3055 = arith.constant 0 : i32
        %dma_start3A_3056 = tpu.memref_slice %arg12[%dma_start3A_3054, %dma_start3A_3055] : memref<32x90xf32, #tpu.memory_space<vmem>> -> memref<1x90xf32, #tpu.memory_space<vmem>>
        %dma_start3A_3057 = arith.constant 0 : i32
        %dma_start3A_3058 = tpu.memref_slice %arg3[%squeeze3A_3038, %dma_start3A_3057] : memref<100000x90xf32, #tpu.memory_space<hbm>> -> memref<1x90xf32, #tpu.memory_space<hbm>>
        tpu.enqueue_dma source(%dma_start3A_3058 : memref<1x90xf32, #tpu.memory_space<hbm>>) target(%dma_start3A_3056 : memref<1x90xf32, #tpu.memory_space<vmem>>) target_semaphore(%arg18 : memref<!tpu.dma_semaphore, #tpu.memory_space<semaphore_mem>>)
        %slice3A_3059 = vector.extract_strided_slice %get3A_2911 {offsets = [6], sizes = [1], strides = [1]} : vector<16xi32> to vector<1xi32>
        %squeeze3A_3060 = vector.extract %slice3A_3059[0] : i32 from vector<1xi32>
        %slice3A_3061 = vector.extract_strided_slice %get3A_2914 {offsets = [6], sizes = [1], strides = [1]} : vector<16xi32> to vector<1xi32>
        %squeeze3A_3062 = vector.extract %slice3A_3061[0] : i32 from vector<1xi32>
        %dma_start3A_3063 = arith.constant 22 : i32
        %dma_start3A_3064 = arith.constant 0 : i32
        %dma_start3A_3065 = tpu.memref_slice %arg11[%dma_start3A_3063, %dma_start3A_3064] : memref<32x90xf32, #tpu.memory_space<vmem>> -> memref<1x90xf32, #tpu.memory_space<vmem>>
        %dma_start3A_3066 = arith.constant 0 : i32
        %dma_start3A_3067 = tpu.memref_slice %arg2[%squeeze3A_3060, %dma_start3A_3066] : memref<100000x90xf32, #tpu.memory_space<hbm>> -> memref<1x90xf32, #tpu.memory_space<hbm>>
        %dma_start3A_3068 = arith.constant 22 : i32
        %dma_start3A_3069 = arith.constant 0 : i32
        %dma_start3A_3070 = tpu.memref_slice %arg11[%dma_start3A_3068, %dma_start3A_3069] : memref<32x90xf32, #tpu.memory_space<vmem>> -> memref<1x90xf32, #tpu.memory_space<vmem>>
        %dma_start3A_3071 = arith.constant 0 : i32
        %dma_start3A_3072 = tpu.memref_slice %arg2[%squeeze3A_3060, %dma_start3A_3071] : memref<100000x90xf32, #tpu.memory_space<hbm>> -> memref<1x90xf32, #tpu.memory_space<hbm>>
        tpu.enqueue_dma source(%dma_start3A_3072 : memref<1x90xf32, #tpu.memory_space<hbm>>) target(%dma_start3A_3070 : memref<1x90xf32, #tpu.memory_space<vmem>>) target_semaphore(%arg18 : memref<!tpu.dma_semaphore, #tpu.memory_space<semaphore_mem>>)
        %dma_start3A_3073 = arith.constant 22 : i32
        %dma_start3A_3074 = arith.constant 0 : i32
        %dma_start3A_3075 = tpu.memref_slice %arg12[%dma_start3A_3073, %dma_start3A_3074] : memref<32x90xf32, #tpu.memory_space<vmem>> -> memref<1x90xf32, #tpu.memory_space<vmem>>
        %dma_start3A_3076 = arith.constant 0 : i32
        %dma_start3A_3077 = tpu.memref_slice %arg3[%squeeze3A_3062, %dma_start3A_3076] : memref<100000x90xf32, #tpu.memory_space<hbm>> -> memref<1x90xf32, #tpu.memory_space<hbm>>
        %dma_start3A_3078 = arith.constant 22 : i32
        %dma_start3A_3079 = arith.constant 0 : i32
        %dma_start3A_3080 = tpu.memref_slice %arg12[%dma_start3A_3078, %dma_start3A_3079] : memref<32x90xf32, #tpu.memory_space<vmem>> -> memref<1x90xf32, #tpu.memory_space<vmem>>
        %dma_start3A_3081 = arith.constant 0 : i32
        %dma_start3A_3082 = tpu.memref_slice %arg3[%squeeze3A_3062, %dma_start3A_3081] : memref<100000x90xf32, #tpu.memory_space<hbm>> -> memref<1x90xf32, #tpu.memory_space<hbm>>
        tpu.enqueue_dma source(%dma_start3A_3082 : memref<1x90xf32, #tpu.memory_space<hbm>>) target(%dma_start3A_3080 : memref<1x90xf32, #tpu.memory_space<vmem>>) target_semaphore(%arg18 : memref<!tpu.dma_semaphore, #tpu.memory_space<semaphore_mem>>)
        %slice3A_3083 = vector.extract_strided_slice %get3A_2911 {offsets = [7], sizes = [1], strides = [1]} : vector<16xi32> to vector<1xi32>
        %squeeze3A_3084 = vector.extract %slice3A_3083[0] : i32 from vector<1xi32>
        %slice3A_3085 = vector.extract_strided_slice %get3A_2914 {offsets = [7], sizes = [1], strides = [1]} : vector<16xi32> to vector<1xi32>
        %squeeze3A_3086 = vector.extract %slice3A_3085[0] : i32 from vector<1xi32>
        %dma_start3A_3087 = arith.constant 23 : i32
        %dma_start3A_3088 = arith.constant 0 : i32
        %dma_start3A_3089 = tpu.memref_slice %arg11[%dma_start3A_3087, %dma_start3A_3088] : memref<32x90xf32, #tpu.memory_space<vmem>> -> memref<1x90xf32, #tpu.memory_space<vmem>>
        %dma_start3A_3090 = arith.constant 0 : i32
        %dma_start3A_3091 = tpu.memref_slice %arg2[%squeeze3A_3084, %dma_start3A_3090] : memref<100000x90xf32, #tpu.memory_space<hbm>> -> memref<1x90xf32, #tpu.memory_space<hbm>>
        %dma_start3A_3092 = arith.constant 23 : i32
        %dma_start3A_3093 = arith.constant 0 : i32
        %dma_start3A_3094 = tpu.memref_slice %arg11[%dma_start3A_3092, %dma_start3A_3093] : memref<32x90xf32, #tpu.memory_space<vmem>> -> memref<1x90xf32, #tpu.memory_space<vmem>>
        %dma_start3A_3095 = arith.constant 0 : i32
        %dma_start3A_3096 = tpu.memref_slice %arg2[%squeeze3A_3084, %dma_start3A_3095] : memref<100000x90xf32, #tpu.memory_space<hbm>> -> memref<1x90xf32, #tpu.memory_space<hbm>>
        tpu.enqueue_dma source(%dma_start3A_3096 : memref<1x90xf32, #tpu.memory_space<hbm>>) target(%dma_start3A_3094 : memref<1x90xf32, #tpu.memory_space<vmem>>) target_semaphore(%arg18 : memref<!tpu.dma_semaphore, #tpu.memory_space<semaphore_mem>>)
        %dma_start3A_3097 = arith.constant 23 : i32
        %dma_start3A_3098 = arith.constant 0 : i32
        %dma_start3A_3099 = tpu.memref_slice %arg12[%dma_start3A_3097, %dma_start3A_3098] : memref<32x90xf32, #tpu.memory_space<vmem>> -> memref<1x90xf32, #tpu.memory_space<vmem>>
        %dma_start3A_3100 = arith.constant 0 : i32
        %dma_start3A_3101 = tpu.memref_slice %arg3[%squeeze3A_3086, %dma_start3A_3100] : memref<100000x90xf32, #tpu.memory_space<hbm>> -> memref<1x90xf32, #tpu.memory_space<hbm>>
        %dma_start3A_3102 = arith.constant 23 : i32
        %dma_start3A_3103 = arith.constant 0 : i32
        %dma_start3A_3104 = tpu.memref_slice %arg12[%dma_start3A_3102, %dma_start3A_3103] : memref<32x90xf32, #tpu.memory_space<vmem>> -> memref<1x90xf32, #tpu.memory_space<vmem>>
        %dma_start3A_3105 = arith.constant 0 : i32
        %dma_start3A_3106 = tpu.memref_slice %arg3[%squeeze3A_3086, %dma_start3A_3105] : memref<100000x90xf32, #tpu.memory_space<hbm>> -> memref<1x90xf32, #tpu.memory_space<hbm>>
        tpu.enqueue_dma source(%dma_start3A_3106 : memref<1x90xf32, #tpu.memory_space<hbm>>) target(%dma_start3A_3104 : memref<1x90xf32, #tpu.memory_space<vmem>>) target_semaphore(%arg18 : memref<!tpu.dma_semaphore, #tpu.memory_space<semaphore_mem>>)
        %slice3A_3107 = vector.extract_strided_slice %get3A_2911 {offsets = [8], sizes = [1], strides = [1]} : vector<16xi32> to vector<1xi32>
        %squeeze3A_3108 = vector.extract %slice3A_3107[0] : i32 from vector<1xi32>
        %slice3A_3109 = vector.extract_strided_slice %get3A_2914 {offsets = [8], sizes = [1], strides = [1]} : vector<16xi32> to vector<1xi32>
        %squeeze3A_3110 = vector.extract %slice3A_3109[0] : i32 from vector<1xi32>
        %dma_start3A_3111 = arith.constant 24 : i32
        %dma_start3A_3112 = arith.constant 0 : i32
        %dma_start3A_3113 = tpu.memref_slice %arg11[%dma_start3A_3111, %dma_start3A_3112] : memref<32x90xf32, #tpu.memory_space<vmem>> -> memref<1x90xf32, #tpu.memory_space<vmem>>
        %dma_start3A_3114 = arith.constant 0 : i32
        %dma_start3A_3115 = tpu.memref_slice %arg2[%squeeze3A_3108, %dma_start3A_3114] : memref<100000x90xf32, #tpu.memory_space<hbm>> -> memref<1x90xf32, #tpu.memory_space<hbm>>
        %dma_start3A_3116 = arith.constant 24 : i32
        %dma_start3A_3117 = arith.constant 0 : i32
        %dma_start3A_3118 = tpu.memref_slice %arg11[%dma_start3A_3116, %dma_start3A_3117] : memref<32x90xf32, #tpu.memory_space<vmem>> -> memref<1x90xf32, #tpu.memory_space<vmem>>
        %dma_start3A_3119 = arith.constant 0 : i32
        %dma_start3A_3120 = tpu.memref_slice %arg2[%squeeze3A_3108, %dma_start3A_3119] : memref<100000x90xf32, #tpu.memory_space<hbm>> -> memref<1x90xf32, #tpu.memory_space<hbm>>
        tpu.enqueue_dma source(%dma_start3A_3120 : memref<1x90xf32, #tpu.memory_space<hbm>>) target(%dma_start3A_3118 : memref<1x90xf32, #tpu.memory_space<vmem>>) target_semaphore(%arg18 : memref<!tpu.dma_semaphore, #tpu.memory_space<semaphore_mem>>)
        %dma_start3A_3121 = arith.constant 24 : i32
        %dma_start3A_3122 = arith.constant 0 : i32
        %dma_start3A_3123 = tpu.memref_slice %arg12[%dma_start3A_3121, %dma_start3A_3122] : memref<32x90xf32, #tpu.memory_space<vmem>> -> memref<1x90xf32, #tpu.memory_space<vmem>>
        %dma_start3A_3124 = arith.constant 0 : i32
        %dma_start3A_3125 = tpu.memref_slice %arg3[%squeeze3A_3110, %dma_start3A_3124] : memref<100000x90xf32, #tpu.memory_space<hbm>> -> memref<1x90xf32, #tpu.memory_space<hbm>>
        %dma_start3A_3126 = arith.constant 24 : i32
        %dma_start3A_3127 = arith.constant 0 : i32
        %dma_start3A_3128 = tpu.memref_slice %arg12[%dma_start3A_3126, %dma_start3A_3127] : memref<32x90xf32, #tpu.memory_space<vmem>> -> memref<1x90xf32, #tpu.memory_space<vmem>>
        %dma_start3A_3129 = arith.constant 0 : i32
        %dma_start3A_3130 = tpu.memref_slice %arg3[%squeeze3A_3110, %dma_start3A_3129] : memref<100000x90xf32, #tpu.memory_space<hbm>> -> memref<1x90xf32, #tpu.memory_space<hbm>>
        tpu.enqueue_dma source(%dma_start3A_3130 : memref<1x90xf32, #tpu.memory_space<hbm>>) target(%dma_start3A_3128 : memref<1x90xf32, #tpu.memory_space<vmem>>) target_semaphore(%arg18 : memref<!tpu.dma_semaphore, #tpu.memory_space<semaphore_mem>>)
        %slice3A_3131 = vector.extract_strided_slice %get3A_2911 {offsets = [9], sizes = [1], strides = [1]} : vector<16xi32> to vector<1xi32>
        %squeeze3A_3132 = vector.extract %slice3A_3131[0] : i32 from vector<1xi32>
        %slice3A_3133 = vector.extract_strided_slice %get3A_2914 {offsets = [9], sizes = [1], strides = [1]} : vector<16xi32> to vector<1xi32>
        %squeeze3A_3134 = vector.extract %slice3A_3133[0] : i32 from vector<1xi32>
        %dma_start3A_3135 = arith.constant 25 : i32
        %dma_start3A_3136 = arith.constant 0 : i32
        %dma_start3A_3137 = tpu.memref_slice %arg11[%dma_start3A_3135, %dma_start3A_3136] : memref<32x90xf32, #tpu.memory_space<vmem>> -> memref<1x90xf32, #tpu.memory_space<vmem>>
        %dma_start3A_3138 = arith.constant 0 : i32
        %dma_start3A_3139 = tpu.memref_slice %arg2[%squeeze3A_3132, %dma_start3A_3138] : memref<100000x90xf32, #tpu.memory_space<hbm>> -> memref<1x90xf32, #tpu.memory_space<hbm>>
        %dma_start3A_3140 = arith.constant 25 : i32
        %dma_start3A_3141 = arith.constant 0 : i32
        %dma_start3A_3142 = tpu.memref_slice %arg11[%dma_start3A_3140, %dma_start3A_3141] : memref<32x90xf32, #tpu.memory_space<vmem>> -> memref<1x90xf32, #tpu.memory_space<vmem>>
        %dma_start3A_3143 = arith.constant 0 : i32
        %dma_start3A_3144 = tpu.memref_slice %arg2[%squeeze3A_3132, %dma_start3A_3143] : memref<100000x90xf32, #tpu.memory_space<hbm>> -> memref<1x90xf32, #tpu.memory_space<hbm>>
        tpu.enqueue_dma source(%dma_start3A_3144 : memref<1x90xf32, #tpu.memory_space<hbm>>) target(%dma_start3A_3142 : memref<1x90xf32, #tpu.memory_space<vmem>>) target_semaphore(%arg18 : memref<!tpu.dma_semaphore, #tpu.memory_space<semaphore_mem>>)
        %dma_start3A_3145 = arith.constant 25 : i32
        %dma_start3A_3146 = arith.constant 0 : i32
        %dma_start3A_3147 = tpu.memref_slice %arg12[%dma_start3A_3145, %dma_start3A_3146] : memref<32x90xf32, #tpu.memory_space<vmem>> -> memref<1x90xf32, #tpu.memory_space<vmem>>
        %dma_start3A_3148 = arith.constant 0 : i32
        %dma_start3A_3149 = tpu.memref_slice %arg3[%squeeze3A_3134, %dma_start3A_3148] : memref<100000x90xf32, #tpu.memory_space<hbm>> -> memref<1x90xf32, #tpu.memory_space<hbm>>
        %dma_start3A_3150 = arith.constant 25 : i32
        %dma_start3A_3151 = arith.constant 0 : i32
        %dma_start3A_3152 = tpu.memref_slice %arg12[%dma_start3A_3150, %dma_start3A_3151] : memref<32x90xf32, #tpu.memory_space<vmem>> -> memref<1x90xf32, #tpu.memory_space<vmem>>
        %dma_start3A_3153 = arith.constant 0 : i32
        %dma_start3A_3154 = tpu.memref_slice %arg3[%squeeze3A_3134, %dma_start3A_3153] : memref<100000x90xf32, #tpu.memory_space<hbm>> -> memref<1x90xf32, #tpu.memory_space<hbm>>
        tpu.enqueue_dma source(%dma_start3A_3154 : memref<1x90xf32, #tpu.memory_space<hbm>>) target(%dma_start3A_3152 : memref<1x90xf32, #tpu.memory_space<vmem>>) target_semaphore(%arg18 : memref<!tpu.dma_semaphore, #tpu.memory_space<semaphore_mem>>)
        %slice3A_3155 = vector.extract_strided_slice %get3A_2911 {offsets = [10], sizes = [1], strides = [1]} : vector<16xi32> to vector<1xi32>
        %squeeze3A_3156 = vector.extract %slice3A_3155[0] : i32 from vector<1xi32>
        %slice3A_3157 = vector.extract_strided_slice %get3A_2914 {offsets = [10], sizes = [1], strides = [1]} : vector<16xi32> to vector<1xi32>
        %squeeze3A_3158 = vector.extract %slice3A_3157[0] : i32 from vector<1xi32>
        %dma_start3A_3159 = arith.constant 26 : i32
        %dma_start3A_3160 = arith.constant 0 : i32
        %dma_start3A_3161 = tpu.memref_slice %arg11[%dma_start3A_3159, %dma_start3A_3160] : memref<32x90xf32, #tpu.memory_space<vmem>> -> memref<1x90xf32, #tpu.memory_space<vmem>>
        %dma_start3A_3162 = arith.constant 0 : i32
        %dma_start3A_3163 = tpu.memref_slice %arg2[%squeeze3A_3156, %dma_start3A_3162] : memref<100000x90xf32, #tpu.memory_space<hbm>> -> memref<1x90xf32, #tpu.memory_space<hbm>>
        %dma_start3A_3164 = arith.constant 26 : i32
        %dma_start3A_3165 = arith.constant 0 : i32
        %dma_start3A_3166 = tpu.memref_slice %arg11[%dma_start3A_3164, %dma_start3A_3165] : memref<32x90xf32, #tpu.memory_space<vmem>> -> memref<1x90xf32, #tpu.memory_space<vmem>>
        %dma_start3A_3167 = arith.constant 0 : i32
        %dma_start3A_3168 = tpu.memref_slice %arg2[%squeeze3A_3156, %dma_start3A_3167] : memref<100000x90xf32, #tpu.memory_space<hbm>> -> memref<1x90xf32, #tpu.memory_space<hbm>>
        tpu.enqueue_dma source(%dma_start3A_3168 : memref<1x90xf32, #tpu.memory_space<hbm>>) target(%dma_start3A_3166 : memref<1x90xf32, #tpu.memory_space<vmem>>) target_semaphore(%arg18 : memref<!tpu.dma_semaphore, #tpu.memory_space<semaphore_mem>>)
        %dma_start3A_3169 = arith.constant 26 : i32
        %dma_start3A_3170 = arith.constant 0 : i32
        %dma_start3A_3171 = tpu.memref_slice %arg12[%dma_start3A_3169, %dma_start3A_3170] : memref<32x90xf32, #tpu.memory_space<vmem>> -> memref<1x90xf32, #tpu.memory_space<vmem>>
        %dma_start3A_3172 = arith.constant 0 : i32
        %dma_start3A_3173 = tpu.memref_slice %arg3[%squeeze3A_3158, %dma_start3A_3172] : memref<100000x90xf32, #tpu.memory_space<hbm>> -> memref<1x90xf32, #tpu.memory_space<hbm>>
        %dma_start3A_3174 = arith.constant 26 : i32
        %dma_start3A_3175 = arith.constant 0 : i32
        %dma_start3A_3176 = tpu.memref_slice %arg12[%dma_start3A_3174, %dma_start3A_3175] : memref<32x90xf32, #tpu.memory_space<vmem>> -> memref<1x90xf32, #tpu.memory_space<vmem>>
        %dma_start3A_3177 = arith.constant 0 : i32
        %dma_start3A_3178 = tpu.memref_slice %arg3[%squeeze3A_3158, %dma_start3A_3177] : memref<100000x90xf32, #tpu.memory_space<hbm>> -> memref<1x90xf32, #tpu.memory_space<hbm>>
        tpu.enqueue_dma source(%dma_start3A_3178 : memref<1x90xf32, #tpu.memory_space<hbm>>) target(%dma_start3A_3176 : memref<1x90xf32, #tpu.memory_space<vmem>>) target_semaphore(%arg18 : memref<!tpu.dma_semaphore, #tpu.memory_space<semaphore_mem>>)
        %slice3A_3179 = vector.extract_strided_slice %get3A_2911 {offsets = [11], sizes = [1], strides = [1]} : vector<16xi32> to vector<1xi32>
        %squeeze3A_3180 = vector.extract %slice3A_3179[0] : i32 from vector<1xi32>
        %slice3A_3181 = vector.extract_strided_slice %get3A_2914 {offsets = [11], sizes = [1], strides = [1]} : vector<16xi32> to vector<1xi32>
        %squeeze3A_3182 = vector.extract %slice3A_3181[0] : i32 from vector<1xi32>
        %dma_start3A_3183 = arith.constant 27 : i32
        %dma_start3A_3184 = arith.constant 0 : i32
        %dma_start3A_3185 = tpu.memref_slice %arg11[%dma_start3A_3183, %dma_start3A_3184] : memref<32x90xf32, #tpu.memory_space<vmem>> -> memref<1x90xf32, #tpu.memory_space<vmem>>
        %dma_start3A_3186 = arith.constant 0 : i32
        %dma_start3A_3187 = tpu.memref_slice %arg2[%squeeze3A_3180, %dma_start3A_3186] : memref<100000x90xf32, #tpu.memory_space<hbm>> -> memref<1x90xf32, #tpu.memory_space<hbm>>
        %dma_start3A_3188 = arith.constant 27 : i32
        %dma_start3A_3189 = arith.constant 0 : i32
        %dma_start3A_3190 = tpu.memref_slice %arg11[%dma_start3A_3188, %dma_start3A_3189] : memref<32x90xf32, #tpu.memory_space<vmem>> -> memref<1x90xf32, #tpu.memory_space<vmem>>
        %dma_start3A_3191 = arith.constant 0 : i32
        %dma_start3A_3192 = tpu.memref_slice %arg2[%squeeze3A_3180, %dma_start3A_3191] : memref<100000x90xf32, #tpu.memory_space<hbm>> -> memref<1x90xf32, #tpu.memory_space<hbm>>
        tpu.enqueue_dma source(%dma_start3A_3192 : memref<1x90xf32, #tpu.memory_space<hbm>>) target(%dma_start3A_3190 : memref<1x90xf32, #tpu.memory_space<vmem>>) target_semaphore(%arg18 : memref<!tpu.dma_semaphore, #tpu.memory_space<semaphore_mem>>)
        %dma_start3A_3193 = arith.constant 27 : i32
        %dma_start3A_3194 = arith.constant 0 : i32
        %dma_start3A_3195 = tpu.memref_slice %arg12[%dma_start3A_3193, %dma_start3A_3194] : memref<32x90xf32, #tpu.memory_space<vmem>> -> memref<1x90xf32, #tpu.memory_space<vmem>>
        %dma_start3A_3196 = arith.constant 0 : i32
        %dma_start3A_3197 = tpu.memref_slice %arg3[%squeeze3A_3182, %dma_start3A_3196] : memref<100000x90xf32, #tpu.memory_space<hbm>> -> memref<1x90xf32, #tpu.memory_space<hbm>>
        %dma_start3A_3198 = arith.constant 27 : i32
        %dma_start3A_3199 = arith.constant 0 : i32
        %dma_start3A_3200 = tpu.memref_slice %arg12[%dma_start3A_3198, %dma_start3A_3199] : memref<32x90xf32, #tpu.memory_space<vmem>> -> memref<1x90xf32, #tpu.memory_space<vmem>>
        %dma_start3A_3201 = arith.constant 0 : i32
        %dma_start3A_3202 = tpu.memref_slice %arg3[%squeeze3A_3182, %dma_start3A_3201] : memref<100000x90xf32, #tpu.memory_space<hbm>> -> memref<1x90xf32, #tpu.memory_space<hbm>>
        tpu.enqueue_dma source(%dma_start3A_3202 : memref<1x90xf32, #tpu.memory_space<hbm>>) target(%dma_start3A_3200 : memref<1x90xf32, #tpu.memory_space<vmem>>) target_semaphore(%arg18 : memref<!tpu.dma_semaphore, #tpu.memory_space<semaphore_mem>>)
        %slice3A_3203 = vector.extract_strided_slice %get3A_2911 {offsets = [12], sizes = [1], strides = [1]} : vector<16xi32> to vector<1xi32>
        %squeeze3A_3204 = vector.extract %slice3A_3203[0] : i32 from vector<1xi32>
        %slice3A_3205 = vector.extract_strided_slice %get3A_2914 {offsets = [12], sizes = [1], strides = [1]} : vector<16xi32> to vector<1xi32>
        %squeeze3A_3206 = vector.extract %slice3A_3205[0] : i32 from vector<1xi32>
        %dma_start3A_3207 = arith.constant 28 : i32
        %dma_start3A_3208 = arith.constant 0 : i32
        %dma_start3A_3209 = tpu.memref_slice %arg11[%dma_start3A_3207, %dma_start3A_3208] : memref<32x90xf32, #tpu.memory_space<vmem>> -> memref<1x90xf32, #tpu.memory_space<vmem>>
        %dma_start3A_3210 = arith.constant 0 : i32
        %dma_start3A_3211 = tpu.memref_slice %arg2[%squeeze3A_3204, %dma_start3A_3210] : memref<100000x90xf32, #tpu.memory_space<hbm>> -> memref<1x90xf32, #tpu.memory_space<hbm>>
        %dma_start3A_3212 = arith.constant 28 : i32
        %dma_start3A_3213 = arith.constant 0 : i32
        %dma_start3A_3214 = tpu.memref_slice %arg11[%dma_start3A_3212, %dma_start3A_3213] : memref<32x90xf32, #tpu.memory_space<vmem>> -> memref<1x90xf32, #tpu.memory_space<vmem>>
        %dma_start3A_3215 = arith.constant 0 : i32
        %dma_start3A_3216 = tpu.memref_slice %arg2[%squeeze3A_3204, %dma_start3A_3215] : memref<100000x90xf32, #tpu.memory_space<hbm>> -> memref<1x90xf32, #tpu.memory_space<hbm>>
        tpu.enqueue_dma source(%dma_start3A_3216 : memref<1x90xf32, #tpu.memory_space<hbm>>) target(%dma_start3A_3214 : memref<1x90xf32, #tpu.memory_space<vmem>>) target_semaphore(%arg18 : memref<!tpu.dma_semaphore, #tpu.memory_space<semaphore_mem>>)
        %dma_start3A_3217 = arith.constant 28 : i32
        %dma_start3A_3218 = arith.constant 0 : i32
        %dma_start3A_3219 = tpu.memref_slice %arg12[%dma_start3A_3217, %dma_start3A_3218] : memref<32x90xf32, #tpu.memory_space<vmem>> -> memref<1x90xf32, #tpu.memory_space<vmem>>
        %dma_start3A_3220 = arith.constant 0 : i32
        %dma_start3A_3221 = tpu.memref_slice %arg3[%squeeze3A_3206, %dma_start3A_3220] : memref<100000x90xf32, #tpu.memory_space<hbm>> -> memref<1x90xf32, #tpu.memory_space<hbm>>
        %dma_start3A_3222 = arith.constant 28 : i32
        %dma_start3A_3223 = arith.constant 0 : i32
        %dma_start3A_3224 = tpu.memref_slice %arg12[%dma_start3A_3222, %dma_start3A_3223] : memref<32x90xf32, #tpu.memory_space<vmem>> -> memref<1x90xf32, #tpu.memory_space<vmem>>
        %dma_start3A_3225 = arith.constant 0 : i32
        %dma_start3A_3226 = tpu.memref_slice %arg3[%squeeze3A_3206, %dma_start3A_3225] : memref<100000x90xf32, #tpu.memory_space<hbm>> -> memref<1x90xf32, #tpu.memory_space<hbm>>
        tpu.enqueue_dma source(%dma_start3A_3226 : memref<1x90xf32, #tpu.memory_space<hbm>>) target(%dma_start3A_3224 : memref<1x90xf32, #tpu.memory_space<vmem>>) target_semaphore(%arg18 : memref<!tpu.dma_semaphore, #tpu.memory_space<semaphore_mem>>)
        %slice3A_3227 = vector.extract_strided_slice %get3A_2911 {offsets = [13], sizes = [1], strides = [1]} : vector<16xi32> to vector<1xi32>
        %squeeze3A_3228 = vector.extract %slice3A_3227[0] : i32 from vector<1xi32>
        %slice3A_3229 = vector.extract_strided_slice %get3A_2914 {offsets = [13], sizes = [1], strides = [1]} : vector<16xi32> to vector<1xi32>
        %squeeze3A_3230 = vector.extract %slice3A_3229[0] : i32 from vector<1xi32>
        %dma_start3A_3231 = arith.constant 29 : i32
        %dma_start3A_3232 = arith.constant 0 : i32
        %dma_start3A_3233 = tpu.memref_slice %arg11[%dma_start3A_3231, %dma_start3A_3232] : memref<32x90xf32, #tpu.memory_space<vmem>> -> memref<1x90xf32, #tpu.memory_space<vmem>>
        %dma_start3A_3234 = arith.constant 0 : i32
        %dma_start3A_3235 = tpu.memref_slice %arg2[%squeeze3A_3228, %dma_start3A_3234] : memref<100000x90xf32, #tpu.memory_space<hbm>> -> memref<1x90xf32, #tpu.memory_space<hbm>>
        %dma_start3A_3236 = arith.constant 29 : i32
        %dma_start3A_3237 = arith.constant 0 : i32
        %dma_start3A_3238 = tpu.memref_slice %arg11[%dma_start3A_3236, %dma_start3A_3237] : memref<32x90xf32, #tpu.memory_space<vmem>> -> memref<1x90xf32, #tpu.memory_space<vmem>>
        %dma_start3A_3239 = arith.constant 0 : i32
        %dma_start3A_3240 = tpu.memref_slice %arg2[%squeeze3A_3228, %dma_start3A_3239] : memref<100000x90xf32, #tpu.memory_space<hbm>> -> memref<1x90xf32, #tpu.memory_space<hbm>>
        tpu.enqueue_dma source(%dma_start3A_3240 : memref<1x90xf32, #tpu.memory_space<hbm>>) target(%dma_start3A_3238 : memref<1x90xf32, #tpu.memory_space<vmem>>) target_semaphore(%arg18 : memref<!tpu.dma_semaphore, #tpu.memory_space<semaphore_mem>>)
        %dma_start3A_3241 = arith.constant 29 : i32
        %dma_start3A_3242 = arith.constant 0 : i32
        %dma_start3A_3243 = tpu.memref_slice %arg12[%dma_start3A_3241, %dma_start3A_3242] : memref<32x90xf32, #tpu.memory_space<vmem>> -> memref<1x90xf32, #tpu.memory_space<vmem>>
        %dma_start3A_3244 = arith.constant 0 : i32
        %dma_start3A_3245 = tpu.memref_slice %arg3[%squeeze3A_3230, %dma_start3A_3244] : memref<100000x90xf32, #tpu.memory_space<hbm>> -> memref<1x90xf32, #tpu.memory_space<hbm>>
        %dma_start3A_3246 = arith.constant 29 : i32
        %dma_start3A_3247 = arith.constant 0 : i32
        %dma_start3A_3248 = tpu.memref_slice %arg12[%dma_start3A_3246, %dma_start3A_3247] : memref<32x90xf32, #tpu.memory_space<vmem>> -> memref<1x90xf32, #tpu.memory_space<vmem>>
        %dma_start3A_3249 = arith.constant 0 : i32
        %dma_start3A_3250 = tpu.memref_slice %arg3[%squeeze3A_3230, %dma_start3A_3249] : memref<100000x90xf32, #tpu.memory_space<hbm>> -> memref<1x90xf32, #tpu.memory_space<hbm>>
        tpu.enqueue_dma source(%dma_start3A_3250 : memref<1x90xf32, #tpu.memory_space<hbm>>) target(%dma_start3A_3248 : memref<1x90xf32, #tpu.memory_space<vmem>>) target_semaphore(%arg18 : memref<!tpu.dma_semaphore, #tpu.memory_space<semaphore_mem>>)
        %slice3A_3251 = vector.extract_strided_slice %get3A_2911 {offsets = [14], sizes = [1], strides = [1]} : vector<16xi32> to vector<1xi32>
        %squeeze3A_3252 = vector.extract %slice3A_3251[0] : i32 from vector<1xi32>
        %slice3A_3253 = vector.extract_strided_slice %get3A_2914 {offsets = [14], sizes = [1], strides = [1]} : vector<16xi32> to vector<1xi32>
        %squeeze3A_3254 = vector.extract %slice3A_3253[0] : i32 from vector<1xi32>
        %dma_start3A_3255 = arith.constant 30 : i32
        %dma_start3A_3256 = arith.constant 0 : i32
        %dma_start3A_3257 = tpu.memref_slice %arg11[%dma_start3A_3255, %dma_start3A_3256] : memref<32x90xf32, #tpu.memory_space<vmem>> -> memref<1x90xf32, #tpu.memory_space<vmem>>
        %dma_start3A_3258 = arith.constant 0 : i32
        %dma_start3A_3259 = tpu.memref_slice %arg2[%squeeze3A_3252, %dma_start3A_3258] : memref<100000x90xf32, #tpu.memory_space<hbm>> -> memref<1x90xf32, #tpu.memory_space<hbm>>
        %dma_start3A_3260 = arith.constant 30 : i32
        %dma_start3A_3261 = arith.constant 0 : i32
        %dma_start3A_3262 = tpu.memref_slice %arg11[%dma_start3A_3260, %dma_start3A_3261] : memref<32x90xf32, #tpu.memory_space<vmem>> -> memref<1x90xf32, #tpu.memory_space<vmem>>
        %dma_start3A_3263 = arith.constant 0 : i32
        %dma_start3A_3264 = tpu.memref_slice %arg2[%squeeze3A_3252, %dma_start3A_3263] : memref<100000x90xf32, #tpu.memory_space<hbm>> -> memref<1x90xf32, #tpu.memory_space<hbm>>
        tpu.enqueue_dma source(%dma_start3A_3264 : memref<1x90xf32, #tpu.memory_space<hbm>>) target(%dma_start3A_3262 : memref<1x90xf32, #tpu.memory_space<vmem>>) target_semaphore(%arg18 : memref<!tpu.dma_semaphore, #tpu.memory_space<semaphore_mem>>)
        %dma_start3A_3265 = arith.constant 30 : i32
        %dma_start3A_3266 = arith.constant 0 : i32
        %dma_start3A_3267 = tpu.memref_slice %arg12[%dma_start3A_3265, %dma_start3A_3266] : memref<32x90xf32, #tpu.memory_space<vmem>> -> memref<1x90xf32, #tpu.memory_space<vmem>>
        %dma_start3A_3268 = arith.constant 0 : i32
        %dma_start3A_3269 = tpu.memref_slice %arg3[%squeeze3A_3254, %dma_start3A_3268] : memref<100000x90xf32, #tpu.memory_space<hbm>> -> memref<1x90xf32, #tpu.memory_space<hbm>>
        %dma_start3A_3270 = arith.constant 30 : i32
        %dma_start3A_3271 = arith.constant 0 : i32
        %dma_start3A_3272 = tpu.memref_slice %arg12[%dma_start3A_3270, %dma_start3A_3271] : memref<32x90xf32, #tpu.memory_space<vmem>> -> memref<1x90xf32, #tpu.memory_space<vmem>>
        %dma_start3A_3273 = arith.constant 0 : i32
        %dma_start3A_3274 = tpu.memref_slice %arg3[%squeeze3A_3254, %dma_start3A_3273] : memref<100000x90xf32, #tpu.memory_space<hbm>> -> memref<1x90xf32, #tpu.memory_space<hbm>>
        tpu.enqueue_dma source(%dma_start3A_3274 : memref<1x90xf32, #tpu.memory_space<hbm>>) target(%dma_start3A_3272 : memref<1x90xf32, #tpu.memory_space<vmem>>) target_semaphore(%arg18 : memref<!tpu.dma_semaphore, #tpu.memory_space<semaphore_mem>>)
        %slice3A_3275 = vector.extract_strided_slice %get3A_2911 {offsets = [15], sizes = [1], strides = [1]} : vector<16xi32> to vector<1xi32>
        %squeeze3A_3276 = vector.extract %slice3A_3275[0] : i32 from vector<1xi32>
        %slice3A_3277 = vector.extract_strided_slice %get3A_2914 {offsets = [15], sizes = [1], strides = [1]} : vector<16xi32> to vector<1xi32>
        %squeeze3A_3278 = vector.extract %slice3A_3277[0] : i32 from vector<1xi32>
        %dma_start3A_3279 = arith.constant 31 : i32
        %dma_start3A_3280 = arith.constant 0 : i32
        %dma_start3A_3281 = tpu.memref_slice %arg11[%dma_start3A_3279, %dma_start3A_3280] : memref<32x90xf32, #tpu.memory_space<vmem>> -> memref<1x90xf32, #tpu.memory_space<vmem>>
        %dma_start3A_3282 = arith.constant 0 : i32
        %dma_start3A_3283 = tpu.memref_slice %arg2[%squeeze3A_3276, %dma_start3A_3282] : memref<100000x90xf32, #tpu.memory_space<hbm>> -> memref<1x90xf32, #tpu.memory_space<hbm>>
        %dma_start3A_3284 = arith.constant 31 : i32
        %dma_start3A_3285 = arith.constant 0 : i32
        %dma_start3A_3286 = tpu.memref_slice %arg11[%dma_start3A_3284, %dma_start3A_3285] : memref<32x90xf32, #tpu.memory_space<vmem>> -> memref<1x90xf32, #tpu.memory_space<vmem>>
        %dma_start3A_3287 = arith.constant 0 : i32
        %dma_start3A_3288 = tpu.memref_slice %arg2[%squeeze3A_3276, %dma_start3A_3287] : memref<100000x90xf32, #tpu.memory_space<hbm>> -> memref<1x90xf32, #tpu.memory_space<hbm>>
        tpu.enqueue_dma source(%dma_start3A_3288 : memref<1x90xf32, #tpu.memory_space<hbm>>) target(%dma_start3A_3286 : memref<1x90xf32, #tpu.memory_space<vmem>>) target_semaphore(%arg18 : memref<!tpu.dma_semaphore, #tpu.memory_space<semaphore_mem>>)
        %dma_start3A_3289 = arith.constant 31 : i32
        %dma_start3A_3290 = arith.constant 0 : i32
        %dma_start3A_3291 = tpu.memref_slice %arg12[%dma_start3A_3289, %dma_start3A_3290] : memref<32x90xf32, #tpu.memory_space<vmem>> -> memref<1x90xf32, #tpu.memory_space<vmem>>
        %dma_start3A_3292 = arith.constant 0 : i32
        %dma_start3A_3293 = tpu.memref_slice %arg3[%squeeze3A_3278, %dma_start3A_3292] : memref<100000x90xf32, #tpu.memory_space<hbm>> -> memref<1x90xf32, #tpu.memory_space<hbm>>
        %dma_start3A_3294 = arith.constant 31 : i32
        %dma_start3A_3295 = arith.constant 0 : i32
        %dma_start3A_3296 = tpu.memref_slice %arg12[%dma_start3A_3294, %dma_start3A_3295] : memref<32x90xf32, #tpu.memory_space<vmem>> -> memref<1x90xf32, #tpu.memory_space<vmem>>
        %dma_start3A_3297 = arith.constant 0 : i32
        %dma_start3A_3298 = tpu.memref_slice %arg3[%squeeze3A_3278, %dma_start3A_3297] : memref<100000x90xf32, #tpu.memory_space<hbm>> -> memref<1x90xf32, #tpu.memory_space<hbm>>
        tpu.enqueue_dma source(%dma_start3A_3298 : memref<1x90xf32, #tpu.memory_space<hbm>>) target(%dma_start3A_3296 : memref<1x90xf32, #tpu.memory_space<vmem>>) target_semaphore(%arg18 : memref<!tpu.dma_semaphore, #tpu.memory_space<semaphore_mem>>)
      } else {
      }
      %dma_wait3A_574 = arith.constant 0 : i32
      %dma_wait3A_575 = arith.constant 0 : i32
      %dma_wait3A_576 = tpu.memref_slice %arg11[%dma_wait3A_574, %dma_wait3A_575] : memref<32x90xf32, #tpu.memory_space<vmem>> -> memref<16x90xf32, #tpu.memory_space<vmem>>
      %dma_wait3A_577 = arith.constant 0 : i32
      %dma_wait3A_578 = arith.constant 0 : i32
      %dma_wait3A_579 = tpu.memref_slice %arg2[%dma_wait3A_577, %dma_wait3A_578] : memref<100000x90xf32, #tpu.memory_space<hbm>> -> memref<16x90xf32, #tpu.memory_space<hbm>>
      %dma_wait3A_580 = arith.constant 0 : i32
      %dma_wait3A_581 = arith.constant 0 : i32
      %dma_wait3A_582 = tpu.memref_slice %arg11[%dma_wait3A_580, %dma_wait3A_581] : memref<32x90xf32, #tpu.memory_space<vmem>> -> memref<16x90xf32, #tpu.memory_space<vmem>>
      %dma_wait3A_583 = arith.constant 0 : i32
      %dma_wait3A_584 = arith.constant 0 : i32
      %dma_wait3A_585 = tpu.memref_slice %arg2[%dma_wait3A_583, %dma_wait3A_584] : memref<100000x90xf32, #tpu.memory_space<hbm>> -> memref<16x90xf32, #tpu.memory_space<hbm>>
      tpu.wait_dma2 semaphore(%arg17 : memref<!tpu.dma_semaphore, #tpu.memory_space<semaphore_mem>>) src(%dma_wait3A_585 : memref<16x90xf32, #tpu.memory_space<hbm>>) dst(%dma_wait3A_582 : memref<16x90xf32, #tpu.memory_space<vmem>>)
      %dma_wait3A_586 = arith.constant 0 : i32
      %dma_wait3A_587 = arith.constant 0 : i32
      %dma_wait3A_588 = tpu.memref_slice %arg12[%dma_wait3A_586, %dma_wait3A_587] : memref<32x90xf32, #tpu.memory_space<vmem>> -> memref<16x90xf32, #tpu.memory_space<vmem>>
      %dma_wait3A_589 = arith.constant 0 : i32
      %dma_wait3A_590 = arith.constant 0 : i32
      %dma_wait3A_591 = tpu.memref_slice %arg3[%dma_wait3A_589, %dma_wait3A_590] : memref<100000x90xf32, #tpu.memory_space<hbm>> -> memref<16x90xf32, #tpu.memory_space<hbm>>
      %dma_wait3A_592 = arith.constant 0 : i32
      %dma_wait3A_593 = arith.constant 0 : i32
      %dma_wait3A_594 = tpu.memref_slice %arg12[%dma_wait3A_592, %dma_wait3A_593] : memref<32x90xf32, #tpu.memory_space<vmem>> -> memref<16x90xf32, #tpu.memory_space<vmem>>
      %dma_wait3A_595 = arith.constant 0 : i32
      %dma_wait3A_596 = arith.constant 0 : i32
      %dma_wait3A_597 = tpu.memref_slice %arg3[%dma_wait3A_595, %dma_wait3A_596] : memref<100000x90xf32, #tpu.memory_space<hbm>> -> memref<16x90xf32, #tpu.memory_space<hbm>>
      tpu.wait_dma2 semaphore(%arg17 : memref<!tpu.dma_semaphore, #tpu.memory_space<semaphore_mem>>) src(%dma_wait3A_597 : memref<16x90xf32, #tpu.memory_space<hbm>>) dst(%dma_wait3A_594 : memref<16x90xf32, #tpu.memory_space<vmem>>)
      %get3A_598 = arith.constant 0 : i32
      %get3A_599 = arith.index_cast %get3A_598 : i32 to index
      %get3A_600 = arith.constant 0 : index
      %get3A_601 = tpu.vector_load %arg11[%get3A_599, %get3A_600] {strides = array<i32>} : memref<32x90xf32, #tpu.memory_space<vmem>>, vector<16xf32>,
      %get3A_602 = arith.constant 0 : i32
      %get3A_603 = arith.index_cast %get3A_602 : i32 to index
      %get3A_604 = arith.constant 0 : index
      %get3A_605 = tpu.vector_load %arg12[%get3A_603, %get3A_604] {strides = array<i32>} : memref<32x90xf32, #tpu.memory_space<vmem>>, vector<16xf32>,
      %mul3A_606 = arith.mulf %get3A_601, %get3A_605 : vector<16xf32>
      %get3A_607 = arith.constant 0 : i32
      %get3A_608 = arith.index_cast %get3A_607 : i32 to index
      %get3A_609 = arith.constant 16 : index
      %get3A_610 = tpu.vector_load %arg11[%get3A_608, %get3A_609] {strides = array<i32>} : memref<32x90xf32, #tpu.memory_space<vmem>>, vector<16xf32>,
      %get3A_611 = arith.constant 0 : i32
      %get3A_612 = arith.index_cast %get3A_611 : i32 to index
      %get3A_613 = arith.constant 16 : index
      %get3A_614 = tpu.vector_load %arg12[%get3A_612, %get3A_613] {strides = array<i32>} : memref<32x90xf32, #tpu.memory_space<vmem>>, vector<16xf32>,
      %mul3A_615 = arith.mulf %get3A_610, %get3A_614 : vector<16xf32>
      %add3A_616 = arith.addf %mul3A_606, %mul3A_615 : vector<16xf32>
      %get3A_617 = arith.constant 0 : i32
      %get3A_618 = arith.index_cast %get3A_617 : i32 to index
      %get3A_619 = arith.constant 32 : index
      %get3A_620 = tpu.vector_load %arg11[%get3A_618, %get3A_619] {strides = array<i32>} : memref<32x90xf32, #tpu.memory_space<vmem>>, vector<16xf32>,
      %get3A_621 = arith.constant 0 : i32
      %get3A_622 = arith.index_cast %get3A_621 : i32 to index
      %get3A_623 = arith.constant 32 : index
      %get3A_624 = tpu.vector_load %arg12[%get3A_622, %get3A_623] {strides = array<i32>} : memref<32x90xf32, #tpu.memory_space<vmem>>, vector<16xf32>,
      %mul3A_625 = arith.mulf %get3A_620, %get3A_624 : vector<16xf32>
      %add3A_626 = arith.addf %add3A_616, %mul3A_625 : vector<16xf32>
      %get3A_627 = arith.constant 0 : i32
      %get3A_628 = arith.index_cast %get3A_627 : i32 to index
      %get3A_629 = arith.constant 48 : index
      %get3A_630 = tpu.vector_load %arg11[%get3A_628, %get3A_629] {strides = array<i32>} : memref<32x90xf32, #tpu.memory_space<vmem>>, vector<16xf32>,
      %get3A_631 = arith.constant 0 : i32
      %get3A_632 = arith.index_cast %get3A_631 : i32 to index
      %get3A_633 = arith.constant 48 : index
      %get3A_634 = tpu.vector_load %arg12[%get3A_632, %get3A_633] {strides = array<i32>} : memref<32x90xf32, #tpu.memory_space<vmem>>, vector<16xf32>,
      %mul3A_635 = arith.mulf %get3A_630, %get3A_634 : vector<16xf32>
      %add3A_636 = arith.addf %add3A_626, %mul3A_635 : vector<16xf32>
      %get3A_637 = arith.constant 0 : i32
      %get3A_638 = arith.index_cast %get3A_637 : i32 to index
      %get3A_639 = arith.constant 64 : index
      %get3A_640 = tpu.vector_load %arg11[%get3A_638, %get3A_639] {strides = array<i32>} : memref<32x90xf32, #tpu.memory_space<vmem>>, vector<16xf32>,
      %get3A_641 = arith.constant 0 : i32
      %get3A_642 = arith.index_cast %get3A_641 : i32 to index
      %get3A_643 = arith.constant 64 : index
      %get3A_644 = tpu.vector_load %arg12[%get3A_642, %get3A_643] {strides = array<i32>} : memref<32x90xf32, #tpu.memory_space<vmem>>, vector<16xf32>,
      %mul3A_645 = arith.mulf %get3A_640, %get3A_644 : vector<16xf32>
      %add3A_646 = arith.addf %add3A_636, %mul3A_645 : vector<16xf32>
      %get3A_647 = arith.constant 0 : i32
      %get3A_648 = arith.index_cast %get3A_647 : i32 to index
      %get3A_649 = arith.constant 74 : index
      %get3A_650 = tpu.vector_load %arg11[%get3A_648, %get3A_649] {strides = array<i32>} : memref<32x90xf32, #tpu.memory_space<vmem>>, vector<16xf32>,
      %get3A_651 = arith.constant 0 : i32
      %get3A_652 = arith.index_cast %get3A_651 : i32 to index
      %get3A_653 = arith.constant 74 : index
      %get3A_654 = tpu.vector_load %arg12[%get3A_652, %get3A_653] {strides = array<i32>} : memref<32x90xf32, #tpu.memory_space<vmem>>, vector<16xf32>,
      %mul3A_655 = arith.mulf %get3A_650, %get3A_654 : vector<16xf32>
      %select_n3A_656 = arith.select %ge3A_69, %mul3A_655, %broadcast_in_dim3A_70 : vector<16xi1>, vector<16xf32>
      %add3A_657 = arith.addf %add3A_646, %select_n3A_656 : vector<16xf32>
      %eq3A_658 = arith.constant 0 : i32
      %eq3A_659 = vector.broadcast %eq3A_658 : i32 to vector<16xi32>
      %eq3A_660 = arith.cmpi eq, %iota3A, %eq3A_659 : vector<16xi32>
      %reduce_sum3A = arith.constant true
      %reduce_sum3A_661 = vector.broadcast %reduce_sum3A : i1 to vector<16xi1>
      %reduce_sum3A_662 = tpu.scan <sum>, %add3A_657 masked %reduce_sum3A_661 : vector<16xf32>, vector<16xi1> -> vector<16xf32>
      %reduce_sum3A_663 = vector.extract %reduce_sum3A_662[15] : f32 from vector<16xf32>
      %broadcast_in_dim3A_664 = vector.broadcast %reduce_sum3A_663 : f32 to vector<16xf32>
      %select_n3A_665 = arith.select %eq3A_660, %broadcast_in_dim3A_664, %broadcast_in_dim3A_70 : vector<16xi1>, vector<16xf32>
      %get3A_666 = arith.constant 1 : i32
      %get3A_667 = arith.index_cast %get3A_666 : i32 to index
      %get3A_668 = arith.constant 0 : index
      %get3A_669 = tpu.vector_load %arg11[%get3A_667, %get3A_668] {strides = array<i32>} : memref<32x90xf32, #tpu.memory_space<vmem>>, vector<16xf32>,
      %get3A_670 = arith.constant 1 : i32
      %get3A_671 = arith.index_cast %get3A_670 : i32 to index
      %get3A_672 = arith.constant 0 : index
      %get3A_673 = tpu.vector_load %arg12[%get3A_671, %get3A_672] {strides = array<i32>} : memref<32x90xf32, #tpu.memory_space<vmem>>, vector<16xf32>,
      %mul3A_674 = arith.mulf %get3A_669, %get3A_673 : vector<16xf32>
      %get3A_675 = arith.constant 1 : i32
      %get3A_676 = arith.index_cast %get3A_675 : i32 to index
      %get3A_677 = arith.constant 16 : index
      %get3A_678 = tpu.vector_load %arg11[%get3A_676, %get3A_677] {strides = array<i32>} : memref<32x90xf32, #tpu.memory_space<vmem>>, vector<16xf32>,
      %get3A_679 = arith.constant 1 : i32
      %get3A_680 = arith.index_cast %get3A_679 : i32 to index
      %get3A_681 = arith.constant 16 : index
      %get3A_682 = tpu.vector_load %arg12[%get3A_680, %get3A_681] {strides = array<i32>} : memref<32x90xf32, #tpu.memory_space<vmem>>, vector<16xf32>,
      %mul3A_683 = arith.mulf %get3A_678, %get3A_682 : vector<16xf32>
      %add3A_684 = arith.addf %mul3A_674, %mul3A_683 : vector<16xf32>
      %get3A_685 = arith.constant 1 : i32
      %get3A_686 = arith.index_cast %get3A_685 : i32 to index
      %get3A_687 = arith.constant 32 : index
      %get3A_688 = tpu.vector_load %arg11[%get3A_686, %get3A_687] {strides = array<i32>} : memref<32x90xf32, #tpu.memory_space<vmem>>, vector<16xf32>,
      %get3A_689 = arith.constant 1 : i32
      %get3A_690 = arith.index_cast %get3A_689 : i32 to index
      %get3A_691 = arith.constant 32 : index
      %get3A_692 = tpu.vector_load %arg12[%get3A_690, %get3A_691] {strides = array<i32>} : memref<32x90xf32, #tpu.memory_space<vmem>>, vector<16xf32>,
      %mul3A_693 = arith.mulf %get3A_688, %get3A_692 : vector<16xf32>
      %add3A_694 = arith.addf %add3A_684, %mul3A_693 : vector<16xf32>
      %get3A_695 = arith.constant 1 : i32
      %get3A_696 = arith.index_cast %get3A_695 : i32 to index
      %get3A_697 = arith.constant 48 : index
      %get3A_698 = tpu.vector_load %arg11[%get3A_696, %get3A_697] {strides = array<i32>} : memref<32x90xf32, #tpu.memory_space<vmem>>, vector<16xf32>,
      %get3A_699 = arith.constant 1 : i32
      %get3A_700 = arith.index_cast %get3A_699 : i32 to index
      %get3A_701 = arith.constant 48 : index
      %get3A_702 = tpu.vector_load %arg12[%get3A_700, %get3A_701] {strides = array<i32>} : memref<32x90xf32, #tpu.memory_space<vmem>>, vector<16xf32>,
      %mul3A_703 = arith.mulf %get3A_698, %get3A_702 : vector<16xf32>
      %add3A_704 = arith.addf %add3A_694, %mul3A_703 : vector<16xf32>
      %get3A_705 = arith.constant 1 : i32
      %get3A_706 = arith.index_cast %get3A_705 : i32 to index
      %get3A_707 = arith.constant 64 : index
      %get3A_708 = tpu.vector_load %arg11[%get3A_706, %get3A_707] {strides = array<i32>} : memref<32x90xf32, #tpu.memory_space<vmem>>, vector<16xf32>,
      %get3A_709 = arith.constant 1 : i32
      %get3A_710 = arith.index_cast %get3A_709 : i32 to index
      %get3A_711 = arith.constant 64 : index
      %get3A_712 = tpu.vector_load %arg12[%get3A_710, %get3A_711] {strides = array<i32>} : memref<32x90xf32, #tpu.memory_space<vmem>>, vector<16xf32>,
      %mul3A_713 = arith.mulf %get3A_708, %get3A_712 : vector<16xf32>
      %add3A_714 = arith.addf %add3A_704, %mul3A_713 : vector<16xf32>
      %get3A_715 = arith.constant 1 : i32
      %get3A_716 = arith.index_cast %get3A_715 : i32 to index
      %get3A_717 = arith.constant 74 : index
      %get3A_718 = tpu.vector_load %arg11[%get3A_716, %get3A_717] {strides = array<i32>} : memref<32x90xf32, #tpu.memory_space<vmem>>, vector<16xf32>,
      %get3A_719 = arith.constant 1 : i32
      %get3A_720 = arith.index_cast %get3A_719 : i32 to index
      %get3A_721 = arith.constant 74 : index
      %get3A_722 = tpu.vector_load %arg12[%get3A_720, %get3A_721] {strides = array<i32>} : memref<32x90xf32, #tpu.memory_space<vmem>>, vector<16xf32>,
      %mul3A_723 = arith.mulf %get3A_718, %get3A_722 : vector<16xf32>
      %select_n3A_724 = arith.select %ge3A_69, %mul3A_723, %broadcast_in_dim3A_70 : vector<16xi1>, vector<16xf32>
      %add3A_725 = arith.addf %add3A_714, %select_n3A_724 : vector<16xf32>
      %eq3A_726 = arith.constant 1 : i32
      %eq3A_727 = vector.broadcast %eq3A_726 : i32 to vector<16xi32>
      %eq3A_728 = arith.cmpi eq, %iota3A, %eq3A_727 : vector<16xi32>
      %reduce_sum3A_729 = arith.constant true
      %reduce_sum3A_730 = vector.broadcast %reduce_sum3A_729 : i1 to vector<16xi1>
      %reduce_sum3A_731 = tpu.scan <sum>, %add3A_725 masked %reduce_sum3A_730 : vector<16xf32>, vector<16xi1> -> vector<16xf32>
      %reduce_sum3A_732 = vector.extract %reduce_sum3A_731[15] : f32 from vector<16xf32>
      %broadcast_in_dim3A_733 = vector.broadcast %reduce_sum3A_732 : f32 to vector<16xf32>
      %select_n3A_734 = arith.select %eq3A_728, %broadcast_in_dim3A_733, %select_n3A_665 : vector<16xi1>, vector<16xf32>
      %get3A_735 = arith.constant 2 : i32
      %get3A_736 = arith.index_cast %get3A_735 : i32 to index
      %get3A_737 = arith.constant 0 : index
      %get3A_738 = tpu.vector_load %arg11[%get3A_736, %get3A_737] {strides = array<i32>} : memref<32x90xf32, #tpu.memory_space<vmem>>, vector<16xf32>,
      %get3A_739 = arith.constant 2 : i32
      %get3A_740 = arith.index_cast %get3A_739 : i32 to index
      %get3A_741 = arith.constant 0 : index
      %get3A_742 = tpu.vector_load %arg12[%get3A_740, %get3A_741] {strides = array<i32>} : memref<32x90xf32, #tpu.memory_space<vmem>>, vector<16xf32>,
      %mul3A_743 = arith.mulf %get3A_738, %get3A_742 : vector<16xf32>
      %get3A_744 = arith.constant 2 : i32
      %get3A_745 = arith.index_cast %get3A_744 : i32 to index
      %get3A_746 = arith.constant 16 : index
      %get3A_747 = tpu.vector_load %arg11[%get3A_745, %get3A_746] {strides = array<i32>} : memref<32x90xf32, #tpu.memory_space<vmem>>, vector<16xf32>,
      %get3A_748 = arith.constant 2 : i32
      %get3A_749 = arith.index_cast %get3A_748 : i32 to index
      %get3A_750 = arith.constant 16 : index
      %get3A_751 = tpu.vector_load %arg12[%get3A_749, %get3A_750] {strides = array<i32>} : memref<32x90xf32, #tpu.memory_space<vmem>>, vector<16xf32>,
      %mul3A_752 = arith.mulf %get3A_747, %get3A_751 : vector<16xf32>
      %add3A_753 = arith.addf %mul3A_743, %mul3A_752 : vector<16xf32>
      %get3A_754 = arith.constant 2 : i32
      %get3A_755 = arith.index_cast %get3A_754 : i32 to index
      %get3A_756 = arith.constant 32 : index
      %get3A_757 = tpu.vector_load %arg11[%get3A_755, %get3A_756] {strides = array<i32>} : memref<32x90xf32, #tpu.memory_space<vmem>>, vector<16xf32>,
      %get3A_758 = arith.constant 2 : i32
      %get3A_759 = arith.index_cast %get3A_758 : i32 to index
      %get3A_760 = arith.constant 32 : index
      %get3A_761 = tpu.vector_load %arg12[%get3A_759, %get3A_760] {strides = array<i32>} : memref<32x90xf32, #tpu.memory_space<vmem>>, vector<16xf32>,
      %mul3A_762 = arith.mulf %get3A_757, %get3A_761 : vector<16xf32>
      %add3A_763 = arith.addf %add3A_753, %mul3A_762 : vector<16xf32>
      %get3A_764 = arith.constant 2 : i32
      %get3A_765 = arith.index_cast %get3A_764 : i32 to index
      %get3A_766 = arith.constant 48 : index
      %get3A_767 = tpu.vector_load %arg11[%get3A_765, %get3A_766] {strides = array<i32>} : memref<32x90xf32, #tpu.memory_space<vmem>>, vector<16xf32>,
      %get3A_768 = arith.constant 2 : i32
      %get3A_769 = arith.index_cast %get3A_768 : i32 to index
      %get3A_770 = arith.constant 48 : index
      %get3A_771 = tpu.vector_load %arg12[%get3A_769, %get3A_770] {strides = array<i32>} : memref<32x90xf32, #tpu.memory_space<vmem>>, vector<16xf32>,
      %mul3A_772 = arith.mulf %get3A_767, %get3A_771 : vector<16xf32>
      %add3A_773 = arith.addf %add3A_763, %mul3A_772 : vector<16xf32>
      %get3A_774 = arith.constant 2 : i32
      %get3A_775 = arith.index_cast %get3A_774 : i32 to index
      %get3A_776 = arith.constant 64 : index
      %get3A_777 = tpu.vector_load %arg11[%get3A_775, %get3A_776] {strides = array<i32>} : memref<32x90xf32, #tpu.memory_space<vmem>>, vector<16xf32>,
      %get3A_778 = arith.constant 2 : i32
      %get3A_779 = arith.index_cast %get3A_778 : i32 to index
      %get3A_780 = arith.constant 64 : index
      %get3A_781 = tpu.vector_load %arg12[%get3A_779, %get3A_780] {strides = array<i32>} : memref<32x90xf32, #tpu.memory_space<vmem>>, vector<16xf32>,
      %mul3A_782 = arith.mulf %get3A_777, %get3A_781 : vector<16xf32>
      %add3A_783 = arith.addf %add3A_773, %mul3A_782 : vector<16xf32>
      %get3A_784 = arith.constant 2 : i32
      %get3A_785 = arith.index_cast %get3A_784 : i32 to index
      %get3A_786 = arith.constant 74 : index
      %get3A_787 = tpu.vector_load %arg11[%get3A_785, %get3A_786] {strides = array<i32>} : memref<32x90xf32, #tpu.memory_space<vmem>>, vector<16xf32>,
      %get3A_788 = arith.constant 2 : i32
      %get3A_789 = arith.index_cast %get3A_788 : i32 to index
      %get3A_790 = arith.constant 74 : index
      %get3A_791 = tpu.vector_load %arg12[%get3A_789, %get3A_790] {strides = array<i32>} : memref<32x90xf32, #tpu.memory_space<vmem>>, vector<16xf32>,
      %mul3A_792 = arith.mulf %get3A_787, %get3A_791 : vector<16xf32>
      %select_n3A_793 = arith.select %ge3A_69, %mul3A_792, %broadcast_in_dim3A_70 : vector<16xi1>, vector<16xf32>
      %add3A_794 = arith.addf %add3A_783, %select_n3A_793 : vector<16xf32>
      %eq3A_795 = arith.constant 2 : i32
      %eq3A_796 = vector.broadcast %eq3A_795 : i32 to vector<16xi32>
      %eq3A_797 = arith.cmpi eq, %iota3A, %eq3A_796 : vector<16xi32>
      %reduce_sum3A_798 = arith.constant true
      %reduce_sum3A_799 = vector.broadcast %reduce_sum3A_798 : i1 to vector<16xi1>
      %reduce_sum3A_800 = tpu.scan <sum>, %add3A_794 masked %reduce_sum3A_799 : vector<16xf32>, vector<16xi1> -> vector<16xf32>
      %reduce_sum3A_801 = vector.extract %reduce_sum3A_800[15] : f32 from vector<16xf32>
      %broadcast_in_dim3A_802 = vector.broadcast %reduce_sum3A_801 : f32 to vector<16xf32>
      %select_n3A_803 = arith.select %eq3A_797, %broadcast_in_dim3A_802, %select_n3A_734 : vector<16xi1>, vector<16xf32>
      %get3A_804 = arith.constant 3 : i32
      %get3A_805 = arith.index_cast %get3A_804 : i32 to index
      %get3A_806 = arith.constant 0 : index
      %get3A_807 = tpu.vector_load %arg11[%get3A_805, %get3A_806] {strides = array<i32>} : memref<32x90xf32, #tpu.memory_space<vmem>>, vector<16xf32>,
      %get3A_808 = arith.constant 3 : i32
      %get3A_809 = arith.index_cast %get3A_808 : i32 to index
      %get3A_810 = arith.constant 0 : index
      %get3A_811 = tpu.vector_load %arg12[%get3A_809, %get3A_810] {strides = array<i32>} : memref<32x90xf32, #tpu.memory_space<vmem>>, vector<16xf32>,
      %mul3A_812 = arith.mulf %get3A_807, %get3A_811 : vector<16xf32>
      %get3A_813 = arith.constant 3 : i32
      %get3A_814 = arith.index_cast %get3A_813 : i32 to index
      %get3A_815 = arith.constant 16 : index
      %get3A_816 = tpu.vector_load %arg11[%get3A_814, %get3A_815] {strides = array<i32>} : memref<32x90xf32, #tpu.memory_space<vmem>>, vector<16xf32>,
      %get3A_817 = arith.constant 3 : i32
      %get3A_818 = arith.index_cast %get3A_817 : i32 to index
      %get3A_819 = arith.constant 16 : index
      %get3A_820 = tpu.vector_load %arg12[%get3A_818, %get3A_819] {strides = array<i32>} : memref<32x90xf32, #tpu.memory_space<vmem>>, vector<16xf32>,
      %mul3A_821 = arith.mulf %get3A_816, %get3A_820 : vector<16xf32>
      %add3A_822 = arith.addf %mul3A_812, %mul3A_821 : vector<16xf32>
      %get3A_823 = arith.constant 3 : i32
      %get3A_824 = arith.index_cast %get3A_823 : i32 to index
      %get3A_825 = arith.constant 32 : index
      %get3A_826 = tpu.vector_load %arg11[%get3A_824, %get3A_825] {strides = array<i32>} : memref<32x90xf32, #tpu.memory_space<vmem>>, vector<16xf32>,
      %get3A_827 = arith.constant 3 : i32
      %get3A_828 = arith.index_cast %get3A_827 : i32 to index
      %get3A_829 = arith.constant 32 : index
      %get3A_830 = tpu.vector_load %arg12[%get3A_828, %get3A_829] {strides = array<i32>} : memref<32x90xf32, #tpu.memory_space<vmem>>, vector<16xf32>,
      %mul3A_831 = arith.mulf %get3A_826, %get3A_830 : vector<16xf32>
      %add3A_832 = arith.addf %add3A_822, %mul3A_831 : vector<16xf32>
      %get3A_833 = arith.constant 3 : i32
      %get3A_834 = arith.index_cast %get3A_833 : i32 to index
      %get3A_835 = arith.constant 48 : index
      %get3A_836 = tpu.vector_load %arg11[%get3A_834, %get3A_835] {strides = array<i32>} : memref<32x90xf32, #tpu.memory_space<vmem>>, vector<16xf32>,
      %get3A_837 = arith.constant 3 : i32
      %get3A_838 = arith.index_cast %get3A_837 : i32 to index
      %get3A_839 = arith.constant 48 : index
      %get3A_840 = tpu.vector_load %arg12[%get3A_838, %get3A_839] {strides = array<i32>} : memref<32x90xf32, #tpu.memory_space<vmem>>, vector<16xf32>,
      %mul3A_841 = arith.mulf %get3A_836, %get3A_840 : vector<16xf32>
      %add3A_842 = arith.addf %add3A_832, %mul3A_841 : vector<16xf32>
      %get3A_843 = arith.constant 3 : i32
      %get3A_844 = arith.index_cast %get3A_843 : i32 to index
      %get3A_845 = arith.constant 64 : index
      %get3A_846 = tpu.vector_load %arg11[%get3A_844, %get3A_845] {strides = array<i32>} : memref<32x90xf32, #tpu.memory_space<vmem>>, vector<16xf32>,
      %get3A_847 = arith.constant 3 : i32
      %get3A_848 = arith.index_cast %get3A_847 : i32 to index
      %get3A_849 = arith.constant 64 : index
      %get3A_850 = tpu.vector_load %arg12[%get3A_848, %get3A_849] {strides = array<i32>} : memref<32x90xf32, #tpu.memory_space<vmem>>, vector<16xf32>,
      %mul3A_851 = arith.mulf %get3A_846, %get3A_850 : vector<16xf32>
      %add3A_852 = arith.addf %add3A_842, %mul3A_851 : vector<16xf32>
      %get3A_853 = arith.constant 3 : i32
      %get3A_854 = arith.index_cast %get3A_853 : i32 to index
      %get3A_855 = arith.constant 74 : index
      %get3A_856 = tpu.vector_load %arg11[%get3A_854, %get3A_855] {strides = array<i32>} : memref<32x90xf32, #tpu.memory_space<vmem>>, vector<16xf32>,
      %get3A_857 = arith.constant 3 : i32
      %get3A_858 = arith.index_cast %get3A_857 : i32 to index
      %get3A_859 = arith.constant 74 : index
      %get3A_860 = tpu.vector_load %arg12[%get3A_858, %get3A_859] {strides = array<i32>} : memref<32x90xf32, #tpu.memory_space<vmem>>, vector<16xf32>,
      %mul3A_861 = arith.mulf %get3A_856, %get3A_860 : vector<16xf32>
      %select_n3A_862 = arith.select %ge3A_69, %mul3A_861, %broadcast_in_dim3A_70 : vector<16xi1>, vector<16xf32>
      %add3A_863 = arith.addf %add3A_852, %select_n3A_862 : vector<16xf32>
      %eq3A_864 = arith.constant 3 : i32
      %eq3A_865 = vector.broadcast %eq3A_864 : i32 to vector<16xi32>
      %eq3A_866 = arith.cmpi eq, %iota3A, %eq3A_865 : vector<16xi32>
      %reduce_sum3A_867 = arith.constant true
      %reduce_sum3A_868 = vector.broadcast %reduce_sum3A_867 : i1 to vector<16xi1>
      %reduce_sum3A_869 = tpu.scan <sum>, %add3A_863 masked %reduce_sum3A_868 : vector<16xf32>, vector<16xi1> -> vector<16xf32>
      %reduce_sum3A_870 = vector.extract %reduce_sum3A_869[15] : f32 from vector<16xf32>
      %broadcast_in_dim3A_871 = vector.broadcast %reduce_sum3A_870 : f32 to vector<16xf32>
      %select_n3A_872 = arith.select %eq3A_866, %broadcast_in_dim3A_871, %select_n3A_803 : vector<16xi1>, vector<16xf32>
      %get3A_873 = arith.constant 4 : i32
      %get3A_874 = arith.index_cast %get3A_873 : i32 to index
      %get3A_875 = arith.constant 0 : index
      %get3A_876 = tpu.vector_load %arg11[%get3A_874, %get3A_875] {strides = array<i32>} : memref<32x90xf32, #tpu.memory_space<vmem>>, vector<16xf32>,
      %get3A_877 = arith.constant 4 : i32
      %get3A_878 = arith.index_cast %get3A_877 : i32 to index
      %get3A_879 = arith.constant 0 : index
      %get3A_880 = tpu.vector_load %arg12[%get3A_878, %get3A_879] {strides = array<i32>} : memref<32x90xf32, #tpu.memory_space<vmem>>, vector<16xf32>,
      %mul3A_881 = arith.mulf %get3A_876, %get3A_880 : vector<16xf32>
      %get3A_882 = arith.constant 4 : i32
      %get3A_883 = arith.index_cast %get3A_882 : i32 to index
      %get3A_884 = arith.constant 16 : index
      %get3A_885 = tpu.vector_load %arg11[%get3A_883, %get3A_884] {strides = array<i32>} : memref<32x90xf32, #tpu.memory_space<vmem>>, vector<16xf32>,
      %get3A_886 = arith.constant 4 : i32
      %get3A_887 = arith.index_cast %get3A_886 : i32 to index
      %get3A_888 = arith.constant 16 : index
      %get3A_889 = tpu.vector_load %arg12[%get3A_887, %get3A_888] {strides = array<i32>} : memref<32x90xf32, #tpu.memory_space<vmem>>, vector<16xf32>,
      %mul3A_890 = arith.mulf %get3A_885, %get3A_889 : vector<16xf32>
      %add3A_891 = arith.addf %mul3A_881, %mul3A_890 : vector<16xf32>
      %get3A_892 = arith.constant 4 : i32
      %get3A_893 = arith.index_cast %get3A_892 : i32 to index
      %get3A_894 = arith.constant 32 : index
      %get3A_895 = tpu.vector_load %arg11[%get3A_893, %get3A_894] {strides = array<i32>} : memref<32x90xf32, #tpu.memory_space<vmem>>, vector<16xf32>,
      %get3A_896 = arith.constant 4 : i32
      %get3A_897 = arith.index_cast %get3A_896 : i32 to index
      %get3A_898 = arith.constant 32 : index
      %get3A_899 = tpu.vector_load %arg12[%get3A_897, %get3A_898] {strides = array<i32>} : memref<32x90xf32, #tpu.memory_space<vmem>>, vector<16xf32>,
      %mul3A_900 = arith.mulf %get3A_895, %get3A_899 : vector<16xf32>
      %add3A_901 = arith.addf %add3A_891, %mul3A_900 : vector<16xf32>
      %get3A_902 = arith.constant 4 : i32
      %get3A_903 = arith.index_cast %get3A_902 : i32 to index
      %get3A_904 = arith.constant 48 : index
      %get3A_905 = tpu.vector_load %arg11[%get3A_903, %get3A_904] {strides = array<i32>} : memref<32x90xf32, #tpu.memory_space<vmem>>, vector<16xf32>,
      %get3A_906 = arith.constant 4 : i32
      %get3A_907 = arith.index_cast %get3A_906 : i32 to index
      %get3A_908 = arith.constant 48 : index
      %get3A_909 = tpu.vector_load %arg12[%get3A_907, %get3A_908] {strides = array<i32>} : memref<32x90xf32, #tpu.memory_space<vmem>>, vector<16xf32>,
      %mul3A_910 = arith.mulf %get3A_905, %get3A_909 : vector<16xf32>
      %add3A_911 = arith.addf %add3A_901, %mul3A_910 : vector<16xf32>
      %get3A_912 = arith.constant 4 : i32
      %get3A_913 = arith.index_cast %get3A_912 : i32 to index
      %get3A_914 = arith.constant 64 : index
      %get3A_915 = tpu.vector_load %arg11[%get3A_913, %get3A_914] {strides = array<i32>} : memref<32x90xf32, #tpu.memory_space<vmem>>, vector<16xf32>,
      %get3A_916 = arith.constant 4 : i32
      %get3A_917 = arith.index_cast %get3A_916 : i32 to index
      %get3A_918 = arith.constant 64 : index
      %get3A_919 = tpu.vector_load %arg12[%get3A_917, %get3A_918] {strides = array<i32>} : memref<32x90xf32, #tpu.memory_space<vmem>>, vector<16xf32>,
      %mul3A_920 = arith.mulf %get3A_915, %get3A_919 : vector<16xf32>
      %add3A_921 = arith.addf %add3A_911, %mul3A_920 : vector<16xf32>
      %get3A_922 = arith.constant 4 : i32
      %get3A_923 = arith.index_cast %get3A_922 : i32 to index
      %get3A_924 = arith.constant 74 : index
      %get3A_925 = tpu.vector_load %arg11[%get3A_923, %get3A_924] {strides = array<i32>} : memref<32x90xf32, #tpu.memory_space<vmem>>, vector<16xf32>,
      %get3A_926 = arith.constant 4 : i32
      %get3A_927 = arith.index_cast %get3A_926 : i32 to index
      %get3A_928 = arith.constant 74 : index
      %get3A_929 = tpu.vector_load %arg12[%get3A_927, %get3A_928] {strides = array<i32>} : memref<32x90xf32, #tpu.memory_space<vmem>>, vector<16xf32>,
      %mul3A_930 = arith.mulf %get3A_925, %get3A_929 : vector<16xf32>
      %select_n3A_931 = arith.select %ge3A_69, %mul3A_930, %broadcast_in_dim3A_70 : vector<16xi1>, vector<16xf32>
      %add3A_932 = arith.addf %add3A_921, %select_n3A_931 : vector<16xf32>
      %eq3A_933 = arith.constant 4 : i32
      %eq3A_934 = vector.broadcast %eq3A_933 : i32 to vector<16xi32>
      %eq3A_935 = arith.cmpi eq, %iota3A, %eq3A_934 : vector<16xi32>
      %reduce_sum3A_936 = arith.constant true
      %reduce_sum3A_937 = vector.broadcast %reduce_sum3A_936 : i1 to vector<16xi1>
      %reduce_sum3A_938 = tpu.scan <sum>, %add3A_932 masked %reduce_sum3A_937 : vector<16xf32>, vector<16xi1> -> vector<16xf32>
      %reduce_sum3A_939 = vector.extract %reduce_sum3A_938[15] : f32 from vector<16xf32>
      %broadcast_in_dim3A_940 = vector.broadcast %reduce_sum3A_939 : f32 to vector<16xf32>
      %select_n3A_941 = arith.select %eq3A_935, %broadcast_in_dim3A_940, %select_n3A_872 : vector<16xi1>, vector<16xf32>
      %get3A_942 = arith.constant 5 : i32
      %get3A_943 = arith.index_cast %get3A_942 : i32 to index
      %get3A_944 = arith.constant 0 : index
      %get3A_945 = tpu.vector_load %arg11[%get3A_943, %get3A_944] {strides = array<i32>} : memref<32x90xf32, #tpu.memory_space<vmem>>, vector<16xf32>,
      %get3A_946 = arith.constant 5 : i32
      %get3A_947 = arith.index_cast %get3A_946 : i32 to index
      %get3A_948 = arith.constant 0 : index
      %get3A_949 = tpu.vector_load %arg12[%get3A_947, %get3A_948] {strides = array<i32>} : memref<32x90xf32, #tpu.memory_space<vmem>>, vector<16xf32>,
      %mul3A_950 = arith.mulf %get3A_945, %get3A_949 : vector<16xf32>
      %get3A_951 = arith.constant 5 : i32
      %get3A_952 = arith.index_cast %get3A_951 : i32 to index
      %get3A_953 = arith.constant 16 : index
      %get3A_954 = tpu.vector_load %arg11[%get3A_952, %get3A_953] {strides = array<i32>} : memref<32x90xf32, #tpu.memory_space<vmem>>, vector<16xf32>,
      %get3A_955 = arith.constant 5 : i32
      %get3A_956 = arith.index_cast %get3A_955 : i32 to index
      %get3A_957 = arith.constant 16 : index
      %get3A_958 = tpu.vector_load %arg12[%get3A_956, %get3A_957] {strides = array<i32>} : memref<32x90xf32, #tpu.memory_space<vmem>>, vector<16xf32>,
      %mul3A_959 = arith.mulf %get3A_954, %get3A_958 : vector<16xf32>
      %add3A_960 = arith.addf %mul3A_950, %mul3A_959 : vector<16xf32>
      %get3A_961 = arith.constant 5 : i32
      %get3A_962 = arith.index_cast %get3A_961 : i32 to index
      %get3A_963 = arith.constant 32 : index
      %get3A_964 = tpu.vector_load %arg11[%get3A_962, %get3A_963] {strides = array<i32>} : memref<32x90xf32, #tpu.memory_space<vmem>>, vector<16xf32>,
      %get3A_965 = arith.constant 5 : i32
      %get3A_966 = arith.index_cast %get3A_965 : i32 to index
      %get3A_967 = arith.constant 32 : index
      %get3A_968 = tpu.vector_load %arg12[%get3A_966, %get3A_967] {strides = array<i32>} : memref<32x90xf32, #tpu.memory_space<vmem>>, vector<16xf32>,
      %mul3A_969 = arith.mulf %get3A_964, %get3A_968 : vector<16xf32>
      %add3A_970 = arith.addf %add3A_960, %mul3A_969 : vector<16xf32>
      %get3A_971 = arith.constant 5 : i32
      %get3A_972 = arith.index_cast %get3A_971 : i32 to index
      %get3A_973 = arith.constant 48 : index
      %get3A_974 = tpu.vector_load %arg11[%get3A_972, %get3A_973] {strides = array<i32>} : memref<32x90xf32, #tpu.memory_space<vmem>>, vector<16xf32>,
      %get3A_975 = arith.constant 5 : i32
      %get3A_976 = arith.index_cast %get3A_975 : i32 to index
      %get3A_977 = arith.constant 48 : index
      %get3A_978 = tpu.vector_load %arg12[%get3A_976, %get3A_977] {strides = array<i32>} : memref<32x90xf32, #tpu.memory_space<vmem>>, vector<16xf32>,
      %mul3A_979 = arith.mulf %get3A_974, %get3A_978 : vector<16xf32>
      %add3A_980 = arith.addf %add3A_970, %mul3A_979 : vector<16xf32>
      %get3A_981 = arith.constant 5 : i32
      %get3A_982 = arith.index_cast %get3A_981 : i32 to index
      %get3A_983 = arith.constant 64 : index
      %get3A_984 = tpu.vector_load %arg11[%get3A_982, %get3A_983] {strides = array<i32>} : memref<32x90xf32, #tpu.memory_space<vmem>>, vector<16xf32>,
      %get3A_985 = arith.constant 5 : i32
      %get3A_986 = arith.index_cast %get3A_985 : i32 to index
      %get3A_987 = arith.constant 64 : index
      %get3A_988 = tpu.vector_load %arg12[%get3A_986, %get3A_987] {strides = array<i32>} : memref<32x90xf32, #tpu.memory_space<vmem>>, vector<16xf32>,
      %mul3A_989 = arith.mulf %get3A_984, %get3A_988 : vector<16xf32>
      %add3A_990 = arith.addf %add3A_980, %mul3A_989 : vector<16xf32>
      %get3A_991 = arith.constant 5 : i32
      %get3A_992 = arith.index_cast %get3A_991 : i32 to index
      %get3A_993 = arith.constant 74 : index
      %get3A_994 = tpu.vector_load %arg11[%get3A_992, %get3A_993] {strides = array<i32>} : memref<32x90xf32, #tpu.memory_space<vmem>>, vector<16xf32>,
      %get3A_995 = arith.constant 5 : i32
      %get3A_996 = arith.index_cast %get3A_995 : i32 to index
      %get3A_997 = arith.constant 74 : index
      %get3A_998 = tpu.vector_load %arg12[%get3A_996, %get3A_997] {strides = array<i32>} : memref<32x90xf32, #tpu.memory_space<vmem>>, vector<16xf32>,
      %mul3A_999 = arith.mulf %get3A_994, %get3A_998 : vector<16xf32>
      %select_n3A_1000 = arith.select %ge3A_69, %mul3A_999, %broadcast_in_dim3A_70 : vector<16xi1>, vector<16xf32>
      %add3A_1001 = arith.addf %add3A_990, %select_n3A_1000 : vector<16xf32>
      %eq3A_1002 = arith.constant 5 : i32
      %eq3A_1003 = vector.broadcast %eq3A_1002 : i32 to vector<16xi32>
      %eq3A_1004 = arith.cmpi eq, %iota3A, %eq3A_1003 : vector<16xi32>
      %reduce_sum3A_1005 = arith.constant true
      %reduce_sum3A_1006 = vector.broadcast %reduce_sum3A_1005 : i1 to vector<16xi1>
      %reduce_sum3A_1007 = tpu.scan <sum>, %add3A_1001 masked %reduce_sum3A_1006 : vector<16xf32>, vector<16xi1> -> vector<16xf32>
      %reduce_sum3A_1008 = vector.extract %reduce_sum3A_1007[15] : f32 from vector<16xf32>
      %broadcast_in_dim3A_1009 = vector.broadcast %reduce_sum3A_1008 : f32 to vector<16xf32>
      %select_n3A_1010 = arith.select %eq3A_1004, %broadcast_in_dim3A_1009, %select_n3A_941 : vector<16xi1>, vector<16xf32>
      %get3A_1011 = arith.constant 6 : i32
      %get3A_1012 = arith.index_cast %get3A_1011 : i32 to index
      %get3A_1013 = arith.constant 0 : index
      %get3A_1014 = tpu.vector_load %arg11[%get3A_1012, %get3A_1013] {strides = array<i32>} : memref<32x90xf32, #tpu.memory_space<vmem>>, vector<16xf32>,
      %get3A_1015 = arith.constant 6 : i32
      %get3A_1016 = arith.index_cast %get3A_1015 : i32 to index
      %get3A_1017 = arith.constant 0 : index
      %get3A_1018 = tpu.vector_load %arg12[%get3A_1016, %get3A_1017] {strides = array<i32>} : memref<32x90xf32, #tpu.memory_space<vmem>>, vector<16xf32>,
      %mul3A_1019 = arith.mulf %get3A_1014, %get3A_1018 : vector<16xf32>
      %get3A_1020 = arith.constant 6 : i32
      %get3A_1021 = arith.index_cast %get3A_1020 : i32 to index
      %get3A_1022 = arith.constant 16 : index
      %get3A_1023 = tpu.vector_load %arg11[%get3A_1021, %get3A_1022] {strides = array<i32>} : memref<32x90xf32, #tpu.memory_space<vmem>>, vector<16xf32>,
      %get3A_1024 = arith.constant 6 : i32
      %get3A_1025 = arith.index_cast %get3A_1024 : i32 to index
      %get3A_1026 = arith.constant 16 : index
      %get3A_1027 = tpu.vector_load %arg12[%get3A_1025, %get3A_1026] {strides = array<i32>} : memref<32x90xf32, #tpu.memory_space<vmem>>, vector<16xf32>,
      %mul3A_1028 = arith.mulf %get3A_1023, %get3A_1027 : vector<16xf32>
      %add3A_1029 = arith.addf %mul3A_1019, %mul3A_1028 : vector<16xf32>
      %get3A_1030 = arith.constant 6 : i32
      %get3A_1031 = arith.index_cast %get3A_1030 : i32 to index
      %get3A_1032 = arith.constant 32 : index
      %get3A_1033 = tpu.vector_load %arg11[%get3A_1031, %get3A_1032] {strides = array<i32>} : memref<32x90xf32, #tpu.memory_space<vmem>>, vector<16xf32>,
      %get3A_1034 = arith.constant 6 : i32
      %get3A_1035 = arith.index_cast %get3A_1034 : i32 to index
      %get3A_1036 = arith.constant 32 : index
      %get3A_1037 = tpu.vector_load %arg12[%get3A_1035, %get3A_1036] {strides = array<i32>} : memref<32x90xf32, #tpu.memory_space<vmem>>, vector<16xf32>,
      %mul3A_1038 = arith.mulf %get3A_1033, %get3A_1037 : vector<16xf32>
      %add3A_1039 = arith.addf %add3A_1029, %mul3A_1038 : vector<16xf32>
      %get3A_1040 = arith.constant 6 : i32
      %get3A_1041 = arith.index_cast %get3A_1040 : i32 to index
      %get3A_1042 = arith.constant 48 : index
      %get3A_1043 = tpu.vector_load %arg11[%get3A_1041, %get3A_1042] {strides = array<i32>} : memref<32x90xf32, #tpu.memory_space<vmem>>, vector<16xf32>,
      %get3A_1044 = arith.constant 6 : i32
      %get3A_1045 = arith.index_cast %get3A_1044 : i32 to index
      %get3A_1046 = arith.constant 48 : index
      %get3A_1047 = tpu.vector_load %arg12[%get3A_1045, %get3A_1046] {strides = array<i32>} : memref<32x90xf32, #tpu.memory_space<vmem>>, vector<16xf32>,
      %mul3A_1048 = arith.mulf %get3A_1043, %get3A_1047 : vector<16xf32>
      %add3A_1049 = arith.addf %add3A_1039, %mul3A_1048 : vector<16xf32>
      %get3A_1050 = arith.constant 6 : i32
      %get3A_1051 = arith.index_cast %get3A_1050 : i32 to index
      %get3A_1052 = arith.constant 64 : index
      %get3A_1053 = tpu.vector_load %arg11[%get3A_1051, %get3A_1052] {strides = array<i32>} : memref<32x90xf32, #tpu.memory_space<vmem>>, vector<16xf32>,
      %get3A_1054 = arith.constant 6 : i32
      %get3A_1055 = arith.index_cast %get3A_1054 : i32 to index
      %get3A_1056 = arith.constant 64 : index
      %get3A_1057 = tpu.vector_load %arg12[%get3A_1055, %get3A_1056] {strides = array<i32>} : memref<32x90xf32, #tpu.memory_space<vmem>>, vector<16xf32>,
      %mul3A_1058 = arith.mulf %get3A_1053, %get3A_1057 : vector<16xf32>
      %add3A_1059 = arith.addf %add3A_1049, %mul3A_1058 : vector<16xf32>
      %get3A_1060 = arith.constant 6 : i32
      %get3A_1061 = arith.index_cast %get3A_1060 : i32 to index
      %get3A_1062 = arith.constant 74 : index
      %get3A_1063 = tpu.vector_load %arg11[%get3A_1061, %get3A_1062] {strides = array<i32>} : memref<32x90xf32, #tpu.memory_space<vmem>>, vector<16xf32>,
      %get3A_1064 = arith.constant 6 : i32
      %get3A_1065 = arith.index_cast %get3A_1064 : i32 to index
      %get3A_1066 = arith.constant 74 : index
      %get3A_1067 = tpu.vector_load %arg12[%get3A_1065, %get3A_1066] {strides = array<i32>} : memref<32x90xf32, #tpu.memory_space<vmem>>, vector<16xf32>,
      %mul3A_1068 = arith.mulf %get3A_1063, %get3A_1067 : vector<16xf32>
      %select_n3A_1069 = arith.select %ge3A_69, %mul3A_1068, %broadcast_in_dim3A_70 : vector<16xi1>, vector<16xf32>
      %add3A_1070 = arith.addf %add3A_1059, %select_n3A_1069 : vector<16xf32>
      %eq3A_1071 = arith.constant 6 : i32
      %eq3A_1072 = vector.broadcast %eq3A_1071 : i32 to vector<16xi32>
      %eq3A_1073 = arith.cmpi eq, %iota3A, %eq3A_1072 : vector<16xi32>
      %reduce_sum3A_1074 = arith.constant true
      %reduce_sum3A_1075 = vector.broadcast %reduce_sum3A_1074 : i1 to vector<16xi1>
      %reduce_sum3A_1076 = tpu.scan <sum>, %add3A_1070 masked %reduce_sum3A_1075 : vector<16xf32>, vector<16xi1> -> vector<16xf32>
      %reduce_sum3A_1077 = vector.extract %reduce_sum3A_1076[15] : f32 from vector<16xf32>
      %broadcast_in_dim3A_1078 = vector.broadcast %reduce_sum3A_1077 : f32 to vector<16xf32>
      %select_n3A_1079 = arith.select %eq3A_1073, %broadcast_in_dim3A_1078, %select_n3A_1010 : vector<16xi1>, vector<16xf32>
      %get3A_1080 = arith.constant 7 : i32
      %get3A_1081 = arith.index_cast %get3A_1080 : i32 to index
      %get3A_1082 = arith.constant 0 : index
      %get3A_1083 = tpu.vector_load %arg11[%get3A_1081, %get3A_1082] {strides = array<i32>} : memref<32x90xf32, #tpu.memory_space<vmem>>, vector<16xf32>,
      %get3A_1084 = arith.constant 7 : i32
      %get3A_1085 = arith.index_cast %get3A_1084 : i32 to index
      %get3A_1086 = arith.constant 0 : index
      %get3A_1087 = tpu.vector_load %arg12[%get3A_1085, %get3A_1086] {strides = array<i32>} : memref<32x90xf32, #tpu.memory_space<vmem>>, vector<16xf32>,
      %mul3A_1088 = arith.mulf %get3A_1083, %get3A_1087 : vector<16xf32>
      %get3A_1089 = arith.constant 7 : i32
      %get3A_1090 = arith.index_cast %get3A_1089 : i32 to index
      %get3A_1091 = arith.constant 16 : index
      %get3A_1092 = tpu.vector_load %arg11[%get3A_1090, %get3A_1091] {strides = array<i32>} : memref<32x90xf32, #tpu.memory_space<vmem>>, vector<16xf32>,
      %get3A_1093 = arith.constant 7 : i32
      %get3A_1094 = arith.index_cast %get3A_1093 : i32 to index
      %get3A_1095 = arith.constant 16 : index
      %get3A_1096 = tpu.vector_load %arg12[%get3A_1094, %get3A_1095] {strides = array<i32>} : memref<32x90xf32, #tpu.memory_space<vmem>>, vector<16xf32>,
      %mul3A_1097 = arith.mulf %get3A_1092, %get3A_1096 : vector<16xf32>
      %add3A_1098 = arith.addf %mul3A_1088, %mul3A_1097 : vector<16xf32>
      %get3A_1099 = arith.constant 7 : i32
      %get3A_1100 = arith.index_cast %get3A_1099 : i32 to index
      %get3A_1101 = arith.constant 32 : index
      %get3A_1102 = tpu.vector_load %arg11[%get3A_1100, %get3A_1101] {strides = array<i32>} : memref<32x90xf32, #tpu.memory_space<vmem>>, vector<16xf32>,
      %get3A_1103 = arith.constant 7 : i32
      %get3A_1104 = arith.index_cast %get3A_1103 : i32 to index
      %get3A_1105 = arith.constant 32 : index
      %get3A_1106 = tpu.vector_load %arg12[%get3A_1104, %get3A_1105] {strides = array<i32>} : memref<32x90xf32, #tpu.memory_space<vmem>>, vector<16xf32>,
      %mul3A_1107 = arith.mulf %get3A_1102, %get3A_1106 : vector<16xf32>
      %add3A_1108 = arith.addf %add3A_1098, %mul3A_1107 : vector<16xf32>
      %get3A_1109 = arith.constant 7 : i32
      %get3A_1110 = arith.index_cast %get3A_1109 : i32 to index
      %get3A_1111 = arith.constant 48 : index
      %get3A_1112 = tpu.vector_load %arg11[%get3A_1110, %get3A_1111] {strides = array<i32>} : memref<32x90xf32, #tpu.memory_space<vmem>>, vector<16xf32>,
      %get3A_1113 = arith.constant 7 : i32
      %get3A_1114 = arith.index_cast %get3A_1113 : i32 to index
      %get3A_1115 = arith.constant 48 : index
      %get3A_1116 = tpu.vector_load %arg12[%get3A_1114, %get3A_1115] {strides = array<i32>} : memref<32x90xf32, #tpu.memory_space<vmem>>, vector<16xf32>,
      %mul3A_1117 = arith.mulf %get3A_1112, %get3A_1116 : vector<16xf32>
      %add3A_1118 = arith.addf %add3A_1108, %mul3A_1117 : vector<16xf32>
      %get3A_1119 = arith.constant 7 : i32
      %get3A_1120 = arith.index_cast %get3A_1119 : i32 to index
      %get3A_1121 = arith.constant 64 : index
      %get3A_1122 = tpu.vector_load %arg11[%get3A_1120, %get3A_1121] {strides = array<i32>} : memref<32x90xf32, #tpu.memory_space<vmem>>, vector<16xf32>,
      %get3A_1123 = arith.constant 7 : i32
      %get3A_1124 = arith.index_cast %get3A_1123 : i32 to index
      %get3A_1125 = arith.constant 64 : index
      %get3A_1126 = tpu.vector_load %arg12[%get3A_1124, %get3A_1125] {strides = array<i32>} : memref<32x90xf32, #tpu.memory_space<vmem>>, vector<16xf32>,
      %mul3A_1127 = arith.mulf %get3A_1122, %get3A_1126 : vector<16xf32>
      %add3A_1128 = arith.addf %add3A_1118, %mul3A_1127 : vector<16xf32>
      %get3A_1129 = arith.constant 7 : i32
      %get3A_1130 = arith.index_cast %get3A_1129 : i32 to index
      %get3A_1131 = arith.constant 74 : index
      %get3A_1132 = tpu.vector_load %arg11[%get3A_1130, %get3A_1131] {strides = array<i32>} : memref<32x90xf32, #tpu.memory_space<vmem>>, vector<16xf32>,
      %get3A_1133 = arith.constant 7 : i32
      %get3A_1134 = arith.index_cast %get3A_1133 : i32 to index
      %get3A_1135 = arith.constant 74 : index
      %get3A_1136 = tpu.vector_load %arg12[%get3A_1134, %get3A_1135] {strides = array<i32>} : memref<32x90xf32, #tpu.memory_space<vmem>>, vector<16xf32>,
      %mul3A_1137 = arith.mulf %get3A_1132, %get3A_1136 : vector<16xf32>
      %select_n3A_1138 = arith.select %ge3A_69, %mul3A_1137, %broadcast_in_dim3A_70 : vector<16xi1>, vector<16xf32>
      %add3A_1139 = arith.addf %add3A_1128, %select_n3A_1138 : vector<16xf32>
      %eq3A_1140 = arith.constant 7 : i32
      %eq3A_1141 = vector.broadcast %eq3A_1140 : i32 to vector<16xi32>
      %eq3A_1142 = arith.cmpi eq, %iota3A, %eq3A_1141 : vector<16xi32>
      %reduce_sum3A_1143 = arith.constant true
      %reduce_sum3A_1144 = vector.broadcast %reduce_sum3A_1143 : i1 to vector<16xi1>
      %reduce_sum3A_1145 = tpu.scan <sum>, %add3A_1139 masked %reduce_sum3A_1144 : vector<16xf32>, vector<16xi1> -> vector<16xf32>
      %reduce_sum3A_1146 = vector.extract %reduce_sum3A_1145[15] : f32 from vector<16xf32>
      %broadcast_in_dim3A_1147 = vector.broadcast %reduce_sum3A_1146 : f32 to vector<16xf32>
      %select_n3A_1148 = arith.select %eq3A_1142, %broadcast_in_dim3A_1147, %select_n3A_1079 : vector<16xi1>, vector<16xf32>
      %get3A_1149 = arith.constant 8 : i32
      %get3A_1150 = arith.index_cast %get3A_1149 : i32 to index
      %get3A_1151 = arith.constant 0 : index
      %get3A_1152 = tpu.vector_load %arg11[%get3A_1150, %get3A_1151] {strides = array<i32>} : memref<32x90xf32, #tpu.memory_space<vmem>>, vector<16xf32>,
      %get3A_1153 = arith.constant 8 : i32
      %get3A_1154 = arith.index_cast %get3A_1153 : i32 to index
      %get3A_1155 = arith.constant 0 : index
      %get3A_1156 = tpu.vector_load %arg12[%get3A_1154, %get3A_1155] {strides = array<i32>} : memref<32x90xf32, #tpu.memory_space<vmem>>, vector<16xf32>,
      %mul3A_1157 = arith.mulf %get3A_1152, %get3A_1156 : vector<16xf32>
      %get3A_1158 = arith.constant 8 : i32
      %get3A_1159 = arith.index_cast %get3A_1158 : i32 to index
      %get3A_1160 = arith.constant 16 : index
      %get3A_1161 = tpu.vector_load %arg11[%get3A_1159, %get3A_1160] {strides = array<i32>} : memref<32x90xf32, #tpu.memory_space<vmem>>, vector<16xf32>,
      %get3A_1162 = arith.constant 8 : i32
      %get3A_1163 = arith.index_cast %get3A_1162 : i32 to index
      %get3A_1164 = arith.constant 16 : index
      %get3A_1165 = tpu.vector_load %arg12[%get3A_1163, %get3A_1164] {strides = array<i32>} : memref<32x90xf32, #tpu.memory_space<vmem>>, vector<16xf32>,
      %mul3A_1166 = arith.mulf %get3A_1161, %get3A_1165 : vector<16xf32>
      %add3A_1167 = arith.addf %mul3A_1157, %mul3A_1166 : vector<16xf32>
      %get3A_1168 = arith.constant 8 : i32
      %get3A_1169 = arith.index_cast %get3A_1168 : i32 to index
      %get3A_1170 = arith.constant 32 : index
      %get3A_1171 = tpu.vector_load %arg11[%get3A_1169, %get3A_1170] {strides = array<i32>} : memref<32x90xf32, #tpu.memory_space<vmem>>, vector<16xf32>,
      %get3A_1172 = arith.constant 8 : i32
      %get3A_1173 = arith.index_cast %get3A_1172 : i32 to index
      %get3A_1174 = arith.constant 32 : index
      %get3A_1175 = tpu.vector_load %arg12[%get3A_1173, %get3A_1174] {strides = array<i32>} : memref<32x90xf32, #tpu.memory_space<vmem>>, vector<16xf32>,
      %mul3A_1176 = arith.mulf %get3A_1171, %get3A_1175 : vector<16xf32>
      %add3A_1177 = arith.addf %add3A_1167, %mul3A_1176 : vector<16xf32>
      %get3A_1178 = arith.constant 8 : i32
      %get3A_1179 = arith.index_cast %get3A_1178 : i32 to index
      %get3A_1180 = arith.constant 48 : index
      %get3A_1181 = tpu.vector_load %arg11[%get3A_1179, %get3A_1180] {strides = array<i32>} : memref<32x90xf32, #tpu.memory_space<vmem>>, vector<16xf32>,
      %get3A_1182 = arith.constant 8 : i32
      %get3A_1183 = arith.index_cast %get3A_1182 : i32 to index
      %get3A_1184 = arith.constant 48 : index
      %get3A_1185 = tpu.vector_load %arg12[%get3A_1183, %get3A_1184] {strides = array<i32>} : memref<32x90xf32, #tpu.memory_space<vmem>>, vector<16xf32>,
      %mul3A_1186 = arith.mulf %get3A_1181, %get3A_1185 : vector<16xf32>
      %add3A_1187 = arith.addf %add3A_1177, %mul3A_1186 : vector<16xf32>
      %get3A_1188 = arith.constant 8 : i32
      %get3A_1189 = arith.index_cast %get3A_1188 : i32 to index
      %get3A_1190 = arith.constant 64 : index
      %get3A_1191 = tpu.vector_load %arg11[%get3A_1189, %get3A_1190] {strides = array<i32>} : memref<32x90xf32, #tpu.memory_space<vmem>>, vector<16xf32>,
      %get3A_1192 = arith.constant 8 : i32
      %get3A_1193 = arith.index_cast %get3A_1192 : i32 to index
      %get3A_1194 = arith.constant 64 : index
      %get3A_1195 = tpu.vector_load %arg12[%get3A_1193, %get3A_1194] {strides = array<i32>} : memref<32x90xf32, #tpu.memory_space<vmem>>, vector<16xf32>,
      %mul3A_1196 = arith.mulf %get3A_1191, %get3A_1195 : vector<16xf32>
      %add3A_1197 = arith.addf %add3A_1187, %mul3A_1196 : vector<16xf32>
      %get3A_1198 = arith.constant 8 : i32
      %get3A_1199 = arith.index_cast %get3A_1198 : i32 to index
      %get3A_1200 = arith.constant 74 : index
      %get3A_1201 = tpu.vector_load %arg11[%get3A_1199, %get3A_1200] {strides = array<i32>} : memref<32x90xf32, #tpu.memory_space<vmem>>, vector<16xf32>,
      %get3A_1202 = arith.constant 8 : i32
      %get3A_1203 = arith.index_cast %get3A_1202 : i32 to index
      %get3A_1204 = arith.constant 74 : index
      %get3A_1205 = tpu.vector_load %arg12[%get3A_1203, %get3A_1204] {strides = array<i32>} : memref<32x90xf32, #tpu.memory_space<vmem>>, vector<16xf32>,
      %mul3A_1206 = arith.mulf %get3A_1201, %get3A_1205 : vector<16xf32>
      %select_n3A_1207 = arith.select %ge3A_69, %mul3A_1206, %broadcast_in_dim3A_70 : vector<16xi1>, vector<16xf32>
      %add3A_1208 = arith.addf %add3A_1197, %select_n3A_1207 : vector<16xf32>
      %eq3A_1209 = arith.constant 8 : i32
      %eq3A_1210 = vector.broadcast %eq3A_1209 : i32 to vector<16xi32>
      %eq3A_1211 = arith.cmpi eq, %iota3A, %eq3A_1210 : vector<16xi32>
      %reduce_sum3A_1212 = arith.constant true
      %reduce_sum3A_1213 = vector.broadcast %reduce_sum3A_1212 : i1 to vector<16xi1>
      %reduce_sum3A_1214 = tpu.scan <sum>, %add3A_1208 masked %reduce_sum3A_1213 : vector<16xf32>, vector<16xi1> -> vector<16xf32>
      %reduce_sum3A_1215 = vector.extract %reduce_sum3A_1214[15] : f32 from vector<16xf32>
      %broadcast_in_dim3A_1216 = vector.broadcast %reduce_sum3A_1215 : f32 to vector<16xf32>
      %select_n3A_1217 = arith.select %eq3A_1211, %broadcast_in_dim3A_1216, %select_n3A_1148 : vector<16xi1>, vector<16xf32>
      %get3A_1218 = arith.constant 9 : i32
      %get3A_1219 = arith.index_cast %get3A_1218 : i32 to index
      %get3A_1220 = arith.constant 0 : index
      %get3A_1221 = tpu.vector_load %arg11[%get3A_1219, %get3A_1220] {strides = array<i32>} : memref<32x90xf32, #tpu.memory_space<vmem>>, vector<16xf32>,
      %get3A_1222 = arith.constant 9 : i32
      %get3A_1223 = arith.index_cast %get3A_1222 : i32 to index
      %get3A_1224 = arith.constant 0 : index
      %get3A_1225 = tpu.vector_load %arg12[%get3A_1223, %get3A_1224] {strides = array<i32>} : memref<32x90xf32, #tpu.memory_space<vmem>>, vector<16xf32>,
      %mul3A_1226 = arith.mulf %get3A_1221, %get3A_1225 : vector<16xf32>
      %get3A_1227 = arith.constant 9 : i32
      %get3A_1228 = arith.index_cast %get3A_1227 : i32 to index
      %get3A_1229 = arith.constant 16 : index
      %get3A_1230 = tpu.vector_load %arg11[%get3A_1228, %get3A_1229] {strides = array<i32>} : memref<32x90xf32, #tpu.memory_space<vmem>>, vector<16xf32>,
      %get3A_1231 = arith.constant 9 : i32
      %get3A_1232 = arith.index_cast %get3A_1231 : i32 to index
      %get3A_1233 = arith.constant 16 : index
      %get3A_1234 = tpu.vector_load %arg12[%get3A_1232, %get3A_1233] {strides = array<i32>} : memref<32x90xf32, #tpu.memory_space<vmem>>, vector<16xf32>,
      %mul3A_1235 = arith.mulf %get3A_1230, %get3A_1234 : vector<16xf32>
      %add3A_1236 = arith.addf %mul3A_1226, %mul3A_1235 : vector<16xf32>
      %get3A_1237 = arith.constant 9 : i32
      %get3A_1238 = arith.index_cast %get3A_1237 : i32 to index
      %get3A_1239 = arith.constant 32 : index
      %get3A_1240 = tpu.vector_load %arg11[%get3A_1238, %get3A_1239] {strides = array<i32>} : memref<32x90xf32, #tpu.memory_space<vmem>>, vector<16xf32>,
      %get3A_1241 = arith.constant 9 : i32
      %get3A_1242 = arith.index_cast %get3A_1241 : i32 to index
      %get3A_1243 = arith.constant 32 : index
      %get3A_1244 = tpu.vector_load %arg12[%get3A_1242, %get3A_1243] {strides = array<i32>} : memref<32x90xf32, #tpu.memory_space<vmem>>, vector<16xf32>,
      %mul3A_1245 = arith.mulf %get3A_1240, %get3A_1244 : vector<16xf32>
      %add3A_1246 = arith.addf %add3A_1236, %mul3A_1245 : vector<16xf32>
      %get3A_1247 = arith.constant 9 : i32
      %get3A_1248 = arith.index_cast %get3A_1247 : i32 to index
      %get3A_1249 = arith.constant 48 : index
      %get3A_1250 = tpu.vector_load %arg11[%get3A_1248, %get3A_1249] {strides = array<i32>} : memref<32x90xf32, #tpu.memory_space<vmem>>, vector<16xf32>,
      %get3A_1251 = arith.constant 9 : i32
      %get3A_1252 = arith.index_cast %get3A_1251 : i32 to index
      %get3A_1253 = arith.constant 48 : index
      %get3A_1254 = tpu.vector_load %arg12[%get3A_1252, %get3A_1253] {strides = array<i32>} : memref<32x90xf32, #tpu.memory_space<vmem>>, vector<16xf32>,
      %mul3A_1255 = arith.mulf %get3A_1250, %get3A_1254 : vector<16xf32>
      %add3A_1256 = arith.addf %add3A_1246, %mul3A_1255 : vector<16xf32>
      %get3A_1257 = arith.constant 9 : i32
      %get3A_1258 = arith.index_cast %get3A_1257 : i32 to index
      %get3A_1259 = arith.constant 64 : index
      %get3A_1260 = tpu.vector_load %arg11[%get3A_1258, %get3A_1259] {strides = array<i32>} : memref<32x90xf32, #tpu.memory_space<vmem>>, vector<16xf32>,
      %get3A_1261 = arith.constant 9 : i32
      %get3A_1262 = arith.index_cast %get3A_1261 : i32 to index
      %get3A_1263 = arith.constant 64 : index
      %get3A_1264 = tpu.vector_load %arg12[%get3A_1262, %get3A_1263] {strides = array<i32>} : memref<32x90xf32, #tpu.memory_space<vmem>>, vector<16xf32>,
      %mul3A_1265 = arith.mulf %get3A_1260, %get3A_1264 : vector<16xf32>
      %add3A_1266 = arith.addf %add3A_1256, %mul3A_1265 : vector<16xf32>
      %get3A_1267 = arith.constant 9 : i32
      %get3A_1268 = arith.index_cast %get3A_1267 : i32 to index
      %get3A_1269 = arith.constant 74 : index
      %get3A_1270 = tpu.vector_load %arg11[%get3A_1268, %get3A_1269] {strides = array<i32>} : memref<32x90xf32, #tpu.memory_space<vmem>>, vector<16xf32>,
      %get3A_1271 = arith.constant 9 : i32
      %get3A_1272 = arith.index_cast %get3A_1271 : i32 to index
      %get3A_1273 = arith.constant 74 : index
      %get3A_1274 = tpu.vector_load %arg12[%get3A_1272, %get3A_1273] {strides = array<i32>} : memref<32x90xf32, #tpu.memory_space<vmem>>, vector<16xf32>,
      %mul3A_1275 = arith.mulf %get3A_1270, %get3A_1274 : vector<16xf32>
      %select_n3A_1276 = arith.select %ge3A_69, %mul3A_1275, %broadcast_in_dim3A_70 : vector<16xi1>, vector<16xf32>
      %add3A_1277 = arith.addf %add3A_1266, %select_n3A_1276 : vector<16xf32>
      %eq3A_1278 = arith.constant 9 : i32
      %eq3A_1279 = vector.broadcast %eq3A_1278 : i32 to vector<16xi32>
      %eq3A_1280 = arith.cmpi eq, %iota3A, %eq3A_1279 : vector<16xi32>
      %reduce_sum3A_1281 = arith.constant true
      %reduce_sum3A_1282 = vector.broadcast %reduce_sum3A_1281 : i1 to vector<16xi1>
      %reduce_sum3A_1283 = tpu.scan <sum>, %add3A_1277 masked %reduce_sum3A_1282 : vector<16xf32>, vector<16xi1> -> vector<16xf32>
      %reduce_sum3A_1284 = vector.extract %reduce_sum3A_1283[15] : f32 from vector<16xf32>
      %broadcast_in_dim3A_1285 = vector.broadcast %reduce_sum3A_1284 : f32 to vector<16xf32>
      %select_n3A_1286 = arith.select %eq3A_1280, %broadcast_in_dim3A_1285, %select_n3A_1217 : vector<16xi1>, vector<16xf32>
      %get3A_1287 = arith.constant 10 : i32
      %get3A_1288 = arith.index_cast %get3A_1287 : i32 to index
      %get3A_1289 = arith.constant 0 : index
      %get3A_1290 = tpu.vector_load %arg11[%get3A_1288, %get3A_1289] {strides = array<i32>} : memref<32x90xf32, #tpu.memory_space<vmem>>, vector<16xf32>,
      %get3A_1291 = arith.constant 10 : i32
      %get3A_1292 = arith.index_cast %get3A_1291 : i32 to index
      %get3A_1293 = arith.constant 0 : index
      %get3A_1294 = tpu.vector_load %arg12[%get3A_1292, %get3A_1293] {strides = array<i32>} : memref<32x90xf32, #tpu.memory_space<vmem>>, vector<16xf32>,
      %mul3A_1295 = arith.mulf %get3A_1290, %get3A_1294 : vector<16xf32>
      %get3A_1296 = arith.constant 10 : i32
      %get3A_1297 = arith.index_cast %get3A_1296 : i32 to index
      %get3A_1298 = arith.constant 16 : index
      %get3A_1299 = tpu.vector_load %arg11[%get3A_1297, %get3A_1298] {strides = array<i32>} : memref<32x90xf32, #tpu.memory_space<vmem>>, vector<16xf32>,
      %get3A_1300 = arith.constant 10 : i32
      %get3A_1301 = arith.index_cast %get3A_1300 : i32 to index
      %get3A_1302 = arith.constant 16 : index
      %get3A_1303 = tpu.vector_load %arg12[%get3A_1301, %get3A_1302] {strides = array<i32>} : memref<32x90xf32, #tpu.memory_space<vmem>>, vector<16xf32>,
      %mul3A_1304 = arith.mulf %get3A_1299, %get3A_1303 : vector<16xf32>
      %add3A_1305 = arith.addf %mul3A_1295, %mul3A_1304 : vector<16xf32>
      %get3A_1306 = arith.constant 10 : i32
      %get3A_1307 = arith.index_cast %get3A_1306 : i32 to index
      %get3A_1308 = arith.constant 32 : index
      %get3A_1309 = tpu.vector_load %arg11[%get3A_1307, %get3A_1308] {strides = array<i32>} : memref<32x90xf32, #tpu.memory_space<vmem>>, vector<16xf32>,
      %get3A_1310 = arith.constant 10 : i32
      %get3A_1311 = arith.index_cast %get3A_1310 : i32 to index
      %get3A_1312 = arith.constant 32 : index
      %get3A_1313 = tpu.vector_load %arg12[%get3A_1311, %get3A_1312] {strides = array<i32>} : memref<32x90xf32, #tpu.memory_space<vmem>>, vector<16xf32>,
      %mul3A_1314 = arith.mulf %get3A_1309, %get3A_1313 : vector<16xf32>
      %add3A_1315 = arith.addf %add3A_1305, %mul3A_1314 : vector<16xf32>
      %get3A_1316 = arith.constant 10 : i32
      %get3A_1317 = arith.index_cast %get3A_1316 : i32 to index
      %get3A_1318 = arith.constant 48 : index
      %get3A_1319 = tpu.vector_load %arg11[%get3A_1317, %get3A_1318] {strides = array<i32>} : memref<32x90xf32, #tpu.memory_space<vmem>>, vector<16xf32>,
      %get3A_1320 = arith.constant 10 : i32
      %get3A_1321 = arith.index_cast %get3A_1320 : i32 to index
      %get3A_1322 = arith.constant 48 : index
      %get3A_1323 = tpu.vector_load %arg12[%get3A_1321, %get3A_1322] {strides = array<i32>} : memref<32x90xf32, #tpu.memory_space<vmem>>, vector<16xf32>,
      %mul3A_1324 = arith.mulf %get3A_1319, %get3A_1323 : vector<16xf32>
      %add3A_1325 = arith.addf %add3A_1315, %mul3A_1324 : vector<16xf32>
      %get3A_1326 = arith.constant 10 : i32
      %get3A_1327 = arith.index_cast %get3A_1326 : i32 to index
      %get3A_1328 = arith.constant 64 : index
      %get3A_1329 = tpu.vector_load %arg11[%get3A_1327, %get3A_1328] {strides = array<i32>} : memref<32x90xf32, #tpu.memory_space<vmem>>, vector<16xf32>,
      %get3A_1330 = arith.constant 10 : i32
      %get3A_1331 = arith.index_cast %get3A_1330 : i32 to index
      %get3A_1332 = arith.constant 64 : index
      %get3A_1333 = tpu.vector_load %arg12[%get3A_1331, %get3A_1332] {strides = array<i32>} : memref<32x90xf32, #tpu.memory_space<vmem>>, vector<16xf32>,
      %mul3A_1334 = arith.mulf %get3A_1329, %get3A_1333 : vector<16xf32>
      %add3A_1335 = arith.addf %add3A_1325, %mul3A_1334 : vector<16xf32>
      %get3A_1336 = arith.constant 10 : i32
      %get3A_1337 = arith.index_cast %get3A_1336 : i32 to index
      %get3A_1338 = arith.constant 74 : index
      %get3A_1339 = tpu.vector_load %arg11[%get3A_1337, %get3A_1338] {strides = array<i32>} : memref<32x90xf32, #tpu.memory_space<vmem>>, vector<16xf32>,
      %get3A_1340 = arith.constant 10 : i32
      %get3A_1341 = arith.index_cast %get3A_1340 : i32 to index
      %get3A_1342 = arith.constant 74 : index
      %get3A_1343 = tpu.vector_load %arg12[%get3A_1341, %get3A_1342] {strides = array<i32>} : memref<32x90xf32, #tpu.memory_space<vmem>>, vector<16xf32>,
      %mul3A_1344 = arith.mulf %get3A_1339, %get3A_1343 : vector<16xf32>
      %select_n3A_1345 = arith.select %ge3A_69, %mul3A_1344, %broadcast_in_dim3A_70 : vector<16xi1>, vector<16xf32>
      %add3A_1346 = arith.addf %add3A_1335, %select_n3A_1345 : vector<16xf32>
      %eq3A_1347 = arith.constant 10 : i32
      %eq3A_1348 = vector.broadcast %eq3A_1347 : i32 to vector<16xi32>
      %eq3A_1349 = arith.cmpi eq, %iota3A, %eq3A_1348 : vector<16xi32>
      %reduce_sum3A_1350 = arith.constant true
      %reduce_sum3A_1351 = vector.broadcast %reduce_sum3A_1350 : i1 to vector<16xi1>
      %reduce_sum3A_1352 = tpu.scan <sum>, %add3A_1346 masked %reduce_sum3A_1351 : vector<16xf32>, vector<16xi1> -> vector<16xf32>
      %reduce_sum3A_1353 = vector.extract %reduce_sum3A_1352[15] : f32 from vector<16xf32>
      %broadcast_in_dim3A_1354 = vector.broadcast %reduce_sum3A_1353 : f32 to vector<16xf32>
      %select_n3A_1355 = arith.select %eq3A_1349, %broadcast_in_dim3A_1354, %select_n3A_1286 : vector<16xi1>, vector<16xf32>
      %get3A_1356 = arith.constant 11 : i32
      %get3A_1357 = arith.index_cast %get3A_1356 : i32 to index
      %get3A_1358 = arith.constant 0 : index
      %get3A_1359 = tpu.vector_load %arg11[%get3A_1357, %get3A_1358] {strides = array<i32>} : memref<32x90xf32, #tpu.memory_space<vmem>>, vector<16xf32>,
      %get3A_1360 = arith.constant 11 : i32
      %get3A_1361 = arith.index_cast %get3A_1360 : i32 to index
      %get3A_1362 = arith.constant 0 : index
      %get3A_1363 = tpu.vector_load %arg12[%get3A_1361, %get3A_1362] {strides = array<i32>} : memref<32x90xf32, #tpu.memory_space<vmem>>, vector<16xf32>,
      %mul3A_1364 = arith.mulf %get3A_1359, %get3A_1363 : vector<16xf32>
      %get3A_1365 = arith.constant 11 : i32
      %get3A_1366 = arith.index_cast %get3A_1365 : i32 to index
      %get3A_1367 = arith.constant 16 : index
      %get3A_1368 = tpu.vector_load %arg11[%get3A_1366, %get3A_1367] {strides = array<i32>} : memref<32x90xf32, #tpu.memory_space<vmem>>, vector<16xf32>,
      %get3A_1369 = arith.constant 11 : i32
      %get3A_1370 = arith.index_cast %get3A_1369 : i32 to index
      %get3A_1371 = arith.constant 16 : index
      %get3A_1372 = tpu.vector_load %arg12[%get3A_1370, %get3A_1371] {strides = array<i32>} : memref<32x90xf32, #tpu.memory_space<vmem>>, vector<16xf32>,
      %mul3A_1373 = arith.mulf %get3A_1368, %get3A_1372 : vector<16xf32>
      %add3A_1374 = arith.addf %mul3A_1364, %mul3A_1373 : vector<16xf32>
      %get3A_1375 = arith.constant 11 : i32
      %get3A_1376 = arith.index_cast %get3A_1375 : i32 to index
      %get3A_1377 = arith.constant 32 : index
      %get3A_1378 = tpu.vector_load %arg11[%get3A_1376, %get3A_1377] {strides = array<i32>} : memref<32x90xf32, #tpu.memory_space<vmem>>, vector<16xf32>,
      %get3A_1379 = arith.constant 11 : i32
      %get3A_1380 = arith.index_cast %get3A_1379 : i32 to index
      %get3A_1381 = arith.constant 32 : index
      %get3A_1382 = tpu.vector_load %arg12[%get3A_1380, %get3A_1381] {strides = array<i32>} : memref<32x90xf32, #tpu.memory_space<vmem>>, vector<16xf32>,
      %mul3A_1383 = arith.mulf %get3A_1378, %get3A_1382 : vector<16xf32>
      %add3A_1384 = arith.addf %add3A_1374, %mul3A_1383 : vector<16xf32>
      %get3A_1385 = arith.constant 11 : i32
      %get3A_1386 = arith.index_cast %get3A_1385 : i32 to index
      %get3A_1387 = arith.constant 48 : index
      %get3A_1388 = tpu.vector_load %arg11[%get3A_1386, %get3A_1387] {strides = array<i32>} : memref<32x90xf32, #tpu.memory_space<vmem>>, vector<16xf32>,
      %get3A_1389 = arith.constant 11 : i32
      %get3A_1390 = arith.index_cast %get3A_1389 : i32 to index
      %get3A_1391 = arith.constant 48 : index
      %get3A_1392 = tpu.vector_load %arg12[%get3A_1390, %get3A_1391] {strides = array<i32>} : memref<32x90xf32, #tpu.memory_space<vmem>>, vector<16xf32>,
      %mul3A_1393 = arith.mulf %get3A_1388, %get3A_1392 : vector<16xf32>
      %add3A_1394 = arith.addf %add3A_1384, %mul3A_1393 : vector<16xf32>
      %get3A_1395 = arith.constant 11 : i32
      %get3A_1396 = arith.index_cast %get3A_1395 : i32 to index
      %get3A_1397 = arith.constant 64 : index
      %get3A_1398 = tpu.vector_load %arg11[%get3A_1396, %get3A_1397] {strides = array<i32>} : memref<32x90xf32, #tpu.memory_space<vmem>>, vector<16xf32>,
      %get3A_1399 = arith.constant 11 : i32
      %get3A_1400 = arith.index_cast %get3A_1399 : i32 to index
      %get3A_1401 = arith.constant 64 : index
      %get3A_1402 = tpu.vector_load %arg12[%get3A_1400, %get3A_1401] {strides = array<i32>} : memref<32x90xf32, #tpu.memory_space<vmem>>, vector<16xf32>,
      %mul3A_1403 = arith.mulf %get3A_1398, %get3A_1402 : vector<16xf32>
      %add3A_1404 = arith.addf %add3A_1394, %mul3A_1403 : vector<16xf32>
      %get3A_1405 = arith.constant 11 : i32
      %get3A_1406 = arith.index_cast %get3A_1405 : i32 to index
      %get3A_1407 = arith.constant 74 : index
      %get3A_1408 = tpu.vector_load %arg11[%get3A_1406, %get3A_1407] {strides = array<i32>} : memref<32x90xf32, #tpu.memory_space<vmem>>, vector<16xf32>,
      %get3A_1409 = arith.constant 11 : i32
      %get3A_1410 = arith.index_cast %get3A_1409 : i32 to index
      %get3A_1411 = arith.constant 74 : index
      %get3A_1412 = tpu.vector_load %arg12[%get3A_1410, %get3A_1411] {strides = array<i32>} : memref<32x90xf32, #tpu.memory_space<vmem>>, vector<16xf32>,
      %mul3A_1413 = arith.mulf %get3A_1408, %get3A_1412 : vector<16xf32>
      %select_n3A_1414 = arith.select %ge3A_69, %mul3A_1413, %broadcast_in_dim3A_70 : vector<16xi1>, vector<16xf32>
      %add3A_1415 = arith.addf %add3A_1404, %select_n3A_1414 : vector<16xf32>
      %eq3A_1416 = arith.constant 11 : i32
      %eq3A_1417 = vector.broadcast %eq3A_1416 : i32 to vector<16xi32>
      %eq3A_1418 = arith.cmpi eq, %iota3A, %eq3A_1417 : vector<16xi32>
      %reduce_sum3A_1419 = arith.constant true
      %reduce_sum3A_1420 = vector.broadcast %reduce_sum3A_1419 : i1 to vector<16xi1>
      %reduce_sum3A_1421 = tpu.scan <sum>, %add3A_1415 masked %reduce_sum3A_1420 : vector<16xf32>, vector<16xi1> -> vector<16xf32>
      %reduce_sum3A_1422 = vector.extract %reduce_sum3A_1421[15] : f32 from vector<16xf32>
      %broadcast_in_dim3A_1423 = vector.broadcast %reduce_sum3A_1422 : f32 to vector<16xf32>
      %select_n3A_1424 = arith.select %eq3A_1418, %broadcast_in_dim3A_1423, %select_n3A_1355 : vector<16xi1>, vector<16xf32>
      %get3A_1425 = arith.constant 12 : i32
      %get3A_1426 = arith.index_cast %get3A_1425 : i32 to index
      %get3A_1427 = arith.constant 0 : index
      %get3A_1428 = tpu.vector_load %arg11[%get3A_1426, %get3A_1427] {strides = array<i32>} : memref<32x90xf32, #tpu.memory_space<vmem>>, vector<16xf32>,
      %get3A_1429 = arith.constant 12 : i32
      %get3A_1430 = arith.index_cast %get3A_1429 : i32 to index
      %get3A_1431 = arith.constant 0 : index
      %get3A_1432 = tpu.vector_load %arg12[%get3A_1430, %get3A_1431] {strides = array<i32>} : memref<32x90xf32, #tpu.memory_space<vmem>>, vector<16xf32>,
      %mul3A_1433 = arith.mulf %get3A_1428, %get3A_1432 : vector<16xf32>
      %get3A_1434 = arith.constant 12 : i32
      %get3A_1435 = arith.index_cast %get3A_1434 : i32 to index
      %get3A_1436 = arith.constant 16 : index
      %get3A_1437 = tpu.vector_load %arg11[%get3A_1435, %get3A_1436] {strides = array<i32>} : memref<32x90xf32, #tpu.memory_space<vmem>>, vector<16xf32>,
      %get3A_1438 = arith.constant 12 : i32
      %get3A_1439 = arith.index_cast %get3A_1438 : i32 to index
      %get3A_1440 = arith.constant 16 : index
      %get3A_1441 = tpu.vector_load %arg12[%get3A_1439, %get3A_1440] {strides = array<i32>} : memref<32x90xf32, #tpu.memory_space<vmem>>, vector<16xf32>,
      %mul3A_1442 = arith.mulf %get3A_1437, %get3A_1441 : vector<16xf32>
      %add3A_1443 = arith.addf %mul3A_1433, %mul3A_1442 : vector<16xf32>
      %get3A_1444 = arith.constant 12 : i32
      %get3A_1445 = arith.index_cast %get3A_1444 : i32 to index
      %get3A_1446 = arith.constant 32 : index
      %get3A_1447 = tpu.vector_load %arg11[%get3A_1445, %get3A_1446] {strides = array<i32>} : memref<32x90xf32, #tpu.memory_space<vmem>>, vector<16xf32>,
      %get3A_1448 = arith.constant 12 : i32
      %get3A_1449 = arith.index_cast %get3A_1448 : i32 to index
      %get3A_1450 = arith.constant 32 : index
      %get3A_1451 = tpu.vector_load %arg12[%get3A_1449, %get3A_1450] {strides = array<i32>} : memref<32x90xf32, #tpu.memory_space<vmem>>, vector<16xf32>,
      %mul3A_1452 = arith.mulf %get3A_1447, %get3A_1451 : vector<16xf32>
      %add3A_1453 = arith.addf %add3A_1443, %mul3A_1452 : vector<16xf32>
      %get3A_1454 = arith.constant 12 : i32
      %get3A_1455 = arith.index_cast %get3A_1454 : i32 to index
      %get3A_1456 = arith.constant 48 : index
      %get3A_1457 = tpu.vector_load %arg11[%get3A_1455, %get3A_1456] {strides = array<i32>} : memref<32x90xf32, #tpu.memory_space<vmem>>, vector<16xf32>,
      %get3A_1458 = arith.constant 12 : i32
      %get3A_1459 = arith.index_cast %get3A_1458 : i32 to index
      %get3A_1460 = arith.constant 48 : index
      %get3A_1461 = tpu.vector_load %arg12[%get3A_1459, %get3A_1460] {strides = array<i32>} : memref<32x90xf32, #tpu.memory_space<vmem>>, vector<16xf32>,
      %mul3A_1462 = arith.mulf %get3A_1457, %get3A_1461 : vector<16xf32>
      %add3A_1463 = arith.addf %add3A_1453, %mul3A_1462 : vector<16xf32>
      %get3A_1464 = arith.constant 12 : i32
      %get3A_1465 = arith.index_cast %get3A_1464 : i32 to index
      %get3A_1466 = arith.constant 64 : index
      %get3A_1467 = tpu.vector_load %arg11[%get3A_1465, %get3A_1466] {strides = array<i32>} : memref<32x90xf32, #tpu.memory_space<vmem>>, vector<16xf32>,
      %get3A_1468 = arith.constant 12 : i32
      %get3A_1469 = arith.index_cast %get3A_1468 : i32 to index
      %get3A_1470 = arith.constant 64 : index
      %get3A_1471 = tpu.vector_load %arg12[%get3A_1469, %get3A_1470] {strides = array<i32>} : memref<32x90xf32, #tpu.memory_space<vmem>>, vector<16xf32>,
      %mul3A_1472 = arith.mulf %get3A_1467, %get3A_1471 : vector<16xf32>
      %add3A_1473 = arith.addf %add3A_1463, %mul3A_1472 : vector<16xf32>
      %get3A_1474 = arith.constant 12 : i32
      %get3A_1475 = arith.index_cast %get3A_1474 : i32 to index
      %get3A_1476 = arith.constant 74 : index
      %get3A_1477 = tpu.vector_load %arg11[%get3A_1475, %get3A_1476] {strides = array<i32>} : memref<32x90xf32, #tpu.memory_space<vmem>>, vector<16xf32>,
      %get3A_1478 = arith.constant 12 : i32
      %get3A_1479 = arith.index_cast %get3A_1478 : i32 to index
      %get3A_1480 = arith.constant 74 : index
      %get3A_1481 = tpu.vector_load %arg12[%get3A_1479, %get3A_1480] {strides = array<i32>} : memref<32x90xf32, #tpu.memory_space<vmem>>, vector<16xf32>,
      %mul3A_1482 = arith.mulf %get3A_1477, %get3A_1481 : vector<16xf32>
      %select_n3A_1483 = arith.select %ge3A_69, %mul3A_1482, %broadcast_in_dim3A_70 : vector<16xi1>, vector<16xf32>
      %add3A_1484 = arith.addf %add3A_1473, %select_n3A_1483 : vector<16xf32>
      %eq3A_1485 = arith.constant 12 : i32
      %eq3A_1486 = vector.broadcast %eq3A_1485 : i32 to vector<16xi32>
      %eq3A_1487 = arith.cmpi eq, %iota3A, %eq3A_1486 : vector<16xi32>
      %reduce_sum3A_1488 = arith.constant true
      %reduce_sum3A_1489 = vector.broadcast %reduce_sum3A_1488 : i1 to vector<16xi1>
      %reduce_sum3A_1490 = tpu.scan <sum>, %add3A_1484 masked %reduce_sum3A_1489 : vector<16xf32>, vector<16xi1> -> vector<16xf32>
      %reduce_sum3A_1491 = vector.extract %reduce_sum3A_1490[15] : f32 from vector<16xf32>
      %broadcast_in_dim3A_1492 = vector.broadcast %reduce_sum3A_1491 : f32 to vector<16xf32>
      %select_n3A_1493 = arith.select %eq3A_1487, %broadcast_in_dim3A_1492, %select_n3A_1424 : vector<16xi1>, vector<16xf32>
      %get3A_1494 = arith.constant 13 : i32
      %get3A_1495 = arith.index_cast %get3A_1494 : i32 to index
      %get3A_1496 = arith.constant 0 : index
      %get3A_1497 = tpu.vector_load %arg11[%get3A_1495, %get3A_1496] {strides = array<i32>} : memref<32x90xf32, #tpu.memory_space<vmem>>, vector<16xf32>,
      %get3A_1498 = arith.constant 13 : i32
      %get3A_1499 = arith.index_cast %get3A_1498 : i32 to index
      %get3A_1500 = arith.constant 0 : index
      %get3A_1501 = tpu.vector_load %arg12[%get3A_1499, %get3A_1500] {strides = array<i32>} : memref<32x90xf32, #tpu.memory_space<vmem>>, vector<16xf32>,
      %mul3A_1502 = arith.mulf %get3A_1497, %get3A_1501 : vector<16xf32>
      %get3A_1503 = arith.constant 13 : i32
      %get3A_1504 = arith.index_cast %get3A_1503 : i32 to index
      %get3A_1505 = arith.constant 16 : index
      %get3A_1506 = tpu.vector_load %arg11[%get3A_1504, %get3A_1505] {strides = array<i32>} : memref<32x90xf32, #tpu.memory_space<vmem>>, vector<16xf32>,
      %get3A_1507 = arith.constant 13 : i32
      %get3A_1508 = arith.index_cast %get3A_1507 : i32 to index
      %get3A_1509 = arith.constant 16 : index
      %get3A_1510 = tpu.vector_load %arg12[%get3A_1508, %get3A_1509] {strides = array<i32>} : memref<32x90xf32, #tpu.memory_space<vmem>>, vector<16xf32>,
      %mul3A_1511 = arith.mulf %get3A_1506, %get3A_1510 : vector<16xf32>
      %add3A_1512 = arith.addf %mul3A_1502, %mul3A_1511 : vector<16xf32>
      %get3A_1513 = arith.constant 13 : i32
      %get3A_1514 = arith.index_cast %get3A_1513 : i32 to index
      %get3A_1515 = arith.constant 32 : index
      %get3A_1516 = tpu.vector_load %arg11[%get3A_1514, %get3A_1515] {strides = array<i32>} : memref<32x90xf32, #tpu.memory_space<vmem>>, vector<16xf32>,
      %get3A_1517 = arith.constant 13 : i32
      %get3A_1518 = arith.index_cast %get3A_1517 : i32 to index
      %get3A_1519 = arith.constant 32 : index
      %get3A_1520 = tpu.vector_load %arg12[%get3A_1518, %get3A_1519] {strides = array<i32>} : memref<32x90xf32, #tpu.memory_space<vmem>>, vector<16xf32>,
      %mul3A_1521 = arith.mulf %get3A_1516, %get3A_1520 : vector<16xf32>
      %add3A_1522 = arith.addf %add3A_1512, %mul3A_1521 : vector<16xf32>
      %get3A_1523 = arith.constant 13 : i32
      %get3A_1524 = arith.index_cast %get3A_1523 : i32 to index
      %get3A_1525 = arith.constant 48 : index
      %get3A_1526 = tpu.vector_load %arg11[%get3A_1524, %get3A_1525] {strides = array<i32>} : memref<32x90xf32, #tpu.memory_space<vmem>>, vector<16xf32>,
      %get3A_1527 = arith.constant 13 : i32
      %get3A_1528 = arith.index_cast %get3A_1527 : i32 to index
      %get3A_1529 = arith.constant 48 : index
      %get3A_1530 = tpu.vector_load %arg12[%get3A_1528, %get3A_1529] {strides = array<i32>} : memref<32x90xf32, #tpu.memory_space<vmem>>, vector<16xf32>,
      %mul3A_1531 = arith.mulf %get3A_1526, %get3A_1530 : vector<16xf32>
      %add3A_1532 = arith.addf %add3A_1522, %mul3A_1531 : vector<16xf32>
      %get3A_1533 = arith.constant 13 : i32
      %get3A_1534 = arith.index_cast %get3A_1533 : i32 to index
      %get3A_1535 = arith.constant 64 : index
      %get3A_1536 = tpu.vector_load %arg11[%get3A_1534, %get3A_1535] {strides = array<i32>} : memref<32x90xf32, #tpu.memory_space<vmem>>, vector<16xf32>,
      %get3A_1537 = arith.constant 13 : i32
      %get3A_1538 = arith.index_cast %get3A_1537 : i32 to index
      %get3A_1539 = arith.constant 64 : index
      %get3A_1540 = tpu.vector_load %arg12[%get3A_1538, %get3A_1539] {strides = array<i32>} : memref<32x90xf32, #tpu.memory_space<vmem>>, vector<16xf32>,
      %mul3A_1541 = arith.mulf %get3A_1536, %get3A_1540 : vector<16xf32>
      %add3A_1542 = arith.addf %add3A_1532, %mul3A_1541 : vector<16xf32>
      %get3A_1543 = arith.constant 13 : i32
      %get3A_1544 = arith.index_cast %get3A_1543 : i32 to index
      %get3A_1545 = arith.constant 74 : index
      %get3A_1546 = tpu.vector_load %arg11[%get3A_1544, %get3A_1545] {strides = array<i32>} : memref<32x90xf32, #tpu.memory_space<vmem>>, vector<16xf32>,
      %get3A_1547 = arith.constant 13 : i32
      %get3A_1548 = arith.index_cast %get3A_1547 : i32 to index
      %get3A_1549 = arith.constant 74 : index
      %get3A_1550 = tpu.vector_load %arg12[%get3A_1548, %get3A_1549] {strides = array<i32>} : memref<32x90xf32, #tpu.memory_space<vmem>>, vector<16xf32>,
      %mul3A_1551 = arith.mulf %get3A_1546, %get3A_1550 : vector<16xf32>
      %select_n3A_1552 = arith.select %ge3A_69, %mul3A_1551, %broadcast_in_dim3A_70 : vector<16xi1>, vector<16xf32>
      %add3A_1553 = arith.addf %add3A_1542, %select_n3A_1552 : vector<16xf32>
      %eq3A_1554 = arith.constant 13 : i32
      %eq3A_1555 = vector.broadcast %eq3A_1554 : i32 to vector<16xi32>
      %eq3A_1556 = arith.cmpi eq, %iota3A, %eq3A_1555 : vector<16xi32>
      %reduce_sum3A_1557 = arith.constant true
      %reduce_sum3A_1558 = vector.broadcast %reduce_sum3A_1557 : i1 to vector<16xi1>
      %reduce_sum3A_1559 = tpu.scan <sum>, %add3A_1553 masked %reduce_sum3A_1558 : vector<16xf32>, vector<16xi1> -> vector<16xf32>
      %reduce_sum3A_1560 = vector.extract %reduce_sum3A_1559[15] : f32 from vector<16xf32>
      %broadcast_in_dim3A_1561 = vector.broadcast %reduce_sum3A_1560 : f32 to vector<16xf32>
      %select_n3A_1562 = arith.select %eq3A_1556, %broadcast_in_dim3A_1561, %select_n3A_1493 : vector<16xi1>, vector<16xf32>
      %get3A_1563 = arith.constant 14 : i32
      %get3A_1564 = arith.index_cast %get3A_1563 : i32 to index
      %get3A_1565 = arith.constant 0 : index
      %get3A_1566 = tpu.vector_load %arg11[%get3A_1564, %get3A_1565] {strides = array<i32>} : memref<32x90xf32, #tpu.memory_space<vmem>>, vector<16xf32>,
      %get3A_1567 = arith.constant 14 : i32
      %get3A_1568 = arith.index_cast %get3A_1567 : i32 to index
      %get3A_1569 = arith.constant 0 : index
      %get3A_1570 = tpu.vector_load %arg12[%get3A_1568, %get3A_1569] {strides = array<i32>} : memref<32x90xf32, #tpu.memory_space<vmem>>, vector<16xf32>,
      %mul3A_1571 = arith.mulf %get3A_1566, %get3A_1570 : vector<16xf32>
      %get3A_1572 = arith.constant 14 : i32
      %get3A_1573 = arith.index_cast %get3A_1572 : i32 to index
      %get3A_1574 = arith.constant 16 : index
      %get3A_1575 = tpu.vector_load %arg11[%get3A_1573, %get3A_1574] {strides = array<i32>} : memref<32x90xf32, #tpu.memory_space<vmem>>, vector<16xf32>,
      %get3A_1576 = arith.constant 14 : i32
      %get3A_1577 = arith.index_cast %get3A_1576 : i32 to index
      %get3A_1578 = arith.constant 16 : index
      %get3A_1579 = tpu.vector_load %arg12[%get3A_1577, %get3A_1578] {strides = array<i32>} : memref<32x90xf32, #tpu.memory_space<vmem>>, vector<16xf32>,
      %mul3A_1580 = arith.mulf %get3A_1575, %get3A_1579 : vector<16xf32>
      %add3A_1581 = arith.addf %mul3A_1571, %mul3A_1580 : vector<16xf32>
      %get3A_1582 = arith.constant 14 : i32
      %get3A_1583 = arith.index_cast %get3A_1582 : i32 to index
      %get3A_1584 = arith.constant 32 : index
      %get3A_1585 = tpu.vector_load %arg11[%get3A_1583, %get3A_1584] {strides = array<i32>} : memref<32x90xf32, #tpu.memory_space<vmem>>, vector<16xf32>,
      %get3A_1586 = arith.constant 14 : i32
      %get3A_1587 = arith.index_cast %get3A_1586 : i32 to index
      %get3A_1588 = arith.constant 32 : index
      %get3A_1589 = tpu.vector_load %arg12[%get3A_1587, %get3A_1588] {strides = array<i32>} : memref<32x90xf32, #tpu.memory_space<vmem>>, vector<16xf32>,
      %mul3A_1590 = arith.mulf %get3A_1585, %get3A_1589 : vector<16xf32>
      %add3A_1591 = arith.addf %add3A_1581, %mul3A_1590 : vector<16xf32>
      %get3A_1592 = arith.constant 14 : i32
      %get3A_1593 = arith.index_cast %get3A_1592 : i32 to index
      %get3A_1594 = arith.constant 48 : index
      %get3A_1595 = tpu.vector_load %arg11[%get3A_1593, %get3A_1594] {strides = array<i32>} : memref<32x90xf32, #tpu.memory_space<vmem>>, vector<16xf32>,
      %get3A_1596 = arith.constant 14 : i32
      %get3A_1597 = arith.index_cast %get3A_1596 : i32 to index
      %get3A_1598 = arith.constant 48 : index
      %get3A_1599 = tpu.vector_load %arg12[%get3A_1597, %get3A_1598] {strides = array<i32>} : memref<32x90xf32, #tpu.memory_space<vmem>>, vector<16xf32>,
      %mul3A_1600 = arith.mulf %get3A_1595, %get3A_1599 : vector<16xf32>
      %add3A_1601 = arith.addf %add3A_1591, %mul3A_1600 : vector<16xf32>
      %get3A_1602 = arith.constant 14 : i32
      %get3A_1603 = arith.index_cast %get3A_1602 : i32 to index
      %get3A_1604 = arith.constant 64 : index
      %get3A_1605 = tpu.vector_load %arg11[%get3A_1603, %get3A_1604] {strides = array<i32>} : memref<32x90xf32, #tpu.memory_space<vmem>>, vector<16xf32>,
      %get3A_1606 = arith.constant 14 : i32
      %get3A_1607 = arith.index_cast %get3A_1606 : i32 to index
      %get3A_1608 = arith.constant 64 : index
      %get3A_1609 = tpu.vector_load %arg12[%get3A_1607, %get3A_1608] {strides = array<i32>} : memref<32x90xf32, #tpu.memory_space<vmem>>, vector<16xf32>,
      %mul3A_1610 = arith.mulf %get3A_1605, %get3A_1609 : vector<16xf32>
      %add3A_1611 = arith.addf %add3A_1601, %mul3A_1610 : vector<16xf32>
      %get3A_1612 = arith.constant 14 : i32
      %get3A_1613 = arith.index_cast %get3A_1612 : i32 to index
      %get3A_1614 = arith.constant 74 : index
      %get3A_1615 = tpu.vector_load %arg11[%get3A_1613, %get3A_1614] {strides = array<i32>} : memref<32x90xf32, #tpu.memory_space<vmem>>, vector<16xf32>,
      %get3A_1616 = arith.constant 14 : i32
      %get3A_1617 = arith.index_cast %get3A_1616 : i32 to index
      %get3A_1618 = arith.constant 74 : index
      %get3A_1619 = tpu.vector_load %arg12[%get3A_1617, %get3A_1618] {strides = array<i32>} : memref<32x90xf32, #tpu.memory_space<vmem>>, vector<16xf32>,
      %mul3A_1620 = arith.mulf %get3A_1615, %get3A_1619 : vector<16xf32>
      %select_n3A_1621 = arith.select %ge3A_69, %mul3A_1620, %broadcast_in_dim3A_70 : vector<16xi1>, vector<16xf32>
      %add3A_1622 = arith.addf %add3A_1611, %select_n3A_1621 : vector<16xf32>
      %eq3A_1623 = arith.constant 14 : i32
      %eq3A_1624 = vector.broadcast %eq3A_1623 : i32 to vector<16xi32>
      %eq3A_1625 = arith.cmpi eq, %iota3A, %eq3A_1624 : vector<16xi32>
      %reduce_sum3A_1626 = arith.constant true
      %reduce_sum3A_1627 = vector.broadcast %reduce_sum3A_1626 : i1 to vector<16xi1>
      %reduce_sum3A_1628 = tpu.scan <sum>, %add3A_1622 masked %reduce_sum3A_1627 : vector<16xf32>, vector<16xi1> -> vector<16xf32>
      %reduce_sum3A_1629 = vector.extract %reduce_sum3A_1628[15] : f32 from vector<16xf32>
      %broadcast_in_dim3A_1630 = vector.broadcast %reduce_sum3A_1629 : f32 to vector<16xf32>
      %select_n3A_1631 = arith.select %eq3A_1625, %broadcast_in_dim3A_1630, %select_n3A_1562 : vector<16xi1>, vector<16xf32>
      %get3A_1632 = arith.constant 15 : i32
      %get3A_1633 = arith.index_cast %get3A_1632 : i32 to index
      %get3A_1634 = arith.constant 0 : index
      %get3A_1635 = tpu.vector_load %arg11[%get3A_1633, %get3A_1634] {strides = array<i32>} : memref<32x90xf32, #tpu.memory_space<vmem>>, vector<16xf32>,
      %get3A_1636 = arith.constant 15 : i32
      %get3A_1637 = arith.index_cast %get3A_1636 : i32 to index
      %get3A_1638 = arith.constant 0 : index
      %get3A_1639 = tpu.vector_load %arg12[%get3A_1637, %get3A_1638] {strides = array<i32>} : memref<32x90xf32, #tpu.memory_space<vmem>>, vector<16xf32>,
      %mul3A_1640 = arith.mulf %get3A_1635, %get3A_1639 : vector<16xf32>
      %get3A_1641 = arith.constant 15 : i32
      %get3A_1642 = arith.index_cast %get3A_1641 : i32 to index
      %get3A_1643 = arith.constant 16 : index
      %get3A_1644 = tpu.vector_load %arg11[%get3A_1642, %get3A_1643] {strides = array<i32>} : memref<32x90xf32, #tpu.memory_space<vmem>>, vector<16xf32>,
      %get3A_1645 = arith.constant 15 : i32
      %get3A_1646 = arith.index_cast %get3A_1645 : i32 to index
      %get3A_1647 = arith.constant 16 : index
      %get3A_1648 = tpu.vector_load %arg12[%get3A_1646, %get3A_1647] {strides = array<i32>} : memref<32x90xf32, #tpu.memory_space<vmem>>, vector<16xf32>,
      %mul3A_1649 = arith.mulf %get3A_1644, %get3A_1648 : vector<16xf32>
      %add3A_1650 = arith.addf %mul3A_1640, %mul3A_1649 : vector<16xf32>
      %get3A_1651 = arith.constant 15 : i32
      %get3A_1652 = arith.index_cast %get3A_1651 : i32 to index
      %get3A_1653 = arith.constant 32 : index
      %get3A_1654 = tpu.vector_load %arg11[%get3A_1652, %get3A_1653] {strides = array<i32>} : memref<32x90xf32, #tpu.memory_space<vmem>>, vector<16xf32>,
      %get3A_1655 = arith.constant 15 : i32
      %get3A_1656 = arith.index_cast %get3A_1655 : i32 to index
      %get3A_1657 = arith.constant 32 : index
      %get3A_1658 = tpu.vector_load %arg12[%get3A_1656, %get3A_1657] {strides = array<i32>} : memref<32x90xf32, #tpu.memory_space<vmem>>, vector<16xf32>,
      %mul3A_1659 = arith.mulf %get3A_1654, %get3A_1658 : vector<16xf32>
      %add3A_1660 = arith.addf %add3A_1650, %mul3A_1659 : vector<16xf32>
      %get3A_1661 = arith.constant 15 : i32
      %get3A_1662 = arith.index_cast %get3A_1661 : i32 to index
      %get3A_1663 = arith.constant 48 : index
      %get3A_1664 = tpu.vector_load %arg11[%get3A_1662, %get3A_1663] {strides = array<i32>} : memref<32x90xf32, #tpu.memory_space<vmem>>, vector<16xf32>,
      %get3A_1665 = arith.constant 15 : i32
      %get3A_1666 = arith.index_cast %get3A_1665 : i32 to index
      %get3A_1667 = arith.constant 48 : index
      %get3A_1668 = tpu.vector_load %arg12[%get3A_1666, %get3A_1667] {strides = array<i32>} : memref<32x90xf32, #tpu.memory_space<vmem>>, vector<16xf32>,
      %mul3A_1669 = arith.mulf %get3A_1664, %get3A_1668 : vector<16xf32>
      %add3A_1670 = arith.addf %add3A_1660, %mul3A_1669 : vector<16xf32>
      %get3A_1671 = arith.constant 15 : i32
      %get3A_1672 = arith.index_cast %get3A_1671 : i32 to index
      %get3A_1673 = arith.constant 64 : index
      %get3A_1674 = tpu.vector_load %arg11[%get3A_1672, %get3A_1673] {strides = array<i32>} : memref<32x90xf32, #tpu.memory_space<vmem>>, vector<16xf32>,
      %get3A_1675 = arith.constant 15 : i32
      %get3A_1676 = arith.index_cast %get3A_1675 : i32 to index
      %get3A_1677 = arith.constant 64 : index
      %get3A_1678 = tpu.vector_load %arg12[%get3A_1676, %get3A_1677] {strides = array<i32>} : memref<32x90xf32, #tpu.memory_space<vmem>>, vector<16xf32>,
      %mul3A_1679 = arith.mulf %get3A_1674, %get3A_1678 : vector<16xf32>
      %add3A_1680 = arith.addf %add3A_1670, %mul3A_1679 : vector<16xf32>
      %get3A_1681 = arith.constant 15 : i32
      %get3A_1682 = arith.index_cast %get3A_1681 : i32 to index
      %get3A_1683 = arith.constant 74 : index
      %get3A_1684 = tpu.vector_load %arg11[%get3A_1682, %get3A_1683] {strides = array<i32>} : memref<32x90xf32, #tpu.memory_space<vmem>>, vector<16xf32>,
      %get3A_1685 = arith.constant 15 : i32
      %get3A_1686 = arith.index_cast %get3A_1685 : i32 to index
      %get3A_1687 = arith.constant 74 : index
      %get3A_1688 = tpu.vector_load %arg12[%get3A_1686, %get3A_1687] {strides = array<i32>} : memref<32x90xf32, #tpu.memory_space<vmem>>, vector<16xf32>,
      %mul3A_1689 = arith.mulf %get3A_1684, %get3A_1688 : vector<16xf32>
      %select_n3A_1690 = arith.select %ge3A_69, %mul3A_1689, %broadcast_in_dim3A_70 : vector<16xi1>, vector<16xf32>
      %add3A_1691 = arith.addf %add3A_1680, %select_n3A_1690 : vector<16xf32>
      %eq3A_1692 = arith.constant 15 : i32
      %eq3A_1693 = vector.broadcast %eq3A_1692 : i32 to vector<16xi32>
      %eq3A_1694 = arith.cmpi eq, %iota3A, %eq3A_1693 : vector<16xi32>
      %reduce_sum3A_1695 = arith.constant true
      %reduce_sum3A_1696 = vector.broadcast %reduce_sum3A_1695 : i1 to vector<16xi1>
      %reduce_sum3A_1697 = tpu.scan <sum>, %add3A_1691 masked %reduce_sum3A_1696 : vector<16xf32>, vector<16xi1> -> vector<16xf32>
      %reduce_sum3A_1698 = vector.extract %reduce_sum3A_1697[15] : f32 from vector<16xf32>
      %broadcast_in_dim3A_1699 = vector.broadcast %reduce_sum3A_1698 : f32 to vector<16xf32>
      %select_n3A_1700 = arith.select %eq3A_1694, %broadcast_in_dim3A_1699, %select_n3A_1631 : vector<16xi1>, vector<16xf32>
      %mul3A_1701 = arith.constant 16 : i32
      %mul3A_1702 = arith.muli %add3A_566, %mul3A_1701 : i32
      %get3A_1703 = arith.index_cast %mul3A_1702 : i32 to index
      %get3A_1704 = tpu.vector_load %arg13[%get3A_1703] {strides = array<i32>} : memref<512xf32, #tpu.memory_space<vmem>>, vector<16xf32>,
      %add3A_1705 = arith.addf %select_n3A_1700, %get3A_1704 : vector<16xf32>
      %get3A_1706 = arith.index_cast %mul3A_1702 : i32 to index
      %get3A_1707 = tpu.vector_load %arg14[%get3A_1706] {strides = array<i32>} : memref<512xf32, #tpu.memory_space<vmem>>, vector<16xf32>,
      %add3A_1708 = arith.addf %add3A_1705, %get3A_1707 : vector<16xf32>
      %add3A_1709 = arith.constant 3.500000e+00 : f32
      %add3A_1710 = vector.broadcast %add3A_1709 : f32 to vector<16xf32>
      %add3A_1711 = arith.addf %add3A_1708, %add3A_1710 : vector<16xf32>
      %swap3A = arith.index_cast %mul3A_1702 : i32 to index
      %swap3A_1712 = tpu.vector_load %arg15[%swap3A] {strides = array<i32>} : memref<512xf32, #tpu.memory_space<vmem>>, vector<16xf32>,
      tpu.vector_store %arg15[%swap3A], %add3A_1711 {strides = array<i32>} : memref<512xf32, #tpu.memory_space<vmem>>, vector<16xf32>,
      %mul3A_1713 = arith.constant 2 : i32
      %mul3A_1714 = arith.muli %scan3A_562, %mul3A_1713 : i32
      %add3A_1715 = arith.constant 1 : i32
      %add3A_1716 = arith.addi %mul3A_1714, %add3A_1715 : i32
      %add3A_1717 = arith.constant 2 : i32
      %add3A_1718 = arith.addi %add3A_1716, %add3A_1717 : i32
      %sub3A_1719 = arith.constant 1 : i32
      %sub3A_1720 = arith.subi %add3A_1718, %sub3A_1719 : i32
      %lt3A_1721 = arith.constant 32 : i32
      %lt3A_1722 = arith.cmpi slt, %sub3A_1720, %lt3A_1721 : i32
      %convert_element_type3A_1723 = arith.extui %lt3A_1722 : i1 to i32
      %cond3A_1724 = arith.constant 0 : i32
      %cond3A_1725 = arith.cmpi ne, %convert_element_type3A_1723, %cond3A_1724 : i32
      scf.if %cond3A_1725 {
        %jit3A_2867 = arith.constant 8 : i32
        %div3A_2868 = arith.divsi %sub3A_1720, %jit3A_2867 : i32
        %sign3A_2869 = arith.constant 0 : i32
        %sign3A_2870 = arith.cmpi sgt, %sub3A_1720, %sign3A_2869 : i32
        %sign3A_2871 = arith.extui %sign3A_2870 : i1 to i32
        %sign3A_2872 = arith.constant 0 : i32
        %sign3A_2873 = arith.cmpi slt, %sub3A_1720, %sign3A_2872 : i32
        %sign3A_2874 = arith.extui %sign3A_2873 : i1 to i32
        %sign3A_2875 = arith.subi %sign3A_2871, %sign3A_2874 : i32
        %sign3A_2876 = arith.constant 0 : i32
        %sign3A_2877 = arith.cmpi sgt, %jit3A_2867, %sign3A_2876 : i32
        %sign3A_2878 = arith.extui %sign3A_2877 : i1 to i32
        %sign3A_2879 = arith.constant 0 : i32
        %sign3A_2880 = arith.cmpi slt, %jit3A_2867, %sign3A_2879 : i32
        %sign3A_2881 = arith.extui %sign3A_2880 : i1 to i32
        %sign3A_2882 = arith.subi %sign3A_2878, %sign3A_2881 : i32
        %ne3A_2883 = arith.cmpi ne, %sign3A_2875, %sign3A_2882 : i32
        %rem3A_2884 = arith.remsi %sub3A_1720, %jit3A_2867 : i32
        %ne3A_2885 = arith.constant 0 : i32
        %ne3A_2886 = arith.cmpi ne, %rem3A_2884, %ne3A_2885 : i32
        %and3A_2887 = arith.andi %ne3A_2883, %ne3A_2886 : i1
        %sub3A_2888 = arith.constant 1 : i32
        %sub3A_2889 = arith.subi %div3A_2868, %sub3A_2888 : i32
        %select_n3A_2890 = arith.select %and3A_2887, %sub3A_2889, %div3A_2868 : i32
        %jit3A_2891 = arith.constant 8 : i32
        %eq3A_2892 = arith.constant 0 : i32
        %eq3A_2893 = arith.cmpi eq, %jit3A_2891, %eq3A_2892 : i32
        %jit3A_2894 = arith.constant 1 : i32
        %select_n3A_2895 = arith.select %eq3A_2893, %jit3A_2894, %jit3A_2891 : i32
        %rem3A_2896 = arith.remsi %sub3A_1720, %select_n3A_2895 : i32
        %ne3A_2897 = arith.constant 0 : i32
        %ne3A_2898 = arith.cmpi ne, %rem3A_2896, %ne3A_2897 : i32
        %lt3A_2899 = arith.constant 0 : i32
        %lt3A_2900 = arith.cmpi slt, %rem3A_2896, %lt3A_2899 : i32
        %lt3A_2901 = arith.constant 0 : i32
        %lt3A_2902 = arith.cmpi slt, %select_n3A_2895, %lt3A_2901 : i32
        %ne3A_2903 = arith.xori %lt3A_2900, %lt3A_2902 : i1
        %and3A_2904 = arith.andi %ne3A_2903, %ne3A_2898 : i1
        %add3A_2905 = arith.addi %rem3A_2896, %select_n3A_2895 : i32
        %select_n3A_2906 = arith.select %and3A_2904, %add3A_2905, %rem3A_2896 : i32
        %mul3A_2907 = arith.constant 16 : i32
        %mul3A_2908 = arith.muli %select_n3A_2906, %mul3A_2907 : i32
        %get3A_2909 = arith.index_cast %select_n3A_2890 : i32 to index
        %get3A_2910 = arith.index_cast %mul3A_2908 : i32 to index
        %get3A_2911 = tpu.vector_load %arg9[%get3A_2909, %get3A_2910] {strides = array<i32>} : memref<4x128xi32, #tpu.memory_space<vmem>>, vector<16xi32>,
        %get3A_2912 = arith.index_cast %select_n3A_2890 : i32 to index
        %get3A_2913 = arith.index_cast %mul3A_2908 : i32 to index
        %get3A_2914 = tpu.vector_load %arg10[%get3A_2912, %get3A_2913] {strides = array<i32>} : memref<4x128xi32, #tpu.memory_space<vmem>>, vector<16xi32>,
        %slice3A_2915 = vector.extract_strided_slice %get3A_2911 {offsets = [0], sizes = [1], strides = [1]} : vector<16xi32> to vector<1xi32>
        %squeeze3A_2916 = vector.extract %slice3A_2915[0] : i32 from vector<1xi32>
        %slice3A_2917 = vector.extract_strided_slice %get3A_2914 {offsets = [0], sizes = [1], strides = [1]} : vector<16xi32> to vector<1xi32>
        %squeeze3A_2918 = vector.extract %slice3A_2917[0] : i32 from vector<1xi32>
        %dma_start3A_2919 = arith.constant 0 : i32
        %dma_start3A_2920 = arith.constant 0 : i32
        %dma_start3A_2921 = tpu.memref_slice %arg11[%dma_start3A_2919, %dma_start3A_2920] : memref<32x90xf32, #tpu.memory_space<vmem>> -> memref<1x90xf32, #tpu.memory_space<vmem>>
        %dma_start3A_2922 = arith.constant 0 : i32
        %dma_start3A_2923 = tpu.memref_slice %arg2[%squeeze3A_2916, %dma_start3A_2922] : memref<100000x90xf32, #tpu.memory_space<hbm>> -> memref<1x90xf32, #tpu.memory_space<hbm>>
        %dma_start3A_2924 = arith.constant 0 : i32
        %dma_start3A_2925 = arith.constant 0 : i32
        %dma_start3A_2926 = tpu.memref_slice %arg11[%dma_start3A_2924, %dma_start3A_2925] : memref<32x90xf32, #tpu.memory_space<vmem>> -> memref<1x90xf32, #tpu.memory_space<vmem>>
        %dma_start3A_2927 = arith.constant 0 : i32
        %dma_start3A_2928 = tpu.memref_slice %arg2[%squeeze3A_2916, %dma_start3A_2927] : memref<100000x90xf32, #tpu.memory_space<hbm>> -> memref<1x90xf32, #tpu.memory_space<hbm>>
        tpu.enqueue_dma source(%dma_start3A_2928 : memref<1x90xf32, #tpu.memory_space<hbm>>) target(%dma_start3A_2926 : memref<1x90xf32, #tpu.memory_space<vmem>>) target_semaphore(%arg17 : memref<!tpu.dma_semaphore, #tpu.memory_space<semaphore_mem>>)
        %dma_start3A_2929 = arith.constant 0 : i32
        %dma_start3A_2930 = arith.constant 0 : i32
        %dma_start3A_2931 = tpu.memref_slice %arg12[%dma_start3A_2929, %dma_start3A_2930] : memref<32x90xf32, #tpu.memory_space<vmem>> -> memref<1x90xf32, #tpu.memory_space<vmem>>
        %dma_start3A_2932 = arith.constant 0 : i32
        %dma_start3A_2933 = tpu.memref_slice %arg3[%squeeze3A_2918, %dma_start3A_2932] : memref<100000x90xf32, #tpu.memory_space<hbm>> -> memref<1x90xf32, #tpu.memory_space<hbm>>
        %dma_start3A_2934 = arith.constant 0 : i32
        %dma_start3A_2935 = arith.constant 0 : i32
        %dma_start3A_2936 = tpu.memref_slice %arg12[%dma_start3A_2934, %dma_start3A_2935] : memref<32x90xf32, #tpu.memory_space<vmem>> -> memref<1x90xf32, #tpu.memory_space<vmem>>
        %dma_start3A_2937 = arith.constant 0 : i32
        %dma_start3A_2938 = tpu.memref_slice %arg3[%squeeze3A_2918, %dma_start3A_2937] : memref<100000x90xf32, #tpu.memory_space<hbm>> -> memref<1x90xf32, #tpu.memory_space<hbm>>
        tpu.enqueue_dma source(%dma_start3A_2938 : memref<1x90xf32, #tpu.memory_space<hbm>>) target(%dma_start3A_2936 : memref<1x90xf32, #tpu.memory_space<vmem>>) target_semaphore(%arg17 : memref<!tpu.dma_semaphore, #tpu.memory_space<semaphore_mem>>)
        %slice3A_2939 = vector.extract_strided_slice %get3A_2911 {offsets = [1], sizes = [1], strides = [1]} : vector<16xi32> to vector<1xi32>
        %squeeze3A_2940 = vector.extract %slice3A_2939[0] : i32 from vector<1xi32>
        %slice3A_2941 = vector.extract_strided_slice %get3A_2914 {offsets = [1], sizes = [1], strides = [1]} : vector<16xi32> to vector<1xi32>
        %squeeze3A_2942 = vector.extract %slice3A_2941[0] : i32 from vector<1xi32>
        %dma_start3A_2943 = arith.constant 1 : i32
        %dma_start3A_2944 = arith.constant 0 : i32
        %dma_start3A_2945 = tpu.memref_slice %arg11[%dma_start3A_2943, %dma_start3A_2944] : memref<32x90xf32, #tpu.memory_space<vmem>> -> memref<1x90xf32, #tpu.memory_space<vmem>>
        %dma_start3A_2946 = arith.constant 0 : i32
        %dma_start3A_2947 = tpu.memref_slice %arg2[%squeeze3A_2940, %dma_start3A_2946] : memref<100000x90xf32, #tpu.memory_space<hbm>> -> memref<1x90xf32, #tpu.memory_space<hbm>>
        %dma_start3A_2948 = arith.constant 1 : i32
        %dma_start3A_2949 = arith.constant 0 : i32
        %dma_start3A_2950 = tpu.memref_slice %arg11[%dma_start3A_2948, %dma_start3A_2949] : memref<32x90xf32, #tpu.memory_space<vmem>> -> memref<1x90xf32, #tpu.memory_space<vmem>>
        %dma_start3A_2951 = arith.constant 0 : i32
        %dma_start3A_2952 = tpu.memref_slice %arg2[%squeeze3A_2940, %dma_start3A_2951] : memref<100000x90xf32, #tpu.memory_space<hbm>> -> memref<1x90xf32, #tpu.memory_space<hbm>>
        tpu.enqueue_dma source(%dma_start3A_2952 : memref<1x90xf32, #tpu.memory_space<hbm>>) target(%dma_start3A_2950 : memref<1x90xf32, #tpu.memory_space<vmem>>) target_semaphore(%arg17 : memref<!tpu.dma_semaphore, #tpu.memory_space<semaphore_mem>>)
        %dma_start3A_2953 = arith.constant 1 : i32
        %dma_start3A_2954 = arith.constant 0 : i32
        %dma_start3A_2955 = tpu.memref_slice %arg12[%dma_start3A_2953, %dma_start3A_2954] : memref<32x90xf32, #tpu.memory_space<vmem>> -> memref<1x90xf32, #tpu.memory_space<vmem>>
        %dma_start3A_2956 = arith.constant 0 : i32
        %dma_start3A_2957 = tpu.memref_slice %arg3[%squeeze3A_2942, %dma_start3A_2956] : memref<100000x90xf32, #tpu.memory_space<hbm>> -> memref<1x90xf32, #tpu.memory_space<hbm>>
        %dma_start3A_2958 = arith.constant 1 : i32
        %dma_start3A_2959 = arith.constant 0 : i32
        %dma_start3A_2960 = tpu.memref_slice %arg12[%dma_start3A_2958, %dma_start3A_2959] : memref<32x90xf32, #tpu.memory_space<vmem>> -> memref<1x90xf32, #tpu.memory_space<vmem>>
        %dma_start3A_2961 = arith.constant 0 : i32
        %dma_start3A_2962 = tpu.memref_slice %arg3[%squeeze3A_2942, %dma_start3A_2961] : memref<100000x90xf32, #tpu.memory_space<hbm>> -> memref<1x90xf32, #tpu.memory_space<hbm>>
        tpu.enqueue_dma source(%dma_start3A_2962 : memref<1x90xf32, #tpu.memory_space<hbm>>) target(%dma_start3A_2960 : memref<1x90xf32, #tpu.memory_space<vmem>>) target_semaphore(%arg17 : memref<!tpu.dma_semaphore, #tpu.memory_space<semaphore_mem>>)
        %slice3A_2963 = vector.extract_strided_slice %get3A_2911 {offsets = [2], sizes = [1], strides = [1]} : vector<16xi32> to vector<1xi32>
        %squeeze3A_2964 = vector.extract %slice3A_2963[0] : i32 from vector<1xi32>
        %slice3A_2965 = vector.extract_strided_slice %get3A_2914 {offsets = [2], sizes = [1], strides = [1]} : vector<16xi32> to vector<1xi32>
        %squeeze3A_2966 = vector.extract %slice3A_2965[0] : i32 from vector<1xi32>
        %dma_start3A_2967 = arith.constant 2 : i32
        %dma_start3A_2968 = arith.constant 0 : i32
        %dma_start3A_2969 = tpu.memref_slice %arg11[%dma_start3A_2967, %dma_start3A_2968] : memref<32x90xf32, #tpu.memory_space<vmem>> -> memref<1x90xf32, #tpu.memory_space<vmem>>
        %dma_start3A_2970 = arith.constant 0 : i32
        %dma_start3A_2971 = tpu.memref_slice %arg2[%squeeze3A_2964, %dma_start3A_2970] : memref<100000x90xf32, #tpu.memory_space<hbm>> -> memref<1x90xf32, #tpu.memory_space<hbm>>
        %dma_start3A_2972 = arith.constant 2 : i32
        %dma_start3A_2973 = arith.constant 0 : i32
        %dma_start3A_2974 = tpu.memref_slice %arg11[%dma_start3A_2972, %dma_start3A_2973] : memref<32x90xf32, #tpu.memory_space<vmem>> -> memref<1x90xf32, #tpu.memory_space<vmem>>
        %dma_start3A_2975 = arith.constant 0 : i32
        %dma_start3A_2976 = tpu.memref_slice %arg2[%squeeze3A_2964, %dma_start3A_2975] : memref<100000x90xf32, #tpu.memory_space<hbm>> -> memref<1x90xf32, #tpu.memory_space<hbm>>
        tpu.enqueue_dma source(%dma_start3A_2976 : memref<1x90xf32, #tpu.memory_space<hbm>>) target(%dma_start3A_2974 : memref<1x90xf32, #tpu.memory_space<vmem>>) target_semaphore(%arg17 : memref<!tpu.dma_semaphore, #tpu.memory_space<semaphore_mem>>)
        %dma_start3A_2977 = arith.constant 2 : i32
        %dma_start3A_2978 = arith.constant 0 : i32
        %dma_start3A_2979 = tpu.memref_slice %arg12[%dma_start3A_2977, %dma_start3A_2978] : memref<32x90xf32, #tpu.memory_space<vmem>> -> memref<1x90xf32, #tpu.memory_space<vmem>>
        %dma_start3A_2980 = arith.constant 0 : i32
        %dma_start3A_2981 = tpu.memref_slice %arg3[%squeeze3A_2966, %dma_start3A_2980] : memref<100000x90xf32, #tpu.memory_space<hbm>> -> memref<1x90xf32, #tpu.memory_space<hbm>>
        %dma_start3A_2982 = arith.constant 2 : i32
        %dma_start3A_2983 = arith.constant 0 : i32
        %dma_start3A_2984 = tpu.memref_slice %arg12[%dma_start3A_2982, %dma_start3A_2983] : memref<32x90xf32, #tpu.memory_space<vmem>> -> memref<1x90xf32, #tpu.memory_space<vmem>>
        %dma_start3A_2985 = arith.constant 0 : i32
        %dma_start3A_2986 = tpu.memref_slice %arg3[%squeeze3A_2966, %dma_start3A_2985] : memref<100000x90xf32, #tpu.memory_space<hbm>> -> memref<1x90xf32, #tpu.memory_space<hbm>>
        tpu.enqueue_dma source(%dma_start3A_2986 : memref<1x90xf32, #tpu.memory_space<hbm>>) target(%dma_start3A_2984 : memref<1x90xf32, #tpu.memory_space<vmem>>) target_semaphore(%arg17 : memref<!tpu.dma_semaphore, #tpu.memory_space<semaphore_mem>>)
        %slice3A_2987 = vector.extract_strided_slice %get3A_2911 {offsets = [3], sizes = [1], strides = [1]} : vector<16xi32> to vector<1xi32>
        %squeeze3A_2988 = vector.extract %slice3A_2987[0] : i32 from vector<1xi32>
        %slice3A_2989 = vector.extract_strided_slice %get3A_2914 {offsets = [3], sizes = [1], strides = [1]} : vector<16xi32> to vector<1xi32>
        %squeeze3A_2990 = vector.extract %slice3A_2989[0] : i32 from vector<1xi32>
        %dma_start3A_2991 = arith.constant 3 : i32
        %dma_start3A_2992 = arith.constant 0 : i32
        %dma_start3A_2993 = tpu.memref_slice %arg11[%dma_start3A_2991, %dma_start3A_2992] : memref<32x90xf32, #tpu.memory_space<vmem>> -> memref<1x90xf32, #tpu.memory_space<vmem>>
        %dma_start3A_2994 = arith.constant 0 : i32
        %dma_start3A_2995 = tpu.memref_slice %arg2[%squeeze3A_2988, %dma_start3A_2994] : memref<100000x90xf32, #tpu.memory_space<hbm>> -> memref<1x90xf32, #tpu.memory_space<hbm>>
        %dma_start3A_2996 = arith.constant 3 : i32
        %dma_start3A_2997 = arith.constant 0 : i32
        %dma_start3A_2998 = tpu.memref_slice %arg11[%dma_start3A_2996, %dma_start3A_2997] : memref<32x90xf32, #tpu.memory_space<vmem>> -> memref<1x90xf32, #tpu.memory_space<vmem>>
        %dma_start3A_2999 = arith.constant 0 : i32
        %dma_start3A_3000 = tpu.memref_slice %arg2[%squeeze3A_2988, %dma_start3A_2999] : memref<100000x90xf32, #tpu.memory_space<hbm>> -> memref<1x90xf32, #tpu.memory_space<hbm>>
        tpu.enqueue_dma source(%dma_start3A_3000 : memref<1x90xf32, #tpu.memory_space<hbm>>) target(%dma_start3A_2998 : memref<1x90xf32, #tpu.memory_space<vmem>>) target_semaphore(%arg17 : memref<!tpu.dma_semaphore, #tpu.memory_space<semaphore_mem>>)
        %dma_start3A_3001 = arith.constant 3 : i32
        %dma_start3A_3002 = arith.constant 0 : i32
        %dma_start3A_3003 = tpu.memref_slice %arg12[%dma_start3A_3001, %dma_start3A_3002] : memref<32x90xf32, #tpu.memory_space<vmem>> -> memref<1x90xf32, #tpu.memory_space<vmem>>
        %dma_start3A_3004 = arith.constant 0 : i32
        %dma_start3A_3005 = tpu.memref_slice %arg3[%squeeze3A_2990, %dma_start3A_3004] : memref<100000x90xf32, #tpu.memory_space<hbm>> -> memref<1x90xf32, #tpu.memory_space<hbm>>
        %dma_start3A_3006 = arith.constant 3 : i32
        %dma_start3A_3007 = arith.constant 0 : i32
        %dma_start3A_3008 = tpu.memref_slice %arg12[%dma_start3A_3006, %dma_start3A_3007] : memref<32x90xf32, #tpu.memory_space<vmem>> -> memref<1x90xf32, #tpu.memory_space<vmem>>
        %dma_start3A_3009 = arith.constant 0 : i32
        %dma_start3A_3010 = tpu.memref_slice %arg3[%squeeze3A_2990, %dma_start3A_3009] : memref<100000x90xf32, #tpu.memory_space<hbm>> -> memref<1x90xf32, #tpu.memory_space<hbm>>
        tpu.enqueue_dma source(%dma_start3A_3010 : memref<1x90xf32, #tpu.memory_space<hbm>>) target(%dma_start3A_3008 : memref<1x90xf32, #tpu.memory_space<vmem>>) target_semaphore(%arg17 : memref<!tpu.dma_semaphore, #tpu.memory_space<semaphore_mem>>)
        %slice3A_3011 = vector.extract_strided_slice %get3A_2911 {offsets = [4], sizes = [1], strides = [1]} : vector<16xi32> to vector<1xi32>
        %squeeze3A_3012 = vector.extract %slice3A_3011[0] : i32 from vector<1xi32>
        %slice3A_3013 = vector.extract_strided_slice %get3A_2914 {offsets = [4], sizes = [1], strides = [1]} : vector<16xi32> to vector<1xi32>
        %squeeze3A_3014 = vector.extract %slice3A_3013[0] : i32 from vector<1xi32>
        %dma_start3A_3015 = arith.constant 4 : i32
        %dma_start3A_3016 = arith.constant 0 : i32
        %dma_start3A_3017 = tpu.memref_slice %arg11[%dma_start3A_3015, %dma_start3A_3016] : memref<32x90xf32, #tpu.memory_space<vmem>> -> memref<1x90xf32, #tpu.memory_space<vmem>>
        %dma_start3A_3018 = arith.constant 0 : i32
        %dma_start3A_3019 = tpu.memref_slice %arg2[%squeeze3A_3012, %dma_start3A_3018] : memref<100000x90xf32, #tpu.memory_space<hbm>> -> memref<1x90xf32, #tpu.memory_space<hbm>>
        %dma_start3A_3020 = arith.constant 4 : i32
        %dma_start3A_3021 = arith.constant 0 : i32
        %dma_start3A_3022 = tpu.memref_slice %arg11[%dma_start3A_3020, %dma_start3A_3021] : memref<32x90xf32, #tpu.memory_space<vmem>> -> memref<1x90xf32, #tpu.memory_space<vmem>>
        %dma_start3A_3023 = arith.constant 0 : i32
        %dma_start3A_3024 = tpu.memref_slice %arg2[%squeeze3A_3012, %dma_start3A_3023] : memref<100000x90xf32, #tpu.memory_space<hbm>> -> memref<1x90xf32, #tpu.memory_space<hbm>>
        tpu.enqueue_dma source(%dma_start3A_3024 : memref<1x90xf32, #tpu.memory_space<hbm>>) target(%dma_start3A_3022 : memref<1x90xf32, #tpu.memory_space<vmem>>) target_semaphore(%arg17 : memref<!tpu.dma_semaphore, #tpu.memory_space<semaphore_mem>>)
        %dma_start3A_3025 = arith.constant 4 : i32
        %dma_start3A_3026 = arith.constant 0 : i32
        %dma_start3A_3027 = tpu.memref_slice %arg12[%dma_start3A_3025, %dma_start3A_3026] : memref<32x90xf32, #tpu.memory_space<vmem>> -> memref<1x90xf32, #tpu.memory_space<vmem>>
        %dma_start3A_3028 = arith.constant 0 : i32
        %dma_start3A_3029 = tpu.memref_slice %arg3[%squeeze3A_3014, %dma_start3A_3028] : memref<100000x90xf32, #tpu.memory_space<hbm>> -> memref<1x90xf32, #tpu.memory_space<hbm>>
        %dma_start3A_3030 = arith.constant 4 : i32
        %dma_start3A_3031 = arith.constant 0 : i32
        %dma_start3A_3032 = tpu.memref_slice %arg12[%dma_start3A_3030, %dma_start3A_3031] : memref<32x90xf32, #tpu.memory_space<vmem>> -> memref<1x90xf32, #tpu.memory_space<vmem>>
        %dma_start3A_3033 = arith.constant 0 : i32
        %dma_start3A_3034 = tpu.memref_slice %arg3[%squeeze3A_3014, %dma_start3A_3033] : memref<100000x90xf32, #tpu.memory_space<hbm>> -> memref<1x90xf32, #tpu.memory_space<hbm>>
        tpu.enqueue_dma source(%dma_start3A_3034 : memref<1x90xf32, #tpu.memory_space<hbm>>) target(%dma_start3A_3032 : memref<1x90xf32, #tpu.memory_space<vmem>>) target_semaphore(%arg17 : memref<!tpu.dma_semaphore, #tpu.memory_space<semaphore_mem>>)
        %slice3A_3035 = vector.extract_strided_slice %get3A_2911 {offsets = [5], sizes = [1], strides = [1]} : vector<16xi32> to vector<1xi32>
        %squeeze3A_3036 = vector.extract %slice3A_3035[0] : i32 from vector<1xi32>
        %slice3A_3037 = vector.extract_strided_slice %get3A_2914 {offsets = [5], sizes = [1], strides = [1]} : vector<16xi32> to vector<1xi32>
        %squeeze3A_3038 = vector.extract %slice3A_3037[0] : i32 from vector<1xi32>
        %dma_start3A_3039 = arith.constant 5 : i32
        %dma_start3A_3040 = arith.constant 0 : i32
        %dma_start3A_3041 = tpu.memref_slice %arg11[%dma_start3A_3039, %dma_start3A_3040] : memref<32x90xf32, #tpu.memory_space<vmem>> -> memref<1x90xf32, #tpu.memory_space<vmem>>
        %dma_start3A_3042 = arith.constant 0 : i32
        %dma_start3A_3043 = tpu.memref_slice %arg2[%squeeze3A_3036, %dma_start3A_3042] : memref<100000x90xf32, #tpu.memory_space<hbm>> -> memref<1x90xf32, #tpu.memory_space<hbm>>
        %dma_start3A_3044 = arith.constant 5 : i32
        %dma_start3A_3045 = arith.constant 0 : i32
        %dma_start3A_3046 = tpu.memref_slice %arg11[%dma_start3A_3044, %dma_start3A_3045] : memref<32x90xf32, #tpu.memory_space<vmem>> -> memref<1x90xf32, #tpu.memory_space<vmem>>
        %dma_start3A_3047 = arith.constant 0 : i32
        %dma_start3A_3048 = tpu.memref_slice %arg2[%squeeze3A_3036, %dma_start3A_3047] : memref<100000x90xf32, #tpu.memory_space<hbm>> -> memref<1x90xf32, #tpu.memory_space<hbm>>
        tpu.enqueue_dma source(%dma_start3A_3048 : memref<1x90xf32, #tpu.memory_space<hbm>>) target(%dma_start3A_3046 : memref<1x90xf32, #tpu.memory_space<vmem>>) target_semaphore(%arg17 : memref<!tpu.dma_semaphore, #tpu.memory_space<semaphore_mem>>)
        %dma_start3A_3049 = arith.constant 5 : i32
        %dma_start3A_3050 = arith.constant 0 : i32
        %dma_start3A_3051 = tpu.memref_slice %arg12[%dma_start3A_3049, %dma_start3A_3050] : memref<32x90xf32, #tpu.memory_space<vmem>> -> memref<1x90xf32, #tpu.memory_space<vmem>>
        %dma_start3A_3052 = arith.constant 0 : i32
        %dma_start3A_3053 = tpu.memref_slice %arg3[%squeeze3A_3038, %dma_start3A_3052] : memref<100000x90xf32, #tpu.memory_space<hbm>> -> memref<1x90xf32, #tpu.memory_space<hbm>>
        %dma_start3A_3054 = arith.constant 5 : i32
        %dma_start3A_3055 = arith.constant 0 : i32
        %dma_start3A_3056 = tpu.memref_slice %arg12[%dma_start3A_3054, %dma_start3A_3055] : memref<32x90xf32, #tpu.memory_space<vmem>> -> memref<1x90xf32, #tpu.memory_space<vmem>>
        %dma_start3A_3057 = arith.constant 0 : i32
        %dma_start3A_3058 = tpu.memref_slice %arg3[%squeeze3A_3038, %dma_start3A_3057] : memref<100000x90xf32, #tpu.memory_space<hbm>> -> memref<1x90xf32, #tpu.memory_space<hbm>>
        tpu.enqueue_dma source(%dma_start3A_3058 : memref<1x90xf32, #tpu.memory_space<hbm>>) target(%dma_start3A_3056 : memref<1x90xf32, #tpu.memory_space<vmem>>) target_semaphore(%arg17 : memref<!tpu.dma_semaphore, #tpu.memory_space<semaphore_mem>>)
        %slice3A_3059 = vector.extract_strided_slice %get3A_2911 {offsets = [6], sizes = [1], strides = [1]} : vector<16xi32> to vector<1xi32>
        %squeeze3A_3060 = vector.extract %slice3A_3059[0] : i32 from vector<1xi32>
        %slice3A_3061 = vector.extract_strided_slice %get3A_2914 {offsets = [6], sizes = [1], strides = [1]} : vector<16xi32> to vector<1xi32>
        %squeeze3A_3062 = vector.extract %slice3A_3061[0] : i32 from vector<1xi32>
        %dma_start3A_3063 = arith.constant 6 : i32
        %dma_start3A_3064 = arith.constant 0 : i32
        %dma_start3A_3065 = tpu.memref_slice %arg11[%dma_start3A_3063, %dma_start3A_3064] : memref<32x90xf32, #tpu.memory_space<vmem>> -> memref<1x90xf32, #tpu.memory_space<vmem>>
        %dma_start3A_3066 = arith.constant 0 : i32
        %dma_start3A_3067 = tpu.memref_slice %arg2[%squeeze3A_3060, %dma_start3A_3066] : memref<100000x90xf32, #tpu.memory_space<hbm>> -> memref<1x90xf32, #tpu.memory_space<hbm>>
        %dma_start3A_3068 = arith.constant 6 : i32
        %dma_start3A_3069 = arith.constant 0 : i32
        %dma_start3A_3070 = tpu.memref_slice %arg11[%dma_start3A_3068, %dma_start3A_3069] : memref<32x90xf32, #tpu.memory_space<vmem>> -> memref<1x90xf32, #tpu.memory_space<vmem>>
        %dma_start3A_3071 = arith.constant 0 : i32
        %dma_start3A_3072 = tpu.memref_slice %arg2[%squeeze3A_3060, %dma_start3A_3071] : memref<100000x90xf32, #tpu.memory_space<hbm>> -> memref<1x90xf32, #tpu.memory_space<hbm>>
        tpu.enqueue_dma source(%dma_start3A_3072 : memref<1x90xf32, #tpu.memory_space<hbm>>) target(%dma_start3A_3070 : memref<1x90xf32, #tpu.memory_space<vmem>>) target_semaphore(%arg17 : memref<!tpu.dma_semaphore, #tpu.memory_space<semaphore_mem>>)
        %dma_start3A_3073 = arith.constant 6 : i32
        %dma_start3A_3074 = arith.constant 0 : i32
        %dma_start3A_3075 = tpu.memref_slice %arg12[%dma_start3A_3073, %dma_start3A_3074] : memref<32x90xf32, #tpu.memory_space<vmem>> -> memref<1x90xf32, #tpu.memory_space<vmem>>
        %dma_start3A_3076 = arith.constant 0 : i32
        %dma_start3A_3077 = tpu.memref_slice %arg3[%squeeze3A_3062, %dma_start3A_3076] : memref<100000x90xf32, #tpu.memory_space<hbm>> -> memref<1x90xf32, #tpu.memory_space<hbm>>
        %dma_start3A_3078 = arith.constant 6 : i32
        %dma_start3A_3079 = arith.constant 0 : i32
        %dma_start3A_3080 = tpu.memref_slice %arg12[%dma_start3A_3078, %dma_start3A_3079] : memref<32x90xf32, #tpu.memory_space<vmem>> -> memref<1x90xf32, #tpu.memory_space<vmem>>
        %dma_start3A_3081 = arith.constant 0 : i32
        %dma_start3A_3082 = tpu.memref_slice %arg3[%squeeze3A_3062, %dma_start3A_3081] : memref<100000x90xf32, #tpu.memory_space<hbm>> -> memref<1x90xf32, #tpu.memory_space<hbm>>
        tpu.enqueue_dma source(%dma_start3A_3082 : memref<1x90xf32, #tpu.memory_space<hbm>>) target(%dma_start3A_3080 : memref<1x90xf32, #tpu.memory_space<vmem>>) target_semaphore(%arg17 : memref<!tpu.dma_semaphore, #tpu.memory_space<semaphore_mem>>)
        %slice3A_3083 = vector.extract_strided_slice %get3A_2911 {offsets = [7], sizes = [1], strides = [1]} : vector<16xi32> to vector<1xi32>
        %squeeze3A_3084 = vector.extract %slice3A_3083[0] : i32 from vector<1xi32>
        %slice3A_3085 = vector.extract_strided_slice %get3A_2914 {offsets = [7], sizes = [1], strides = [1]} : vector<16xi32> to vector<1xi32>
        %squeeze3A_3086 = vector.extract %slice3A_3085[0] : i32 from vector<1xi32>
        %dma_start3A_3087 = arith.constant 7 : i32
        %dma_start3A_3088 = arith.constant 0 : i32
        %dma_start3A_3089 = tpu.memref_slice %arg11[%dma_start3A_3087, %dma_start3A_3088] : memref<32x90xf32, #tpu.memory_space<vmem>> -> memref<1x90xf32, #tpu.memory_space<vmem>>
        %dma_start3A_3090 = arith.constant 0 : i32
        %dma_start3A_3091 = tpu.memref_slice %arg2[%squeeze3A_3084, %dma_start3A_3090] : memref<100000x90xf32, #tpu.memory_space<hbm>> -> memref<1x90xf32, #tpu.memory_space<hbm>>
        %dma_start3A_3092 = arith.constant 7 : i32
        %dma_start3A_3093 = arith.constant 0 : i32
        %dma_start3A_3094 = tpu.memref_slice %arg11[%dma_start3A_3092, %dma_start3A_3093] : memref<32x90xf32, #tpu.memory_space<vmem>> -> memref<1x90xf32, #tpu.memory_space<vmem>>
        %dma_start3A_3095 = arith.constant 0 : i32
        %dma_start3A_3096 = tpu.memref_slice %arg2[%squeeze3A_3084, %dma_start3A_3095] : memref<100000x90xf32, #tpu.memory_space<hbm>> -> memref<1x90xf32, #tpu.memory_space<hbm>>
        tpu.enqueue_dma source(%dma_start3A_3096 : memref<1x90xf32, #tpu.memory_space<hbm>>) target(%dma_start3A_3094 : memref<1x90xf32, #tpu.memory_space<vmem>>) target_semaphore(%arg17 : memref<!tpu.dma_semaphore, #tpu.memory_space<semaphore_mem>>)
        %dma_start3A_3097 = arith.constant 7 : i32
        %dma_start3A_3098 = arith.constant 0 : i32
        %dma_start3A_3099 = tpu.memref_slice %arg12[%dma_start3A_3097, %dma_start3A_3098] : memref<32x90xf32, #tpu.memory_space<vmem>> -> memref<1x90xf32, #tpu.memory_space<vmem>>
        %dma_start3A_3100 = arith.constant 0 : i32
        %dma_start3A_3101 = tpu.memref_slice %arg3[%squeeze3A_3086, %dma_start3A_3100] : memref<100000x90xf32, #tpu.memory_space<hbm>> -> memref<1x90xf32, #tpu.memory_space<hbm>>
        %dma_start3A_3102 = arith.constant 7 : i32
        %dma_start3A_3103 = arith.constant 0 : i32
        %dma_start3A_3104 = tpu.memref_slice %arg12[%dma_start3A_3102, %dma_start3A_3103] : memref<32x90xf32, #tpu.memory_space<vmem>> -> memref<1x90xf32, #tpu.memory_space<vmem>>
        %dma_start3A_3105 = arith.constant 0 : i32
        %dma_start3A_3106 = tpu.memref_slice %arg3[%squeeze3A_3086, %dma_start3A_3105] : memref<100000x90xf32, #tpu.memory_space<hbm>> -> memref<1x90xf32, #tpu.memory_space<hbm>>
        tpu.enqueue_dma source(%dma_start3A_3106 : memref<1x90xf32, #tpu.memory_space<hbm>>) target(%dma_start3A_3104 : memref<1x90xf32, #tpu.memory_space<vmem>>) target_semaphore(%arg17 : memref<!tpu.dma_semaphore, #tpu.memory_space<semaphore_mem>>)
        %slice3A_3107 = vector.extract_strided_slice %get3A_2911 {offsets = [8], sizes = [1], strides = [1]} : vector<16xi32> to vector<1xi32>
        %squeeze3A_3108 = vector.extract %slice3A_3107[0] : i32 from vector<1xi32>
        %slice3A_3109 = vector.extract_strided_slice %get3A_2914 {offsets = [8], sizes = [1], strides = [1]} : vector<16xi32> to vector<1xi32>
        %squeeze3A_3110 = vector.extract %slice3A_3109[0] : i32 from vector<1xi32>
        %dma_start3A_3111 = arith.constant 8 : i32
        %dma_start3A_3112 = arith.constant 0 : i32
        %dma_start3A_3113 = tpu.memref_slice %arg11[%dma_start3A_3111, %dma_start3A_3112] : memref<32x90xf32, #tpu.memory_space<vmem>> -> memref<1x90xf32, #tpu.memory_space<vmem>>
        %dma_start3A_3114 = arith.constant 0 : i32
        %dma_start3A_3115 = tpu.memref_slice %arg2[%squeeze3A_3108, %dma_start3A_3114] : memref<100000x90xf32, #tpu.memory_space<hbm>> -> memref<1x90xf32, #tpu.memory_space<hbm>>
        %dma_start3A_3116 = arith.constant 8 : i32
        %dma_start3A_3117 = arith.constant 0 : i32
        %dma_start3A_3118 = tpu.memref_slice %arg11[%dma_start3A_3116, %dma_start3A_3117] : memref<32x90xf32, #tpu.memory_space<vmem>> -> memref<1x90xf32, #tpu.memory_space<vmem>>
        %dma_start3A_3119 = arith.constant 0 : i32
        %dma_start3A_3120 = tpu.memref_slice %arg2[%squeeze3A_3108, %dma_start3A_3119] : memref<100000x90xf32, #tpu.memory_space<hbm>> -> memref<1x90xf32, #tpu.memory_space<hbm>>
        tpu.enqueue_dma source(%dma_start3A_3120 : memref<1x90xf32, #tpu.memory_space<hbm>>) target(%dma_start3A_3118 : memref<1x90xf32, #tpu.memory_space<vmem>>) target_semaphore(%arg17 : memref<!tpu.dma_semaphore, #tpu.memory_space<semaphore_mem>>)
        %dma_start3A_3121 = arith.constant 8 : i32
        %dma_start3A_3122 = arith.constant 0 : i32
        %dma_start3A_3123 = tpu.memref_slice %arg12[%dma_start3A_3121, %dma_start3A_3122] : memref<32x90xf32, #tpu.memory_space<vmem>> -> memref<1x90xf32, #tpu.memory_space<vmem>>
        %dma_start3A_3124 = arith.constant 0 : i32
        %dma_start3A_3125 = tpu.memref_slice %arg3[%squeeze3A_3110, %dma_start3A_3124] : memref<100000x90xf32, #tpu.memory_space<hbm>> -> memref<1x90xf32, #tpu.memory_space<hbm>>
        %dma_start3A_3126 = arith.constant 8 : i32
        %dma_start3A_3127 = arith.constant 0 : i32
        %dma_start3A_3128 = tpu.memref_slice %arg12[%dma_start3A_3126, %dma_start3A_3127] : memref<32x90xf32, #tpu.memory_space<vmem>> -> memref<1x90xf32, #tpu.memory_space<vmem>>
        %dma_start3A_3129 = arith.constant 0 : i32
        %dma_start3A_3130 = tpu.memref_slice %arg3[%squeeze3A_3110, %dma_start3A_3129] : memref<100000x90xf32, #tpu.memory_space<hbm>> -> memref<1x90xf32, #tpu.memory_space<hbm>>
        tpu.enqueue_dma source(%dma_start3A_3130 : memref<1x90xf32, #tpu.memory_space<hbm>>) target(%dma_start3A_3128 : memref<1x90xf32, #tpu.memory_space<vmem>>) target_semaphore(%arg17 : memref<!tpu.dma_semaphore, #tpu.memory_space<semaphore_mem>>)
        %slice3A_3131 = vector.extract_strided_slice %get3A_2911 {offsets = [9], sizes = [1], strides = [1]} : vector<16xi32> to vector<1xi32>
        %squeeze3A_3132 = vector.extract %slice3A_3131[0] : i32 from vector<1xi32>
        %slice3A_3133 = vector.extract_strided_slice %get3A_2914 {offsets = [9], sizes = [1], strides = [1]} : vector<16xi32> to vector<1xi32>
        %squeeze3A_3134 = vector.extract %slice3A_3133[0] : i32 from vector<1xi32>
        %dma_start3A_3135 = arith.constant 9 : i32
        %dma_start3A_3136 = arith.constant 0 : i32
        %dma_start3A_3137 = tpu.memref_slice %arg11[%dma_start3A_3135, %dma_start3A_3136] : memref<32x90xf32, #tpu.memory_space<vmem>> -> memref<1x90xf32, #tpu.memory_space<vmem>>
        %dma_start3A_3138 = arith.constant 0 : i32
        %dma_start3A_3139 = tpu.memref_slice %arg2[%squeeze3A_3132, %dma_start3A_3138] : memref<100000x90xf32, #tpu.memory_space<hbm>> -> memref<1x90xf32, #tpu.memory_space<hbm>>
        %dma_start3A_3140 = arith.constant 9 : i32
        %dma_start3A_3141 = arith.constant 0 : i32
        %dma_start3A_3142 = tpu.memref_slice %arg11[%dma_start3A_3140, %dma_start3A_3141] : memref<32x90xf32, #tpu.memory_space<vmem>> -> memref<1x90xf32, #tpu.memory_space<vmem>>
        %dma_start3A_3143 = arith.constant 0 : i32
        %dma_start3A_3144 = tpu.memref_slice %arg2[%squeeze3A_3132, %dma_start3A_3143] : memref<100000x90xf32, #tpu.memory_space<hbm>> -> memref<1x90xf32, #tpu.memory_space<hbm>>
        tpu.enqueue_dma source(%dma_start3A_3144 : memref<1x90xf32, #tpu.memory_space<hbm>>) target(%dma_start3A_3142 : memref<1x90xf32, #tpu.memory_space<vmem>>) target_semaphore(%arg17 : memref<!tpu.dma_semaphore, #tpu.memory_space<semaphore_mem>>)
        %dma_start3A_3145 = arith.constant 9 : i32
        %dma_start3A_3146 = arith.constant 0 : i32
        %dma_start3A_3147 = tpu.memref_slice %arg12[%dma_start3A_3145, %dma_start3A_3146] : memref<32x90xf32, #tpu.memory_space<vmem>> -> memref<1x90xf32, #tpu.memory_space<vmem>>
        %dma_start3A_3148 = arith.constant 0 : i32
        %dma_start3A_3149 = tpu.memref_slice %arg3[%squeeze3A_3134, %dma_start3A_3148] : memref<100000x90xf32, #tpu.memory_space<hbm>> -> memref<1x90xf32, #tpu.memory_space<hbm>>
        %dma_start3A_3150 = arith.constant 9 : i32
        %dma_start3A_3151 = arith.constant 0 : i32
        %dma_start3A_3152 = tpu.memref_slice %arg12[%dma_start3A_3150, %dma_start3A_3151] : memref<32x90xf32, #tpu.memory_space<vmem>> -> memref<1x90xf32, #tpu.memory_space<vmem>>
        %dma_start3A_3153 = arith.constant 0 : i32
        %dma_start3A_3154 = tpu.memref_slice %arg3[%squeeze3A_3134, %dma_start3A_3153] : memref<100000x90xf32, #tpu.memory_space<hbm>> -> memref<1x90xf32, #tpu.memory_space<hbm>>
        tpu.enqueue_dma source(%dma_start3A_3154 : memref<1x90xf32, #tpu.memory_space<hbm>>) target(%dma_start3A_3152 : memref<1x90xf32, #tpu.memory_space<vmem>>) target_semaphore(%arg17 : memref<!tpu.dma_semaphore, #tpu.memory_space<semaphore_mem>>)
        %slice3A_3155 = vector.extract_strided_slice %get3A_2911 {offsets = [10], sizes = [1], strides = [1]} : vector<16xi32> to vector<1xi32>
        %squeeze3A_3156 = vector.extract %slice3A_3155[0] : i32 from vector<1xi32>
        %slice3A_3157 = vector.extract_strided_slice %get3A_2914 {offsets = [10], sizes = [1], strides = [1]} : vector<16xi32> to vector<1xi32>
        %squeeze3A_3158 = vector.extract %slice3A_3157[0] : i32 from vector<1xi32>
        %dma_start3A_3159 = arith.constant 10 : i32
        %dma_start3A_3160 = arith.constant 0 : i32
        %dma_start3A_3161 = tpu.memref_slice %arg11[%dma_start3A_3159, %dma_start3A_3160] : memref<32x90xf32, #tpu.memory_space<vmem>> -> memref<1x90xf32, #tpu.memory_space<vmem>>
        %dma_start3A_3162 = arith.constant 0 : i32
        %dma_start3A_3163 = tpu.memref_slice %arg2[%squeeze3A_3156, %dma_start3A_3162] : memref<100000x90xf32, #tpu.memory_space<hbm>> -> memref<1x90xf32, #tpu.memory_space<hbm>>
        %dma_start3A_3164 = arith.constant 10 : i32
        %dma_start3A_3165 = arith.constant 0 : i32
        %dma_start3A_3166 = tpu.memref_slice %arg11[%dma_start3A_3164, %dma_start3A_3165] : memref<32x90xf32, #tpu.memory_space<vmem>> -> memref<1x90xf32, #tpu.memory_space<vmem>>
        %dma_start3A_3167 = arith.constant 0 : i32
        %dma_start3A_3168 = tpu.memref_slice %arg2[%squeeze3A_3156, %dma_start3A_3167] : memref<100000x90xf32, #tpu.memory_space<hbm>> -> memref<1x90xf32, #tpu.memory_space<hbm>>
        tpu.enqueue_dma source(%dma_start3A_3168 : memref<1x90xf32, #tpu.memory_space<hbm>>) target(%dma_start3A_3166 : memref<1x90xf32, #tpu.memory_space<vmem>>) target_semaphore(%arg17 : memref<!tpu.dma_semaphore, #tpu.memory_space<semaphore_mem>>)
        %dma_start3A_3169 = arith.constant 10 : i32
        %dma_start3A_3170 = arith.constant 0 : i32
        %dma_start3A_3171 = tpu.memref_slice %arg12[%dma_start3A_3169, %dma_start3A_3170] : memref<32x90xf32, #tpu.memory_space<vmem>> -> memref<1x90xf32, #tpu.memory_space<vmem>>
        %dma_start3A_3172 = arith.constant 0 : i32
        %dma_start3A_3173 = tpu.memref_slice %arg3[%squeeze3A_3158, %dma_start3A_3172] : memref<100000x90xf32, #tpu.memory_space<hbm>> -> memref<1x90xf32, #tpu.memory_space<hbm>>
        %dma_start3A_3174 = arith.constant 10 : i32
        %dma_start3A_3175 = arith.constant 0 : i32
        %dma_start3A_3176 = tpu.memref_slice %arg12[%dma_start3A_3174, %dma_start3A_3175] : memref<32x90xf32, #tpu.memory_space<vmem>> -> memref<1x90xf32, #tpu.memory_space<vmem>>
        %dma_start3A_3177 = arith.constant 0 : i32
        %dma_start3A_3178 = tpu.memref_slice %arg3[%squeeze3A_3158, %dma_start3A_3177] : memref<100000x90xf32, #tpu.memory_space<hbm>> -> memref<1x90xf32, #tpu.memory_space<hbm>>
        tpu.enqueue_dma source(%dma_start3A_3178 : memref<1x90xf32, #tpu.memory_space<hbm>>) target(%dma_start3A_3176 : memref<1x90xf32, #tpu.memory_space<vmem>>) target_semaphore(%arg17 : memref<!tpu.dma_semaphore, #tpu.memory_space<semaphore_mem>>)
        %slice3A_3179 = vector.extract_strided_slice %get3A_2911 {offsets = [11], sizes = [1], strides = [1]} : vector<16xi32> to vector<1xi32>
        %squeeze3A_3180 = vector.extract %slice3A_3179[0] : i32 from vector<1xi32>
        %slice3A_3181 = vector.extract_strided_slice %get3A_2914 {offsets = [11], sizes = [1], strides = [1]} : vector<16xi32> to vector<1xi32>
        %squeeze3A_3182 = vector.extract %slice3A_3181[0] : i32 from vector<1xi32>
        %dma_start3A_3183 = arith.constant 11 : i32
        %dma_start3A_3184 = arith.constant 0 : i32
        %dma_start3A_3185 = tpu.memref_slice %arg11[%dma_start3A_3183, %dma_start3A_3184] : memref<32x90xf32, #tpu.memory_space<vmem>> -> memref<1x90xf32, #tpu.memory_space<vmem>>
        %dma_start3A_3186 = arith.constant 0 : i32
        %dma_start3A_3187 = tpu.memref_slice %arg2[%squeeze3A_3180, %dma_start3A_3186] : memref<100000x90xf32, #tpu.memory_space<hbm>> -> memref<1x90xf32, #tpu.memory_space<hbm>>
        %dma_start3A_3188 = arith.constant 11 : i32
        %dma_start3A_3189 = arith.constant 0 : i32
        %dma_start3A_3190 = tpu.memref_slice %arg11[%dma_start3A_3188, %dma_start3A_3189] : memref<32x90xf32, #tpu.memory_space<vmem>> -> memref<1x90xf32, #tpu.memory_space<vmem>>
        %dma_start3A_3191 = arith.constant 0 : i32
        %dma_start3A_3192 = tpu.memref_slice %arg2[%squeeze3A_3180, %dma_start3A_3191] : memref<100000x90xf32, #tpu.memory_space<hbm>> -> memref<1x90xf32, #tpu.memory_space<hbm>>
        tpu.enqueue_dma source(%dma_start3A_3192 : memref<1x90xf32, #tpu.memory_space<hbm>>) target(%dma_start3A_3190 : memref<1x90xf32, #tpu.memory_space<vmem>>) target_semaphore(%arg17 : memref<!tpu.dma_semaphore, #tpu.memory_space<semaphore_mem>>)
        %dma_start3A_3193 = arith.constant 11 : i32
        %dma_start3A_3194 = arith.constant 0 : i32
        %dma_start3A_3195 = tpu.memref_slice %arg12[%dma_start3A_3193, %dma_start3A_3194] : memref<32x90xf32, #tpu.memory_space<vmem>> -> memref<1x90xf32, #tpu.memory_space<vmem>>
        %dma_start3A_3196 = arith.constant 0 : i32
        %dma_start3A_3197 = tpu.memref_slice %arg3[%squeeze3A_3182, %dma_start3A_3196] : memref<100000x90xf32, #tpu.memory_space<hbm>> -> memref<1x90xf32, #tpu.memory_space<hbm>>
        %dma_start3A_3198 = arith.constant 11 : i32
        %dma_start3A_3199 = arith.constant 0 : i32
        %dma_start3A_3200 = tpu.memref_slice %arg12[%dma_start3A_3198, %dma_start3A_3199] : memref<32x90xf32, #tpu.memory_space<vmem>> -> memref<1x90xf32, #tpu.memory_space<vmem>>
        %dma_start3A_3201 = arith.constant 0 : i32
        %dma_start3A_3202 = tpu.memref_slice %arg3[%squeeze3A_3182, %dma_start3A_3201] : memref<100000x90xf32, #tpu.memory_space<hbm>> -> memref<1x90xf32, #tpu.memory_space<hbm>>
        tpu.enqueue_dma source(%dma_start3A_3202 : memref<1x90xf32, #tpu.memory_space<hbm>>) target(%dma_start3A_3200 : memref<1x90xf32, #tpu.memory_space<vmem>>) target_semaphore(%arg17 : memref<!tpu.dma_semaphore, #tpu.memory_space<semaphore_mem>>)
        %slice3A_3203 = vector.extract_strided_slice %get3A_2911 {offsets = [12], sizes = [1], strides = [1]} : vector<16xi32> to vector<1xi32>
        %squeeze3A_3204 = vector.extract %slice3A_3203[0] : i32 from vector<1xi32>
        %slice3A_3205 = vector.extract_strided_slice %get3A_2914 {offsets = [12], sizes = [1], strides = [1]} : vector<16xi32> to vector<1xi32>
        %squeeze3A_3206 = vector.extract %slice3A_3205[0] : i32 from vector<1xi32>
        %dma_start3A_3207 = arith.constant 12 : i32
        %dma_start3A_3208 = arith.constant 0 : i32
        %dma_start3A_3209 = tpu.memref_slice %arg11[%dma_start3A_3207, %dma_start3A_3208] : memref<32x90xf32, #tpu.memory_space<vmem>> -> memref<1x90xf32, #tpu.memory_space<vmem>>
        %dma_start3A_3210 = arith.constant 0 : i32
        %dma_start3A_3211 = tpu.memref_slice %arg2[%squeeze3A_3204, %dma_start3A_3210] : memref<100000x90xf32, #tpu.memory_space<hbm>> -> memref<1x90xf32, #tpu.memory_space<hbm>>
        %dma_start3A_3212 = arith.constant 12 : i32
        %dma_start3A_3213 = arith.constant 0 : i32
        %dma_start3A_3214 = tpu.memref_slice %arg11[%dma_start3A_3212, %dma_start3A_3213] : memref<32x90xf32, #tpu.memory_space<vmem>> -> memref<1x90xf32, #tpu.memory_space<vmem>>
        %dma_start3A_3215 = arith.constant 0 : i32
        %dma_start3A_3216 = tpu.memref_slice %arg2[%squeeze3A_3204, %dma_start3A_3215] : memref<100000x90xf32, #tpu.memory_space<hbm>> -> memref<1x90xf32, #tpu.memory_space<hbm>>
        tpu.enqueue_dma source(%dma_start3A_3216 : memref<1x90xf32, #tpu.memory_space<hbm>>) target(%dma_start3A_3214 : memref<1x90xf32, #tpu.memory_space<vmem>>) target_semaphore(%arg17 : memref<!tpu.dma_semaphore, #tpu.memory_space<semaphore_mem>>)
        %dma_start3A_3217 = arith.constant 12 : i32
        %dma_start3A_3218 = arith.constant 0 : i32
        %dma_start3A_3219 = tpu.memref_slice %arg12[%dma_start3A_3217, %dma_start3A_3218] : memref<32x90xf32, #tpu.memory_space<vmem>> -> memref<1x90xf32, #tpu.memory_space<vmem>>
        %dma_start3A_3220 = arith.constant 0 : i32
        %dma_start3A_3221 = tpu.memref_slice %arg3[%squeeze3A_3206, %dma_start3A_3220] : memref<100000x90xf32, #tpu.memory_space<hbm>> -> memref<1x90xf32, #tpu.memory_space<hbm>>
        %dma_start3A_3222 = arith.constant 12 : i32
        %dma_start3A_3223 = arith.constant 0 : i32
        %dma_start3A_3224 = tpu.memref_slice %arg12[%dma_start3A_3222, %dma_start3A_3223] : memref<32x90xf32, #tpu.memory_space<vmem>> -> memref<1x90xf32, #tpu.memory_space<vmem>>
        %dma_start3A_3225 = arith.constant 0 : i32
        %dma_start3A_3226 = tpu.memref_slice %arg3[%squeeze3A_3206, %dma_start3A_3225] : memref<100000x90xf32, #tpu.memory_space<hbm>> -> memref<1x90xf32, #tpu.memory_space<hbm>>
        tpu.enqueue_dma source(%dma_start3A_3226 : memref<1x90xf32, #tpu.memory_space<hbm>>) target(%dma_start3A_3224 : memref<1x90xf32, #tpu.memory_space<vmem>>) target_semaphore(%arg17 : memref<!tpu.dma_semaphore, #tpu.memory_space<semaphore_mem>>)
        %slice3A_3227 = vector.extract_strided_slice %get3A_2911 {offsets = [13], sizes = [1], strides = [1]} : vector<16xi32> to vector<1xi32>
        %squeeze3A_3228 = vector.extract %slice3A_3227[0] : i32 from vector<1xi32>
        %slice3A_3229 = vector.extract_strided_slice %get3A_2914 {offsets = [13], sizes = [1], strides = [1]} : vector<16xi32> to vector<1xi32>
        %squeeze3A_3230 = vector.extract %slice3A_3229[0] : i32 from vector<1xi32>
        %dma_start3A_3231 = arith.constant 13 : i32
        %dma_start3A_3232 = arith.constant 0 : i32
        %dma_start3A_3233 = tpu.memref_slice %arg11[%dma_start3A_3231, %dma_start3A_3232] : memref<32x90xf32, #tpu.memory_space<vmem>> -> memref<1x90xf32, #tpu.memory_space<vmem>>
        %dma_start3A_3234 = arith.constant 0 : i32
        %dma_start3A_3235 = tpu.memref_slice %arg2[%squeeze3A_3228, %dma_start3A_3234] : memref<100000x90xf32, #tpu.memory_space<hbm>> -> memref<1x90xf32, #tpu.memory_space<hbm>>
        %dma_start3A_3236 = arith.constant 13 : i32
        %dma_start3A_3237 = arith.constant 0 : i32
        %dma_start3A_3238 = tpu.memref_slice %arg11[%dma_start3A_3236, %dma_start3A_3237] : memref<32x90xf32, #tpu.memory_space<vmem>> -> memref<1x90xf32, #tpu.memory_space<vmem>>
        %dma_start3A_3239 = arith.constant 0 : i32
        %dma_start3A_3240 = tpu.memref_slice %arg2[%squeeze3A_3228, %dma_start3A_3239] : memref<100000x90xf32, #tpu.memory_space<hbm>> -> memref<1x90xf32, #tpu.memory_space<hbm>>
        tpu.enqueue_dma source(%dma_start3A_3240 : memref<1x90xf32, #tpu.memory_space<hbm>>) target(%dma_start3A_3238 : memref<1x90xf32, #tpu.memory_space<vmem>>) target_semaphore(%arg17 : memref<!tpu.dma_semaphore, #tpu.memory_space<semaphore_mem>>)
        %dma_start3A_3241 = arith.constant 13 : i32
        %dma_start3A_3242 = arith.constant 0 : i32
        %dma_start3A_3243 = tpu.memref_slice %arg12[%dma_start3A_3241, %dma_start3A_3242] : memref<32x90xf32, #tpu.memory_space<vmem>> -> memref<1x90xf32, #tpu.memory_space<vmem>>
        %dma_start3A_3244 = arith.constant 0 : i32
        %dma_start3A_3245 = tpu.memref_slice %arg3[%squeeze3A_3230, %dma_start3A_3244] : memref<100000x90xf32, #tpu.memory_space<hbm>> -> memref<1x90xf32, #tpu.memory_space<hbm>>
        %dma_start3A_3246 = arith.constant 13 : i32
        %dma_start3A_3247 = arith.constant 0 : i32
        %dma_start3A_3248 = tpu.memref_slice %arg12[%dma_start3A_3246, %dma_start3A_3247] : memref<32x90xf32, #tpu.memory_space<vmem>> -> memref<1x90xf32, #tpu.memory_space<vmem>>
        %dma_start3A_3249 = arith.constant 0 : i32
        %dma_start3A_3250 = tpu.memref_slice %arg3[%squeeze3A_3230, %dma_start3A_3249] : memref<100000x90xf32, #tpu.memory_space<hbm>> -> memref<1x90xf32, #tpu.memory_space<hbm>>
        tpu.enqueue_dma source(%dma_start3A_3250 : memref<1x90xf32, #tpu.memory_space<hbm>>) target(%dma_start3A_3248 : memref<1x90xf32, #tpu.memory_space<vmem>>) target_semaphore(%arg17 : memref<!tpu.dma_semaphore, #tpu.memory_space<semaphore_mem>>)
        %slice3A_3251 = vector.extract_strided_slice %get3A_2911 {offsets = [14], sizes = [1], strides = [1]} : vector<16xi32> to vector<1xi32>
        %squeeze3A_3252 = vector.extract %slice3A_3251[0] : i32 from vector<1xi32>
        %slice3A_3253 = vector.extract_strided_slice %get3A_2914 {offsets = [14], sizes = [1], strides = [1]} : vector<16xi32> to vector<1xi32>
        %squeeze3A_3254 = vector.extract %slice3A_3253[0] : i32 from vector<1xi32>
        %dma_start3A_3255 = arith.constant 14 : i32
        %dma_start3A_3256 = arith.constant 0 : i32
        %dma_start3A_3257 = tpu.memref_slice %arg11[%dma_start3A_3255, %dma_start3A_3256] : memref<32x90xf32, #tpu.memory_space<vmem>> -> memref<1x90xf32, #tpu.memory_space<vmem>>
        %dma_start3A_3258 = arith.constant 0 : i32
        %dma_start3A_3259 = tpu.memref_slice %arg2[%squeeze3A_3252, %dma_start3A_3258] : memref<100000x90xf32, #tpu.memory_space<hbm>> -> memref<1x90xf32, #tpu.memory_space<hbm>>
        %dma_start3A_3260 = arith.constant 14 : i32
        %dma_start3A_3261 = arith.constant 0 : i32
        %dma_start3A_3262 = tpu.memref_slice %arg11[%dma_start3A_3260, %dma_start3A_3261] : memref<32x90xf32, #tpu.memory_space<vmem>> -> memref<1x90xf32, #tpu.memory_space<vmem>>
        %dma_start3A_3263 = arith.constant 0 : i32
        %dma_start3A_3264 = tpu.memref_slice %arg2[%squeeze3A_3252, %dma_start3A_3263] : memref<100000x90xf32, #tpu.memory_space<hbm>> -> memref<1x90xf32, #tpu.memory_space<hbm>>
        tpu.enqueue_dma source(%dma_start3A_3264 : memref<1x90xf32, #tpu.memory_space<hbm>>) target(%dma_start3A_3262 : memref<1x90xf32, #tpu.memory_space<vmem>>) target_semaphore(%arg17 : memref<!tpu.dma_semaphore, #tpu.memory_space<semaphore_mem>>)
        %dma_start3A_3265 = arith.constant 14 : i32
        %dma_start3A_3266 = arith.constant 0 : i32
        %dma_start3A_3267 = tpu.memref_slice %arg12[%dma_start3A_3265, %dma_start3A_3266] : memref<32x90xf32, #tpu.memory_space<vmem>> -> memref<1x90xf32, #tpu.memory_space<vmem>>
        %dma_start3A_3268 = arith.constant 0 : i32
        %dma_start3A_3269 = tpu.memref_slice %arg3[%squeeze3A_3254, %dma_start3A_3268] : memref<100000x90xf32, #tpu.memory_space<hbm>> -> memref<1x90xf32, #tpu.memory_space<hbm>>
        %dma_start3A_3270 = arith.constant 14 : i32
        %dma_start3A_3271 = arith.constant 0 : i32
        %dma_start3A_3272 = tpu.memref_slice %arg12[%dma_start3A_3270, %dma_start3A_3271] : memref<32x90xf32, #tpu.memory_space<vmem>> -> memref<1x90xf32, #tpu.memory_space<vmem>>
        %dma_start3A_3273 = arith.constant 0 : i32
        %dma_start3A_3274 = tpu.memref_slice %arg3[%squeeze3A_3254, %dma_start3A_3273] : memref<100000x90xf32, #tpu.memory_space<hbm>> -> memref<1x90xf32, #tpu.memory_space<hbm>>
        tpu.enqueue_dma source(%dma_start3A_3274 : memref<1x90xf32, #tpu.memory_space<hbm>>) target(%dma_start3A_3272 : memref<1x90xf32, #tpu.memory_space<vmem>>) target_semaphore(%arg17 : memref<!tpu.dma_semaphore, #tpu.memory_space<semaphore_mem>>)
        %slice3A_3275 = vector.extract_strided_slice %get3A_2911 {offsets = [15], sizes = [1], strides = [1]} : vector<16xi32> to vector<1xi32>
        %squeeze3A_3276 = vector.extract %slice3A_3275[0] : i32 from vector<1xi32>
        %slice3A_3277 = vector.extract_strided_slice %get3A_2914 {offsets = [15], sizes = [1], strides = [1]} : vector<16xi32> to vector<1xi32>
        %squeeze3A_3278 = vector.extract %slice3A_3277[0] : i32 from vector<1xi32>
        %dma_start3A_3279 = arith.constant 15 : i32
        %dma_start3A_3280 = arith.constant 0 : i32
        %dma_start3A_3281 = tpu.memref_slice %arg11[%dma_start3A_3279, %dma_start3A_3280] : memref<32x90xf32, #tpu.memory_space<vmem>> -> memref<1x90xf32, #tpu.memory_space<vmem>>
        %dma_start3A_3282 = arith.constant 0 : i32
        %dma_start3A_3283 = tpu.memref_slice %arg2[%squeeze3A_3276, %dma_start3A_3282] : memref<100000x90xf32, #tpu.memory_space<hbm>> -> memref<1x90xf32, #tpu.memory_space<hbm>>
        %dma_start3A_3284 = arith.constant 15 : i32
        %dma_start3A_3285 = arith.constant 0 : i32
        %dma_start3A_3286 = tpu.memref_slice %arg11[%dma_start3A_3284, %dma_start3A_3285] : memref<32x90xf32, #tpu.memory_space<vmem>> -> memref<1x90xf32, #tpu.memory_space<vmem>>
        %dma_start3A_3287 = arith.constant 0 : i32
        %dma_start3A_3288 = tpu.memref_slice %arg2[%squeeze3A_3276, %dma_start3A_3287] : memref<100000x90xf32, #tpu.memory_space<hbm>> -> memref<1x90xf32, #tpu.memory_space<hbm>>
        tpu.enqueue_dma source(%dma_start3A_3288 : memref<1x90xf32, #tpu.memory_space<hbm>>) target(%dma_start3A_3286 : memref<1x90xf32, #tpu.memory_space<vmem>>) target_semaphore(%arg17 : memref<!tpu.dma_semaphore, #tpu.memory_space<semaphore_mem>>)
        %dma_start3A_3289 = arith.constant 15 : i32
        %dma_start3A_3290 = arith.constant 0 : i32
        %dma_start3A_3291 = tpu.memref_slice %arg12[%dma_start3A_3289, %dma_start3A_3290] : memref<32x90xf32, #tpu.memory_space<vmem>> -> memref<1x90xf32, #tpu.memory_space<vmem>>
        %dma_start3A_3292 = arith.constant 0 : i32
        %dma_start3A_3293 = tpu.memref_slice %arg3[%squeeze3A_3278, %dma_start3A_3292] : memref<100000x90xf32, #tpu.memory_space<hbm>> -> memref<1x90xf32, #tpu.memory_space<hbm>>
        %dma_start3A_3294 = arith.constant 15 : i32
        %dma_start3A_3295 = arith.constant 0 : i32
        %dma_start3A_3296 = tpu.memref_slice %arg12[%dma_start3A_3294, %dma_start3A_3295] : memref<32x90xf32, #tpu.memory_space<vmem>> -> memref<1x90xf32, #tpu.memory_space<vmem>>
        %dma_start3A_3297 = arith.constant 0 : i32
        %dma_start3A_3298 = tpu.memref_slice %arg3[%squeeze3A_3278, %dma_start3A_3297] : memref<100000x90xf32, #tpu.memory_space<hbm>> -> memref<1x90xf32, #tpu.memory_space<hbm>>
        tpu.enqueue_dma source(%dma_start3A_3298 : memref<1x90xf32, #tpu.memory_space<hbm>>) target(%dma_start3A_3296 : memref<1x90xf32, #tpu.memory_space<vmem>>) target_semaphore(%arg17 : memref<!tpu.dma_semaphore, #tpu.memory_space<semaphore_mem>>)
      } else {
      }
      %dma_wait3A_1726 = arith.constant 16 : i32
      %dma_wait3A_1727 = arith.constant 0 : i32
      %dma_wait3A_1728 = tpu.memref_slice %arg11[%dma_wait3A_1726, %dma_wait3A_1727] : memref<32x90xf32, #tpu.memory_space<vmem>> -> memref<16x90xf32, #tpu.memory_space<vmem>>
      %dma_wait3A_1729 = arith.constant 0 : i32
      %dma_wait3A_1730 = arith.constant 0 : i32
      %dma_wait3A_1731 = tpu.memref_slice %arg2[%dma_wait3A_1729, %dma_wait3A_1730] : memref<100000x90xf32, #tpu.memory_space<hbm>> -> memref<16x90xf32, #tpu.memory_space<hbm>>
      %dma_wait3A_1732 = arith.constant 16 : i32
      %dma_wait3A_1733 = arith.constant 0 : i32
      %dma_wait3A_1734 = tpu.memref_slice %arg11[%dma_wait3A_1732, %dma_wait3A_1733] : memref<32x90xf32, #tpu.memory_space<vmem>> -> memref<16x90xf32, #tpu.memory_space<vmem>>
      %dma_wait3A_1735 = arith.constant 0 : i32
      %dma_wait3A_1736 = arith.constant 0 : i32
      %dma_wait3A_1737 = tpu.memref_slice %arg2[%dma_wait3A_1735, %dma_wait3A_1736] : memref<100000x90xf32, #tpu.memory_space<hbm>> -> memref<16x90xf32, #tpu.memory_space<hbm>>
      tpu.wait_dma2 semaphore(%arg18 : memref<!tpu.dma_semaphore, #tpu.memory_space<semaphore_mem>>) src(%dma_wait3A_1737 : memref<16x90xf32, #tpu.memory_space<hbm>>) dst(%dma_wait3A_1734 : memref<16x90xf32, #tpu.memory_space<vmem>>)
      %dma_wait3A_1738 = arith.constant 16 : i32
      %dma_wait3A_1739 = arith.constant 0 : i32
      %dma_wait3A_1740 = tpu.memref_slice %arg12[%dma_wait3A_1738, %dma_wait3A_1739] : memref<32x90xf32, #tpu.memory_space<vmem>> -> memref<16x90xf32, #tpu.memory_space<vmem>>
      %dma_wait3A_1741 = arith.constant 0 : i32
      %dma_wait3A_1742 = arith.constant 0 : i32
      %dma_wait3A_1743 = tpu.memref_slice %arg3[%dma_wait3A_1741, %dma_wait3A_1742] : memref<100000x90xf32, #tpu.memory_space<hbm>> -> memref<16x90xf32, #tpu.memory_space<hbm>>
      %dma_wait3A_1744 = arith.constant 16 : i32
      %dma_wait3A_1745 = arith.constant 0 : i32
      %dma_wait3A_1746 = tpu.memref_slice %arg12[%dma_wait3A_1744, %dma_wait3A_1745] : memref<32x90xf32, #tpu.memory_space<vmem>> -> memref<16x90xf32, #tpu.memory_space<vmem>>
      %dma_wait3A_1747 = arith.constant 0 : i32
      %dma_wait3A_1748 = arith.constant 0 : i32
      %dma_wait3A_1749 = tpu.memref_slice %arg3[%dma_wait3A_1747, %dma_wait3A_1748] : memref<100000x90xf32, #tpu.memory_space<hbm>> -> memref<16x90xf32, #tpu.memory_space<hbm>>
      tpu.wait_dma2 semaphore(%arg18 : memref<!tpu.dma_semaphore, #tpu.memory_space<semaphore_mem>>) src(%dma_wait3A_1749 : memref<16x90xf32, #tpu.memory_space<hbm>>) dst(%dma_wait3A_1746 : memref<16x90xf32, #tpu.memory_space<vmem>>)
      %get3A_1750 = arith.constant 16 : i32
      %get3A_1751 = arith.index_cast %get3A_1750 : i32 to index
      %get3A_1752 = arith.constant 0 : index
      %get3A_1753 = tpu.vector_load %arg11[%get3A_1751, %get3A_1752] {strides = array<i32>} : memref<32x90xf32, #tpu.memory_space<vmem>>, vector<16xf32>,
      %get3A_1754 = arith.constant 16 : i32
      %get3A_1755 = arith.index_cast %get3A_1754 : i32 to index
      %get3A_1756 = arith.constant 0 : index
      %get3A_1757 = tpu.vector_load %arg12[%get3A_1755, %get3A_1756] {strides = array<i32>} : memref<32x90xf32, #tpu.memory_space<vmem>>, vector<16xf32>,
      %mul3A_1758 = arith.mulf %get3A_1753, %get3A_1757 : vector<16xf32>
      %get3A_1759 = arith.constant 16 : i32
      %get3A_1760 = arith.index_cast %get3A_1759 : i32 to index
      %get3A_1761 = arith.constant 16 : index
      %get3A_1762 = tpu.vector_load %arg11[%get3A_1760, %get3A_1761] {strides = array<i32>} : memref<32x90xf32, #tpu.memory_space<vmem>>, vector<16xf32>,
      %get3A_1763 = arith.constant 16 : i32
      %get3A_1764 = arith.index_cast %get3A_1763 : i32 to index
      %get3A_1765 = arith.constant 16 : index
      %get3A_1766 = tpu.vector_load %arg12[%get3A_1764, %get3A_1765] {strides = array<i32>} : memref<32x90xf32, #tpu.memory_space<vmem>>, vector<16xf32>,
      %mul3A_1767 = arith.mulf %get3A_1762, %get3A_1766 : vector<16xf32>
      %add3A_1768 = arith.addf %mul3A_1758, %mul3A_1767 : vector<16xf32>
      %get3A_1769 = arith.constant 16 : i32
      %get3A_1770 = arith.index_cast %get3A_1769 : i32 to index
      %get3A_1771 = arith.constant 32 : index
      %get3A_1772 = tpu.vector_load %arg11[%get3A_1770, %get3A_1771] {strides = array<i32>} : memref<32x90xf32, #tpu.memory_space<vmem>>, vector<16xf32>,
      %get3A_1773 = arith.constant 16 : i32
      %get3A_1774 = arith.index_cast %get3A_1773 : i32 to index
      %get3A_1775 = arith.constant 32 : index
      %get3A_1776 = tpu.vector_load %arg12[%get3A_1774, %get3A_1775] {strides = array<i32>} : memref<32x90xf32, #tpu.memory_space<vmem>>, vector<16xf32>,
      %mul3A_1777 = arith.mulf %get3A_1772, %get3A_1776 : vector<16xf32>
      %add3A_1778 = arith.addf %add3A_1768, %mul3A_1777 : vector<16xf32>
      %get3A_1779 = arith.constant 16 : i32
      %get3A_1780 = arith.index_cast %get3A_1779 : i32 to index
      %get3A_1781 = arith.constant 48 : index
      %get3A_1782 = tpu.vector_load %arg11[%get3A_1780, %get3A_1781] {strides = array<i32>} : memref<32x90xf32, #tpu.memory_space<vmem>>, vector<16xf32>,
      %get3A_1783 = arith.constant 16 : i32
      %get3A_1784 = arith.index_cast %get3A_1783 : i32 to index
      %get3A_1785 = arith.constant 48 : index
      %get3A_1786 = tpu.vector_load %arg12[%get3A_1784, %get3A_1785] {strides = array<i32>} : memref<32x90xf32, #tpu.memory_space<vmem>>, vector<16xf32>,
      %mul3A_1787 = arith.mulf %get3A_1782, %get3A_1786 : vector<16xf32>
      %add3A_1788 = arith.addf %add3A_1778, %mul3A_1787 : vector<16xf32>
      %get3A_1789 = arith.constant 16 : i32
      %get3A_1790 = arith.index_cast %get3A_1789 : i32 to index
      %get3A_1791 = arith.constant 64 : index
      %get3A_1792 = tpu.vector_load %arg11[%get3A_1790, %get3A_1791] {strides = array<i32>} : memref<32x90xf32, #tpu.memory_space<vmem>>, vector<16xf32>,
      %get3A_1793 = arith.constant 16 : i32
      %get3A_1794 = arith.index_cast %get3A_1793 : i32 to index
      %get3A_1795 = arith.constant 64 : index
      %get3A_1796 = tpu.vector_load %arg12[%get3A_1794, %get3A_1795] {strides = array<i32>} : memref<32x90xf32, #tpu.memory_space<vmem>>, vector<16xf32>,
      %mul3A_1797 = arith.mulf %get3A_1792, %get3A_1796 : vector<16xf32>
      %add3A_1798 = arith.addf %add3A_1788, %mul3A_1797 : vector<16xf32>
      %get3A_1799 = arith.constant 16 : i32
      %get3A_1800 = arith.index_cast %get3A_1799 : i32 to index
      %get3A_1801 = arith.constant 74 : index
      %get3A_1802 = tpu.vector_load %arg11[%get3A_1800, %get3A_1801] {strides = array<i32>} : memref<32x90xf32, #tpu.memory_space<vmem>>, vector<16xf32>,
      %get3A_1803 = arith.constant 16 : i32
      %get3A_1804 = arith.index_cast %get3A_1803 : i32 to index
      %get3A_1805 = arith.constant 74 : index
      %get3A_1806 = tpu.vector_load %arg12[%get3A_1804, %get3A_1805] {strides = array<i32>} : memref<32x90xf32, #tpu.memory_space<vmem>>, vector<16xf32>,
      %mul3A_1807 = arith.mulf %get3A_1802, %get3A_1806 : vector<16xf32>
      %select_n3A_1808 = arith.select %ge3A_69, %mul3A_1807, %broadcast_in_dim3A_70 : vector<16xi1>, vector<16xf32>
      %add3A_1809 = arith.addf %add3A_1798, %select_n3A_1808 : vector<16xf32>
      %eq3A_1810 = arith.constant 0 : i32
      %eq3A_1811 = vector.broadcast %eq3A_1810 : i32 to vector<16xi32>
      %eq3A_1812 = arith.cmpi eq, %iota3A, %eq3A_1811 : vector<16xi32>
      %reduce_sum3A_1813 = arith.constant true
      %reduce_sum3A_1814 = vector.broadcast %reduce_sum3A_1813 : i1 to vector<16xi1>
      %reduce_sum3A_1815 = tpu.scan <sum>, %add3A_1809 masked %reduce_sum3A_1814 : vector<16xf32>, vector<16xi1> -> vector<16xf32>
      %reduce_sum3A_1816 = vector.extract %reduce_sum3A_1815[15] : f32 from vector<16xf32>
      %broadcast_in_dim3A_1817 = vector.broadcast %reduce_sum3A_1816 : f32 to vector<16xf32>
      %select_n3A_1818 = arith.select %eq3A_1812, %broadcast_in_dim3A_1817, %broadcast_in_dim3A_70 : vector<16xi1>, vector<16xf32>
      %get3A_1819 = arith.constant 17 : i32
      %get3A_1820 = arith.index_cast %get3A_1819 : i32 to index
      %get3A_1821 = arith.constant 0 : index
      %get3A_1822 = tpu.vector_load %arg11[%get3A_1820, %get3A_1821] {strides = array<i32>} : memref<32x90xf32, #tpu.memory_space<vmem>>, vector<16xf32>,
      %get3A_1823 = arith.constant 17 : i32
      %get3A_1824 = arith.index_cast %get3A_1823 : i32 to index
      %get3A_1825 = arith.constant 0 : index
      %get3A_1826 = tpu.vector_load %arg12[%get3A_1824, %get3A_1825] {strides = array<i32>} : memref<32x90xf32, #tpu.memory_space<vmem>>, vector<16xf32>,
      %mul3A_1827 = arith.mulf %get3A_1822, %get3A_1826 : vector<16xf32>
      %get3A_1828 = arith.constant 17 : i32
      %get3A_1829 = arith.index_cast %get3A_1828 : i32 to index
      %get3A_1830 = arith.constant 16 : index
      %get3A_1831 = tpu.vector_load %arg11[%get3A_1829, %get3A_1830] {strides = array<i32>} : memref<32x90xf32, #tpu.memory_space<vmem>>, vector<16xf32>,
      %get3A_1832 = arith.constant 17 : i32
      %get3A_1833 = arith.index_cast %get3A_1832 : i32 to index
      %get3A_1834 = arith.constant 16 : index
      %get3A_1835 = tpu.vector_load %arg12[%get3A_1833, %get3A_1834] {strides = array<i32>} : memref<32x90xf32, #tpu.memory_space<vmem>>, vector<16xf32>,
      %mul3A_1836 = arith.mulf %get3A_1831, %get3A_1835 : vector<16xf32>
      %add3A_1837 = arith.addf %mul3A_1827, %mul3A_1836 : vector<16xf32>
      %get3A_1838 = arith.constant 17 : i32
      %get3A_1839 = arith.index_cast %get3A_1838 : i32 to index
      %get3A_1840 = arith.constant 32 : index
      %get3A_1841 = tpu.vector_load %arg11[%get3A_1839, %get3A_1840] {strides = array<i32>} : memref<32x90xf32, #tpu.memory_space<vmem>>, vector<16xf32>,
      %get3A_1842 = arith.constant 17 : i32
      %get3A_1843 = arith.index_cast %get3A_1842 : i32 to index
      %get3A_1844 = arith.constant 32 : index
      %get3A_1845 = tpu.vector_load %arg12[%get3A_1843, %get3A_1844] {strides = array<i32>} : memref<32x90xf32, #tpu.memory_space<vmem>>, vector<16xf32>,
      %mul3A_1846 = arith.mulf %get3A_1841, %get3A_1845 : vector<16xf32>
      %add3A_1847 = arith.addf %add3A_1837, %mul3A_1846 : vector<16xf32>
      %get3A_1848 = arith.constant 17 : i32
      %get3A_1849 = arith.index_cast %get3A_1848 : i32 to index
      %get3A_1850 = arith.constant 48 : index
      %get3A_1851 = tpu.vector_load %arg11[%get3A_1849, %get3A_1850] {strides = array<i32>} : memref<32x90xf32, #tpu.memory_space<vmem>>, vector<16xf32>,
      %get3A_1852 = arith.constant 17 : i32
      %get3A_1853 = arith.index_cast %get3A_1852 : i32 to index
      %get3A_1854 = arith.constant 48 : index
      %get3A_1855 = tpu.vector_load %arg12[%get3A_1853, %get3A_1854] {strides = array<i32>} : memref<32x90xf32, #tpu.memory_space<vmem>>, vector<16xf32>,
      %mul3A_1856 = arith.mulf %get3A_1851, %get3A_1855 : vector<16xf32>
      %add3A_1857 = arith.addf %add3A_1847, %mul3A_1856 : vector<16xf32>
      %get3A_1858 = arith.constant 17 : i32
      %get3A_1859 = arith.index_cast %get3A_1858 : i32 to index
      %get3A_1860 = arith.constant 64 : index
      %get3A_1861 = tpu.vector_load %arg11[%get3A_1859, %get3A_1860] {strides = array<i32>} : memref<32x90xf32, #tpu.memory_space<vmem>>, vector<16xf32>,
      %get3A_1862 = arith.constant 17 : i32
      %get3A_1863 = arith.index_cast %get3A_1862 : i32 to index
      %get3A_1864 = arith.constant 64 : index
      %get3A_1865 = tpu.vector_load %arg12[%get3A_1863, %get3A_1864] {strides = array<i32>} : memref<32x90xf32, #tpu.memory_space<vmem>>, vector<16xf32>,
      %mul3A_1866 = arith.mulf %get3A_1861, %get3A_1865 : vector<16xf32>
      %add3A_1867 = arith.addf %add3A_1857, %mul3A_1866 : vector<16xf32>
      %get3A_1868 = arith.constant 17 : i32
      %get3A_1869 = arith.index_cast %get3A_1868 : i32 to index
      %get3A_1870 = arith.constant 74 : index
      %get3A_1871 = tpu.vector_load %arg11[%get3A_1869, %get3A_1870] {strides = array<i32>} : memref<32x90xf32, #tpu.memory_space<vmem>>, vector<16xf32>,
      %get3A_1872 = arith.constant 17 : i32
      %get3A_1873 = arith.index_cast %get3A_1872 : i32 to index
      %get3A_1874 = arith.constant 74 : index
      %get3A_1875 = tpu.vector_load %arg12[%get3A_1873, %get3A_1874] {strides = array<i32>} : memref<32x90xf32, #tpu.memory_space<vmem>>, vector<16xf32>,
      %mul3A_1876 = arith.mulf %get3A_1871, %get3A_1875 : vector<16xf32>
      %select_n3A_1877 = arith.select %ge3A_69, %mul3A_1876, %broadcast_in_dim3A_70 : vector<16xi1>, vector<16xf32>
      %add3A_1878 = arith.addf %add3A_1867, %select_n3A_1877 : vector<16xf32>
      %eq3A_1879 = arith.constant 1 : i32
      %eq3A_1880 = vector.broadcast %eq3A_1879 : i32 to vector<16xi32>
      %eq3A_1881 = arith.cmpi eq, %iota3A, %eq3A_1880 : vector<16xi32>
      %reduce_sum3A_1882 = arith.constant true
      %reduce_sum3A_1883 = vector.broadcast %reduce_sum3A_1882 : i1 to vector<16xi1>
      %reduce_sum3A_1884 = tpu.scan <sum>, %add3A_1878 masked %reduce_sum3A_1883 : vector<16xf32>, vector<16xi1> -> vector<16xf32>
      %reduce_sum3A_1885 = vector.extract %reduce_sum3A_1884[15] : f32 from vector<16xf32>
      %broadcast_in_dim3A_1886 = vector.broadcast %reduce_sum3A_1885 : f32 to vector<16xf32>
      %select_n3A_1887 = arith.select %eq3A_1881, %broadcast_in_dim3A_1886, %select_n3A_1818 : vector<16xi1>, vector<16xf32>
      %get3A_1888 = arith.constant 18 : i32
      %get3A_1889 = arith.index_cast %get3A_1888 : i32 to index
      %get3A_1890 = arith.constant 0 : index
      %get3A_1891 = tpu.vector_load %arg11[%get3A_1889, %get3A_1890] {strides = array<i32>} : memref<32x90xf32, #tpu.memory_space<vmem>>, vector<16xf32>,
      %get3A_1892 = arith.constant 18 : i32
      %get3A_1893 = arith.index_cast %get3A_1892 : i32 to index
      %get3A_1894 = arith.constant 0 : index
      %get3A_1895 = tpu.vector_load %arg12[%get3A_1893, %get3A_1894] {strides = array<i32>} : memref<32x90xf32, #tpu.memory_space<vmem>>, vector<16xf32>,
      %mul3A_1896 = arith.mulf %get3A_1891, %get3A_1895 : vector<16xf32>
      %get3A_1897 = arith.constant 18 : i32
      %get3A_1898 = arith.index_cast %get3A_1897 : i32 to index
      %get3A_1899 = arith.constant 16 : index
      %get3A_1900 = tpu.vector_load %arg11[%get3A_1898, %get3A_1899] {strides = array<i32>} : memref<32x90xf32, #tpu.memory_space<vmem>>, vector<16xf32>,
      %get3A_1901 = arith.constant 18 : i32
      %get3A_1902 = arith.index_cast %get3A_1901 : i32 to index
      %get3A_1903 = arith.constant 16 : index
      %get3A_1904 = tpu.vector_load %arg12[%get3A_1902, %get3A_1903] {strides = array<i32>} : memref<32x90xf32, #tpu.memory_space<vmem>>, vector<16xf32>,
      %mul3A_1905 = arith.mulf %get3A_1900, %get3A_1904 : vector<16xf32>
      %add3A_1906 = arith.addf %mul3A_1896, %mul3A_1905 : vector<16xf32>
      %get3A_1907 = arith.constant 18 : i32
      %get3A_1908 = arith.index_cast %get3A_1907 : i32 to index
      %get3A_1909 = arith.constant 32 : index
      %get3A_1910 = tpu.vector_load %arg11[%get3A_1908, %get3A_1909] {strides = array<i32>} : memref<32x90xf32, #tpu.memory_space<vmem>>, vector<16xf32>,
      %get3A_1911 = arith.constant 18 : i32
      %get3A_1912 = arith.index_cast %get3A_1911 : i32 to index
      %get3A_1913 = arith.constant 32 : index
      %get3A_1914 = tpu.vector_load %arg12[%get3A_1912, %get3A_1913] {strides = array<i32>} : memref<32x90xf32, #tpu.memory_space<vmem>>, vector<16xf32>,
      %mul3A_1915 = arith.mulf %get3A_1910, %get3A_1914 : vector<16xf32>
      %add3A_1916 = arith.addf %add3A_1906, %mul3A_1915 : vector<16xf32>
      %get3A_1917 = arith.constant 18 : i32
      %get3A_1918 = arith.index_cast %get3A_1917 : i32 to index
      %get3A_1919 = arith.constant 48 : index
      %get3A_1920 = tpu.vector_load %arg11[%get3A_1918, %get3A_1919] {strides = array<i32>} : memref<32x90xf32, #tpu.memory_space<vmem>>, vector<16xf32>,
      %get3A_1921 = arith.constant 18 : i32
      %get3A_1922 = arith.index_cast %get3A_1921 : i32 to index
      %get3A_1923 = arith.constant 48 : index
      %get3A_1924 = tpu.vector_load %arg12[%get3A_1922, %get3A_1923] {strides = array<i32>} : memref<32x90xf32, #tpu.memory_space<vmem>>, vector<16xf32>,
      %mul3A_1925 = arith.mulf %get3A_1920, %get3A_1924 : vector<16xf32>
      %add3A_1926 = arith.addf %add3A_1916, %mul3A_1925 : vector<16xf32>
      %get3A_1927 = arith.constant 18 : i32
      %get3A_1928 = arith.index_cast %get3A_1927 : i32 to index
      %get3A_1929 = arith.constant 64 : index
      %get3A_1930 = tpu.vector_load %arg11[%get3A_1928, %get3A_1929] {strides = array<i32>} : memref<32x90xf32, #tpu.memory_space<vmem>>, vector<16xf32>,
      %get3A_1931 = arith.constant 18 : i32
      %get3A_1932 = arith.index_cast %get3A_1931 : i32 to index
      %get3A_1933 = arith.constant 64 : index
      %get3A_1934 = tpu.vector_load %arg12[%get3A_1932, %get3A_1933] {strides = array<i32>} : memref<32x90xf32, #tpu.memory_space<vmem>>, vector<16xf32>,
      %mul3A_1935 = arith.mulf %get3A_1930, %get3A_1934 : vector<16xf32>
      %add3A_1936 = arith.addf %add3A_1926, %mul3A_1935 : vector<16xf32>
      %get3A_1937 = arith.constant 18 : i32
      %get3A_1938 = arith.index_cast %get3A_1937 : i32 to index
      %get3A_1939 = arith.constant 74 : index
      %get3A_1940 = tpu.vector_load %arg11[%get3A_1938, %get3A_1939] {strides = array<i32>} : memref<32x90xf32, #tpu.memory_space<vmem>>, vector<16xf32>,
      %get3A_1941 = arith.constant 18 : i32
      %get3A_1942 = arith.index_cast %get3A_1941 : i32 to index
      %get3A_1943 = arith.constant 74 : index
      %get3A_1944 = tpu.vector_load %arg12[%get3A_1942, %get3A_1943] {strides = array<i32>} : memref<32x90xf32, #tpu.memory_space<vmem>>, vector<16xf32>,
      %mul3A_1945 = arith.mulf %get3A_1940, %get3A_1944 : vector<16xf32>
      %select_n3A_1946 = arith.select %ge3A_69, %mul3A_1945, %broadcast_in_dim3A_70 : vector<16xi1>, vector<16xf32>
      %add3A_1947 = arith.addf %add3A_1936, %select_n3A_1946 : vector<16xf32>
      %eq3A_1948 = arith.constant 2 : i32
      %eq3A_1949 = vector.broadcast %eq3A_1948 : i32 to vector<16xi32>
      %eq3A_1950 = arith.cmpi eq, %iota3A, %eq3A_1949 : vector<16xi32>
      %reduce_sum3A_1951 = arith.constant true
      %reduce_sum3A_1952 = vector.broadcast %reduce_sum3A_1951 : i1 to vector<16xi1>
      %reduce_sum3A_1953 = tpu.scan <sum>, %add3A_1947 masked %reduce_sum3A_1952 : vector<16xf32>, vector<16xi1> -> vector<16xf32>
      %reduce_sum3A_1954 = vector.extract %reduce_sum3A_1953[15] : f32 from vector<16xf32>
      %broadcast_in_dim3A_1955 = vector.broadcast %reduce_sum3A_1954 : f32 to vector<16xf32>
      %select_n3A_1956 = arith.select %eq3A_1950, %broadcast_in_dim3A_1955, %select_n3A_1887 : vector<16xi1>, vector<16xf32>
      %get3A_1957 = arith.constant 19 : i32
      %get3A_1958 = arith.index_cast %get3A_1957 : i32 to index
      %get3A_1959 = arith.constant 0 : index
      %get3A_1960 = tpu.vector_load %arg11[%get3A_1958, %get3A_1959] {strides = array<i32>} : memref<32x90xf32, #tpu.memory_space<vmem>>, vector<16xf32>,
      %get3A_1961 = arith.constant 19 : i32
      %get3A_1962 = arith.index_cast %get3A_1961 : i32 to index
      %get3A_1963 = arith.constant 0 : index
      %get3A_1964 = tpu.vector_load %arg12[%get3A_1962, %get3A_1963] {strides = array<i32>} : memref<32x90xf32, #tpu.memory_space<vmem>>, vector<16xf32>,
      %mul3A_1965 = arith.mulf %get3A_1960, %get3A_1964 : vector<16xf32>
      %get3A_1966 = arith.constant 19 : i32
      %get3A_1967 = arith.index_cast %get3A_1966 : i32 to index
      %get3A_1968 = arith.constant 16 : index
      %get3A_1969 = tpu.vector_load %arg11[%get3A_1967, %get3A_1968] {strides = array<i32>} : memref<32x90xf32, #tpu.memory_space<vmem>>, vector<16xf32>,
      %get3A_1970 = arith.constant 19 : i32
      %get3A_1971 = arith.index_cast %get3A_1970 : i32 to index
      %get3A_1972 = arith.constant 16 : index
      %get3A_1973 = tpu.vector_load %arg12[%get3A_1971, %get3A_1972] {strides = array<i32>} : memref<32x90xf32, #tpu.memory_space<vmem>>, vector<16xf32>,
      %mul3A_1974 = arith.mulf %get3A_1969, %get3A_1973 : vector<16xf32>
      %add3A_1975 = arith.addf %mul3A_1965, %mul3A_1974 : vector<16xf32>
      %get3A_1976 = arith.constant 19 : i32
      %get3A_1977 = arith.index_cast %get3A_1976 : i32 to index
      %get3A_1978 = arith.constant 32 : index
      %get3A_1979 = tpu.vector_load %arg11[%get3A_1977, %get3A_1978] {strides = array<i32>} : memref<32x90xf32, #tpu.memory_space<vmem>>, vector<16xf32>,
      %get3A_1980 = arith.constant 19 : i32
      %get3A_1981 = arith.index_cast %get3A_1980 : i32 to index
      %get3A_1982 = arith.constant 32 : index
      %get3A_1983 = tpu.vector_load %arg12[%get3A_1981, %get3A_1982] {strides = array<i32>} : memref<32x90xf32, #tpu.memory_space<vmem>>, vector<16xf32>,
      %mul3A_1984 = arith.mulf %get3A_1979, %get3A_1983 : vector<16xf32>
      %add3A_1985 = arith.addf %add3A_1975, %mul3A_1984 : vector<16xf32>
      %get3A_1986 = arith.constant 19 : i32
      %get3A_1987 = arith.index_cast %get3A_1986 : i32 to index
      %get3A_1988 = arith.constant 48 : index
      %get3A_1989 = tpu.vector_load %arg11[%get3A_1987, %get3A_1988] {strides = array<i32>} : memref<32x90xf32, #tpu.memory_space<vmem>>, vector<16xf32>,
      %get3A_1990 = arith.constant 19 : i32
      %get3A_1991 = arith.index_cast %get3A_1990 : i32 to index
      %get3A_1992 = arith.constant 48 : index
      %get3A_1993 = tpu.vector_load %arg12[%get3A_1991, %get3A_1992] {strides = array<i32>} : memref<32x90xf32, #tpu.memory_space<vmem>>, vector<16xf32>,
      %mul3A_1994 = arith.mulf %get3A_1989, %get3A_1993 : vector<16xf32>
      %add3A_1995 = arith.addf %add3A_1985, %mul3A_1994 : vector<16xf32>
      %get3A_1996 = arith.constant 19 : i32
      %get3A_1997 = arith.index_cast %get3A_1996 : i32 to index
      %get3A_1998 = arith.constant 64 : index
      %get3A_1999 = tpu.vector_load %arg11[%get3A_1997, %get3A_1998] {strides = array<i32>} : memref<32x90xf32, #tpu.memory_space<vmem>>, vector<16xf32>,
      %get3A_2000 = arith.constant 19 : i32
      %get3A_2001 = arith.index_cast %get3A_2000 : i32 to index
      %get3A_2002 = arith.constant 64 : index
      %get3A_2003 = tpu.vector_load %arg12[%get3A_2001, %get3A_2002] {strides = array<i32>} : memref<32x90xf32, #tpu.memory_space<vmem>>, vector<16xf32>,
      %mul3A_2004 = arith.mulf %get3A_1999, %get3A_2003 : vector<16xf32>
      %add3A_2005 = arith.addf %add3A_1995, %mul3A_2004 : vector<16xf32>
      %get3A_2006 = arith.constant 19 : i32
      %get3A_2007 = arith.index_cast %get3A_2006 : i32 to index
      %get3A_2008 = arith.constant 74 : index
      %get3A_2009 = tpu.vector_load %arg11[%get3A_2007, %get3A_2008] {strides = array<i32>} : memref<32x90xf32, #tpu.memory_space<vmem>>, vector<16xf32>,
      %get3A_2010 = arith.constant 19 : i32
      %get3A_2011 = arith.index_cast %get3A_2010 : i32 to index
      %get3A_2012 = arith.constant 74 : index
      %get3A_2013 = tpu.vector_load %arg12[%get3A_2011, %get3A_2012] {strides = array<i32>} : memref<32x90xf32, #tpu.memory_space<vmem>>, vector<16xf32>,
      %mul3A_2014 = arith.mulf %get3A_2009, %get3A_2013 : vector<16xf32>
      %select_n3A_2015 = arith.select %ge3A_69, %mul3A_2014, %broadcast_in_dim3A_70 : vector<16xi1>, vector<16xf32>
      %add3A_2016 = arith.addf %add3A_2005, %select_n3A_2015 : vector<16xf32>
      %eq3A_2017 = arith.constant 3 : i32
      %eq3A_2018 = vector.broadcast %eq3A_2017 : i32 to vector<16xi32>
      %eq3A_2019 = arith.cmpi eq, %iota3A, %eq3A_2018 : vector<16xi32>
      %reduce_sum3A_2020 = arith.constant true
      %reduce_sum3A_2021 = vector.broadcast %reduce_sum3A_2020 : i1 to vector<16xi1>
      %reduce_sum3A_2022 = tpu.scan <sum>, %add3A_2016 masked %reduce_sum3A_2021 : vector<16xf32>, vector<16xi1> -> vector<16xf32>
      %reduce_sum3A_2023 = vector.extract %reduce_sum3A_2022[15] : f32 from vector<16xf32>
      %broadcast_in_dim3A_2024 = vector.broadcast %reduce_sum3A_2023 : f32 to vector<16xf32>
      %select_n3A_2025 = arith.select %eq3A_2019, %broadcast_in_dim3A_2024, %select_n3A_1956 : vector<16xi1>, vector<16xf32>
      %get3A_2026 = arith.constant 20 : i32
      %get3A_2027 = arith.index_cast %get3A_2026 : i32 to index
      %get3A_2028 = arith.constant 0 : index
      %get3A_2029 = tpu.vector_load %arg11[%get3A_2027, %get3A_2028] {strides = array<i32>} : memref<32x90xf32, #tpu.memory_space<vmem>>, vector<16xf32>,
      %get3A_2030 = arith.constant 20 : i32
      %get3A_2031 = arith.index_cast %get3A_2030 : i32 to index
      %get3A_2032 = arith.constant 0 : index
      %get3A_2033 = tpu.vector_load %arg12[%get3A_2031, %get3A_2032] {strides = array<i32>} : memref<32x90xf32, #tpu.memory_space<vmem>>, vector<16xf32>,
      %mul3A_2034 = arith.mulf %get3A_2029, %get3A_2033 : vector<16xf32>
      %get3A_2035 = arith.constant 20 : i32
      %get3A_2036 = arith.index_cast %get3A_2035 : i32 to index
      %get3A_2037 = arith.constant 16 : index
      %get3A_2038 = tpu.vector_load %arg11[%get3A_2036, %get3A_2037] {strides = array<i32>} : memref<32x90xf32, #tpu.memory_space<vmem>>, vector<16xf32>,
      %get3A_2039 = arith.constant 20 : i32
      %get3A_2040 = arith.index_cast %get3A_2039 : i32 to index
      %get3A_2041 = arith.constant 16 : index
      %get3A_2042 = tpu.vector_load %arg12[%get3A_2040, %get3A_2041] {strides = array<i32>} : memref<32x90xf32, #tpu.memory_space<vmem>>, vector<16xf32>,
      %mul3A_2043 = arith.mulf %get3A_2038, %get3A_2042 : vector<16xf32>
      %add3A_2044 = arith.addf %mul3A_2034, %mul3A_2043 : vector<16xf32>
      %get3A_2045 = arith.constant 20 : i32
      %get3A_2046 = arith.index_cast %get3A_2045 : i32 to index
      %get3A_2047 = arith.constant 32 : index
      %get3A_2048 = tpu.vector_load %arg11[%get3A_2046, %get3A_2047] {strides = array<i32>} : memref<32x90xf32, #tpu.memory_space<vmem>>, vector<16xf32>,
      %get3A_2049 = arith.constant 20 : i32
      %get3A_2050 = arith.index_cast %get3A_2049 : i32 to index
      %get3A_2051 = arith.constant 32 : index
      %get3A_2052 = tpu.vector_load %arg12[%get3A_2050, %get3A_2051] {strides = array<i32>} : memref<32x90xf32, #tpu.memory_space<vmem>>, vector<16xf32>,
      %mul3A_2053 = arith.mulf %get3A_2048, %get3A_2052 : vector<16xf32>
      %add3A_2054 = arith.addf %add3A_2044, %mul3A_2053 : vector<16xf32>
      %get3A_2055 = arith.constant 20 : i32
      %get3A_2056 = arith.index_cast %get3A_2055 : i32 to index
      %get3A_2057 = arith.constant 48 : index
      %get3A_2058 = tpu.vector_load %arg11[%get3A_2056, %get3A_2057] {strides = array<i32>} : memref<32x90xf32, #tpu.memory_space<vmem>>, vector<16xf32>,
      %get3A_2059 = arith.constant 20 : i32
      %get3A_2060 = arith.index_cast %get3A_2059 : i32 to index
      %get3A_2061 = arith.constant 48 : index
      %get3A_2062 = tpu.vector_load %arg12[%get3A_2060, %get3A_2061] {strides = array<i32>} : memref<32x90xf32, #tpu.memory_space<vmem>>, vector<16xf32>,
      %mul3A_2063 = arith.mulf %get3A_2058, %get3A_2062 : vector<16xf32>
      %add3A_2064 = arith.addf %add3A_2054, %mul3A_2063 : vector<16xf32>
      %get3A_2065 = arith.constant 20 : i32
      %get3A_2066 = arith.index_cast %get3A_2065 : i32 to index
      %get3A_2067 = arith.constant 64 : index
      %get3A_2068 = tpu.vector_load %arg11[%get3A_2066, %get3A_2067] {strides = array<i32>} : memref<32x90xf32, #tpu.memory_space<vmem>>, vector<16xf32>,
      %get3A_2069 = arith.constant 20 : i32
      %get3A_2070 = arith.index_cast %get3A_2069 : i32 to index
      %get3A_2071 = arith.constant 64 : index
      %get3A_2072 = tpu.vector_load %arg12[%get3A_2070, %get3A_2071] {strides = array<i32>} : memref<32x90xf32, #tpu.memory_space<vmem>>, vector<16xf32>,
      %mul3A_2073 = arith.mulf %get3A_2068, %get3A_2072 : vector<16xf32>
      %add3A_2074 = arith.addf %add3A_2064, %mul3A_2073 : vector<16xf32>
      %get3A_2075 = arith.constant 20 : i32
      %get3A_2076 = arith.index_cast %get3A_2075 : i32 to index
      %get3A_2077 = arith.constant 74 : index
      %get3A_2078 = tpu.vector_load %arg11[%get3A_2076, %get3A_2077] {strides = array<i32>} : memref<32x90xf32, #tpu.memory_space<vmem>>, vector<16xf32>,
      %get3A_2079 = arith.constant 20 : i32
      %get3A_2080 = arith.index_cast %get3A_2079 : i32 to index
      %get3A_2081 = arith.constant 74 : index
      %get3A_2082 = tpu.vector_load %arg12[%get3A_2080, %get3A_2081] {strides = array<i32>} : memref<32x90xf32, #tpu.memory_space<vmem>>, vector<16xf32>,
      %mul3A_2083 = arith.mulf %get3A_2078, %get3A_2082 : vector<16xf32>
      %select_n3A_2084 = arith.select %ge3A_69, %mul3A_2083, %broadcast_in_dim3A_70 : vector<16xi1>, vector<16xf32>
      %add3A_2085 = arith.addf %add3A_2074, %select_n3A_2084 : vector<16xf32>
      %eq3A_2086 = arith.constant 4 : i32
      %eq3A_2087 = vector.broadcast %eq3A_2086 : i32 to vector<16xi32>
      %eq3A_2088 = arith.cmpi eq, %iota3A, %eq3A_2087 : vector<16xi32>
      %reduce_sum3A_2089 = arith.constant true
      %reduce_sum3A_2090 = vector.broadcast %reduce_sum3A_2089 : i1 to vector<16xi1>
      %reduce_sum3A_2091 = tpu.scan <sum>, %add3A_2085 masked %reduce_sum3A_2090 : vector<16xf32>, vector<16xi1> -> vector<16xf32>
      %reduce_sum3A_2092 = vector.extract %reduce_sum3A_2091[15] : f32 from vector<16xf32>
      %broadcast_in_dim3A_2093 = vector.broadcast %reduce_sum3A_2092 : f32 to vector<16xf32>
      %select_n3A_2094 = arith.select %eq3A_2088, %broadcast_in_dim3A_2093, %select_n3A_2025 : vector<16xi1>, vector<16xf32>
      %get3A_2095 = arith.constant 21 : i32
      %get3A_2096 = arith.index_cast %get3A_2095 : i32 to index
      %get3A_2097 = arith.constant 0 : index
      %get3A_2098 = tpu.vector_load %arg11[%get3A_2096, %get3A_2097] {strides = array<i32>} : memref<32x90xf32, #tpu.memory_space<vmem>>, vector<16xf32>,
      %get3A_2099 = arith.constant 21 : i32
      %get3A_2100 = arith.index_cast %get3A_2099 : i32 to index
      %get3A_2101 = arith.constant 0 : index
      %get3A_2102 = tpu.vector_load %arg12[%get3A_2100, %get3A_2101] {strides = array<i32>} : memref<32x90xf32, #tpu.memory_space<vmem>>, vector<16xf32>,
      %mul3A_2103 = arith.mulf %get3A_2098, %get3A_2102 : vector<16xf32>
      %get3A_2104 = arith.constant 21 : i32
      %get3A_2105 = arith.index_cast %get3A_2104 : i32 to index
      %get3A_2106 = arith.constant 16 : index
      %get3A_2107 = tpu.vector_load %arg11[%get3A_2105, %get3A_2106] {strides = array<i32>} : memref<32x90xf32, #tpu.memory_space<vmem>>, vector<16xf32>,
      %get3A_2108 = arith.constant 21 : i32
      %get3A_2109 = arith.index_cast %get3A_2108 : i32 to index
      %get3A_2110 = arith.constant 16 : index
      %get3A_2111 = tpu.vector_load %arg12[%get3A_2109, %get3A_2110] {strides = array<i32>} : memref<32x90xf32, #tpu.memory_space<vmem>>, vector<16xf32>,
      %mul3A_2112 = arith.mulf %get3A_2107, %get3A_2111 : vector<16xf32>
      %add3A_2113 = arith.addf %mul3A_2103, %mul3A_2112 : vector<16xf32>
      %get3A_2114 = arith.constant 21 : i32
      %get3A_2115 = arith.index_cast %get3A_2114 : i32 to index
      %get3A_2116 = arith.constant 32 : index
      %get3A_2117 = tpu.vector_load %arg11[%get3A_2115, %get3A_2116] {strides = array<i32>} : memref<32x90xf32, #tpu.memory_space<vmem>>, vector<16xf32>,
      %get3A_2118 = arith.constant 21 : i32
      %get3A_2119 = arith.index_cast %get3A_2118 : i32 to index
      %get3A_2120 = arith.constant 32 : index
      %get3A_2121 = tpu.vector_load %arg12[%get3A_2119, %get3A_2120] {strides = array<i32>} : memref<32x90xf32, #tpu.memory_space<vmem>>, vector<16xf32>,
      %mul3A_2122 = arith.mulf %get3A_2117, %get3A_2121 : vector<16xf32>
      %add3A_2123 = arith.addf %add3A_2113, %mul3A_2122 : vector<16xf32>
      %get3A_2124 = arith.constant 21 : i32
      %get3A_2125 = arith.index_cast %get3A_2124 : i32 to index
      %get3A_2126 = arith.constant 48 : index
      %get3A_2127 = tpu.vector_load %arg11[%get3A_2125, %get3A_2126] {strides = array<i32>} : memref<32x90xf32, #tpu.memory_space<vmem>>, vector<16xf32>,
      %get3A_2128 = arith.constant 21 : i32
      %get3A_2129 = arith.index_cast %get3A_2128 : i32 to index
      %get3A_2130 = arith.constant 48 : index
      %get3A_2131 = tpu.vector_load %arg12[%get3A_2129, %get3A_2130] {strides = array<i32>} : memref<32x90xf32, #tpu.memory_space<vmem>>, vector<16xf32>,
      %mul3A_2132 = arith.mulf %get3A_2127, %get3A_2131 : vector<16xf32>
      %add3A_2133 = arith.addf %add3A_2123, %mul3A_2132 : vector<16xf32>
      %get3A_2134 = arith.constant 21 : i32
      %get3A_2135 = arith.index_cast %get3A_2134 : i32 to index
      %get3A_2136 = arith.constant 64 : index
      %get3A_2137 = tpu.vector_load %arg11[%get3A_2135, %get3A_2136] {strides = array<i32>} : memref<32x90xf32, #tpu.memory_space<vmem>>, vector<16xf32>,
      %get3A_2138 = arith.constant 21 : i32
      %get3A_2139 = arith.index_cast %get3A_2138 : i32 to index
      %get3A_2140 = arith.constant 64 : index
      %get3A_2141 = tpu.vector_load %arg12[%get3A_2139, %get3A_2140] {strides = array<i32>} : memref<32x90xf32, #tpu.memory_space<vmem>>, vector<16xf32>,
      %mul3A_2142 = arith.mulf %get3A_2137, %get3A_2141 : vector<16xf32>
      %add3A_2143 = arith.addf %add3A_2133, %mul3A_2142 : vector<16xf32>
      %get3A_2144 = arith.constant 21 : i32
      %get3A_2145 = arith.index_cast %get3A_2144 : i32 to index
      %get3A_2146 = arith.constant 74 : index
      %get3A_2147 = tpu.vector_load %arg11[%get3A_2145, %get3A_2146] {strides = array<i32>} : memref<32x90xf32, #tpu.memory_space<vmem>>, vector<16xf32>,
      %get3A_2148 = arith.constant 21 : i32
      %get3A_2149 = arith.index_cast %get3A_2148 : i32 to index
      %get3A_2150 = arith.constant 74 : index
      %get3A_2151 = tpu.vector_load %arg12[%get3A_2149, %get3A_2150] {strides = array<i32>} : memref<32x90xf32, #tpu.memory_space<vmem>>, vector<16xf32>,
      %mul3A_2152 = arith.mulf %get3A_2147, %get3A_2151 : vector<16xf32>
      %select_n3A_2153 = arith.select %ge3A_69, %mul3A_2152, %broadcast_in_dim3A_70 : vector<16xi1>, vector<16xf32>
      %add3A_2154 = arith.addf %add3A_2143, %select_n3A_2153 : vector<16xf32>
      %eq3A_2155 = arith.constant 5 : i32
      %eq3A_2156 = vector.broadcast %eq3A_2155 : i32 to vector<16xi32>
      %eq3A_2157 = arith.cmpi eq, %iota3A, %eq3A_2156 : vector<16xi32>
      %reduce_sum3A_2158 = arith.constant true
      %reduce_sum3A_2159 = vector.broadcast %reduce_sum3A_2158 : i1 to vector<16xi1>
      %reduce_sum3A_2160 = tpu.scan <sum>, %add3A_2154 masked %reduce_sum3A_2159 : vector<16xf32>, vector<16xi1> -> vector<16xf32>
      %reduce_sum3A_2161 = vector.extract %reduce_sum3A_2160[15] : f32 from vector<16xf32>
      %broadcast_in_dim3A_2162 = vector.broadcast %reduce_sum3A_2161 : f32 to vector<16xf32>
      %select_n3A_2163 = arith.select %eq3A_2157, %broadcast_in_dim3A_2162, %select_n3A_2094 : vector<16xi1>, vector<16xf32>
      %get3A_2164 = arith.constant 22 : i32
      %get3A_2165 = arith.index_cast %get3A_2164 : i32 to index
      %get3A_2166 = arith.constant 0 : index
      %get3A_2167 = tpu.vector_load %arg11[%get3A_2165, %get3A_2166] {strides = array<i32>} : memref<32x90xf32, #tpu.memory_space<vmem>>, vector<16xf32>,
      %get3A_2168 = arith.constant 22 : i32
      %get3A_2169 = arith.index_cast %get3A_2168 : i32 to index
      %get3A_2170 = arith.constant 0 : index
      %get3A_2171 = tpu.vector_load %arg12[%get3A_2169, %get3A_2170] {strides = array<i32>} : memref<32x90xf32, #tpu.memory_space<vmem>>, vector<16xf32>,
      %mul3A_2172 = arith.mulf %get3A_2167, %get3A_2171 : vector<16xf32>
      %get3A_2173 = arith.constant 22 : i32
      %get3A_2174 = arith.index_cast %get3A_2173 : i32 to index
      %get3A_2175 = arith.constant 16 : index
      %get3A_2176 = tpu.vector_load %arg11[%get3A_2174, %get3A_2175] {strides = array<i32>} : memref<32x90xf32, #tpu.memory_space<vmem>>, vector<16xf32>,
      %get3A_2177 = arith.constant 22 : i32
      %get3A_2178 = arith.index_cast %get3A_2177 : i32 to index
      %get3A_2179 = arith.constant 16 : index
      %get3A_2180 = tpu.vector_load %arg12[%get3A_2178, %get3A_2179] {strides = array<i32>} : memref<32x90xf32, #tpu.memory_space<vmem>>, vector<16xf32>,
      %mul3A_2181 = arith.mulf %get3A_2176, %get3A_2180 : vector<16xf32>
      %add3A_2182 = arith.addf %mul3A_2172, %mul3A_2181 : vector<16xf32>
      %get3A_2183 = arith.constant 22 : i32
      %get3A_2184 = arith.index_cast %get3A_2183 : i32 to index
      %get3A_2185 = arith.constant 32 : index
      %get3A_2186 = tpu.vector_load %arg11[%get3A_2184, %get3A_2185] {strides = array<i32>} : memref<32x90xf32, #tpu.memory_space<vmem>>, vector<16xf32>,
      %get3A_2187 = arith.constant 22 : i32
      %get3A_2188 = arith.index_cast %get3A_2187 : i32 to index
      %get3A_2189 = arith.constant 32 : index
      %get3A_2190 = tpu.vector_load %arg12[%get3A_2188, %get3A_2189] {strides = array<i32>} : memref<32x90xf32, #tpu.memory_space<vmem>>, vector<16xf32>,
      %mul3A_2191 = arith.mulf %get3A_2186, %get3A_2190 : vector<16xf32>
      %add3A_2192 = arith.addf %add3A_2182, %mul3A_2191 : vector<16xf32>
      %get3A_2193 = arith.constant 22 : i32
      %get3A_2194 = arith.index_cast %get3A_2193 : i32 to index
      %get3A_2195 = arith.constant 48 : index
      %get3A_2196 = tpu.vector_load %arg11[%get3A_2194, %get3A_2195] {strides = array<i32>} : memref<32x90xf32, #tpu.memory_space<vmem>>, vector<16xf32>,
      %get3A_2197 = arith.constant 22 : i32
      %get3A_2198 = arith.index_cast %get3A_2197 : i32 to index
      %get3A_2199 = arith.constant 48 : index
      %get3A_2200 = tpu.vector_load %arg12[%get3A_2198, %get3A_2199] {strides = array<i32>} : memref<32x90xf32, #tpu.memory_space<vmem>>, vector<16xf32>,
      %mul3A_2201 = arith.mulf %get3A_2196, %get3A_2200 : vector<16xf32>
      %add3A_2202 = arith.addf %add3A_2192, %mul3A_2201 : vector<16xf32>
      %get3A_2203 = arith.constant 22 : i32
      %get3A_2204 = arith.index_cast %get3A_2203 : i32 to index
      %get3A_2205 = arith.constant 64 : index
      %get3A_2206 = tpu.vector_load %arg11[%get3A_2204, %get3A_2205] {strides = array<i32>} : memref<32x90xf32, #tpu.memory_space<vmem>>, vector<16xf32>,
      %get3A_2207 = arith.constant 22 : i32
      %get3A_2208 = arith.index_cast %get3A_2207 : i32 to index
      %get3A_2209 = arith.constant 64 : index
      %get3A_2210 = tpu.vector_load %arg12[%get3A_2208, %get3A_2209] {strides = array<i32>} : memref<32x90xf32, #tpu.memory_space<vmem>>, vector<16xf32>,
      %mul3A_2211 = arith.mulf %get3A_2206, %get3A_2210 : vector<16xf32>
      %add3A_2212 = arith.addf %add3A_2202, %mul3A_2211 : vector<16xf32>
      %get3A_2213 = arith.constant 22 : i32
      %get3A_2214 = arith.index_cast %get3A_2213 : i32 to index
      %get3A_2215 = arith.constant 74 : index
      %get3A_2216 = tpu.vector_load %arg11[%get3A_2214, %get3A_2215] {strides = array<i32>} : memref<32x90xf32, #tpu.memory_space<vmem>>, vector<16xf32>,
      %get3A_2217 = arith.constant 22 : i32
      %get3A_2218 = arith.index_cast %get3A_2217 : i32 to index
      %get3A_2219 = arith.constant 74 : index
      %get3A_2220 = tpu.vector_load %arg12[%get3A_2218, %get3A_2219] {strides = array<i32>} : memref<32x90xf32, #tpu.memory_space<vmem>>, vector<16xf32>,
      %mul3A_2221 = arith.mulf %get3A_2216, %get3A_2220 : vector<16xf32>
      %select_n3A_2222 = arith.select %ge3A_69, %mul3A_2221, %broadcast_in_dim3A_70 : vector<16xi1>, vector<16xf32>
      %add3A_2223 = arith.addf %add3A_2212, %select_n3A_2222 : vector<16xf32>
      %eq3A_2224 = arith.constant 6 : i32
      %eq3A_2225 = vector.broadcast %eq3A_2224 : i32 to vector<16xi32>
      %eq3A_2226 = arith.cmpi eq, %iota3A, %eq3A_2225 : vector<16xi32>
      %reduce_sum3A_2227 = arith.constant true
      %reduce_sum3A_2228 = vector.broadcast %reduce_sum3A_2227 : i1 to vector<16xi1>
      %reduce_sum3A_2229 = tpu.scan <sum>, %add3A_2223 masked %reduce_sum3A_2228 : vector<16xf32>, vector<16xi1> -> vector<16xf32>
      %reduce_sum3A_2230 = vector.extract %reduce_sum3A_2229[15] : f32 from vector<16xf32>
      %broadcast_in_dim3A_2231 = vector.broadcast %reduce_sum3A_2230 : f32 to vector<16xf32>
      %select_n3A_2232 = arith.select %eq3A_2226, %broadcast_in_dim3A_2231, %select_n3A_2163 : vector<16xi1>, vector<16xf32>
      %get3A_2233 = arith.constant 23 : i32
      %get3A_2234 = arith.index_cast %get3A_2233 : i32 to index
      %get3A_2235 = arith.constant 0 : index
      %get3A_2236 = tpu.vector_load %arg11[%get3A_2234, %get3A_2235] {strides = array<i32>} : memref<32x90xf32, #tpu.memory_space<vmem>>, vector<16xf32>,
      %get3A_2237 = arith.constant 23 : i32
      %get3A_2238 = arith.index_cast %get3A_2237 : i32 to index
      %get3A_2239 = arith.constant 0 : index
      %get3A_2240 = tpu.vector_load %arg12[%get3A_2238, %get3A_2239] {strides = array<i32>} : memref<32x90xf32, #tpu.memory_space<vmem>>, vector<16xf32>,
      %mul3A_2241 = arith.mulf %get3A_2236, %get3A_2240 : vector<16xf32>
      %get3A_2242 = arith.constant 23 : i32
      %get3A_2243 = arith.index_cast %get3A_2242 : i32 to index
      %get3A_2244 = arith.constant 16 : index
      %get3A_2245 = tpu.vector_load %arg11[%get3A_2243, %get3A_2244] {strides = array<i32>} : memref<32x90xf32, #tpu.memory_space<vmem>>, vector<16xf32>,
      %get3A_2246 = arith.constant 23 : i32
      %get3A_2247 = arith.index_cast %get3A_2246 : i32 to index
      %get3A_2248 = arith.constant 16 : index
      %get3A_2249 = tpu.vector_load %arg12[%get3A_2247, %get3A_2248] {strides = array<i32>} : memref<32x90xf32, #tpu.memory_space<vmem>>, vector<16xf32>,
      %mul3A_2250 = arith.mulf %get3A_2245, %get3A_2249 : vector<16xf32>
      %add3A_2251 = arith.addf %mul3A_2241, %mul3A_2250 : vector<16xf32>
      %get3A_2252 = arith.constant 23 : i32
      %get3A_2253 = arith.index_cast %get3A_2252 : i32 to index
      %get3A_2254 = arith.constant 32 : index
      %get3A_2255 = tpu.vector_load %arg11[%get3A_2253, %get3A_2254] {strides = array<i32>} : memref<32x90xf32, #tpu.memory_space<vmem>>, vector<16xf32>,
      %get3A_2256 = arith.constant 23 : i32
      %get3A_2257 = arith.index_cast %get3A_2256 : i32 to index
      %get3A_2258 = arith.constant 32 : index
      %get3A_2259 = tpu.vector_load %arg12[%get3A_2257, %get3A_2258] {strides = array<i32>} : memref<32x90xf32, #tpu.memory_space<vmem>>, vector<16xf32>,
      %mul3A_2260 = arith.mulf %get3A_2255, %get3A_2259 : vector<16xf32>
      %add3A_2261 = arith.addf %add3A_2251, %mul3A_2260 : vector<16xf32>
      %get3A_2262 = arith.constant 23 : i32
      %get3A_2263 = arith.index_cast %get3A_2262 : i32 to index
      %get3A_2264 = arith.constant 48 : index
      %get3A_2265 = tpu.vector_load %arg11[%get3A_2263, %get3A_2264] {strides = array<i32>} : memref<32x90xf32, #tpu.memory_space<vmem>>, vector<16xf32>,
      %get3A_2266 = arith.constant 23 : i32
      %get3A_2267 = arith.index_cast %get3A_2266 : i32 to index
      %get3A_2268 = arith.constant 48 : index
      %get3A_2269 = tpu.vector_load %arg12[%get3A_2267, %get3A_2268] {strides = array<i32>} : memref<32x90xf32, #tpu.memory_space<vmem>>, vector<16xf32>,
      %mul3A_2270 = arith.mulf %get3A_2265, %get3A_2269 : vector<16xf32>
      %add3A_2271 = arith.addf %add3A_2261, %mul3A_2270 : vector<16xf32>
      %get3A_2272 = arith.constant 23 : i32
      %get3A_2273 = arith.index_cast %get3A_2272 : i32 to index
      %get3A_2274 = arith.constant 64 : index
      %get3A_2275 = tpu.vector_load %arg11[%get3A_2273, %get3A_2274] {strides = array<i32>} : memref<32x90xf32, #tpu.memory_space<vmem>>, vector<16xf32>,
      %get3A_2276 = arith.constant 23 : i32
      %get3A_2277 = arith.index_cast %get3A_2276 : i32 to index
      %get3A_2278 = arith.constant 64 : index
      %get3A_2279 = tpu.vector_load %arg12[%get3A_2277, %get3A_2278] {strides = array<i32>} : memref<32x90xf32, #tpu.memory_space<vmem>>, vector<16xf32>,
      %mul3A_2280 = arith.mulf %get3A_2275, %get3A_2279 : vector<16xf32>
      %add3A_2281 = arith.addf %add3A_2271, %mul3A_2280 : vector<16xf32>
      %get3A_2282 = arith.constant 23 : i32
      %get3A_2283 = arith.index_cast %get3A_2282 : i32 to index
      %get3A_2284 = arith.constant 74 : index
      %get3A_2285 = tpu.vector_load %arg11[%get3A_2283, %get3A_2284] {strides = array<i32>} : memref<32x90xf32, #tpu.memory_space<vmem>>, vector<16xf32>,
      %get3A_2286 = arith.constant 23 : i32
      %get3A_2287 = arith.index_cast %get3A_2286 : i32 to index
      %get3A_2288 = arith.constant 74 : index
      %get3A_2289 = tpu.vector_load %arg12[%get3A_2287, %get3A_2288] {strides = array<i32>} : memref<32x90xf32, #tpu.memory_space<vmem>>, vector<16xf32>,
      %mul3A_2290 = arith.mulf %get3A_2285, %get3A_2289 : vector<16xf32>
      %select_n3A_2291 = arith.select %ge3A_69, %mul3A_2290, %broadcast_in_dim3A_70 : vector<16xi1>, vector<16xf32>
      %add3A_2292 = arith.addf %add3A_2281, %select_n3A_2291 : vector<16xf32>
      %eq3A_2293 = arith.constant 7 : i32
      %eq3A_2294 = vector.broadcast %eq3A_2293 : i32 to vector<16xi32>
      %eq3A_2295 = arith.cmpi eq, %iota3A, %eq3A_2294 : vector<16xi32>
      %reduce_sum3A_2296 = arith.constant true
      %reduce_sum3A_2297 = vector.broadcast %reduce_sum3A_2296 : i1 to vector<16xi1>
      %reduce_sum3A_2298 = tpu.scan <sum>, %add3A_2292 masked %reduce_sum3A_2297 : vector<16xf32>, vector<16xi1> -> vector<16xf32>
      %reduce_sum3A_2299 = vector.extract %reduce_sum3A_2298[15] : f32 from vector<16xf32>
      %broadcast_in_dim3A_2300 = vector.broadcast %reduce_sum3A_2299 : f32 to vector<16xf32>
      %select_n3A_2301 = arith.select %eq3A_2295, %broadcast_in_dim3A_2300, %select_n3A_2232 : vector<16xi1>, vector<16xf32>
      %get3A_2302 = arith.constant 24 : i32
      %get3A_2303 = arith.index_cast %get3A_2302 : i32 to index
      %get3A_2304 = arith.constant 0 : index
      %get3A_2305 = tpu.vector_load %arg11[%get3A_2303, %get3A_2304] {strides = array<i32>} : memref<32x90xf32, #tpu.memory_space<vmem>>, vector<16xf32>,
      %get3A_2306 = arith.constant 24 : i32
      %get3A_2307 = arith.index_cast %get3A_2306 : i32 to index
      %get3A_2308 = arith.constant 0 : index
      %get3A_2309 = tpu.vector_load %arg12[%get3A_2307, %get3A_2308] {strides = array<i32>} : memref<32x90xf32, #tpu.memory_space<vmem>>, vector<16xf32>,
      %mul3A_2310 = arith.mulf %get3A_2305, %get3A_2309 : vector<16xf32>
      %get3A_2311 = arith.constant 24 : i32
      %get3A_2312 = arith.index_cast %get3A_2311 : i32 to index
      %get3A_2313 = arith.constant 16 : index
      %get3A_2314 = tpu.vector_load %arg11[%get3A_2312, %get3A_2313] {strides = array<i32>} : memref<32x90xf32, #tpu.memory_space<vmem>>, vector<16xf32>,
      %get3A_2315 = arith.constant 24 : i32
      %get3A_2316 = arith.index_cast %get3A_2315 : i32 to index
      %get3A_2317 = arith.constant 16 : index
      %get3A_2318 = tpu.vector_load %arg12[%get3A_2316, %get3A_2317] {strides = array<i32>} : memref<32x90xf32, #tpu.memory_space<vmem>>, vector<16xf32>,
      %mul3A_2319 = arith.mulf %get3A_2314, %get3A_2318 : vector<16xf32>
      %add3A_2320 = arith.addf %mul3A_2310, %mul3A_2319 : vector<16xf32>
      %get3A_2321 = arith.constant 24 : i32
      %get3A_2322 = arith.index_cast %get3A_2321 : i32 to index
      %get3A_2323 = arith.constant 32 : index
      %get3A_2324 = tpu.vector_load %arg11[%get3A_2322, %get3A_2323] {strides = array<i32>} : memref<32x90xf32, #tpu.memory_space<vmem>>, vector<16xf32>,
      %get3A_2325 = arith.constant 24 : i32
      %get3A_2326 = arith.index_cast %get3A_2325 : i32 to index
      %get3A_2327 = arith.constant 32 : index
      %get3A_2328 = tpu.vector_load %arg12[%get3A_2326, %get3A_2327] {strides = array<i32>} : memref<32x90xf32, #tpu.memory_space<vmem>>, vector<16xf32>,
      %mul3A_2329 = arith.mulf %get3A_2324, %get3A_2328 : vector<16xf32>
      %add3A_2330 = arith.addf %add3A_2320, %mul3A_2329 : vector<16xf32>
      %get3A_2331 = arith.constant 24 : i32
      %get3A_2332 = arith.index_cast %get3A_2331 : i32 to index
      %get3A_2333 = arith.constant 48 : index
      %get3A_2334 = tpu.vector_load %arg11[%get3A_2332, %get3A_2333] {strides = array<i32>} : memref<32x90xf32, #tpu.memory_space<vmem>>, vector<16xf32>,
      %get3A_2335 = arith.constant 24 : i32
      %get3A_2336 = arith.index_cast %get3A_2335 : i32 to index
      %get3A_2337 = arith.constant 48 : index
      %get3A_2338 = tpu.vector_load %arg12[%get3A_2336, %get3A_2337] {strides = array<i32>} : memref<32x90xf32, #tpu.memory_space<vmem>>, vector<16xf32>,
      %mul3A_2339 = arith.mulf %get3A_2334, %get3A_2338 : vector<16xf32>
      %add3A_2340 = arith.addf %add3A_2330, %mul3A_2339 : vector<16xf32>
      %get3A_2341 = arith.constant 24 : i32
      %get3A_2342 = arith.index_cast %get3A_2341 : i32 to index
      %get3A_2343 = arith.constant 64 : index
      %get3A_2344 = tpu.vector_load %arg11[%get3A_2342, %get3A_2343] {strides = array<i32>} : memref<32x90xf32, #tpu.memory_space<vmem>>, vector<16xf32>,
      %get3A_2345 = arith.constant 24 : i32
      %get3A_2346 = arith.index_cast %get3A_2345 : i32 to index
      %get3A_2347 = arith.constant 64 : index
      %get3A_2348 = tpu.vector_load %arg12[%get3A_2346, %get3A_2347] {strides = array<i32>} : memref<32x90xf32, #tpu.memory_space<vmem>>, vector<16xf32>,
      %mul3A_2349 = arith.mulf %get3A_2344, %get3A_2348 : vector<16xf32>
      %add3A_2350 = arith.addf %add3A_2340, %mul3A_2349 : vector<16xf32>
      %get3A_2351 = arith.constant 24 : i32
      %get3A_2352 = arith.index_cast %get3A_2351 : i32 to index
      %get3A_2353 = arith.constant 74 : index
      %get3A_2354 = tpu.vector_load %arg11[%get3A_2352, %get3A_2353] {strides = array<i32>} : memref<32x90xf32, #tpu.memory_space<vmem>>, vector<16xf32>,
      %get3A_2355 = arith.constant 24 : i32
      %get3A_2356 = arith.index_cast %get3A_2355 : i32 to index
      %get3A_2357 = arith.constant 74 : index
      %get3A_2358 = tpu.vector_load %arg12[%get3A_2356, %get3A_2357] {strides = array<i32>} : memref<32x90xf32, #tpu.memory_space<vmem>>, vector<16xf32>,
      %mul3A_2359 = arith.mulf %get3A_2354, %get3A_2358 : vector<16xf32>
      %select_n3A_2360 = arith.select %ge3A_69, %mul3A_2359, %broadcast_in_dim3A_70 : vector<16xi1>, vector<16xf32>
      %add3A_2361 = arith.addf %add3A_2350, %select_n3A_2360 : vector<16xf32>
      %eq3A_2362 = arith.constant 8 : i32
      %eq3A_2363 = vector.broadcast %eq3A_2362 : i32 to vector<16xi32>
      %eq3A_2364 = arith.cmpi eq, %iota3A, %eq3A_2363 : vector<16xi32>
      %reduce_sum3A_2365 = arith.constant true
      %reduce_sum3A_2366 = vector.broadcast %reduce_sum3A_2365 : i1 to vector<16xi1>
      %reduce_sum3A_2367 = tpu.scan <sum>, %add3A_2361 masked %reduce_sum3A_2366 : vector<16xf32>, vector<16xi1> -> vector<16xf32>
      %reduce_sum3A_2368 = vector.extract %reduce_sum3A_2367[15] : f32 from vector<16xf32>
      %broadcast_in_dim3A_2369 = vector.broadcast %reduce_sum3A_2368 : f32 to vector<16xf32>
      %select_n3A_2370 = arith.select %eq3A_2364, %broadcast_in_dim3A_2369, %select_n3A_2301 : vector<16xi1>, vector<16xf32>
      %get3A_2371 = arith.constant 25 : i32
      %get3A_2372 = arith.index_cast %get3A_2371 : i32 to index
      %get3A_2373 = arith.constant 0 : index
      %get3A_2374 = tpu.vector_load %arg11[%get3A_2372, %get3A_2373] {strides = array<i32>} : memref<32x90xf32, #tpu.memory_space<vmem>>, vector<16xf32>,
      %get3A_2375 = arith.constant 25 : i32
      %get3A_2376 = arith.index_cast %get3A_2375 : i32 to index
      %get3A_2377 = arith.constant 0 : index
      %get3A_2378 = tpu.vector_load %arg12[%get3A_2376, %get3A_2377] {strides = array<i32>} : memref<32x90xf32, #tpu.memory_space<vmem>>, vector<16xf32>,
      %mul3A_2379 = arith.mulf %get3A_2374, %get3A_2378 : vector<16xf32>
      %get3A_2380 = arith.constant 25 : i32
      %get3A_2381 = arith.index_cast %get3A_2380 : i32 to index
      %get3A_2382 = arith.constant 16 : index
      %get3A_2383 = tpu.vector_load %arg11[%get3A_2381, %get3A_2382] {strides = array<i32>} : memref<32x90xf32, #tpu.memory_space<vmem>>, vector<16xf32>,
      %get3A_2384 = arith.constant 25 : i32
      %get3A_2385 = arith.index_cast %get3A_2384 : i32 to index
      %get3A_2386 = arith.constant 16 : index
      %get3A_2387 = tpu.vector_load %arg12[%get3A_2385, %get3A_2386] {strides = array<i32>} : memref<32x90xf32, #tpu.memory_space<vmem>>, vector<16xf32>,
      %mul3A_2388 = arith.mulf %get3A_2383, %get3A_2387 : vector<16xf32>
      %add3A_2389 = arith.addf %mul3A_2379, %mul3A_2388 : vector<16xf32>
      %get3A_2390 = arith.constant 25 : i32
      %get3A_2391 = arith.index_cast %get3A_2390 : i32 to index
      %get3A_2392 = arith.constant 32 : index
      %get3A_2393 = tpu.vector_load %arg11[%get3A_2391, %get3A_2392] {strides = array<i32>} : memref<32x90xf32, #tpu.memory_space<vmem>>, vector<16xf32>,
      %get3A_2394 = arith.constant 25 : i32
      %get3A_2395 = arith.index_cast %get3A_2394 : i32 to index
      %get3A_2396 = arith.constant 32 : index
      %get3A_2397 = tpu.vector_load %arg12[%get3A_2395, %get3A_2396] {strides = array<i32>} : memref<32x90xf32, #tpu.memory_space<vmem>>, vector<16xf32>,
      %mul3A_2398 = arith.mulf %get3A_2393, %get3A_2397 : vector<16xf32>
      %add3A_2399 = arith.addf %add3A_2389, %mul3A_2398 : vector<16xf32>
      %get3A_2400 = arith.constant 25 : i32
      %get3A_2401 = arith.index_cast %get3A_2400 : i32 to index
      %get3A_2402 = arith.constant 48 : index
      %get3A_2403 = tpu.vector_load %arg11[%get3A_2401, %get3A_2402] {strides = array<i32>} : memref<32x90xf32, #tpu.memory_space<vmem>>, vector<16xf32>,
      %get3A_2404 = arith.constant 25 : i32
      %get3A_2405 = arith.index_cast %get3A_2404 : i32 to index
      %get3A_2406 = arith.constant 48 : index
      %get3A_2407 = tpu.vector_load %arg12[%get3A_2405, %get3A_2406] {strides = array<i32>} : memref<32x90xf32, #tpu.memory_space<vmem>>, vector<16xf32>,
      %mul3A_2408 = arith.mulf %get3A_2403, %get3A_2407 : vector<16xf32>
      %add3A_2409 = arith.addf %add3A_2399, %mul3A_2408 : vector<16xf32>
      %get3A_2410 = arith.constant 25 : i32
      %get3A_2411 = arith.index_cast %get3A_2410 : i32 to index
      %get3A_2412 = arith.constant 64 : index
      %get3A_2413 = tpu.vector_load %arg11[%get3A_2411, %get3A_2412] {strides = array<i32>} : memref<32x90xf32, #tpu.memory_space<vmem>>, vector<16xf32>,
      %get3A_2414 = arith.constant 25 : i32
      %get3A_2415 = arith.index_cast %get3A_2414 : i32 to index
      %get3A_2416 = arith.constant 64 : index
      %get3A_2417 = tpu.vector_load %arg12[%get3A_2415, %get3A_2416] {strides = array<i32>} : memref<32x90xf32, #tpu.memory_space<vmem>>, vector<16xf32>,
      %mul3A_2418 = arith.mulf %get3A_2413, %get3A_2417 : vector<16xf32>
      %add3A_2419 = arith.addf %add3A_2409, %mul3A_2418 : vector<16xf32>
      %get3A_2420 = arith.constant 25 : i32
      %get3A_2421 = arith.index_cast %get3A_2420 : i32 to index
      %get3A_2422 = arith.constant 74 : index
      %get3A_2423 = tpu.vector_load %arg11[%get3A_2421, %get3A_2422] {strides = array<i32>} : memref<32x90xf32, #tpu.memory_space<vmem>>, vector<16xf32>,
      %get3A_2424 = arith.constant 25 : i32
      %get3A_2425 = arith.index_cast %get3A_2424 : i32 to index
      %get3A_2426 = arith.constant 74 : index
      %get3A_2427 = tpu.vector_load %arg12[%get3A_2425, %get3A_2426] {strides = array<i32>} : memref<32x90xf32, #tpu.memory_space<vmem>>, vector<16xf32>,
      %mul3A_2428 = arith.mulf %get3A_2423, %get3A_2427 : vector<16xf32>
      %select_n3A_2429 = arith.select %ge3A_69, %mul3A_2428, %broadcast_in_dim3A_70 : vector<16xi1>, vector<16xf32>
      %add3A_2430 = arith.addf %add3A_2419, %select_n3A_2429 : vector<16xf32>
      %eq3A_2431 = arith.constant 9 : i32
      %eq3A_2432 = vector.broadcast %eq3A_2431 : i32 to vector<16xi32>
      %eq3A_2433 = arith.cmpi eq, %iota3A, %eq3A_2432 : vector<16xi32>
      %reduce_sum3A_2434 = arith.constant true
      %reduce_sum3A_2435 = vector.broadcast %reduce_sum3A_2434 : i1 to vector<16xi1>
      %reduce_sum3A_2436 = tpu.scan <sum>, %add3A_2430 masked %reduce_sum3A_2435 : vector<16xf32>, vector<16xi1> -> vector<16xf32>
      %reduce_sum3A_2437 = vector.extract %reduce_sum3A_2436[15] : f32 from vector<16xf32>
      %broadcast_in_dim3A_2438 = vector.broadcast %reduce_sum3A_2437 : f32 to vector<16xf32>
      %select_n3A_2439 = arith.select %eq3A_2433, %broadcast_in_dim3A_2438, %select_n3A_2370 : vector<16xi1>, vector<16xf32>
      %get3A_2440 = arith.constant 26 : i32
      %get3A_2441 = arith.index_cast %get3A_2440 : i32 to index
      %get3A_2442 = arith.constant 0 : index
      %get3A_2443 = tpu.vector_load %arg11[%get3A_2441, %get3A_2442] {strides = array<i32>} : memref<32x90xf32, #tpu.memory_space<vmem>>, vector<16xf32>,
      %get3A_2444 = arith.constant 26 : i32
      %get3A_2445 = arith.index_cast %get3A_2444 : i32 to index
      %get3A_2446 = arith.constant 0 : index
      %get3A_2447 = tpu.vector_load %arg12[%get3A_2445, %get3A_2446] {strides = array<i32>} : memref<32x90xf32, #tpu.memory_space<vmem>>, vector<16xf32>,
      %mul3A_2448 = arith.mulf %get3A_2443, %get3A_2447 : vector<16xf32>
      %get3A_2449 = arith.constant 26 : i32
      %get3A_2450 = arith.index_cast %get3A_2449 : i32 to index
      %get3A_2451 = arith.constant 16 : index
      %get3A_2452 = tpu.vector_load %arg11[%get3A_2450, %get3A_2451] {strides = array<i32>} : memref<32x90xf32, #tpu.memory_space<vmem>>, vector<16xf32>,
      %get3A_2453 = arith.constant 26 : i32
      %get3A_2454 = arith.index_cast %get3A_2453 : i32 to index
      %get3A_2455 = arith.constant 16 : index
      %get3A_2456 = tpu.vector_load %arg12[%get3A_2454, %get3A_2455] {strides = array<i32>} : memref<32x90xf32, #tpu.memory_space<vmem>>, vector<16xf32>,
      %mul3A_2457 = arith.mulf %get3A_2452, %get3A_2456 : vector<16xf32>
      %add3A_2458 = arith.addf %mul3A_2448, %mul3A_2457 : vector<16xf32>
      %get3A_2459 = arith.constant 26 : i32
      %get3A_2460 = arith.index_cast %get3A_2459 : i32 to index
      %get3A_2461 = arith.constant 32 : index
      %get3A_2462 = tpu.vector_load %arg11[%get3A_2460, %get3A_2461] {strides = array<i32>} : memref<32x90xf32, #tpu.memory_space<vmem>>, vector<16xf32>,
      %get3A_2463 = arith.constant 26 : i32
      %get3A_2464 = arith.index_cast %get3A_2463 : i32 to index
      %get3A_2465 = arith.constant 32 : index
      %get3A_2466 = tpu.vector_load %arg12[%get3A_2464, %get3A_2465] {strides = array<i32>} : memref<32x90xf32, #tpu.memory_space<vmem>>, vector<16xf32>,
      %mul3A_2467 = arith.mulf %get3A_2462, %get3A_2466 : vector<16xf32>
      %add3A_2468 = arith.addf %add3A_2458, %mul3A_2467 : vector<16xf32>
      %get3A_2469 = arith.constant 26 : i32
      %get3A_2470 = arith.index_cast %get3A_2469 : i32 to index
      %get3A_2471 = arith.constant 48 : index
      %get3A_2472 = tpu.vector_load %arg11[%get3A_2470, %get3A_2471] {strides = array<i32>} : memref<32x90xf32, #tpu.memory_space<vmem>>, vector<16xf32>,
      %get3A_2473 = arith.constant 26 : i32
      %get3A_2474 = arith.index_cast %get3A_2473 : i32 to index
      %get3A_2475 = arith.constant 48 : index
      %get3A_2476 = tpu.vector_load %arg12[%get3A_2474, %get3A_2475] {strides = array<i32>} : memref<32x90xf32, #tpu.memory_space<vmem>>, vector<16xf32>,
      %mul3A_2477 = arith.mulf %get3A_2472, %get3A_2476 : vector<16xf32>
      %add3A_2478 = arith.addf %add3A_2468, %mul3A_2477 : vector<16xf32>
      %get3A_2479 = arith.constant 26 : i32
      %get3A_2480 = arith.index_cast %get3A_2479 : i32 to index
      %get3A_2481 = arith.constant 64 : index
      %get3A_2482 = tpu.vector_load %arg11[%get3A_2480, %get3A_2481] {strides = array<i32>} : memref<32x90xf32, #tpu.memory_space<vmem>>, vector<16xf32>,
      %get3A_2483 = arith.constant 26 : i32
      %get3A_2484 = arith.index_cast %get3A_2483 : i32 to index
      %get3A_2485 = arith.constant 64 : index
      %get3A_2486 = tpu.vector_load %arg12[%get3A_2484, %get3A_2485] {strides = array<i32>} : memref<32x90xf32, #tpu.memory_space<vmem>>, vector<16xf32>,
      %mul3A_2487 = arith.mulf %get3A_2482, %get3A_2486 : vector<16xf32>
      %add3A_2488 = arith.addf %add3A_2478, %mul3A_2487 : vector<16xf32>
      %get3A_2489 = arith.constant 26 : i32
      %get3A_2490 = arith.index_cast %get3A_2489 : i32 to index
      %get3A_2491 = arith.constant 74 : index
      %get3A_2492 = tpu.vector_load %arg11[%get3A_2490, %get3A_2491] {strides = array<i32>} : memref<32x90xf32, #tpu.memory_space<vmem>>, vector<16xf32>,
      %get3A_2493 = arith.constant 26 : i32
      %get3A_2494 = arith.index_cast %get3A_2493 : i32 to index
      %get3A_2495 = arith.constant 74 : index
      %get3A_2496 = tpu.vector_load %arg12[%get3A_2494, %get3A_2495] {strides = array<i32>} : memref<32x90xf32, #tpu.memory_space<vmem>>, vector<16xf32>,
      %mul3A_2497 = arith.mulf %get3A_2492, %get3A_2496 : vector<16xf32>
      %select_n3A_2498 = arith.select %ge3A_69, %mul3A_2497, %broadcast_in_dim3A_70 : vector<16xi1>, vector<16xf32>
      %add3A_2499 = arith.addf %add3A_2488, %select_n3A_2498 : vector<16xf32>
      %eq3A_2500 = arith.constant 10 : i32
      %eq3A_2501 = vector.broadcast %eq3A_2500 : i32 to vector<16xi32>
      %eq3A_2502 = arith.cmpi eq, %iota3A, %eq3A_2501 : vector<16xi32>
      %reduce_sum3A_2503 = arith.constant true
      %reduce_sum3A_2504 = vector.broadcast %reduce_sum3A_2503 : i1 to vector<16xi1>
      %reduce_sum3A_2505 = tpu.scan <sum>, %add3A_2499 masked %reduce_sum3A_2504 : vector<16xf32>, vector<16xi1> -> vector<16xf32>
      %reduce_sum3A_2506 = vector.extract %reduce_sum3A_2505[15] : f32 from vector<16xf32>
      %broadcast_in_dim3A_2507 = vector.broadcast %reduce_sum3A_2506 : f32 to vector<16xf32>
      %select_n3A_2508 = arith.select %eq3A_2502, %broadcast_in_dim3A_2507, %select_n3A_2439 : vector<16xi1>, vector<16xf32>
      %get3A_2509 = arith.constant 27 : i32
      %get3A_2510 = arith.index_cast %get3A_2509 : i32 to index
      %get3A_2511 = arith.constant 0 : index
      %get3A_2512 = tpu.vector_load %arg11[%get3A_2510, %get3A_2511] {strides = array<i32>} : memref<32x90xf32, #tpu.memory_space<vmem>>, vector<16xf32>,
      %get3A_2513 = arith.constant 27 : i32
      %get3A_2514 = arith.index_cast %get3A_2513 : i32 to index
      %get3A_2515 = arith.constant 0 : index
      %get3A_2516 = tpu.vector_load %arg12[%get3A_2514, %get3A_2515] {strides = array<i32>} : memref<32x90xf32, #tpu.memory_space<vmem>>, vector<16xf32>,
      %mul3A_2517 = arith.mulf %get3A_2512, %get3A_2516 : vector<16xf32>
      %get3A_2518 = arith.constant 27 : i32
      %get3A_2519 = arith.index_cast %get3A_2518 : i32 to index
      %get3A_2520 = arith.constant 16 : index
      %get3A_2521 = tpu.vector_load %arg11[%get3A_2519, %get3A_2520] {strides = array<i32>} : memref<32x90xf32, #tpu.memory_space<vmem>>, vector<16xf32>,
      %get3A_2522 = arith.constant 27 : i32
      %get3A_2523 = arith.index_cast %get3A_2522 : i32 to index
      %get3A_2524 = arith.constant 16 : index
      %get3A_2525 = tpu.vector_load %arg12[%get3A_2523, %get3A_2524] {strides = array<i32>} : memref<32x90xf32, #tpu.memory_space<vmem>>, vector<16xf32>,
      %mul3A_2526 = arith.mulf %get3A_2521, %get3A_2525 : vector<16xf32>
      %add3A_2527 = arith.addf %mul3A_2517, %mul3A_2526 : vector<16xf32>
      %get3A_2528 = arith.constant 27 : i32
      %get3A_2529 = arith.index_cast %get3A_2528 : i32 to index
      %get3A_2530 = arith.constant 32 : index
      %get3A_2531 = tpu.vector_load %arg11[%get3A_2529, %get3A_2530] {strides = array<i32>} : memref<32x90xf32, #tpu.memory_space<vmem>>, vector<16xf32>,
      %get3A_2532 = arith.constant 27 : i32
      %get3A_2533 = arith.index_cast %get3A_2532 : i32 to index
      %get3A_2534 = arith.constant 32 : index
      %get3A_2535 = tpu.vector_load %arg12[%get3A_2533, %get3A_2534] {strides = array<i32>} : memref<32x90xf32, #tpu.memory_space<vmem>>, vector<16xf32>,
      %mul3A_2536 = arith.mulf %get3A_2531, %get3A_2535 : vector<16xf32>
      %add3A_2537 = arith.addf %add3A_2527, %mul3A_2536 : vector<16xf32>
      %get3A_2538 = arith.constant 27 : i32
      %get3A_2539 = arith.index_cast %get3A_2538 : i32 to index
      %get3A_2540 = arith.constant 48 : index
      %get3A_2541 = tpu.vector_load %arg11[%get3A_2539, %get3A_2540] {strides = array<i32>} : memref<32x90xf32, #tpu.memory_space<vmem>>, vector<16xf32>,
      %get3A_2542 = arith.constant 27 : i32
      %get3A_2543 = arith.index_cast %get3A_2542 : i32 to index
      %get3A_2544 = arith.constant 48 : index
      %get3A_2545 = tpu.vector_load %arg12[%get3A_2543, %get3A_2544] {strides = array<i32>} : memref<32x90xf32, #tpu.memory_space<vmem>>, vector<16xf32>,
      %mul3A_2546 = arith.mulf %get3A_2541, %get3A_2545 : vector<16xf32>
      %add3A_2547 = arith.addf %add3A_2537, %mul3A_2546 : vector<16xf32>
      %get3A_2548 = arith.constant 27 : i32
      %get3A_2549 = arith.index_cast %get3A_2548 : i32 to index
      %get3A_2550 = arith.constant 64 : index
      %get3A_2551 = tpu.vector_load %arg11[%get3A_2549, %get3A_2550] {strides = array<i32>} : memref<32x90xf32, #tpu.memory_space<vmem>>, vector<16xf32>,
      %get3A_2552 = arith.constant 27 : i32
      %get3A_2553 = arith.index_cast %get3A_2552 : i32 to index
      %get3A_2554 = arith.constant 64 : index
      %get3A_2555 = tpu.vector_load %arg12[%get3A_2553, %get3A_2554] {strides = array<i32>} : memref<32x90xf32, #tpu.memory_space<vmem>>, vector<16xf32>,
      %mul3A_2556 = arith.mulf %get3A_2551, %get3A_2555 : vector<16xf32>
      %add3A_2557 = arith.addf %add3A_2547, %mul3A_2556 : vector<16xf32>
      %get3A_2558 = arith.constant 27 : i32
      %get3A_2559 = arith.index_cast %get3A_2558 : i32 to index
      %get3A_2560 = arith.constant 74 : index
      %get3A_2561 = tpu.vector_load %arg11[%get3A_2559, %get3A_2560] {strides = array<i32>} : memref<32x90xf32, #tpu.memory_space<vmem>>, vector<16xf32>,
      %get3A_2562 = arith.constant 27 : i32
      %get3A_2563 = arith.index_cast %get3A_2562 : i32 to index
      %get3A_2564 = arith.constant 74 : index
      %get3A_2565 = tpu.vector_load %arg12[%get3A_2563, %get3A_2564] {strides = array<i32>} : memref<32x90xf32, #tpu.memory_space<vmem>>, vector<16xf32>,
      %mul3A_2566 = arith.mulf %get3A_2561, %get3A_2565 : vector<16xf32>
      %select_n3A_2567 = arith.select %ge3A_69, %mul3A_2566, %broadcast_in_dim3A_70 : vector<16xi1>, vector<16xf32>
      %add3A_2568 = arith.addf %add3A_2557, %select_n3A_2567 : vector<16xf32>
      %eq3A_2569 = arith.constant 11 : i32
      %eq3A_2570 = vector.broadcast %eq3A_2569 : i32 to vector<16xi32>
      %eq3A_2571 = arith.cmpi eq, %iota3A, %eq3A_2570 : vector<16xi32>
      %reduce_sum3A_2572 = arith.constant true
      %reduce_sum3A_2573 = vector.broadcast %reduce_sum3A_2572 : i1 to vector<16xi1>
      %reduce_sum3A_2574 = tpu.scan <sum>, %add3A_2568 masked %reduce_sum3A_2573 : vector<16xf32>, vector<16xi1> -> vector<16xf32>
      %reduce_sum3A_2575 = vector.extract %reduce_sum3A_2574[15] : f32 from vector<16xf32>
      %broadcast_in_dim3A_2576 = vector.broadcast %reduce_sum3A_2575 : f32 to vector<16xf32>
      %select_n3A_2577 = arith.select %eq3A_2571, %broadcast_in_dim3A_2576, %select_n3A_2508 : vector<16xi1>, vector<16xf32>
      %get3A_2578 = arith.constant 28 : i32
      %get3A_2579 = arith.index_cast %get3A_2578 : i32 to index
      %get3A_2580 = arith.constant 0 : index
      %get3A_2581 = tpu.vector_load %arg11[%get3A_2579, %get3A_2580] {strides = array<i32>} : memref<32x90xf32, #tpu.memory_space<vmem>>, vector<16xf32>,
      %get3A_2582 = arith.constant 28 : i32
      %get3A_2583 = arith.index_cast %get3A_2582 : i32 to index
      %get3A_2584 = arith.constant 0 : index
      %get3A_2585 = tpu.vector_load %arg12[%get3A_2583, %get3A_2584] {strides = array<i32>} : memref<32x90xf32, #tpu.memory_space<vmem>>, vector<16xf32>,
      %mul3A_2586 = arith.mulf %get3A_2581, %get3A_2585 : vector<16xf32>
      %get3A_2587 = arith.constant 28 : i32
      %get3A_2588 = arith.index_cast %get3A_2587 : i32 to index
      %get3A_2589 = arith.constant 16 : index
      %get3A_2590 = tpu.vector_load %arg11[%get3A_2588, %get3A_2589] {strides = array<i32>} : memref<32x90xf32, #tpu.memory_space<vmem>>, vector<16xf32>,
      %get3A_2591 = arith.constant 28 : i32
      %get3A_2592 = arith.index_cast %get3A_2591 : i32 to index
      %get3A_2593 = arith.constant 16 : index
      %get3A_2594 = tpu.vector_load %arg12[%get3A_2592, %get3A_2593] {strides = array<i32>} : memref<32x90xf32, #tpu.memory_space<vmem>>, vector<16xf32>,
      %mul3A_2595 = arith.mulf %get3A_2590, %get3A_2594 : vector<16xf32>
      %add3A_2596 = arith.addf %mul3A_2586, %mul3A_2595 : vector<16xf32>
      %get3A_2597 = arith.constant 28 : i32
      %get3A_2598 = arith.index_cast %get3A_2597 : i32 to index
      %get3A_2599 = arith.constant 32 : index
      %get3A_2600 = tpu.vector_load %arg11[%get3A_2598, %get3A_2599] {strides = array<i32>} : memref<32x90xf32, #tpu.memory_space<vmem>>, vector<16xf32>,
      %get3A_2601 = arith.constant 28 : i32
      %get3A_2602 = arith.index_cast %get3A_2601 : i32 to index
      %get3A_2603 = arith.constant 32 : index
      %get3A_2604 = tpu.vector_load %arg12[%get3A_2602, %get3A_2603] {strides = array<i32>} : memref<32x90xf32, #tpu.memory_space<vmem>>, vector<16xf32>,
      %mul3A_2605 = arith.mulf %get3A_2600, %get3A_2604 : vector<16xf32>
      %add3A_2606 = arith.addf %add3A_2596, %mul3A_2605 : vector<16xf32>
      %get3A_2607 = arith.constant 28 : i32
      %get3A_2608 = arith.index_cast %get3A_2607 : i32 to index
      %get3A_2609 = arith.constant 48 : index
      %get3A_2610 = tpu.vector_load %arg11[%get3A_2608, %get3A_2609] {strides = array<i32>} : memref<32x90xf32, #tpu.memory_space<vmem>>, vector<16xf32>,
      %get3A_2611 = arith.constant 28 : i32
      %get3A_2612 = arith.index_cast %get3A_2611 : i32 to index
      %get3A_2613 = arith.constant 48 : index
      %get3A_2614 = tpu.vector_load %arg12[%get3A_2612, %get3A_2613] {strides = array<i32>} : memref<32x90xf32, #tpu.memory_space<vmem>>, vector<16xf32>,
      %mul3A_2615 = arith.mulf %get3A_2610, %get3A_2614 : vector<16xf32>
      %add3A_2616 = arith.addf %add3A_2606, %mul3A_2615 : vector<16xf32>
      %get3A_2617 = arith.constant 28 : i32
      %get3A_2618 = arith.index_cast %get3A_2617 : i32 to index
      %get3A_2619 = arith.constant 64 : index
      %get3A_2620 = tpu.vector_load %arg11[%get3A_2618, %get3A_2619] {strides = array<i32>} : memref<32x90xf32, #tpu.memory_space<vmem>>, vector<16xf32>,
      %get3A_2621 = arith.constant 28 : i32
      %get3A_2622 = arith.index_cast %get3A_2621 : i32 to index
      %get3A_2623 = arith.constant 64 : index
      %get3A_2624 = tpu.vector_load %arg12[%get3A_2622, %get3A_2623] {strides = array<i32>} : memref<32x90xf32, #tpu.memory_space<vmem>>, vector<16xf32>,
      %mul3A_2625 = arith.mulf %get3A_2620, %get3A_2624 : vector<16xf32>
      %add3A_2626 = arith.addf %add3A_2616, %mul3A_2625 : vector<16xf32>
      %get3A_2627 = arith.constant 28 : i32
      %get3A_2628 = arith.index_cast %get3A_2627 : i32 to index
      %get3A_2629 = arith.constant 74 : index
      %get3A_2630 = tpu.vector_load %arg11[%get3A_2628, %get3A_2629] {strides = array<i32>} : memref<32x90xf32, #tpu.memory_space<vmem>>, vector<16xf32>,
      %get3A_2631 = arith.constant 28 : i32
      %get3A_2632 = arith.index_cast %get3A_2631 : i32 to index
      %get3A_2633 = arith.constant 74 : index
      %get3A_2634 = tpu.vector_load %arg12[%get3A_2632, %get3A_2633] {strides = array<i32>} : memref<32x90xf32, #tpu.memory_space<vmem>>, vector<16xf32>,
      %mul3A_2635 = arith.mulf %get3A_2630, %get3A_2634 : vector<16xf32>
      %select_n3A_2636 = arith.select %ge3A_69, %mul3A_2635, %broadcast_in_dim3A_70 : vector<16xi1>, vector<16xf32>
      %add3A_2637 = arith.addf %add3A_2626, %select_n3A_2636 : vector<16xf32>
      %eq3A_2638 = arith.constant 12 : i32
      %eq3A_2639 = vector.broadcast %eq3A_2638 : i32 to vector<16xi32>
      %eq3A_2640 = arith.cmpi eq, %iota3A, %eq3A_2639 : vector<16xi32>
      %reduce_sum3A_2641 = arith.constant true
      %reduce_sum3A_2642 = vector.broadcast %reduce_sum3A_2641 : i1 to vector<16xi1>
      %reduce_sum3A_2643 = tpu.scan <sum>, %add3A_2637 masked %reduce_sum3A_2642 : vector<16xf32>, vector<16xi1> -> vector<16xf32>
      %reduce_sum3A_2644 = vector.extract %reduce_sum3A_2643[15] : f32 from vector<16xf32>
      %broadcast_in_dim3A_2645 = vector.broadcast %reduce_sum3A_2644 : f32 to vector<16xf32>
      %select_n3A_2646 = arith.select %eq3A_2640, %broadcast_in_dim3A_2645, %select_n3A_2577 : vector<16xi1>, vector<16xf32>
      %get3A_2647 = arith.constant 29 : i32
      %get3A_2648 = arith.index_cast %get3A_2647 : i32 to index
      %get3A_2649 = arith.constant 0 : index
      %get3A_2650 = tpu.vector_load %arg11[%get3A_2648, %get3A_2649] {strides = array<i32>} : memref<32x90xf32, #tpu.memory_space<vmem>>, vector<16xf32>,
      %get3A_2651 = arith.constant 29 : i32
      %get3A_2652 = arith.index_cast %get3A_2651 : i32 to index
      %get3A_2653 = arith.constant 0 : index
      %get3A_2654 = tpu.vector_load %arg12[%get3A_2652, %get3A_2653] {strides = array<i32>} : memref<32x90xf32, #tpu.memory_space<vmem>>, vector<16xf32>,
      %mul3A_2655 = arith.mulf %get3A_2650, %get3A_2654 : vector<16xf32>
      %get3A_2656 = arith.constant 29 : i32
      %get3A_2657 = arith.index_cast %get3A_2656 : i32 to index
      %get3A_2658 = arith.constant 16 : index
      %get3A_2659 = tpu.vector_load %arg11[%get3A_2657, %get3A_2658] {strides = array<i32>} : memref<32x90xf32, #tpu.memory_space<vmem>>, vector<16xf32>,
      %get3A_2660 = arith.constant 29 : i32
      %get3A_2661 = arith.index_cast %get3A_2660 : i32 to index
      %get3A_2662 = arith.constant 16 : index
      %get3A_2663 = tpu.vector_load %arg12[%get3A_2661, %get3A_2662] {strides = array<i32>} : memref<32x90xf32, #tpu.memory_space<vmem>>, vector<16xf32>,
      %mul3A_2664 = arith.mulf %get3A_2659, %get3A_2663 : vector<16xf32>
      %add3A_2665 = arith.addf %mul3A_2655, %mul3A_2664 : vector<16xf32>
      %get3A_2666 = arith.constant 29 : i32
      %get3A_2667 = arith.index_cast %get3A_2666 : i32 to index
      %get3A_2668 = arith.constant 32 : index
      %get3A_2669 = tpu.vector_load %arg11[%get3A_2667, %get3A_2668] {strides = array<i32>} : memref<32x90xf32, #tpu.memory_space<vmem>>, vector<16xf32>,
      %get3A_2670 = arith.constant 29 : i32
      %get3A_2671 = arith.index_cast %get3A_2670 : i32 to index
      %get3A_2672 = arith.constant 32 : index
      %get3A_2673 = tpu.vector_load %arg12[%get3A_2671, %get3A_2672] {strides = array<i32>} : memref<32x90xf32, #tpu.memory_space<vmem>>, vector<16xf32>,
      %mul3A_2674 = arith.mulf %get3A_2669, %get3A_2673 : vector<16xf32>
      %add3A_2675 = arith.addf %add3A_2665, %mul3A_2674 : vector<16xf32>
      %get3A_2676 = arith.constant 29 : i32
      %get3A_2677 = arith.index_cast %get3A_2676 : i32 to index
      %get3A_2678 = arith.constant 48 : index
      %get3A_2679 = tpu.vector_load %arg11[%get3A_2677, %get3A_2678] {strides = array<i32>} : memref<32x90xf32, #tpu.memory_space<vmem>>, vector<16xf32>,
      %get3A_2680 = arith.constant 29 : i32
      %get3A_2681 = arith.index_cast %get3A_2680 : i32 to index
      %get3A_2682 = arith.constant 48 : index
      %get3A_2683 = tpu.vector_load %arg12[%get3A_2681, %get3A_2682] {strides = array<i32>} : memref<32x90xf32, #tpu.memory_space<vmem>>, vector<16xf32>,
      %mul3A_2684 = arith.mulf %get3A_2679, %get3A_2683 : vector<16xf32>
      %add3A_2685 = arith.addf %add3A_2675, %mul3A_2684 : vector<16xf32>
      %get3A_2686 = arith.constant 29 : i32
      %get3A_2687 = arith.index_cast %get3A_2686 : i32 to index
      %get3A_2688 = arith.constant 64 : index
      %get3A_2689 = tpu.vector_load %arg11[%get3A_2687, %get3A_2688] {strides = array<i32>} : memref<32x90xf32, #tpu.memory_space<vmem>>, vector<16xf32>,
      %get3A_2690 = arith.constant 29 : i32
      %get3A_2691 = arith.index_cast %get3A_2690 : i32 to index
      %get3A_2692 = arith.constant 64 : index
      %get3A_2693 = tpu.vector_load %arg12[%get3A_2691, %get3A_2692] {strides = array<i32>} : memref<32x90xf32, #tpu.memory_space<vmem>>, vector<16xf32>,
      %mul3A_2694 = arith.mulf %get3A_2689, %get3A_2693 : vector<16xf32>
      %add3A_2695 = arith.addf %add3A_2685, %mul3A_2694 : vector<16xf32>
      %get3A_2696 = arith.constant 29 : i32
      %get3A_2697 = arith.index_cast %get3A_2696 : i32 to index
      %get3A_2698 = arith.constant 74 : index
      %get3A_2699 = tpu.vector_load %arg11[%get3A_2697, %get3A_2698] {strides = array<i32>} : memref<32x90xf32, #tpu.memory_space<vmem>>, vector<16xf32>,
      %get3A_2700 = arith.constant 29 : i32
      %get3A_2701 = arith.index_cast %get3A_2700 : i32 to index
      %get3A_2702 = arith.constant 74 : index
      %get3A_2703 = tpu.vector_load %arg12[%get3A_2701, %get3A_2702] {strides = array<i32>} : memref<32x90xf32, #tpu.memory_space<vmem>>, vector<16xf32>,
      %mul3A_2704 = arith.mulf %get3A_2699, %get3A_2703 : vector<16xf32>
      %select_n3A_2705 = arith.select %ge3A_69, %mul3A_2704, %broadcast_in_dim3A_70 : vector<16xi1>, vector<16xf32>
      %add3A_2706 = arith.addf %add3A_2695, %select_n3A_2705 : vector<16xf32>
      %eq3A_2707 = arith.constant 13 : i32
      %eq3A_2708 = vector.broadcast %eq3A_2707 : i32 to vector<16xi32>
      %eq3A_2709 = arith.cmpi eq, %iota3A, %eq3A_2708 : vector<16xi32>
      %reduce_sum3A_2710 = arith.constant true
      %reduce_sum3A_2711 = vector.broadcast %reduce_sum3A_2710 : i1 to vector<16xi1>
      %reduce_sum3A_2712 = tpu.scan <sum>, %add3A_2706 masked %reduce_sum3A_2711 : vector<16xf32>, vector<16xi1> -> vector<16xf32>
      %reduce_sum3A_2713 = vector.extract %reduce_sum3A_2712[15] : f32 from vector<16xf32>
      %broadcast_in_dim3A_2714 = vector.broadcast %reduce_sum3A_2713 : f32 to vector<16xf32>
      %select_n3A_2715 = arith.select %eq3A_2709, %broadcast_in_dim3A_2714, %select_n3A_2646 : vector<16xi1>, vector<16xf32>
      %get3A_2716 = arith.constant 30 : i32
      %get3A_2717 = arith.index_cast %get3A_2716 : i32 to index
      %get3A_2718 = arith.constant 0 : index
      %get3A_2719 = tpu.vector_load %arg11[%get3A_2717, %get3A_2718] {strides = array<i32>} : memref<32x90xf32, #tpu.memory_space<vmem>>, vector<16xf32>,
      %get3A_2720 = arith.constant 30 : i32
      %get3A_2721 = arith.index_cast %get3A_2720 : i32 to index
      %get3A_2722 = arith.constant 0 : index
      %get3A_2723 = tpu.vector_load %arg12[%get3A_2721, %get3A_2722] {strides = array<i32>} : memref<32x90xf32, #tpu.memory_space<vmem>>, vector<16xf32>,
      %mul3A_2724 = arith.mulf %get3A_2719, %get3A_2723 : vector<16xf32>
      %get3A_2725 = arith.constant 30 : i32
      %get3A_2726 = arith.index_cast %get3A_2725 : i32 to index
      %get3A_2727 = arith.constant 16 : index
      %get3A_2728 = tpu.vector_load %arg11[%get3A_2726, %get3A_2727] {strides = array<i32>} : memref<32x90xf32, #tpu.memory_space<vmem>>, vector<16xf32>,
      %get3A_2729 = arith.constant 30 : i32
      %get3A_2730 = arith.index_cast %get3A_2729 : i32 to index
      %get3A_2731 = arith.constant 16 : index
      %get3A_2732 = tpu.vector_load %arg12[%get3A_2730, %get3A_2731] {strides = array<i32>} : memref<32x90xf32, #tpu.memory_space<vmem>>, vector<16xf32>,
      %mul3A_2733 = arith.mulf %get3A_2728, %get3A_2732 : vector<16xf32>
      %add3A_2734 = arith.addf %mul3A_2724, %mul3A_2733 : vector<16xf32>
      %get3A_2735 = arith.constant 30 : i32
      %get3A_2736 = arith.index_cast %get3A_2735 : i32 to index
      %get3A_2737 = arith.constant 32 : index
      %get3A_2738 = tpu.vector_load %arg11[%get3A_2736, %get3A_2737] {strides = array<i32>} : memref<32x90xf32, #tpu.memory_space<vmem>>, vector<16xf32>,
      %get3A_2739 = arith.constant 30 : i32
      %get3A_2740 = arith.index_cast %get3A_2739 : i32 to index
      %get3A_2741 = arith.constant 32 : index
      %get3A_2742 = tpu.vector_load %arg12[%get3A_2740, %get3A_2741] {strides = array<i32>} : memref<32x90xf32, #tpu.memory_space<vmem>>, vector<16xf32>,
      %mul3A_2743 = arith.mulf %get3A_2738, %get3A_2742 : vector<16xf32>
      %add3A_2744 = arith.addf %add3A_2734, %mul3A_2743 : vector<16xf32>
      %get3A_2745 = arith.constant 30 : i32
      %get3A_2746 = arith.index_cast %get3A_2745 : i32 to index
      %get3A_2747 = arith.constant 48 : index
      %get3A_2748 = tpu.vector_load %arg11[%get3A_2746, %get3A_2747] {strides = array<i32>} : memref<32x90xf32, #tpu.memory_space<vmem>>, vector<16xf32>,
      %get3A_2749 = arith.constant 30 : i32
      %get3A_2750 = arith.index_cast %get3A_2749 : i32 to index
      %get3A_2751 = arith.constant 48 : index
      %get3A_2752 = tpu.vector_load %arg12[%get3A_2750, %get3A_2751] {strides = array<i32>} : memref<32x90xf32, #tpu.memory_space<vmem>>, vector<16xf32>,
      %mul3A_2753 = arith.mulf %get3A_2748, %get3A_2752 : vector<16xf32>
      %add3A_2754 = arith.addf %add3A_2744, %mul3A_2753 : vector<16xf32>
      %get3A_2755 = arith.constant 30 : i32
      %get3A_2756 = arith.index_cast %get3A_2755 : i32 to index
      %get3A_2757 = arith.constant 64 : index
      %get3A_2758 = tpu.vector_load %arg11[%get3A_2756, %get3A_2757] {strides = array<i32>} : memref<32x90xf32, #tpu.memory_space<vmem>>, vector<16xf32>,
      %get3A_2759 = arith.constant 30 : i32
      %get3A_2760 = arith.index_cast %get3A_2759 : i32 to index
      %get3A_2761 = arith.constant 64 : index
      %get3A_2762 = tpu.vector_load %arg12[%get3A_2760, %get3A_2761] {strides = array<i32>} : memref<32x90xf32, #tpu.memory_space<vmem>>, vector<16xf32>,
      %mul3A_2763 = arith.mulf %get3A_2758, %get3A_2762 : vector<16xf32>
      %add3A_2764 = arith.addf %add3A_2754, %mul3A_2763 : vector<16xf32>
      %get3A_2765 = arith.constant 30 : i32
      %get3A_2766 = arith.index_cast %get3A_2765 : i32 to index
      %get3A_2767 = arith.constant 74 : index
      %get3A_2768 = tpu.vector_load %arg11[%get3A_2766, %get3A_2767] {strides = array<i32>} : memref<32x90xf32, #tpu.memory_space<vmem>>, vector<16xf32>,
      %get3A_2769 = arith.constant 30 : i32
      %get3A_2770 = arith.index_cast %get3A_2769 : i32 to index
      %get3A_2771 = arith.constant 74 : index
      %get3A_2772 = tpu.vector_load %arg12[%get3A_2770, %get3A_2771] {strides = array<i32>} : memref<32x90xf32, #tpu.memory_space<vmem>>, vector<16xf32>,
      %mul3A_2773 = arith.mulf %get3A_2768, %get3A_2772 : vector<16xf32>
      %select_n3A_2774 = arith.select %ge3A_69, %mul3A_2773, %broadcast_in_dim3A_70 : vector<16xi1>, vector<16xf32>
      %add3A_2775 = arith.addf %add3A_2764, %select_n3A_2774 : vector<16xf32>
      %eq3A_2776 = arith.constant 14 : i32
      %eq3A_2777 = vector.broadcast %eq3A_2776 : i32 to vector<16xi32>
      %eq3A_2778 = arith.cmpi eq, %iota3A, %eq3A_2777 : vector<16xi32>
      %reduce_sum3A_2779 = arith.constant true
      %reduce_sum3A_2780 = vector.broadcast %reduce_sum3A_2779 : i1 to vector<16xi1>
      %reduce_sum3A_2781 = tpu.scan <sum>, %add3A_2775 masked %reduce_sum3A_2780 : vector<16xf32>, vector<16xi1> -> vector<16xf32>
      %reduce_sum3A_2782 = vector.extract %reduce_sum3A_2781[15] : f32 from vector<16xf32>
      %broadcast_in_dim3A_2783 = vector.broadcast %reduce_sum3A_2782 : f32 to vector<16xf32>
      %select_n3A_2784 = arith.select %eq3A_2778, %broadcast_in_dim3A_2783, %select_n3A_2715 : vector<16xi1>, vector<16xf32>
      %get3A_2785 = arith.constant 31 : i32
      %get3A_2786 = arith.index_cast %get3A_2785 : i32 to index
      %get3A_2787 = arith.constant 0 : index
      %get3A_2788 = tpu.vector_load %arg11[%get3A_2786, %get3A_2787] {strides = array<i32>} : memref<32x90xf32, #tpu.memory_space<vmem>>, vector<16xf32>,
      %get3A_2789 = arith.constant 31 : i32
      %get3A_2790 = arith.index_cast %get3A_2789 : i32 to index
      %get3A_2791 = arith.constant 0 : index
      %get3A_2792 = tpu.vector_load %arg12[%get3A_2790, %get3A_2791] {strides = array<i32>} : memref<32x90xf32, #tpu.memory_space<vmem>>, vector<16xf32>,
      %mul3A_2793 = arith.mulf %get3A_2788, %get3A_2792 : vector<16xf32>
      %get3A_2794 = arith.constant 31 : i32
      %get3A_2795 = arith.index_cast %get3A_2794 : i32 to index
      %get3A_2796 = arith.constant 16 : index
      %get3A_2797 = tpu.vector_load %arg11[%get3A_2795, %get3A_2796] {strides = array<i32>} : memref<32x90xf32, #tpu.memory_space<vmem>>, vector<16xf32>,
      %get3A_2798 = arith.constant 31 : i32
      %get3A_2799 = arith.index_cast %get3A_2798 : i32 to index
      %get3A_2800 = arith.constant 16 : index
      %get3A_2801 = tpu.vector_load %arg12[%get3A_2799, %get3A_2800] {strides = array<i32>} : memref<32x90xf32, #tpu.memory_space<vmem>>, vector<16xf32>,
      %mul3A_2802 = arith.mulf %get3A_2797, %get3A_2801 : vector<16xf32>
      %add3A_2803 = arith.addf %mul3A_2793, %mul3A_2802 : vector<16xf32>
      %get3A_2804 = arith.constant 31 : i32
      %get3A_2805 = arith.index_cast %get3A_2804 : i32 to index
      %get3A_2806 = arith.constant 32 : index
      %get3A_2807 = tpu.vector_load %arg11[%get3A_2805, %get3A_2806] {strides = array<i32>} : memref<32x90xf32, #tpu.memory_space<vmem>>, vector<16xf32>,
      %get3A_2808 = arith.constant 31 : i32
      %get3A_2809 = arith.index_cast %get3A_2808 : i32 to index
      %get3A_2810 = arith.constant 32 : index
      %get3A_2811 = tpu.vector_load %arg12[%get3A_2809, %get3A_2810] {strides = array<i32>} : memref<32x90xf32, #tpu.memory_space<vmem>>, vector<16xf32>,
      %mul3A_2812 = arith.mulf %get3A_2807, %get3A_2811 : vector<16xf32>
      %add3A_2813 = arith.addf %add3A_2803, %mul3A_2812 : vector<16xf32>
      %get3A_2814 = arith.constant 31 : i32
      %get3A_2815 = arith.index_cast %get3A_2814 : i32 to index
      %get3A_2816 = arith.constant 48 : index
      %get3A_2817 = tpu.vector_load %arg11[%get3A_2815, %get3A_2816] {strides = array<i32>} : memref<32x90xf32, #tpu.memory_space<vmem>>, vector<16xf32>,
      %get3A_2818 = arith.constant 31 : i32
      %get3A_2819 = arith.index_cast %get3A_2818 : i32 to index
      %get3A_2820 = arith.constant 48 : index
      %get3A_2821 = tpu.vector_load %arg12[%get3A_2819, %get3A_2820] {strides = array<i32>} : memref<32x90xf32, #tpu.memory_space<vmem>>, vector<16xf32>,
      %mul3A_2822 = arith.mulf %get3A_2817, %get3A_2821 : vector<16xf32>
      %add3A_2823 = arith.addf %add3A_2813, %mul3A_2822 : vector<16xf32>
      %get3A_2824 = arith.constant 31 : i32
      %get3A_2825 = arith.index_cast %get3A_2824 : i32 to index
      %get3A_2826 = arith.constant 64 : index
      %get3A_2827 = tpu.vector_load %arg11[%get3A_2825, %get3A_2826] {strides = array<i32>} : memref<32x90xf32, #tpu.memory_space<vmem>>, vector<16xf32>,
      %get3A_2828 = arith.constant 31 : i32
      %get3A_2829 = arith.index_cast %get3A_2828 : i32 to index
      %get3A_2830 = arith.constant 64 : index
      %get3A_2831 = tpu.vector_load %arg12[%get3A_2829, %get3A_2830] {strides = array<i32>} : memref<32x90xf32, #tpu.memory_space<vmem>>, vector<16xf32>,
      %mul3A_2832 = arith.mulf %get3A_2827, %get3A_2831 : vector<16xf32>
      %add3A_2833 = arith.addf %add3A_2823, %mul3A_2832 : vector<16xf32>
      %get3A_2834 = arith.constant 31 : i32
      %get3A_2835 = arith.index_cast %get3A_2834 : i32 to index
      %get3A_2836 = arith.constant 74 : index
      %get3A_2837 = tpu.vector_load %arg11[%get3A_2835, %get3A_2836] {strides = array<i32>} : memref<32x90xf32, #tpu.memory_space<vmem>>, vector<16xf32>,
      %get3A_2838 = arith.constant 31 : i32
      %get3A_2839 = arith.index_cast %get3A_2838 : i32 to index
      %get3A_2840 = arith.constant 74 : index
      %get3A_2841 = tpu.vector_load %arg12[%get3A_2839, %get3A_2840] {strides = array<i32>} : memref<32x90xf32, #tpu.memory_space<vmem>>, vector<16xf32>,
      %mul3A_2842 = arith.mulf %get3A_2837, %get3A_2841 : vector<16xf32>
      %select_n3A_2843 = arith.select %ge3A_69, %mul3A_2842, %broadcast_in_dim3A_70 : vector<16xi1>, vector<16xf32>
      %add3A_2844 = arith.addf %add3A_2833, %select_n3A_2843 : vector<16xf32>
      %eq3A_2845 = arith.constant 15 : i32
      %eq3A_2846 = vector.broadcast %eq3A_2845 : i32 to vector<16xi32>
      %eq3A_2847 = arith.cmpi eq, %iota3A, %eq3A_2846 : vector<16xi32>
      %reduce_sum3A_2848 = arith.constant true
      %reduce_sum3A_2849 = vector.broadcast %reduce_sum3A_2848 : i1 to vector<16xi1>
      %reduce_sum3A_2850 = tpu.scan <sum>, %add3A_2844 masked %reduce_sum3A_2849 : vector<16xf32>, vector<16xi1> -> vector<16xf32>
      %reduce_sum3A_2851 = vector.extract %reduce_sum3A_2850[15] : f32 from vector<16xf32>
      %broadcast_in_dim3A_2852 = vector.broadcast %reduce_sum3A_2851 : f32 to vector<16xf32>
      %select_n3A_2853 = arith.select %eq3A_2847, %broadcast_in_dim3A_2852, %select_n3A_2784 : vector<16xi1>, vector<16xf32>
      %mul3A_2854 = arith.constant 16 : i32
      %mul3A_2855 = arith.muli %add3A_1716, %mul3A_2854 : i32
      %get3A_2856 = arith.index_cast %mul3A_2855 : i32 to index
      %get3A_2857 = tpu.vector_load %arg13[%get3A_2856] {strides = array<i32>} : memref<512xf32, #tpu.memory_space<vmem>>, vector<16xf32>,
      %add3A_2858 = arith.addf %select_n3A_2853, %get3A_2857 : vector<16xf32>
      %get3A_2859 = arith.index_cast %mul3A_2855 : i32 to index
      %get3A_2860 = tpu.vector_load %arg14[%get3A_2859] {strides = array<i32>} : memref<512xf32, #tpu.memory_space<vmem>>, vector<16xf32>,
      %add3A_2861 = arith.addf %add3A_2858, %get3A_2860 : vector<16xf32>
      %add3A_2862 = arith.constant 3.500000e+00 : f32
      %add3A_2863 = vector.broadcast %add3A_2862 : f32 to vector<16xf32>
      %add3A_2864 = arith.addf %add3A_2861, %add3A_2863 : vector<16xf32>
      %swap3A_2865 = arith.index_cast %mul3A_2855 : i32 to index
      %swap3A_2866 = tpu.vector_load %arg15[%swap3A_2865] {strides = array<i32>} : memref<512xf32, #tpu.memory_space<vmem>>, vector<16xf32>,
      tpu.vector_store %arg15[%swap3A_2865], %add3A_2864 {strides = array<i32>} : memref<512xf32, #tpu.memory_space<vmem>>, vector<16xf32>,
    }
    %scan3A_559 = arith.constant 16 : i32
    %mul3A_560 = arith.constant 512 : i32
    %mul3A_561 = arith.muli %add3A, %mul3A_560 : i32
    "tpu.region"() ({
      %run_scoped3A = tpu.sem_alloc : memref<!tpu.dma_semaphore, #tpu.memory_space<semaphore_mem>>
      %dma_start3A_562 = tpu.memref_slice %arg8[%mul3A_561] : memref<16384xf32, #tpu.memory_space<hbm>> -> memref<512xf32, #tpu.memory_space<hbm>>
      %dma_start3A_563 = tpu.memref_slice %arg8[%mul3A_561] : memref<16384xf32, #tpu.memory_space<hbm>> -> memref<512xf32, #tpu.memory_space<hbm>>
      tpu.enqueue_dma source(%arg15 : memref<512xf32, #tpu.memory_space<vmem>>) target(%dma_start3A_563 : memref<512xf32, #tpu.memory_space<hbm>>) target_semaphore(%run_scoped3A : memref<!tpu.dma_semaphore, #tpu.memory_space<semaphore_mem>>)
      %dma_wait3A_564 = tpu.memref_slice %arg8[%mul3A_561] : memref<16384xf32, #tpu.memory_space<hbm>> -> memref<512xf32, #tpu.memory_space<hbm>>
      %dma_wait3A_565 = tpu.memref_slice %arg8[%mul3A_561] : memref<16384xf32, #tpu.memory_space<hbm>> -> memref<512xf32, #tpu.memory_space<hbm>>
      tpu.wait_dma2 semaphore(%run_scoped3A : memref<!tpu.dma_semaphore, #tpu.memory_space<semaphore_mem>>) src(%arg15 : memref<512xf32, #tpu.memory_space<vmem>>) dst(%dma_wait3A_565 : memref<512xf32, #tpu.memory_space<hbm>>)
      tpu.yield
    }) : () -> ()
    return
  }
}

</mosaic_0001>

<sc_bundles>
// kernel: _run.3.cloned.1.call-start
scs
__scs_entry_jumppad:
0x0: {  	(pc) =	sbr.rel $0x88, $3  }
0x1: {  	(tag) =	ssettag $0x0;
	lr =	simm.s32 $0x1  }
0x2: {  	[smem:$0x3F9B] =	sst lr;
	_ =	strace $0xD0000000  }
0x3: {  	_ = 	snop  }
0x4: {  	_ = 	snop  }
0x5: {  	_ = 	snop  }
0x6: {  	_ = 	snop  }
0x7: {  	_ = 	snop  }
__scs_overlays_trampoline_lowered:
0x8: {  	[smem:$0x3FAA] =	sst s0  }
0x9: {  	[smem:$0x3FAB] =	sst s1  }
0xa: {  	[smem:$0x3FAC] =	sst s2  }
0xb: {  	[smem:$0x3FAD] =	sst s3  }
0xc: {  	[smem:$0x3FAE] =	sst s4  }
0xd: {  	[smem:$0x3FAF] =	sst s5  }
0xe: {  	[smem:$0x3FB0] =	sst s6  }
0xf: {  	[smem:$0x3FB1] =	sst s7  }
0x10: {  	[smem:$0x3FB2] =	sst s8  }
0x11: {  	[smem:$0x3FB3] =	sst s9;
	s0 =	simm.s32 @!p0 $0x0  }
0x12: {  	s1 =	sld [smem:$0x3F99];
	s0 =	simm.s32 @p0 $0x1  }
0x13: {  	[smem:$0x3FB4] =	sst s0;
	s0 =	simm.s32 @!p1 $0x0  }
0x14: {  	s2 =	sld [smem:$0x3F98];
	s0 =	simm.s32 @p1 $0x1  }
0x15: {  	[smem:$0x3FB5] =	sst s0;
	s0 =	simm.s32 @!p2 $0x0  }
0x16: {  	s3 =	sld [smem:$0x3FDB];
	s0 =	simm.s32 @p2 $0x1  }
0x17: {  	s4 =	simm.s32 $0x1BF5;
	[smem:$0x3FB7] =	sst s0  }
0x18: {  	s0 =	sld [smem:$0x3F9A];
	_ =	swait.ge [sflag:s4], $0x0  }
0x19: {  	s7 =	sld [smem:$0x3F9B]  }
0x1a: {  	s8 =	sadd.s32 $0xFFFFE003, lr  }
0x1b: {  	s9 =	sadd.s32 $0xFFFFFEF7, lr;
	s5 =	simm.s32 $0xFFFFFFFF;
	p2 =	slt.u32 s8, $0xFFFFF086  }
0x1c: {  	p1 =	slt.u32 s9, $0xF7A;
	s5 =	simm.s32 @!p2 $0x0  }
0x1d: {  	s5 =	simm.s32 @p1 $0x1;
	p0 =	seq.s32 s7, s2  }
0x1e: {  	s7 =	smul.u32 @!p0 $0xF7A, s2;
	p2 =	seq.s32 @!p0 s5, $0x0  }
0x1f: {  	s9 =	smul.u32 $0xF7A, s1;
	s8 =	simm.s32 @!p0 $0x1BF5;
	p2 =	por !p2, p0  }
0x20: {  	[sflag:s8] =	ssyncset.s32 @!p0 $0xFFFFF086;
	s6 =	sadd.s32 @!p0 s3, s7;
	s7 =	simm.s32 @!p0 $0x108  }
0x21: {  	s3 =	sadd.s32 s3, s9;
	s6 =	sadd.s32 @!p0 $0x88, s6;
	s7 =	simm.s32 @p2 $0x1082  }
0x22: {  	[simem:s7], [sflag:s8] =	dma.local @!p0 [hbm:s6], $0xF7A  }
0x23: {  	s9 =	sor.u32 $0xD0000000, s2;
	s6 =	simm.s32 $0x108;
	_ =	swait.ge @!p0 [sflag:s8], $0x0  }
0x24: {  	s3 =	sadd.s32 $0x88, s3;
	s6 =	simm.s32 @!p1 $0x1082;
	[sflag:s4] =	ssyncset.s32 $0xFFFFF086  }
0x25: {  	[simem:s6], [sflag:s4] =	dma.local [hbm:s3], $0xF7A  }
0x26: {  	[smem:$0x3F9B] =	sst s1;
	(tag) =	ssettag s2;
	_ =	strace s9  }
0x27: {  	s1 =	sld [smem:$0x3FAB]  }
0x28: {  	s2 =	sld [smem:$0x3FAC]  }
0x29: {  	s4 =	sld [smem:$0x3FAE]  }
0x2a: {  	p0 =	seq.s32 s5, $0x0;
	s5 =	sld [smem:$0x3FAF]  }
0x2b: {  	s6 =	sld [smem:$0x3FB0]  }
0x2c: {  	s7 =	sld [smem:$0x3FB1]  }
0x2d: {  	s3 =	simm.s32 $0x108;
	s8 =	sld [smem:$0x3FB2]  }
0x2e: {  	s3 =	simm.s32 @!p0 $0x1082;
	s9 =	sld [smem:$0x3FB3]  }
0x2f: {  	lr =	sadd.s32 s0, s3;
	s0 =	sld [smem:$0x3FAA]  }
0x30: {  	s3 =	sld [smem:$0x3FAD]  }
0x31: {  	[smem:$0x3FB6] =	sst s10  }
0x32: {  	s10 =	sld [smem:$0x3FB4];
	_ =	sdelay $0x3  }
0x33: {  	p0 =	seq.s32 s10, $0x1;
	s10 =	sld [smem:$0x3FB6];
	_ =	sdelay $0x3  }
0x34: {  	[smem:$0x3FB6] =	sst s10  }
0x35: {  	s10 =	sld [smem:$0x3FB5];
	_ =	sdelay $0x3  }
0x36: {  	p1 =	seq.s32 s10, $0x1;
	s10 =	sld [smem:$0x3FB6];
	_ =	sdelay $0x3  }
0x37: {  	[smem:$0x3FB6] =	sst s10  }
0x38: {  	s10 =	sld [smem:$0x3FB7]  }
0x39: {  	_ = 	snop;
	(pc) =	sbr.ind lr, $3  }
0x3a: {  	_ = 	snop  }
0x3b: {  	_ = 	snop  }
0x3c: {  	p2 =	seq.s32 s10, $0x1;
	s10 =	sld [smem:$0x3FB6]  }
0x3d: {  	_ =	shalt  }
0x3e: {  	_ =	shalt  }
0x3f: {  	_ =	shalt  }
0x40: {  	_ =	shalt  }
0x41: {  	_ =	shalt  }
0x42: {  	_ =	shalt  }
0x43: {  	_ =	shalt  }
0x44: {  	_ =	shalt  }
0x45: {  	_ =	shalt  }
0x46: {  	_ =	shalt  }
0x47: {  	_ =	shalt  }
0x48: {  	_ =	shalt  }
0x49: {  	_ =	shalt  }
0x4a: {  	_ =	shalt  }
0x4b: {  	_ =	shalt  }
0x4c: {  	_ =	shalt  }
0x4d: {  	_ =	shalt  }
0x4e: {  	_ =	shalt  }
0x4f: {  	_ =	shalt  }
0x50: {  	_ =	shalt  }
0x51: {  	_ =	shalt  }
0x52: {  	_ =	shalt  }
0x53: {  	_ =	shalt  }
0x54: {  	_ =	shalt  }
0x55: {  	_ =	shalt  }
0x56: {  	_ =	shalt  }
0x57: {  	_ =	shalt  }
0x58: {  	_ =	shalt  }
0x59: {  	_ =	shalt  }
0x5a: {  	_ =	shalt  }
0x5b: {  	_ =	shalt  }
0x5c: {  	_ =	shalt  }
0x5d: {  	_ =	shalt  }
0x5e: {  	_ =	shalt  }
0x5f: {  	_ =	shalt  }
0x60: {  	_ =	shalt  }
0x61: {  	_ =	shalt  }
0x62: {  	_ =	shalt  }
0x63: {  	_ =	shalt  }
0x64: {  	_ =	shalt  }
0x65: {  	_ =	shalt  }
0x66: {  	_ =	shalt  }
0x67: {  	_ =	shalt  }
0x68: {  	_ =	shalt  }
0x69: {  	_ =	shalt  }
0x6a: {  	_ =	shalt  }
0x6b: {  	_ =	shalt  }
0x6c: {  	_ =	shalt  }
0x6d: {  	_ =	shalt  }
0x6e: {  	_ =	shalt  }
0x6f: {  	_ =	shalt  }
0x70: {  	_ =	shalt  }
0x71: {  	_ =	shalt  }
0x72: {  	_ =	shalt  }
0x73: {  	_ =	shalt  }
0x74: {  	_ =	shalt  }
0x75: {  	_ =	shalt  }
0x76: {  	_ =	shalt  }
0x77: {  	_ =	shalt  }
0x78: {  	_ =	shalt  }
0x79: {  	_ =	shalt  }
0x7a: {  	_ =	shalt  }
0x7b: {  	_ =	shalt  }
0x7c: {  	_ =	shalt  }
0x7d: {  	_ =	shalt  }
0x7e: {  	_ =	shalt  }
0x7f: {  	_ =	shalt  }
0x80: {  	_ =	shalt  }
0x81: {  	_ =	shalt  }
0x82: {  	_ =	shalt  }
0x83: {  	_ =	shalt  }
0x84: {  	_ =	shalt  }
0x85: {  	_ =	shalt  }
0x86: {  	_ =	shalt  }
0x87: {  	_ =	shalt  }
.Lfunc_end0:
.L_simem_size_0:
called_computation_lowered:
.L_overlay_start_0:
0x88: {  	s2 =	sld [smem:$0x3FD9]  }
0x89: {  	s3 =	sld [smem:$0x3FFE];
	_ =	sdelay $0x1  }
0x8a: {  	s1 =	srdreg.scid  }
0x8b: {  	s0 =	sand.u32 $0x1, s1  }
0x8c: {  	s17 =	sshll.u32 s0, $0xA;
	s2 =	sadd.s32 s3, s2  }
0x8d: {  	s2 =	sadd.s32 s2, s17  }
0x8e: {  	[smem:$0x3FC2] =	sst s2  }
0x8f: {  	_ = 	snop  }
0x90: {  	s2 =	sld [smem:$0x3FC7]  }
0x91: {  	s18 =	sld [smem:$0x3FC6]  }
0x92: {  	s4 =	sld [smem:$0x3FC5]  }
0x93: {  	s5 =	sld [smem:$0x3FC4]  }
0x94: {  	s6 =	sld [smem:$0x3FD0];
	(tm) =	ssettm $0x1  }
0x95: {  	s7 =	sld [smem:$0x3FFB];
	_ =	sdelay $0x3  }
0x96: {  	_ =	strace s7  }
0x97: {  	s7 =	sld [smem:$0x3FFC];
	_ =	sdelay $0x3  }
0x98: {  	_ =	strace s7  }
0x99: {  	s7 =	sld [smem:$0x3FFD];
	_ =	sdelay $0x3  }
0x9a: {  	_ =	strace s7  }
0x9b: {  	_ =	strace $0x8FFFFFFF  }
0x9c: {  	s19 =	sld [smem:$0x3FDB];
	_ =	sdelay $0x1  }
0x9d: {  	s8 =	simm.s32 $_scs_section_size  }
0x9e: {  	s9 =	simm.s32 $_size__tile_overlayer_lowered;
	s10 =	simm.s32 $_tile_overlayer_lowered  }
0x9f: {  	s22 =	simm.s32 $0x1BFF;
	s21 =	sshll.u32 s10, $0x1;
	s7 =	sadd.s32 s8, s19  }
0xa0: {  	s11 =	simm.s32 $0x0;
	s20 =	sshll.u32 s9, $0x1;
	s9 =	sadd.s32 s21, s7  }
0xa1: {  	[timem:s11], [sflag:s22] =	dma.local [hbm:s9], s20  }
0xa2: {  	_ =	swait.ge [sflag:s22], s20  }
0xa3: {  	s8 =	ssub.s32 $0x0, s20;
	[sflag:s22] =	ssyncset.done $0x0  }
0xa4: {  	[sflag:s22] =	ssyncadd.s32 s8;
	_ =	sdelay $0x1  }
0xa5: {  	s23 =	simm.s32 $0x1B8B  }
0xa6: {  	_ =	swait.ge [sflag:s23], $0x1  }
0xa7: {  	[sflag:s23] =	ssyncset.done $0x0  }
0xa8: {  	s25 =	simm.s32 $0x1B8E;
	s24 =	sld [smem:$0x3FFE];
	[sflag:s23] =	ssyncadd.s32 $0xFFFFFFFF  }
0xa9: {  	s26 =	simm.s32 $execute0_lowered;
	[smem:$0x3FD2] =	sst s25  }
0xaa: {  	s9 =	sshll.u32 s26, $0x1;
	_ =	strace $0x80000046;
	[dreg:$0x1] =	wrdreg $0xFFFFFFFF  }
0xab: {  	s28 =	simm.s32 $_size_execute0_lowered;
	s7 =	sadd.s32 s7, s9;
	[dreg:$0x0] =	wrdreg $0x0  }
0xac: {  	s9 =	sshll.u32 s28, $0x1;
	[dreg:$0x2] =	wrdreg s7  }
0xad: {  	[dreg:$0x3] =	wrdreg s9  }
0xae: {  	[dreg:$0x4] =	wrdreg $0xC0  }
0xaf: {  	_ =	task [dreg:s11], $0x5FFFF  }
0xb0: {  	[dreg:$0x1] =	wrdreg $0xFFFFFFFF  }
0xb1: {  	[dreg:$0x0] =	wrdreg $0x60  }
0xb2: {  	[dreg:$0x2] =	wrdreg s24  }
0xb3: {  	[dreg:$0x3] =	wrdreg s2  }
0xb4: {  	[dreg:$0x4] =	wrdreg s18  }
0xb5: {  	[dreg:$0x5] =	wrdreg s4  }
0xb6: {  	[dreg:$0x6] =	wrdreg s5  }
0xb7: {  	[dreg:$0x7] =	wrdreg s6  }
0xb8: {  	[dreg:$0x8] =	wrdreg $0x9  }
0xb9: {  	_ =	task.clear_ibuf [dreg:s11], $0x9FFFF;
	_ =	strace $0x90000046  }
0xba: {  	s29 =	simm.s32 $0x9;
	_ =	strace $0x80000048  }
0xbb: {  	_ =	swait.ge [sflag:s29], $0x1  }
0xbc: {  	[sflag:s29] =	ssyncadd.s32 $0xFFFFFFFF  }
0xbd: {  	_ =	strace $0x90000048  }
0xbe: {  	_ =	sfence  }
0xbf: {  	s30 =	sld [smem:$0x0];
	_ =	sdelay $0x2  }
0xc0: {  	s31 =	sshll.u32 s1, $0xD;
	s1 =	sshrl.u32 s1, $0x2  }
0xc1: {  	s3 =	sand.u32 $0x4000, s31;
	s1 =	sadd.s32 s1, s30  }
0xc2: {  	s0 =	sor.u32 s3, s0;
	s1 =	sshll.u32 s1, $0x11  }
0xc3: {  	s0 =	sor.u32 s1, s0  }
0xc4: {  	s0 =	sadd.s32 $0x8F2B, s0  }
0xc5: {  	[sflag:s0] =	ssyncadd.remote.s32 $0x1  }
0xc6: {  	_ =	sfence.sel $0xFFFF  }
0xc7: {  	[dreg:$0x0] =	wrdreg $0xFFFFFFFF;
	(pc) =	sbr.abs _section_cstart, $3  }
0xc8: {  	[dreg:$0x1] =	wrdreg $0xFFFFFFFF  }
0xc9: {  	_ =	task.clear_ibuf [dreg:s11], $0x2FFFF;
	_ =	strace $0x9FFFFFFF  }
0xca: {  	(tm) =	ssettm $0x7FFFFFFF  }
0xcb: {  	_ =	shalt  }
tec
execute0_lowered:
.L_overlay_start_1:
0x0: {  	(tag) =	ssettag $0x1  }
0x1: {  	s0 =	rddreg [dreg:$0x0]  }
0x2: {  	s1 =	rddreg [dreg:$0x3]  }
0x3: {  	s2 =	rddreg [dreg:$0x4]  }
0x4: {  	s4 =	rddreg [dreg:$0x5];
	s3 =	simm.s32 $0x0  }
0x5: {  	s5 =	srdreg.scid;
	s9 =	stileid.u32;
	s21 =	simm.s32 $0x4  }
0x6: {  	s12 =	simm.s32 $0x1F00;
	s13 =	simm.s32 $0x1100;
	s11 =	simm.s32 $0x2100  }
0x7: {  	s29 =	simm.s32 $0x1180;
	s30 =	simm.s32 $0x2180;
	s31 =	simm.s32 $0x1200  }
0x8: {  	s28 =	simm.s32 $0x2280;
	s14 =	simm.s32 $0x1300;
	s15 =	simm.s32 $0x2300  }
0x9: {  	s16 =	simm.s32 $0x1380;
	s17 =	simm.s32 $0x2380;
	s18 =	simm.s32 $0x2  }
0xa: {  	s19 =	simm.s32 $0x3;
	s22 =	simm.s32 $0x0;
	[smem:$0x7FF] =	sst s3  }
0xb: {  	s6 =	sand.u32 $0x1, s5;
	s5 =	sadd.s32 $0x400, s0;
	s9 =	sshll.u32 s9, $0x7  }
0xc: {  	_ =	strace $0x80000047;
	s7 =	ssub.s32 $0x2, s6;
	s10 =	sshll.u32 s6, $0x6  }
0xd: {  	s6 =	sadd.s32 $0x186E00, s0;
	s8 =	sshrl.u32 s7, $0x1;
	s24 =	sor.u32 s10, s9  }
0xe: {  	s26 =	sadd.s32 s4, s10;
	s10 =	simm.s32 $0x2000;
	s4 =	simm.s32 $0x1280  }
0xf: {  	s23 =	ssub.s32 s7, s8;
	s1 =	sadd.s32 s1, s24;
	s25 =	sadd.s32 s2, s24  }
.Ltmp0:
0x10: {  	vm0 =	vmmov $0x3f;
	vm1 =	vmmov $0x1;
	vm2 =	vmmov $0x3;
	s7 =	simm.s32 $0xF80;
	[dreg:$0x7] =	wrdreg s1;
	(pc) =	sbr.rel .LBB2_1-.Ltmp0, $4  }
0x11: {  	vm3 =	vmmov $0x7;
	vm4 =	vmmov $0xf;
	vm5 =	vmmov $0x1f;
	s8 =	simm.s32 $0x1F80;
	s2 =	simm.s32 $0x2080;
	[dreg:$0x8] =	wrdreg s25  }
0x12: {  	vm6 =	vmmov $0x7f;
	vm7 =	vmmov $0xff;
	vm8 =	vmmov $0x1ff;
	s1 =	sadd.s32 s9, s26;
	s0 =	smax.u32 s23, $0x1;
	s25 =	simm.s32 $0x1E80  }
0x13: {  	vm9 =	vmmov $0x3ff;
	vm10 =	vmmov $0x7ff;
	vm11 =	vmmov $0xfff;
	s26 =	simm.s32 $0xF00;
	s9 =	simm.s32 $0x1000;
	[dreg:$0x9] =	wrdreg s1  }
0x14: {  	vm12 =	vmmov $0x1fff;
	vm13 =	vmmov $0x3fff;
	vm14 =	vmmov $0x7fff;
	[dreg:$0xa] =	wrdreg s0;
	s1 =	simm.s32 $0x1080;
	s0 =	simm.s32 $0x2200  }
.LBB2_5:
0x15: {  	s20 =	rddreg [dreg:$0x9];
	s21 =	simm.s32 $0x2800  }
0x16: {  	[hbm4b:s20+s3] =	stream.linear.scatter [tilespmem:s21], [sflag:$0x4], $0x200, $0x38;
	[tilespmem:$0x2A00] =	vst v63  }
0x17: {  	s21 =	simm.s32 $0x4  }
0x18: {  	_ =	swait.ge [sflag:s21], $0x200  }
0x19: {  	s22 =	rddreg [dreg:$0xb]  }
0x1a: {  	s24 =	rddreg [dreg:$0xa];
	s22 =	sadd.s32 $0x1, s22  }
0x1b: {  	p0 =	sne.s32 s22, s24  }
.Ltmp1:
0x1c: {  	_ = 	snop;
	(pc) =	sbr.rel @!p0 .LBB2_6-.Ltmp1, $3  }
0x1d: {  	_ =	sdelay $0x1  }
0x1e: {  	[sflag:s21] =	ssyncset.done $0x0  }
0x1f: {  	[sflag:s21] =	ssyncadd.s32 $0xFFFFFE00  }
.LBB2_1:
0x20: {  	[dreg:$0xb] =	wrdreg s22  }
0x21: {  	s20 =	rddreg [dreg:$0x7]  }
0x22: {  	[tilespmem:s3], [sflag:$0x4] =	stream.linear.gather [hbm4b:s20+s3], $0x200, $0x38;
	[tilespmem:$0x2A00] =	vst v63  }
0x23: {  	_ =	swait.ge [sflag:s21], $0x200  }
0x24: {  	[sflag:s21] =	ssyncset.done $0x0  }
0x25: {  	s22 =	simm.s32 $0x200;
	s23 =	rddreg [dreg:$0x8];
	[sflag:s21] =	ssyncadd.s32 $0xFFFFFE00  }
0x26: {  	[tilespmem:s22], [sflag:$0x4] =	stream.linear.gather [hbm4b:s23+s3], $0x200, $0x38;
	[tilespmem:$0x2A00] =	vst v63  }
0x27: {  	_ =	swait.ge [sflag:s21], $0x200  }
0x28: {  	[sflag:s21] =	ssyncset.done $0x0  }
0x29: {  	[sflag:s21] =	ssyncadd.s32 $0xFFFFFE00  }
0x2a: {  	s24 =	simm.s32 $0x2400;
	s23 =	simm.s32 $0x80;
	s20 =	rddreg [dreg:$0x1]  }
0x2b: {  	[tilespmem:s24], [sflag:$0x1] =	stream.indirect.gather [hbm4b:s20+s23], $0x1, s3, s23, $0xb8;
	[tilespmem:$0x2A00] =	vst v63  }
0x2c: {  	s21 =	rddreg [dreg:$0x2];
	s24 =	simm.s32 $0x2600  }
0x2d: {  	[tilespmem:s24], [sflag:$0x1] =	stream.indirect.gather [hbm4b:s21+s23], $0x1, s22, s23, $0xb8;
	[tilespmem:$0x2A00] =	vst v63  }
0x2e: {  	s24 =	simm.s32 $0x2480  }
0x2f: {  	[tilespmem:s24], [sflag:$0x1] =	stream.indirect.gather [hbm4b:s20+s23], $0x1, s23, s23, $0xb8;
	[tilespmem:$0x2A00] =	vst v63  }
0x30: {  	s22 =	simm.s32 $0x280;
	s24 =	simm.s32 $0x2680  }
0x31: {  	[tilespmem:s24], [sflag:$0x1] =	stream.indirect.gather [hbm4b:s21+s23], $0x1, s22, s23, $0xb8;
	[tilespmem:$0x2A00] =	vst v63  }
0x32: {  	s22 =	simm.s32 $0x100;
	s24 =	simm.s32 $0x2500  }
0x33: {  	[tilespmem:s24], [sflag:$0x1] =	stream.indirect.gather [hbm4b:s20+s23], $0x1, s22, s23, $0xb8;
	[tilespmem:$0x2A00] =	vst v63  }
0x34: {  	s22 =	simm.s32 $0x300;
	s24 =	simm.s32 $0x2700  }
0x35: {  	[tilespmem:s24], [sflag:$0x1] =	stream.indirect.gather [hbm4b:s21+s23], $0x1, s22, s23, $0xb8;
	[tilespmem:$0x2A00] =	vst v63  }
0x36: {  	s22 =	simm.s32 $0x180;
	s24 =	simm.s32 $0x2580  }
0x37: {  	[tilespmem:s24], [sflag:$0x1] =	stream.indirect.gather [hbm4b:s20+s23], $0x1, s22, s23, $0xb8;
	[tilespmem:$0x2A00] =	vst v63  }
0x38: {  	s20 =	simm.s32 $0x380;
	s22 =	simm.s32 $0x2780  }
0x39: {  	[tilespmem:s22], [sflag:$0x1] =	stream.indirect.gather [hbm4b:s21+s23], $0x1, s20, s23, $0xb8;
	[tilespmem:$0x2A00] =	vst v63  }
0x3a: {  	s21 =	simm.s32 $0x1  }
0x3b: {  	_ =	swait.ge [sflag:s21], $0x80  }
0x3c: {  	[sflag:s21] =	ssyncset.done $0x0  }
0x3d: {  	[sflag:s21] =	ssyncadd.s32 $0xFFFFFF80  }
0x3e: {  	_ =	swait.ge [sflag:s21], $0x80  }
0x3f: {  	[sflag:s21] =	ssyncset.done $0x0  }
0x40: {  	[sflag:s21] =	ssyncadd.s32 $0xFFFFFF80  }
0x41: {  	_ =	swait.ge [sflag:s21], $0x80  }
0x42: {  	[sflag:s21] =	ssyncset.done $0x0  }
0x43: {  	[sflag:s21] =	ssyncadd.s32 $0xFFFFFF80  }
0x44: {  	_ =	swait.ge [sflag:s21], $0x80  }
0x45: {  	[sflag:s21] =	ssyncset.done $0x0  }
0x46: {  	[sflag:s21] =	ssyncadd.s32 $0xFFFFFF80  }
0x47: {  	_ =	swait.ge [sflag:s21], $0x80  }
0x48: {  	[sflag:s21] =	ssyncset.done $0x0  }
0x49: {  	[sflag:s21] =	ssyncadd.s32 $0xFFFFFF80  }
0x4a: {  	_ =	swait.ge [sflag:s21], $0x80  }
0x4b: {  	[sflag:s21] =	ssyncset.done $0x0  }
0x4c: {  	[sflag:s21] =	ssyncadd.s32 $0xFFFFFF80  }
0x4d: {  	_ =	swait.ge [sflag:s21], $0x80  }
0x4e: {  	[sflag:s21] =	ssyncset.done $0x0  }
0x4f: {  	[sflag:s21] =	ssyncadd.s32 $0xFFFFFF80  }
0x50: {  	_ =	swait.ge [sflag:s21], $0x80  }
0x51: {  	[sflag:s21] =	ssyncset.done $0x0  }
0x52: {  	[sflag:s21] =	ssyncadd.s32 $0xFFFFFF80  }
0x53: {  	v0 =	vld [tilespmem:$0x0];
	_ =	sdelay $0x1  }
0x54: {  	v2 =	vld [tilespmem:$0x200];
	_ =	sdelay $0x2  }
0x55: {  	v1 =	vshll.u32 v0, $0x4  }
0x56: {  	(v2sf) =	vpush v1, $0x0  }
0x57: {  	v63 =	vshll.u32 v2, $0x4  }
0x58: {  	(v2sf) =	vpush v63, $0x0;
	_ =	sdelay $0x2  }
0x59: {  	(v2sf) =	vpush v1, $0x1;
	_ =	sdelay $0x4  }
0x5a: {  	(v2sf) =	vpush v63, $0x1;
	_ =	sdelay $0x4  }
0x5b: {  	s22 =	spop (v2sf);
	(v2sf) =	vpush v1, $0x2;
	_ =	sdelay $0x1  }
0x5c: {  	s21 =	spop (v2sf);
	(v2sf) =	vpush v63, $0x2;
	_ =	sdelay $0x1  }
0x5d: {  	s20 =	sand.u32 $0x1FFFFFF0, s22  }
0x5e: {  	s23 =	simm.s32 $0x400;
	s20 =	sadd.s32 s5, s20;
	s22 =	spop (v2sf);
	(v2sf) =	vpush v1, $0x3  }
0x5f: {  	[tilespmem:s23], [sflag:$0x2] =	stream.linear.gather [hbm4b:s20+s3], $0x80, $0x38;
	[tilespmem:$0x2A00] =	vst v63  }
0x60: {  	s20 =	sand.u32 $0x1FFFFFF0, s21  }
0x61: {  	s24 =	simm.s32 $0x1400;
	s20 =	sadd.s32 s6, s20  }
0x62: {  	[tilespmem:s24], [sflag:$0x2] =	stream.linear.gather [hbm4b:s20+s3], $0x80, $0x38;
	[tilespmem:$0x2A00] =	vst v63  }
0x63: {  	s20 =	sand.u32 $0x1FFFFFF0, s22;
	s22 =	spop (v2sf);
	(v2sf) =	vpush v63, $0x3;
	_ =	sdelay $0x1  }
0x64: {  	s24 =	simm.s32 $0x480;
	s20 =	sadd.s32 s5, s20  }
0x65: {  	[tilespmem:s24], [sflag:$0x2] =	stream.linear.gather [hbm4b:s20+s3], $0x80, $0x38;
	[tilespmem:$0x2A00] =	vst v63  }
0x66: {  	s20 =	sand.u32 $0x1FFFFFF0, s22  }
0x67: {  	s24 =	simm.s32 $0x1480;
	s20 =	sadd.s32 s6, s20;
	s22 =	spop (v2sf);
	(v2sf) =	vpush v1, $0x4  }
0x68: {  	[tilespmem:s24], [sflag:$0x2] =	stream.linear.gather [hbm4b:s20+s3], $0x80, $0x38;
	[tilespmem:$0x2A00] =	vst v63  }
0x69: {  	s20 =	sand.u32 $0x1FFFFFF0, s22;
	s22 =	spop (v2sf);
	(v2sf) =	vpush v63, $0x4  }
0x6a: {  	s24 =	simm.s32 $0x500;
	s20 =	sadd.s32 s5, s20  }
0x6b: {  	[tilespmem:s24], [sflag:$0x2] =	stream.linear.gather [hbm4b:s20+s3], $0x80, $0x38;
	[tilespmem:$0x2A00] =	vst v63  }
0x6c: {  	s20 =	sand.u32 $0x1FFFFFF0, s22;
	s22 =	spop (v2sf);
	(v2sf) =	vpush v1, $0x5;
	_ =	sdelay $0x2  }
0x6d: {  	s24 =	simm.s32 $0x1500;
	s20 =	sadd.s32 s6, s20  }
0x6e: {  	[tilespmem:s24], [sflag:$0x2] =	stream.linear.gather [hbm4b:s20+s3], $0x80, $0x38;
	[tilespmem:$0x2A00] =	vst v63  }
0x6f: {  	s20 =	sand.u32 $0x1FFFFFF0, s22;
	s22 =	spop (v2sf);
	(v2sf) =	vpush v63, $0x5;
	_ =	sdelay $0x1  }
0x70: {  	s24 =	simm.s32 $0x580;
	s20 =	sadd.s32 s5, s20  }
0x71: {  	[tilespmem:s24], [sflag:$0x2] =	stream.linear.gather [hbm4b:s20+s3], $0x80, $0x38;
	[tilespmem:$0x2A00] =	vst v63  }
0x72: {  	s20 =	sand.u32 $0x1FFFFFF0, s22  }
0x73: {  	s24 =	simm.s32 $0x1580;
	s20 =	sadd.s32 s6, s20;
	s22 =	spop (v2sf);
	(v2sf) =	vpush v1, $0x6  }
0x74: {  	[tilespmem:s24], [sflag:$0x2] =	stream.linear.gather [hbm4b:s20+s3], $0x80, $0x38;
	[tilespmem:$0x2A00] =	vst v63  }
0x75: {  	s20 =	sand.u32 $0x1FFFFFF0, s22;
	s22 =	spop (v2sf);
	(v2sf) =	vpush v63, $0x6  }
0x76: {  	s24 =	simm.s32 $0x600;
	s20 =	sadd.s32 s5, s20  }
0x77: {  	[tilespmem:s24], [sflag:$0x2] =	stream.linear.gather [hbm4b:s20+s3], $0x80, $0x38;
	[tilespmem:$0x2A00] =	vst v63  }
0x78: {  	s20 =	sand.u32 $0x1FFFFFF0, s22;
	s22 =	spop (v2sf);
	(v2sf) =	vpush v1, $0x7;
	_ =	sdelay $0x2  }
0x79: {  	s24 =	simm.s32 $0x1600;
	s20 =	sadd.s32 s6, s20  }
0x7a: {  	[tilespmem:s24], [sflag:$0x2] =	stream.linear.gather [hbm4b:s20+s3], $0x80, $0x38;
	[tilespmem:$0x2A00] =	vst v63  }
0x7b: {  	s20 =	sand.u32 $0x1FFFFFF0, s22;
	s22 =	spop (v2sf);
	(v2sf) =	vpush v63, $0x7;
	_ =	sdelay $0x1  }
0x7c: {  	s24 =	simm.s32 $0x680;
	s20 =	sadd.s32 s5, s20  }
0x7d: {  	[tilespmem:s24], [sflag:$0x2] =	stream.linear.gather [hbm4b:s20+s3], $0x80, $0x38;
	[tilespmem:$0x2A00] =	vst v63  }
0x7e: {  	s20 =	sand.u32 $0x1FFFFFF0, s22  }
0x7f: {  	s24 =	simm.s32 $0x1680;
	s20 =	sadd.s32 s6, s20;
	s22 =	spop (v2sf);
	(v2sf) =	vpush v1, $0x8  }
0x80: {  	[tilespmem:s24], [sflag:$0x2] =	stream.linear.gather [hbm4b:s20+s3], $0x80, $0x38;
	[tilespmem:$0x2A00] =	vst v63  }
0x81: {  	s20 =	sand.u32 $0x1FFFFFF0, s22;
	s22 =	spop (v2sf);
	(v2sf) =	vpush v63, $0x8  }
0x82: {  	s24 =	simm.s32 $0x700;
	s20 =	sadd.s32 s5, s20  }
0x83: {  	[tilespmem:s24], [sflag:$0x2] =	stream.linear.gather [hbm4b:s20+s3], $0x80, $0x38;
	[tilespmem:$0x2A00] =	vst v63  }
0x84: {  	s20 =	sand.u32 $0x1FFFFFF0, s22;
	s22 =	spop (v2sf);
	(v2sf) =	vpush v1, $0x9;
	_ =	sdelay $0x2  }
0x85: {  	s24 =	simm.s32 $0x1700;
	s20 =	sadd.s32 s6, s20  }
0x86: {  	[tilespmem:s24], [sflag:$0x2] =	stream.linear.gather [hbm4b:s20+s3], $0x80, $0x38;
	[tilespmem:$0x2A00] =	vst v63  }
0x87: {  	s20 =	sand.u32 $0x1FFFFFF0, s22;
	s22 =	spop (v2sf);
	(v2sf) =	vpush v63, $0x9;
	_ =	sdelay $0x1  }
0x88: {  	s24 =	simm.s32 $0x780;
	s20 =	sadd.s32 s5, s20  }
0x89: {  	[tilespmem:s24], [sflag:$0x2] =	stream.linear.gather [hbm4b:s20+s3], $0x80, $0x38;
	[tilespmem:$0x2A00] =	vst v63  }
0x8a: {  	s20 =	sand.u32 $0x1FFFFFF0, s22  }
0x8b: {  	s24 =	simm.s32 $0x1780;
	s20 =	sadd.s32 s6, s20;
	s22 =	spop (v2sf);
	(v2sf) =	vpush v1, $0xA  }
0x8c: {  	[tilespmem:s24], [sflag:$0x2] =	stream.linear.gather [hbm4b:s20+s3], $0x80, $0x38;
	[tilespmem:$0x2A00] =	vst v63  }
0x8d: {  	s20 =	sand.u32 $0x1FFFFFF0, s22;
	s22 =	spop (v2sf);
	(v2sf) =	vpush v63, $0xA  }
0x8e: {  	s24 =	simm.s32 $0x800;
	s20 =	sadd.s32 s5, s20  }
0x8f: {  	[tilespmem:s24], [sflag:$0x2] =	stream.linear.gather [hbm4b:s20+s3], $0x80, $0x38;
	[tilespmem:$0x2A00] =	vst v63  }
0x90: {  	s20 =	sand.u32 $0x1FFFFFF0, s22;
	s22 =	spop (v2sf);
	(v2sf) =	vpush v1, $0xB;
	_ =	sdelay $0x2  }
0x91: {  	s24 =	simm.s32 $0x1800;
	s20 =	sadd.s32 s6, s20  }
0x92: {  	[tilespmem:s24], [sflag:$0x2] =	stream.linear.gather [hbm4b:s20+s3], $0x80, $0x38;
	[tilespmem:$0x2A00] =	vst v63  }
0x93: {  	s20 =	sand.u32 $0x1FFFFFF0, s22;
	s22 =	spop (v2sf);
	(v2sf) =	vpush v63, $0xB;
	_ =	sdelay $0x1  }
0x94: {  	s24 =	simm.s32 $0x880;
	s20 =	sadd.s32 s5, s20  }
0x95: {  	[tilespmem:s24], [sflag:$0x2] =	stream.linear.gather [hbm4b:s20+s3], $0x80, $0x38;
	[tilespmem:$0x2A00] =	vst v63  }
0x96: {  	s20 =	sand.u32 $0x1FFFFFF0, s22  }
0x97: {  	s24 =	simm.s32 $0x1880;
	s20 =	sadd.s32 s6, s20;
	s22 =	spop (v2sf);
	(v2sf) =	vpush v1, $0xC  }
0x98: {  	[tilespmem:s24], [sflag:$0x2] =	stream.linear.gather [hbm4b:s20+s3], $0x80, $0x38;
	[tilespmem:$0x2A00] =	vst v63  }
0x99: {  	s20 =	sand.u32 $0x1FFFFFF0, s22;
	s22 =	spop (v2sf);
	(v2sf) =	vpush v63, $0xC  }
0x9a: {  	s24 =	simm.s32 $0x900;
	s20 =	sadd.s32 s5, s20  }
0x9b: {  	[tilespmem:s24], [sflag:$0x2] =	stream.linear.gather [hbm4b:s20+s3], $0x80, $0x38;
	[tilespmem:$0x2A00] =	vst v63  }
0x9c: {  	s20 =	sand.u32 $0x1FFFFFF0, s22;
	s22 =	spop (v2sf);
	(v2sf) =	vpush v1, $0xD;
	_ =	sdelay $0x2  }
0x9d: {  	s24 =	simm.s32 $0x1900;
	s20 =	sadd.s32 s6, s20  }
0x9e: {  	[tilespmem:s24], [sflag:$0x2] =	stream.linear.gather [hbm4b:s20+s3], $0x80, $0x38;
	[tilespmem:$0x2A00] =	vst v63  }
0x9f: {  	s20 =	sand.u32 $0x1FFFFFF0, s22;
	s22 =	spop (v2sf);
	(v2sf) =	vpush v63, $0xD;
	_ =	sdelay $0x1  }
0xa0: {  	s24 =	simm.s32 $0x980;
	s20 =	sadd.s32 s5, s20  }
0xa1: {  	[tilespmem:s24], [sflag:$0x2] =	stream.linear.gather [hbm4b:s20+s3], $0x80, $0x38;
	[tilespmem:$0x2A00] =	vst v63  }
0xa2: {  	s20 =	sand.u32 $0x1FFFFFF0, s22  }
0xa3: {  	s24 =	simm.s32 $0x1980;
	s20 =	sadd.s32 s6, s20;
	s22 =	spop (v2sf);
	(v2sf) =	vpush v1, $0xE  }
0xa4: {  	[tilespmem:s24], [sflag:$0x2] =	stream.linear.gather [hbm4b:s20+s3], $0x80, $0x38;
	[tilespmem:$0x2A00] =	vst v63  }
0xa5: {  	s20 =	sand.u32 $0x1FFFFFF0, s22;
	s22 =	spop (v2sf);
	(v2sf) =	vpush v63, $0xE  }
0xa6: {  	s24 =	simm.s32 $0xA00;
	s20 =	sadd.s32 s5, s20  }
0xa7: {  	[tilespmem:s24], [sflag:$0x2] =	stream.linear.gather [hbm4b:s20+s3], $0x80, $0x38;
	[tilespmem:$0x2A00] =	vst v63  }
0xa8: {  	s20 =	sand.u32 $0x1FFFFFF0, s22;
	s22 =	spop (v2sf);
	(v2sf) =	vpush v1, $0xF;
	_ =	sdelay $0x1  }
0xa9: {  	s24 =	simm.s32 $0x1A00;
	s20 =	sadd.s32 s6, s20  }
0xaa: {  	[tilespmem:s24], [sflag:$0x2] =	stream.linear.gather [hbm4b:s20+s3], $0x80, $0x38;
	[tilespmem:$0x2A00] =	vst v63  }
0xab: {  	s20 =	sand.u32 $0x1FFFFFF0, s22  }
0xac: {  	s24 =	simm.s32 $0xA80;
	s22 =	spop (v2sf);
	(v2sf) =	vpush v63, $0xF;
	s20 =	sadd.s32 s5, s20  }
0xad: {  	[tilespmem:s24], [sflag:$0x2] =	stream.linear.gather [hbm4b:s20+s3], $0x80, $0x38;
	[tilespmem:$0x2A00] =	vst v63  }
0xae: {  	s20 =	sand.u32 $0x1FFFFFF0, s22  }
0xaf: {  	s24 =	simm.s32 $0x1A80;
	s20 =	sadd.s32 s6, s20  }
0xb0: {  	[tilespmem:s24], [sflag:$0x2] =	stream.linear.gather [hbm4b:s20+s3], $0x80, $0x38;
	[tilespmem:$0x2A00] =	vst v63  }
0xb1: {  	s22 =	spop (v2sf)  }
0xb2: {  	s20 =	sand.u32 $0x1FFFFFF0, s22  }
0xb3: {  	s24 =	simm.s32 $0xB00;
	s22 =	spop (v2sf);
	s20 =	sadd.s32 s5, s20  }
0xb4: {  	[tilespmem:s24], [sflag:$0x2] =	stream.linear.gather [hbm4b:s20+s3], $0x80, $0x38;
	[tilespmem:$0x2A00] =	vst v63  }
0xb5: {  	s20 =	sand.u32 $0x1FFFFFF0, s22  }
0xb6: {  	s24 =	simm.s32 $0x1B00;
	s22 =	spop (v2sf);
	s20 =	sadd.s32 s6, s20  }
0xb7: {  	[tilespmem:s24], [sflag:$0x2] =	stream.linear.gather [hbm4b:s20+s3], $0x80, $0x38;
	[tilespmem:$0x2A00] =	vst v63  }
0xb8: {  	s20 =	sand.u32 $0x1FFFFFF0, s22  }
0xb9: {  	s24 =	simm.s32 $0xB80;
	s20 =	sadd.s32 s5, s20  }
0xba: {  	[tilespmem:s24], [sflag:$0x2] =	stream.linear.gather [hbm4b:s20+s3], $0x80, $0x38;
	[tilespmem:$0x2A00] =	vst v63  }
.Ltmp2:
0xbb: {  	s22 =	spop (v2sf);
	(pc) =	sbr.rel .LBB2_2-.Ltmp2, $4  }
0xbc: {  	s20 =	sand.u32 $0x1FFFFFF0, s22  }
0xbd: {  	s24 =	simm.s32 $0x1B80;
	s20 =	sadd.s32 s6, s20  }
0xbe: {  	[tilespmem:s24], [sflag:$0x2] =	stream.linear.gather [hbm4b:s20+s3], $0x80, $0x38;
	[tilespmem:$0x2A00] =	vst v63  }
0xbf: {  	s20 =	simm.s32 $0x0  }
.LBB2_4:
0xc0: {  	_ =	swait.ge [sflag:s19], $0x800  }
0xc1: {  	[sflag:s19] =	ssyncset.done $0x0  }
0xc2: {  	[sflag:s19] =	ssyncadd.s32 $0xFFFFF800  }
0xc3: {  	_ =	swait.ge [sflag:s19], $0x800  }
0xc4: {  	[sflag:s19] =	ssyncset.done $0x0  }
0xc5: {  	[sflag:s19] =	ssyncadd.s32 $0xFFFFF800  }
0xc6: {  	v16 =	vld [tilespmem:$0xC00]  }
0xc7: {  	v12 =	vld [tilespmem:$0x1C00]  }
0xc8: {  	v13 =	vld [tilespmem:$0xC10]  }
0xc9: {  	v6 =	vld [tilespmem:$0x1C10]  }
0xca: {  	v19 =	vld [tilespmem:$0xC20]  }
0xcb: {  	v17 =	vld [tilespmem:$0x1C20]  }
0xcc: {  	v44 =	vld [tilespmem:$0xC30]  }
0xcd: {  	v60 =	vld [tilespmem:$0x1C30]  }
0xce: {  	v46 =	vld [tilespmem:$0xC40]  }
0xcf: {  	v35 =	vld [tilespmem:$0x1C40]  }
0xd0: {  	v38 =	vld [tilespmem:$0xC4A]  }
0xd1: {  	v47 =	vld [tilespmem:$0x1C4A]  }
0xd2: {  	v3 =	vld [tilespmem:$0xC80]  }
0xd3: {  	v2 =	vld [tilespmem:$0x1C80]  }
0xd4: {  	v1 =	vld [tilespmem:$0xC90]  }
0xd5: {  	v0 =	vld [tilespmem:$0x1C90]  }
0xd6: {  	v5 =	vld [tilespmem:$0xCA0]  }
0xd7: {  	v4 =	vld [tilespmem:$0x1CA0]  }
0xd8: {  	v21 =	vld [tilespmem:$0xCB0]  }
0xd9: {  	v20 =	vld [tilespmem:$0x1CB0]  }
0xda: {  	v53 =	vld [tilespmem:$0xCC0]  }
0xdb: {  	v30 =	vld [tilespmem:$0x1CC0]  }
0xdc: {  	v31 =	vld [tilespmem:$0xCCA]  }
0xdd: {  	v27 =	vld [tilespmem:$0x1CCA]  }
0xde: {  	v61 =	vld [tilespmem:$0xEC0]  }
0xdf: {  	v18 =	vld [tilespmem:$0xD00]  }
0xe0: {  	v14 =	vld [tilespmem:$0x1D00]  }
0xe1: {  	v9 =	vld [tilespmem:$0xD10]  }
0xe2: {  	v7 =	vld [tilespmem:$0x1D10]  }
0xe3: {  	[tilespmem:$0x1F7D0] =	vst v61;
	v61 =	vld [tilespmem:$0xF30]  }
0xe4: {  	v24 =	vld [tilespmem:$0xD20]  }
0xe5: {  	v22 =	vld [tilespmem:$0x1D20]  }
0xe6: {  	v45 =	vld [tilespmem:$0xD30]  }
0xe7: {  	v40 =	vld [tilespmem:$0x1D30]  }
0xe8: {  	[tilespmem:$0x1F830] =	vst v61;
	v61 =	vld [tilespmem:$0xF4A]  }
0xe9: {  	v8 =	vld [tilespmem:$0xD40]  }
0xea: {  	v41 =	vld [tilespmem:$0x1D40]  }
0xeb: {  	v42 =	vld [tilespmem:$0xD4A]  }
0xec: {  	v43 =	vld [tilespmem:$0x1D4A]  }
0xed: {  	[tilespmem:$0x1F890] =	vst v61;
	v61 =	vld [tilespmem:$0xFA0]  }
0xee: {  	v15 =	vld [tilespmem:$0xD80]  }
0xef: {  	v10 =	vld [tilespmem:$0x1D80]  }
0xf0: {  	v11 =	vld [tilespmem:$0xD90]  }
0xf1: {  	v25 =	vld [tilespmem:$0xDA0]  }
0xf2: {  	[tilespmem:$0x1F850] =	vst v61;
	v61 =	vld [tilespmem:$0x1FA0]  }
0xf3: {  	v23 =	vld [tilespmem:$0x1DA0]  }
0xf4: {  	v39 =	vld [tilespmem:$0x1DB0]  }
0xf5: {  	v26 =	vld [tilespmem:$0xDC0]  }
0xf6: {  	v56 =	vld [tilespmem:$0x1DC0]  }
0xf7: {  	[tilespmem:$0x1F860] =	vst v61;
	v61 =	vld [tilespmem:$0xFB0]  }
0xf8: {  	v57 =	vld [tilespmem:$0xDCA]  }
0xf9: {  	v52 =	vld [tilespmem:$0x1DCA]  }
0xfa: {  	v36 =	vld [tilespmem:$0xE00]  }
0xfb: {  	v32 =	vld [tilespmem:$0x1E00]  }
0xfc: {  	[tilespmem:$0x1F8B0] =	vst v61;
	v61 =	vld [tilespmem:$0x1FB0]  }
0xfd: {  	v33 =	vld [tilespmem:$0xE10]  }
0xfe: {  	v28 =	vld [tilespmem:$0x1E10]  }
0xff: {  	v49 =	vld [tilespmem:$0xE20]  }
0x100: {  	v48 =	vld [tilespmem:$0xE30]  }
0x101: {  	[tilespmem:$0x1F8C0] =	vst v61;
	v61 =	vld [tilespmem:$0xFC0]  }
0x102: {  	v50 =	vld [tilespmem:$0x1E30]  }
0x103: {  	v51 =	vld [tilespmem:$0xE40]  }
0x104: {  	v54 =	vld [tilespmem:$0x1E40]  }
0x105: {  	v55 =	vld [tilespmem:$0xE4A]  }
0x106: {  	[tilespmem:$0x1F910] =	vst v61;
	v61 =	vld [tilespmem:$0x1FC0]  }
0x107: {  	v58 =	vld [tilespmem:$0x1E4A]  }
0x108: {  	v37 =	vld [tilespmem:$0xE80]  }
0x109: {  	v34 =	vld [tilespmem:$0x1E80]  }
0x10a: {  	v29 =	vld [tilespmem:$0xE90]  }
0x10b: {  	[tilespmem:$0x1F920] =	vst v61;
	v61 =	vld [tilespmem:$0xFCA]  }
0x10c: {  	v59 =	vld [tilespmem:$0x1EB0]  }
0x10d: {  	v62 =	vld [tilespmem:$0x1EC0]  }
0x10e: {  	v63 =	vld [tilespmem:$0xECA]  }
0x10f: {  	[tilespmem:$0x1F700] =	vst v8;
	v8 =	vld [tilespmem:$0x1D90]  }
0x110: {  	[tilespmem:$0x1F930] =	vst v61;
	v61 =	vld [tilespmem:$0x1FCA]  }
0x111: {  	[tilespmem:$0x1F730] =	vst v43;
	v43 =	vld [tilespmem:$0xDB0]  }
0x112: {  	[tilespmem:$0x1F710] =	vst v41;
	v41 =	vld [tilespmem:$0x1E20]  }
0x113: {  	[tilespmem:$0x1F740] =	vst v26;
	v26 =	vld [tilespmem:$0x1E90]  }
0x114: {  	[tilespmem:$0x1F750] =	vst v48;
	v48 =	vld [tilespmem:$0xEA0]  }
0x115: {  	[tilespmem:$0x1F940] =	vst v61;
	v61 =	vld [tilespmem:$0x1000]  }
0x116: {  	[tilespmem:$0x1F720] =	vst v42;
	v42 =	vld [tilespmem:$0x1EA0]  }
0x117: {  	[tilespmem:$0x1F760] =	vst v50;
	v50 =	vld [tilespmem:$0xEB0]  }
0x118: {  	[tilespmem:$0x1F780] =	vst v54;
	v54 =	vld [tilespmem:$0x1ECA]  }
0x119: {  	[tilespmem:$0x1F7E0] =	vst v62;
	v62 =	vld [tilespmem:$0xF00]  }
0x11a: {  	[tilespmem:$0x1F8D0] =	vst v61;
	v61 =	vld [tilespmem:$0x2000]  }
0x11b: {  	[tilespmem:$0x1F7A0] =	vst v58;
	v58 =	vld [tilespmem:$0x1F00]  }
0x11c: {  	[tilespmem:$0x1F7C0] =	vst v59;
	v59 =	vld [tilespmem:$0xF10]  }
0x11d: {  	[tilespmem:$0x1F770] =	vst v51;
	v51 =	vld [tilespmem:$0xF20]  }
0x11e: {  	[tilespmem:$0x1F790] =	vst v55;
	v55 =	vld [tilespmem:$0x1F20]  }
0x11f: {  	[tilespmem:$0x1F8E0] =	vst v61;
	v61 =	vld [tilespmem:$0x1010]  }
0x120: {  	[tilespmem:$0x1F7F0] =	vst v63;
	v63 =	vld [tilespmem:$0x1F30]  }
0x121: {  	v12 =	vmul.f32 v12, v16;
	v16 =	vld [tilespmem:$0x114A]  }
0x122: {  	v17 =	vmul.f32 v17, v19;
	v19 =	vld [tilespmem:$0x1180]  }
0x123: {  	v6 =	vmul.f32 v6, v13;
	v13 =	vld [tilespmem:$0x2180]  }
0x124: {  	[tilespmem:$0x1F8F0] =	vst v61;
	v61 =	vld [tilespmem:$0x2010]  }
0x125: {  	v35 =	vmul.f32 v35, v46;
	v46 =	vld [tilespmem:$0x11A0]  }
0x126: {  	v18 =	vmul.f32 v14, v18;
	v14 =	vld [tilespmem:$0x1F710]  }
0x127: {  	v40 =	vmul.f32 v40, v45;
	v45 =	vmul.f32 v23, v25;
	v25 =	vld [tilespmem:$0x1F750]  }
0x128: {  	v2 =	vmul.f32 v2, v3;
	v0 =	vmul.f32 v0, v1;
	v6 =	vadd.f32 v6, v12;
	v12 =	vld [tilespmem:$0x21A0]  }
0x129: {  	[tilespmem:$0x1F900] =	vst v61;
	v61 =	vld [tilespmem:$0x1020]  }
0x12a: {  	v0 =	vadd.f32 v0, v2;
	v2 =	vld [tilespmem:$0x21CA]  }
0x12b: {  	[tilespmem:$0x1F7B0] =	vst v50;
	v50 =	vld [tilespmem:$0x1F10]  }
0x12c: {  	[tilespmem:$0x1F800] =	vst v54;
	v54 =	vld [tilespmem:$0xF40]  }
0x12d: {  	[tilespmem:$0x1F820] =	vst v55;
	v55 =	vld [tilespmem:$0x1F40]  }
0x12e: {  	[tilespmem:$0x1F950] =	vst v61;
	v61 =	vld [tilespmem:$0x2020]  }
0x12f: {  	[tilespmem:$0x1F840] =	vst v63;
	v63 =	vld [tilespmem:$0x1F4A]  }
0x130: {  	[tilespmem:$0x1F810] =	vst v51;
	v51 =	vld [tilespmem:$0x1F90]  }
0x131: {  	[tilespmem:$0x1FB40] =	vst v16;
	v16 =	vld [tilespmem:$0x214A]  }
0x132: {  	[tilespmem:$0x1FB00] =	vst v13;
	v13 =	vld [tilespmem:$0x1F700]  }
0x133: {  	v24 =	vmul.f32 v22, v24;
	[tilespmem:$0x1F960] =	vst v61;
	v61 =	vld [tilespmem:$0x1030]  }
0x134: {  	[tilespmem:$0x1FAF0] =	vst v19;
	v19 =	vmul.f32 v4, v5;
	v22 =	vmul.f32 v41, v49;
	v41 =	vld [tilespmem:$0x1F7E0]  }
0x135: {  	v23 =	vmul.f32 v34, v37;
	v34 =	vld [tilespmem:$0x1F7B0]  }
0x136: {  	v0 =	vadd.f32 v19, v0;
	v19 =	vmul.f32 v7, v9;
	v9 =	vld [tilespmem:$0x11CA]  }
0x137: {  	v7 =	vld [tilespmem:$0x2200]  }
0x138: {  	[tilespmem:$0x1F9B0] =	vst v61;
	v61 =	vld [tilespmem:$0x2030]  }
0x139: {  	v3 =	vadd.f32 v19, v18;
	v18 =	vmul.f32 v32, v36;
	v32 =	vld [tilespmem:$0x1F790]  }
0x13a: {  	v19 =	vmul.f32 v28, v33;
	v33 =	vld [tilespmem:$0x1F7A0]  }
0x13b: {  	v36 =	vld [tilespmem:$0x1F7C0]  }
0x13c: {  	[tilespmem:$0x1F8A0] =	vst v63;
	v63 =	vld [tilespmem:$0xF80]  }
0x13d: {  	[tilespmem:$0x1F9C0] =	vst v61;
	v61 =	vld [tilespmem:$0x1040]  }
0x13e: {  	[tilespmem:$0x1F870] =	vst v54;
	v54 =	vld [tilespmem:$0x1F80]  }
0x13f: {  	[tilespmem:$0x1F880] =	vst v55;
	v55 =	vld [tilespmem:$0xF90]  }
0x140: {  	[tilespmem:$0x1FB50] =	vst v16;
	v16 =	vadd.f32 v17, v6;
	v17 =	vmul.f32 v60, v44;
	v60 =	vld [tilespmem:$0x1190]  }
0x141: {  	v44 =	vld [tilespmem:$0x2190]  }
0x142: {  	[tilespmem:$0x1F9F0] =	vst v61;
	v61 =	vld [tilespmem:$0x2040]  }
0x143: {  	v3 =	vadd.f32 v24, v3;
	v24 =	vmul.f32 v26, v29;
	v26 =	vld [tilespmem:$0x1F760]  }
0x144: {  	v29 =	vld [tilespmem:$0x1F770]  }
0x145: {  	v1 =	vadd.f32 v17, v16;
	v16 =	vmul.f32 v47, v38;
	v47 =	vld [tilespmem:$0x11B0]  }
0x146: {  	v17 =	vmul.f32 v20, v21;
	v20 =	vmul.f32 v30, v53;
	v53 =	vld [tilespmem:$0x11C0]  }
0x147: {  	[tilespmem:$0x1FA00] =	vst v61;
	v61 =	vld [tilespmem:$0x104A]  }
0x148: {  	v30 =	vld [tilespmem:$0x21C0]  }
0x149: {  	v21 =	vmul.f32 v27, v31;
	v27 =	vmul.f32 v10, v15;
	v15 =	vld [tilespmem:$0x1F720]  }
0x14a: {  	v31 =	vld [tilespmem:$0x1F780]  }
0x14b: {  	v38 =	vmul.f32 v8, v11;
	v11 =	vadd.f32 v40, v3;
	v3 =	vmul.f32 v14, v13;
	v13 =	vld [tilespmem:$0x2210]  }
0x14c: {  	[tilespmem:$0x1FA10] =	vst v61;
	v61 =	vld [tilespmem:$0x204A]  }
0x14d: {  	v14 =	vld [tilespmem:$0x1220]  }
0x14e: {  	v40 =	vld [tilespmem:$0x1F7D0]  }
0x14f: {  	v1 =	vadd.f32 v35, v1;
	v35 =	vld [tilespmem:$0x21B0]  }
0x150: {  	v4 =	vsel vm0, $0x0, v16;
	v16 =	vld [tilespmem:$0x1F730]  }
0x151: {  	[tilespmem:$0x1FA20] =	vst v61;
	v61 =	vld [tilespmem:$0x1080]  }
0x152: {  	v0 =	vadd.f32 v17, v0;
	v17 =	vmul.f32 v39, v43;
	v43 =	vld [tilespmem:$0x1F800]  }
0x153: {  	v10 =	vsel vm0, $0x0, v21;
	v21 =	vmul.f32 v52, v57;
	v52 =	vld [tilespmem:$0x1F830]  }
0x154: {  	v57 =	vld [tilespmem:$0x1F870]  }
0x155: {  	v39 =	vmul.f32 v50, v59;
	v59 =	vld [tilespmem:$0x1F890]  }
0x156: {  	[tilespmem:$0x1F970] =	vst v61;
	v61 =	vld [tilespmem:$0x2080]  }
0x157: {  	v49 =	vmul.f32 v54, v63;
	v54 =	vld [tilespmem:$0x1F840]  }
0x158: {  	v44 =	vmul.f32 v44, v60;
	v60 =	vld [tilespmem:$0x2380]  }
0x159: {  	v0 =	vadd.f32 v20, v0;
	v20 =	vld [tilespmem:$0x1F740]  }
0x15a: {  	v1 =	vadd.f32 v4, v1;
	v4 =	vadd.f32 v38, v27;
	v27 =	vmul.f32 v42, v48;
	v42 =	vld [tilespmem:$0x1F7F0]  }
0x15b: {  	[tilespmem:$0x1F980] =	vst v61;
	v61 =	vld [tilespmem:$0x1090]  }
0x15c: {  	v48 =	vld [tilespmem:$0x1F820]  }
0x15d: {  	v8 =	vmul.f32 v26, v25;
	v26 =	vld [tilespmem:$0x2280]  }
0x15e: {  	v50 =	vmul.f32 v51, v55;
	v55 =	vld [tilespmem:$0x1F850]  }
0x15f: {  	v38 =	vmul.f32 v58, v62;
	v58 =	vld [tilespmem:$0x1F880]  }
0x160: {  	[tilespmem:$0x1F990] =	vst v61;
	v61 =	vld [tilespmem:$0x2090]  }
0x161: {  	v62 =	vld [tilespmem:$0x1F8A0]  }
0x162: {  	[tilespmem:$0x1FB60] =	vst v1;
	v1 =	vld [tilespmem:$0x1200]  }
0x163: {  	v0 =	vadd.f32 v10, v0;
	v10 =	vld [tilespmem:$0x1210]  }
0x164: {  	v4 =	vadd.f32 v45, v4;
	v45 =	vld [tilespmem:$0x1F810]  }
0x165: {  	[tilespmem:$0x1F9A0] =	vst v61;
	v61 =	vld [tilespmem:$0x10A0]  }
0x166: {  	v5 =	vmul.f32 v16, v15;
	v16 =	vld [tilespmem:$0x2220]  }
0x167: {  	v15 =	vadd.f32 v24, v23;
	v24 =	vld [tilespmem:$0x1280]  }
0x168: {  	v35 =	vmul.f32 v35, v47;
	v47 =	vld [tilespmem:$0x23A0]  }
0x169: {  	v4 =	vadd.f32 v17, v4;
	v17 =	vld [tilespmem:$0x1230]  }
0x16a: {  	[tilespmem:$0x1F9D0] =	vst v61;
	v61 =	vld [tilespmem:$0x20A0]  }
0x16b: {  	[tilespmem:$0x1FB70] =	vst v0;
	v0 =	vadd.f32 v3, v11;
	v11 =	vld [tilespmem:$0x2230]  }
0x16c: {  	v3 =	vadd.f32 v19, v18;
	v19 =	vld [tilespmem:$0x2240]  }
0x16d: {  	v6 =	vmul.f32 v56, v20;
	v56 =	vld [tilespmem:$0x1F860]  }
0x16e: {  	v15 =	vadd.f32 v27, v15;
	v27 =	vld [tilespmem:$0x2290]  }
0x16f: {  	v28 =	vsel vm0, $0x0, v21;
	v21 =	vadd.f32 v39, v38;
	v5 =	vsel vm0, $0x0, v5;
	[tilespmem:$0x1F9E0] =	vst v61;
	v61 =	vld [tilespmem:$0x10B0]  }
0x170: {  	v0 =	vadd.f32 v5, v0;
	v3 =	vadd.f32 v22, v3;
	v5 =	vld [tilespmem:$0x1240];
	v22 =	vmul.f32 v48, v45  }
0x171: {  	v4 =	vadd.f32 v6, v4;
	v24 =	vmul.f32 v26, v24;
	v26 =	vld [tilespmem:$0x23CA]  }
0x172: {  	v51 =	vadd.f32 v22, v21;
	v22 =	vld [tilespmem:$0x1290]  }
0x173: {  	v6 =	vadd.f32 v28, v4;
	v4 =	vmul.f32 v31, v29;
	v29 =	vld [tilespmem:$0x22A0]  }
0x174: {  	v18 =	vmul.f32 v36, v34;
	[tilespmem:$0x1FA30] =	vst v61;
	v61 =	vld [tilespmem:$0x20B0]  }
0x175: {  	v3 =	vadd.f32 v8, v3;
	v63 =	vld [tilespmem:$0x1F8B0]  }
0x176: {  	v15 =	vadd.f32 v18, v15;
	v18 =	vmul.f32 v41, v40;
	v8 =	vmul.f32 v33, v32;
	v32 =	vld [tilespmem:$0x1F8C0]  }
0x177: {  	v23 =	vmul.f32 v43, v42;
	v37 =	vadd.f32 v4, v3;
	v3 =	vld [tilespmem:$0x124A]  }
0x178: {  	v15 =	vadd.f32 v18, v15;
	v4 =	vld [tilespmem:$0x224A]  }
0x179: {  	v20 =	vadd.f32 v50, v49;
	v23 =	vsel vm0, $0x0, v23;
	v25 =	vmul.f32 v56, v55;
	[tilespmem:$0x1FA40] =	vst v61;
	v61 =	vld [tilespmem:$0x10C0]  }
0x17a: {  	v15 =	vadd.f32 v23, v15;
	v23 =	vld [tilespmem:$0x12A0]  }
0x17b: {  	v20 =	vadd.f32 v25, v20;
	v25 =	vmul.f32 v32, v63;
	v32 =	vld [tilespmem:$0x12B0]  }
0x17c: {  	v38 =	vld [tilespmem:$0x1F910]  }
0x17d: {  	v39 =	vld [tilespmem:$0x1F920]  }
0x17e: {  	[tilespmem:$0x1FA90] =	vst v61;
	v61 =	vld [tilespmem:$0x20C0]  }
0x17f: {  	v40 =	vld [tilespmem:$0x1F930]  }
0x180: {  	v41 =	vld [tilespmem:$0x1F940]  }
0x181: {  	v33 =	vld [tilespmem:$0x1F8D0]  }
0x182: {  	v34 =	vld [tilespmem:$0x1F8E0]  }
0x183: {  	v21 =	vmul.f32 v54, v52;
	[tilespmem:$0x1FAA0] =	vst v61;
	v61 =	vld [tilespmem:$0x10CA]  }
0x184: {  	v20 =	vadd.f32 v25, v20;
	v25 =	vmul.f32 v39, v38;
	v38 =	vld [tilespmem:$0x22C0]  }
0x185: {  	v18 =	vadd.f32 v21, v51;
	v21 =	vmul.f32 v58, v57;
	v39 =	vld [tilespmem:$0x22CA]  }
0x186: {  	v36 =	vld [tilespmem:$0x1F8F0]  }
0x187: {  	v18 =	vadd.f32 v21, v18;
	v21 =	vmul.f32 v34, v33;
	v33 =	vmul.f32 v41, v40;
	v34 =	vld [tilespmem:$0x22B0]  }
0x188: {  	v20 =	vadd.f32 v25, v20;
	[tilespmem:$0x1FAB0] =	vst v61;
	v61 =	vld [tilespmem:$0x20CA]  }
0x189: {  	v41 =	vld [tilespmem:$0x2300];
	v33 =	vsel vm0, $0x0, v33  }
0x18a: {  	v8 =	vsel vm0, $0x0, v8;
	v20 =	vadd.f32 v33, v20;
	v33 =	vld [tilespmem:$0x1300]  }
0x18b: {  	v8 =	vadd.f32 v8, v37;
	v37 =	vld [tilespmem:$0x1F900]  }
0x18c: {  	v42 =	vld [tilespmem:$0x1F950]  }
0x18d: {  	[tilespmem:$0x1FAC0] =	vst v61;
	v61 =	vld [tilespmem:$0x1100]  }
0x18e: {  	v43 =	vld [tilespmem:$0x1F960]  }
0x18f: {  	v51 =	vld [tilespmem:$0x1F9B0]  }
0x190: {  	v52 =	vld [tilespmem:$0x1F9C0]  }
0x191: {  	v58 =	vld [tilespmem:$0x1FA10]  }
0x192: {  	[tilespmem:$0x1FA50] =	vst v61;
	v61 =	vld [tilespmem:$0x2100]  }
0x193: {  	v28 =	vmul.f32 v62, v59;
	v59 =	vld [tilespmem:$0x1FA20]  }
0x194: {  	v31 =	vmul.f32 v37, v36;
	v56 =	vld [tilespmem:$0x1F9F0]  }
0x195: {  	v57 =	vld [tilespmem:$0x1FA00]  }
0x196: {  	v36 =	vld [tilespmem:$0x12C0];
	v21 =	vadd.f32 v31, v21;
	v31 =	vmul.f32 v43, v42  }
0x197: {  	[tilespmem:$0x1FA60] =	vst v61;
	v61 =	vld [tilespmem:$0x1110]  }
0x198: {  	v21 =	vadd.f32 v31, v21;
	v25 =	vmul.f32 v52, v51;
	v40 =	vmul.f32 v59, v58;
	v58 =	vld [tilespmem:$0x1FAF0]  }
0x199: {  	v59 =	vld [tilespmem:$0x1FB00]  }
0x19a: {  	v43 =	vld [tilespmem:$0x1310];
	v21 =	vadd.f32 v25, v21;
	v25 =	vmul.f32 v57, v56  }
0x19b: {  	v31 =	vld [tilespmem:$0x12CA]  }
0x19c: {  	v21 =	vadd.f32 v25, v21;
	[tilespmem:$0x1FA70] =	vst v61;
	v61 =	vld [tilespmem:$0x2110]  }
0x19d: {  	v45 =	vld [tilespmem:$0x1F970];
	v40 =	vsel vm0, $0x0, v40  }
0x19e: {  	v21 =	vadd.f32 v40, v21;
	v48 =	vld [tilespmem:$0x1F980];
	v40 =	vmul.f32 v59, v58  }
0x19f: {  	v58 =	vld [tilespmem:$0x1380]  }
0x1a0: {  	v40 =	vadd.f32 v44, v40;
	v44 =	vld [tilespmem:$0x1340]  }
0x1a1: {  	[tilespmem:$0x1FA80] =	vst v61;
	v61 =	vld [tilespmem:$0x1120]  }
0x1a2: {  	v49 =	vld [tilespmem:$0x1F990]  }
0x1a3: {  	v50 =	vld [tilespmem:$0x1F9A0]  }
0x1a4: {  	v54 =	vld [tilespmem:$0x1F9D0]  }
0x1a5: {  	v12 =	vmul.f32 v12, v46;
	v55 =	vld [tilespmem:$0x1F9E0]  }
0x1a6: {  	[tilespmem:$0x1FAD0] =	vst v61;
	v61 =	vld [tilespmem:$0x2120]  }
0x1a7: {  	v28 =	vsel vm0, $0x0, v28;
	v12 =	vadd.f32 v12, v40;
	v40 =	vld [tilespmem:$0x2340]  }
0x1a8: {  	v18 =	vadd.f32 v28, v18;
	v28 =	vmul.f32 v48, v45;
	v37 =	vmul.f32 v50, v49;
	v62 =	vld [tilespmem:$0x1FA30]  }
0x1a9: {  	v63 =	vld [tilespmem:$0x1FA40]  }
0x1aa: {  	v28 =	vadd.f32 v37, v28;
	v37 =	vmul.f32 v55, v54;
	v54 =	vld [tilespmem:$0x1FAB0]  }
0x1ab: {  	[tilespmem:$0x1FAE0] =	vst v61;
	v61 =	vld [tilespmem:$0x1130]  }
0x1ac: {  	v55 =	vld [tilespmem:$0x1FAC0]  }
0x1ad: {  	v45 =	vld [tilespmem:$0x1FA50]  }
0x1ae: {  	v48 =	vld [tilespmem:$0x1FA60]  }
0x1af: {  	v51 =	vld [tilespmem:$0x1FA90]  }
0x1b0: {  	[tilespmem:$0x1FB10] =	vst v61;
	v61 =	vld [tilespmem:$0x2130]  }
0x1b1: {  	v52 =	vld [tilespmem:$0x1FAA0]  }
0x1b2: {  	v49 =	vld [tilespmem:$0x1FA70]  }
0x1b3: {  	v25 =	vmul.f32 v48, v45;
	v45 =	vmul.f32 v55, v54;
	v54 =	vld [tilespmem:$0x1FB40]  }
0x1b4: {  	v50 =	vld [tilespmem:$0x1FA80]  }
0x1b5: {  	[tilespmem:$0x1FB20] =	vst v61;
	v61 =	vld [tilespmem:$0x1140]  }
0x1b6: {  	v56 =	vld [tilespmem:$0x1FAD0]  }
0x1b7: {  	v57 =	vld [tilespmem:$0x1FAE0]  }
0x1b8: {  	v28 =	vadd.f32 v37, v28;
	v37 =	vmul.f32 v63, v62;
	v62 =	vld [tilespmem:$0x1FB10]  }
0x1b9: {  	v63 =	vld [tilespmem:$0x1FB20]  }
0x1ba: {  	v42 =	vmul.f32 v50, v49;
	[tilespmem:$0x1FB30] =	vst v61;
	v61 =	vld [tilespmem:$0x2140]  }
0x1bb: {  	v28 =	vadd.f32 v37, v28;
	v37 =	vmul.f32 v52, v51;
	v52 =	vld [tilespmem:$0x1FB30]  }
0x1bc: {  	v55 =	vld [tilespmem:$0x1FB50];
	v25 =	vadd.f32 v42, v25;
	v42 =	vmul.f32 v57, v56  }
0x1bd: {  	v12 =	vadd.f32 v35, v12;
	v35 =	vld [tilespmem:$0x13A0]  }
0x1be: {  	v28 =	vadd.f32 v37, v28;
	v48 =	vld [tilespmem:$0x2310];
	v25 =	vadd.f32 v42, v25;
	v37 =	vmul.f32 v63, v62  }
0x1bf: {  	v51 =	vsel vm0, $0x0, v45;
	v45 =	vld [tilespmem:$0x2330]  }
0x1c0: {  	v49 =	vld [tilespmem:$0x1320];
	v25 =	vadd.f32 v37, v25;
	v37 =	vmul.f32 v61, v52  }
0x1c1: {  	v2 =	vmul.f32 v2, v9;
	v46 =	vmul.f32 v55, v54;
	v50 =	vld [tilespmem:$0x2320]  }
0x1c2: {  	v1 =	vmul.f32 v7, v1;
	v56 =	vmul.f32 v13, v10;
	v25 =	vadd.f32 v37, v25;
	v37 =	vld [tilespmem:$0x1FB60]  }
0x1c3: {  	v14 =	vmul.f32 v16, v14;
	v59 =	vsel vm0, $0x0, v46;
	v46 =	vmul.f32 v48, v43;
	v48 =	vld [tilespmem:$0x1FB70]  }
0x1c4: {  	v11 =	vmul.f32 v11, v17;
	v5 =	vmul.f32 v19, v5;
	v55 =	vld [tilespmem:$0x13B0];
	v1 =	vadd.f32 v56, v1  }
0x1c5: {  	v2 =	vsel vm0, $0x0, v2;
	v22 =	vmul.f32 v27, v22;
	v10 =	vld [tilespmem:$0x134A];
	v57 =	vmul.f32 v30, v53  }
0x1c6: {  	v3 =	vmul.f32 v4, v3;
	v41 =	vmul.f32 v41, v33;
	v1 =	vadd.f32 v14, v1;
	v62 =	vld [tilespmem:$0x2390]  }
0x1c7: {  	v28 =	vadd.f32 v51, v28;
	v54 =	vmul.f32 v50, v49;
	v12 =	vadd.f32 v57, v12;
	v61 =	vld [tilespmem:$0x1390];
	(xrf2) =	vadd.scan.msk.f32 $0xffff, v37  }
0x1c8: {  	v30 =	vmul.f32 v29, v23;
	v23 =	vmul.f32 v39, v31;
	v42 =	vld [tilespmem:$0x1330];
	v1 =	vadd.f32 v11, v1;
	(xrf2) =	vadd.scan.msk.f32 $0xffff, v48  }
0x1c9: {  	v56 =	vmul.f32 v60, v58;
	v58 =	vld [tilespmem:$0x23B0];
	v2 =	vadd.f32 v2, v12;
	v12 =	vadd.f32 v46, v41;
	(xrf2) =	vadd.scan.msk.f32 $0xffff, v0  }
0x1ca: {  	v3 =	vsel vm0, $0x0, v3;
	v1 =	vadd.f32 v5, v1;
	v63 =	vadd.f32 v22, v24;
	v52 =	vld [tilespmem:$0x234A];
	(xrf2) =	vadd.scan.msk.f32 $0xffff, v6  }
0x1cb: {  	v53 =	vmul.f32 v34, v32;
	v4 =	vsel vm0, $0x0, v23;
	v60 =	vadd.f32 v54, v12;
	v22 =	vld [tilespmem:$0x23C0];
	(xrf2) =	vadd.scan.msk.f32 $0xffff, v8  }
0x1cc: {  	v1 =	vadd.f32 v3, v1;
	v51 =	vadd.f32 v30, v63;
	v57 =	vmul.f32 v62, v61;
	v61 =	vld [tilespmem:$0x13C0];
	(xrf2) =	vadd.scan.msk.f32 $0xffff, v15  }
0x1cd: {  	v24 =	vld [tilespmem:$0x13CA];
	v63 =	vmul.f32 v47, v35;
	v7 =	vadd.f32 v59, v25;
	v62 =	vmul.f32 v45, v42;
	(xrf2) =	vadd.scan.msk.f32 $0xffff, v18  }
0x1ce: {  	v59 =	vmul.f32 v38, v36;
	v5 =	vadd.f32 v57, v56;
	v0 =	vadd.f32 v53, v51;
	(xrf2) =	vadd.scan.msk.f32 $0xffff, v20  }
0x1cf: {  	v25 =	vmul.f32 v40, v44;
	v27 =	vmul.f32 v52, v10;
	v11 =	vadd.f32 v62, v60;
	(xrf2) =	vadd.scan.msk.f32 $0xffff, v21  }
0x1d0: {  	v9 =	vmul.f32 v58, v55;
	v5 =	vadd.f32 v63, v5;
	v0 =	vadd.f32 v59, v0;
	(xrf2) =	vadd.scan.msk.f32 $0xffff, v28  }
0x1d1: {  	v3 =	vsel vm0, $0x0, v27;
	v29 =	vadd.f32 v25, v11;
	v32 =	vmul.f32 v22, v61;
	v28, _, _ =	vpop (xrf2);
	(xrf2) =	vadd.scan.msk.f32 $0xffff, v7  }
0x1d2: {  	v6 =	vmul.f32 v26, v24;
	v5 =	vadd.f32 v9, v5;
	v0 =	vadd.f32 v4, v0;
	v30, _, _ =	vpop (xrf2);
	(xrf2) =	vadd.scan.msk.f32 $0xffff, v2  }
0x1d3: {  	v34 =	vadd.f32 v3, v29;
	v31 =	vbroadcast v28, $0xF;
	v33, _, _ =	vpop (xrf2);
	(xrf2) =	vadd.scan.msk.f32 $0xffff, v1;
	v35 =	vbroadcast v30, $0xF  }
0x1d4: {  	v37 =	vadd.f32 v32, v5;
	v36, _, _ =	vpop (xrf2);
	(xrf2) =	vadd.scan.msk.f32 $0xffff, v0;
	v38 =	vbroadcast v33, $0xF  }
0x1d5: {  	v41 =	vsel vm0, $0x0, v6;
	v2 =	vsel vm1, v31, v35;
	v39 =	vbroadcast v36, $0xF;
	v40, _, _ =	vpop (xrf2);
	(xrf2) =	vadd.scan.msk.f32 $0xffff, v34  }
0x1d6: {  	v0 =	vadd.f32 v41, v37;
	v42, _, _ =	vpop (xrf2);
	v2 =	vsel vm2, v2, v38;
	v43 =	vbroadcast v40, $0xF  }
0x1d7: {  	v44, _, _ =	vpop (xrf2);
	v2 =	vsel vm3, v2, v39;
	v45 =	vbroadcast v42, $0xF  }
0x1d8: {  	(xrf2) =	vadd.scan.msk.f32 $0xffff, v0;
	v2 =	vsel vm4, v2, v43;
	v1 =	vbroadcast v44, $0xF;
	v46, _, _ =	vpop (xrf2)  }
0x1d9: {  	v47, _, _ =	vpop (xrf2);
	v2 =	vsel vm5, v2, v45;
	v48 =	vbroadcast v46, $0xF  }
0x1da: {  	v49, _, _ =	vpop (xrf2);
	v1 =	vsel vm0, v2, v1;
	v0 =	vbroadcast v47, $0xF  }
0x1db: {  	v50, _, _ =	vpop (xrf2);
	v1 =	vsel vm6, v1, v48;
	v51 =	vbroadcast v49, $0xF  }
0x1dc: {  	v52, _, _ =	vpop (xrf2);
	v0 =	vsel vm7, v1, v0;
	v53 =	vbroadcast v50, $0xF  }
0x1dd: {  	v54, _, _ =	vpop (xrf2);
	v0 =	vsel vm8, v0, v51;
	v55 =	vbroadcast v52, $0xF  }
0x1de: {  	v56, _, _ =	vpop (xrf2);
	v0 =	vsel vm9, v0, v53;
	v57 =	vbroadcast v54, $0xF  }
0x1df: {  	v60 =	vld [tilespmem:s21+$0x2410];
	v58, _, _ =	vpop (xrf2);
	v0 =	vsel vm10, v0, v55;
	v59 =	vbroadcast v56, $0xF  }
0x1e0: {  	v0 =	vsel vm11, v0, v57;
	v61 =	vbroadcast v58, $0xF  }
0x1e1: {  	v62 =	vld [tilespmem:s21+$0x2610];
	v0 =	vsel vm12, v0, v59  }
0x1e2: {  	v63, _, _ =	vpop (xrf2);
	v0 =	vsel vm13, v0, v61  }
0x1e3: {  	v0 =	vsel vm14, v0, v63  }
0x1e4: {  	s20 =	sadd.s32 $0x80, s20;
	v0 =	vadd.f32 v0, v60  }
0x1e5: {  	p0 =	sne.s32 s20, $0x800  }
.Ltmp3:
0x1e6: {  	v0 =	vadd.f32 v0, v62;
	(pc) =	sbr.rel @!p0 .LBB2_5-.Ltmp3, $3  }
0x1e7: {  	_ = 	snop  }
0x1e8: {  	v0 =	vadd.f32 $3.500000000e+00, v0;
	_ =	sdelay $0x1  }
0x1e9: {  	[tilespmem:s21+$0x2810] =	vst v0  }
.LBB2_2:
0x1ea: {  	s21 =	sshra.s32 s20, $0x2  }
0x1eb: {  	v0 =	vld [tilespmem:s21+$0x10];
	_ =	sdelay $0x3  }
0x1ec: {  	v2 =	vld [tilespmem:s21+$0x210]  }
0x1ed: {  	v1 =	vshll.u32 v0, $0x4  }
0x1ee: {  	(v2sf) =	vpush v1, $0x0;
	_ =	sdelay $0x2  }
0x1ef: {  	v40 =	vshll.u32 v2, $0x4  }
0x1f0: {  	(v2sf) =	vpush v40, $0x0;
	_ =	sdelay $0x3  }
0x1f1: {  	(v2sf) =	vpush v1, $0x1;
	_ =	sdelay $0x3  }
0x1f2: {  	(v2sf) =	vpush v40, $0x1;
	_ =	sdelay $0x2  }
0x1f3: {  	s22 =	spop (v2sf)  }
0x1f4: {  	(v2sf) =	vpush v1, $0x2;
	s22 =	sand.u32 $0x1FFFFFF0, s22  }
0x1f5: {  	s24 =	simm.s32 $0xC00;
	s22 =	sadd.s32 s5, s22  }
0x1f6: {  	[tilespmem:s24], [sflag:$0x3] =	stream.linear.gather [hbm4b:s22+s3], $0x80, $0x38;
	[tilespmem:$0x2A00] =	vst v63  }
0x1f7: {  	s24 =	spop (v2sf)  }
0x1f8: {  	(v2sf) =	vpush v40, $0x2;
	s22 =	sand.u32 $0x1FFFFFF0, s24  }
0x1f9: {  	s24 =	simm.s32 $0x1C00;
	s22 =	sadd.s32 s6, s22  }
0x1fa: {  	[tilespmem:s24], [sflag:$0x3] =	stream.linear.gather [hbm4b:s22+s3], $0x80, $0x38;
	[tilespmem:$0x2A00] =	vst v63  }
0x1fb: {  	s24 =	spop (v2sf)  }
0x1fc: {  	(v2sf) =	vpush v1, $0x3;
	s22 =	sand.u32 $0x1FFFFFF0, s24  }
0x1fd: {  	s24 =	simm.s32 $0xC80;
	s22 =	sadd.s32 s5, s22  }
0x1fe: {  	[tilespmem:s24], [sflag:$0x3] =	stream.linear.gather [hbm4b:s22+s3], $0x80, $0x38;
	[tilespmem:$0x2A00] =	vst v63  }
0x1ff: {  	s24 =	spop (v2sf)  }
0x200: {  	(v2sf) =	vpush v40, $0x3;
	s22 =	sand.u32 $0x1FFFFFF0, s24  }
0x201: {  	s24 =	simm.s32 $0x1C80;
	s22 =	sadd.s32 s6, s22  }
0x202: {  	[tilespmem:s24], [sflag:$0x3] =	stream.linear.gather [hbm4b:s22+s3], $0x80, $0x38;
	[tilespmem:$0x2A00] =	vst v63  }
0x203: {  	s24 =	spop (v2sf)  }
0x204: {  	(v2sf) =	vpush v1, $0x4;
	s22 =	sand.u32 $0x1FFFFFF0, s24  }
0x205: {  	s24 =	simm.s32 $0xD00;
	s22 =	sadd.s32 s5, s22  }
0x206: {  	[tilespmem:s24], [sflag:$0x3] =	stream.linear.gather [hbm4b:s22+s3], $0x80, $0x38;
	[tilespmem:$0x2A00] =	vst v63  }
0x207: {  	s24 =	spop (v2sf)  }
0x208: {  	(v2sf) =	vpush v40, $0x4;
	s22 =	sand.u32 $0x1FFFFFF0, s24  }
0x209: {  	s24 =	simm.s32 $0x1D00;
	s22 =	sadd.s32 s6, s22  }
0x20a: {  	[tilespmem:s24], [sflag:$0x3] =	stream.linear.gather [hbm4b:s22+s3], $0x80, $0x38;
	[tilespmem:$0x2A00] =	vst v63  }
0x20b: {  	s24 =	spop (v2sf)  }
0x20c: {  	(v2sf) =	vpush v1, $0x5;
	s22 =	sand.u32 $0x1FFFFFF0, s24  }
0x20d: {  	s24 =	simm.s32 $0xD80;
	s22 =	sadd.s32 s5, s22  }
0x20e: {  	[tilespmem:s24], [sflag:$0x3] =	stream.linear.gather [hbm4b:s22+s3], $0x80, $0x38;
	[tilespmem:$0x2A00] =	vst v63  }
0x20f: {  	s24 =	spop (v2sf)  }
0x210: {  	(v2sf) =	vpush v40, $0x5;
	s22 =	sand.u32 $0x1FFFFFF0, s24  }
0x211: {  	s24 =	simm.s32 $0x1D80;
	s22 =	sadd.s32 s6, s22  }
0x212: {  	[tilespmem:s24], [sflag:$0x3] =	stream.linear.gather [hbm4b:s22+s3], $0x80, $0x38;
	[tilespmem:$0x2A00] =	vst v63  }
0x213: {  	s24 =	spop (v2sf)  }
0x214: {  	(v2sf) =	vpush v1, $0x6;
	s22 =	sand.u32 $0x1FFFFFF0, s24  }
0x215: {  	s24 =	simm.s32 $0xE00;
	s22 =	sadd.s32 s5, s22  }
0x216: {  	[tilespmem:s24], [sflag:$0x3] =	stream.linear.gather [hbm4b:s22+s3], $0x80, $0x38;
	[tilespmem:$0x2A00] =	vst v63  }
0x217: {  	s24 =	spop (v2sf)  }
0x218: {  	(v2sf) =	vpush v40, $0x6;
	s22 =	sand.u32 $0x1FFFFFF0, s24  }
0x219: {  	s24 =	simm.s32 $0x1E00;
	s22 =	sadd.s32 s6, s22  }
0x21a: {  	[tilespmem:s24], [sflag:$0x3] =	stream.linear.gather [hbm4b:s22+s3], $0x80, $0x38;
	[tilespmem:$0x2A00] =	vst v63  }
0x21b: {  	s24 =	spop (v2sf)  }
0x21c: {  	(v2sf) =	vpush v1, $0x7;
	s22 =	sand.u32 $0x1FFFFFF0, s24  }
0x21d: {  	s24 =	simm.s32 $0xE80;
	s22 =	sadd.s32 s5, s22  }
0x21e: {  	[tilespmem:s24], [sflag:$0x3] =	stream.linear.gather [hbm4b:s22+s3], $0x80, $0x38;
	[tilespmem:$0x2A00] =	vst v63  }
0x21f: {  	s24 =	spop (v2sf)  }
0x220: {  	(v2sf) =	vpush v40, $0x7;
	s22 =	sand.u32 $0x1FFFFFF0, s24  }
0x221: {  	s22 =	sadd.s32 s6, s22  }
0x222: {  	[tilespmem:s25], [sflag:$0x3] =	stream.linear.gather [hbm4b:s22+s3], $0x80, $0x38;
	[tilespmem:$0x2A00] =	vst v63  }
0x223: {  	s24 =	spop (v2sf)  }
0x224: {  	(v2sf) =	vpush v1, $0x8;
	s22 =	sand.u32 $0x1FFFFFF0, s24  }
0x225: {  	s22 =	sadd.s32 s5, s22  }
0x226: {  	[tilespmem:s26], [sflag:$0x3] =	stream.linear.gather [hbm4b:s22+s3], $0x80, $0x38;
	[tilespmem:$0x2A00] =	vst v63  }
0x227: {  	s24 =	spop (v2sf)  }
0x228: {  	(v2sf) =	vpush v40, $0x8;
	s22 =	sand.u32 $0x1FFFFFF0, s24  }
0x229: {  	s22 =	sadd.s32 s6, s22  }
0x22a: {  	[tilespmem:s12], [sflag:$0x3] =	stream.linear.gather [hbm4b:s22+s3], $0x80, $0x38;
	[tilespmem:$0x2A00] =	vst v63  }
0x22b: {  	s24 =	spop (v2sf)  }
0x22c: {  	(v2sf) =	vpush v1, $0x9;
	s22 =	sand.u32 $0x1FFFFFF0, s24  }
0x22d: {  	s22 =	sadd.s32 s5, s22  }
0x22e: {  	[tilespmem:s7], [sflag:$0x3] =	stream.linear.gather [hbm4b:s22+s3], $0x80, $0x38;
	[tilespmem:$0x2A00] =	vst v63  }
0x22f: {  	s24 =	spop (v2sf)  }
0x230: {  	(v2sf) =	vpush v40, $0x9;
	s22 =	sand.u32 $0x1FFFFFF0, s24  }
0x231: {  	s22 =	sadd.s32 s6, s22  }
0x232: {  	[tilespmem:s8], [sflag:$0x3] =	stream.linear.gather [hbm4b:s22+s3], $0x80, $0x38;
	[tilespmem:$0x2A00] =	vst v63  }
0x233: {  	s24 =	spop (v2sf)  }
0x234: {  	(v2sf) =	vpush v1, $0xA;
	s22 =	sand.u32 $0x1FFFFFF0, s24  }
0x235: {  	s22 =	sadd.s32 s5, s22  }
0x236: {  	[tilespmem:s9], [sflag:$0x3] =	stream.linear.gather [hbm4b:s22+s3], $0x80, $0x38;
	[tilespmem:$0x2A00] =	vst v63  }
0x237: {  	s24 =	spop (v2sf)  }
0x238: {  	(v2sf) =	vpush v40, $0xA;
	s22 =	sand.u32 $0x1FFFFFF0, s24  }
0x239: {  	s22 =	sadd.s32 s6, s22  }
0x23a: {  	[tilespmem:s10], [sflag:$0x3] =	stream.linear.gather [hbm4b:s22+s3], $0x80, $0x38;
	[tilespmem:$0x2A00] =	vst v63  }
0x23b: {  	s24 =	spop (v2sf)  }
0x23c: {  	(v2sf) =	vpush v1, $0xB;
	s22 =	sand.u32 $0x1FFFFFF0, s24  }
0x23d: {  	s22 =	sadd.s32 s5, s22  }
0x23e: {  	[tilespmem:s1], [sflag:$0x3] =	stream.linear.gather [hbm4b:s22+s3], $0x80, $0x38;
	[tilespmem:$0x2A00] =	vst v63  }
0x23f: {  	s24 =	spop (v2sf)  }
0x240: {  	(v2sf) =	vpush v40, $0xB;
	s22 =	sand.u32 $0x1FFFFFF0, s24  }
0x241: {  	s22 =	sadd.s32 s6, s22  }
0x242: {  	[tilespmem:s2], [sflag:$0x3] =	stream.linear.gather [hbm4b:s22+s3], $0x80, $0x38;
	[tilespmem:$0x2A00] =	vst v63  }
0x243: {  	s24 =	spop (v2sf)  }
0x244: {  	(v2sf) =	vpush v1, $0xC;
	s22 =	sand.u32 $0x1FFFFFF0, s24  }
0x245: {  	s22 =	sadd.s32 s5, s22  }
0x246: {  	[tilespmem:s13], [sflag:$0x3] =	stream.linear.gather [hbm4b:s22+s3], $0x80, $0x38;
	[tilespmem:$0x2A00] =	vst v63  }
0x247: {  	s24 =	spop (v2sf)  }
0x248: {  	(v2sf) =	vpush v40, $0xC;
	s22 =	sand.u32 $0x1FFFFFF0, s24  }
0x249: {  	s22 =	sadd.s32 s6, s22  }
0x24a: {  	[tilespmem:s11], [sflag:$0x3] =	stream.linear.gather [hbm4b:s22+s3], $0x80, $0x38;
	[tilespmem:$0x2A00] =	vst v63  }
0x24b: {  	s24 =	spop (v2sf)  }
0x24c: {  	(v2sf) =	vpush v1, $0xD;
	s22 =	sand.u32 $0x1FFFFFF0, s24  }
0x24d: {  	s22 =	sadd.s32 s5, s22  }
0x24e: {  	[tilespmem:s29], [sflag:$0x3] =	stream.linear.gather [hbm4b:s22+s3], $0x80, $0x38;
	[tilespmem:$0x2A00] =	vst v63  }
0x24f: {  	s24 =	spop (v2sf)  }
0x250: {  	(v2sf) =	vpush v40, $0xD;
	s22 =	sand.u32 $0x1FFFFFF0, s24  }
0x251: {  	s22 =	sadd.s32 s6, s22  }
0x252: {  	[tilespmem:s30], [sflag:$0x3] =	stream.linear.gather [hbm4b:s22+s3], $0x80, $0x38;
	[tilespmem:$0x2A00] =	vst v63  }
0x253: {  	s24 =	spop (v2sf)  }
0x254: {  	(v2sf) =	vpush v1, $0xE;
	s22 =	sand.u32 $0x1FFFFFF0, s24  }
0x255: {  	s22 =	sadd.s32 s5, s22  }
0x256: {  	[tilespmem:s31], [sflag:$0x3] =	stream.linear.gather [hbm4b:s22+s3], $0x80, $0x38;
	[tilespmem:$0x2A00] =	vst v63  }
0x257: {  	s24 =	spop (v2sf)  }
0x258: {  	(v2sf) =	vpush v40, $0xE;
	s22 =	sand.u32 $0x1FFFFFF0, s24  }
0x259: {  	s22 =	sadd.s32 s6, s22  }
0x25a: {  	[tilespmem:s0], [sflag:$0x3] =	stream.linear.gather [hbm4b:s22+s3], $0x80, $0x38;
	[tilespmem:$0x2A00] =	vst v63  }
0x25b: {  	s24 =	spop (v2sf)  }
0x25c: {  	(v2sf) =	vpush v1, $0xF;
	s22 =	sand.u32 $0x1FFFFFF0, s24  }
0x25d: {  	s22 =	sadd.s32 s5, s22  }
0x25e: {  	[tilespmem:s4], [sflag:$0x3] =	stream.linear.gather [hbm4b:s22+s3], $0x80, $0x38;
	[tilespmem:$0x2A00] =	vst v63  }
0x25f: {  	s24 =	spop (v2sf)  }
0x260: {  	(v2sf) =	vpush v40, $0xF;
	s22 =	sand.u32 $0x1FFFFFF0, s24  }
0x261: {  	s22 =	sadd.s32 s6, s22  }
0x262: {  	[tilespmem:s28], [sflag:$0x3] =	stream.linear.gather [hbm4b:s22+s3], $0x80, $0x38;
	[tilespmem:$0x2A00] =	vst v63  }
0x263: {  	s24 =	spop (v2sf)  }
0x264: {  	s22 =	sand.u32 $0x1FFFFFF0, s24  }
0x265: {  	s22 =	sadd.s32 s5, s22  }
0x266: {  	[tilespmem:s14], [sflag:$0x3] =	stream.linear.gather [hbm4b:s22+s3], $0x80, $0x38;
	[tilespmem:$0x2A00] =	vst v63  }
0x267: {  	s24 =	spop (v2sf)  }
0x268: {  	s22 =	sand.u32 $0x1FFFFFF0, s24  }
0x269: {  	s22 =	sadd.s32 s6, s22  }
0x26a: {  	[tilespmem:s15], [sflag:$0x3] =	stream.linear.gather [hbm4b:s22+s3], $0x80, $0x38;
	[tilespmem:$0x2A00] =	vst v63  }
0x26b: {  	s24 =	spop (v2sf)  }
0x26c: {  	s22 =	sand.u32 $0x1FFFFFF0, s24  }
0x26d: {  	s22 =	sadd.s32 s5, s22  }
0x26e: {  	[tilespmem:s16], [sflag:$0x3] =	stream.linear.gather [hbm4b:s22+s3], $0x80, $0x38;
	[tilespmem:$0x2A00] =	vst v63  }
0x26f: {  	s24 =	spop (v2sf)  }
0x270: {  	s22 =	sand.u32 $0x1FFFFFF0, s24  }
0x271: {  	s22 =	sadd.s32 s6, s22  }
0x272: {  	[tilespmem:s17], [sflag:$0x3] =	stream.linear.gather [hbm4b:s22+s3], $0x80, $0x38;
	[tilespmem:$0x2A00] =	vst v63  }
0x273: {  	_ =	swait.ge [sflag:s18], $0x800  }
0x274: {  	[sflag:s18] =	ssyncset.done $0x0  }
0x275: {  	[sflag:s18] =	ssyncadd.s32 $0xFFFFF800  }
0x276: {  	_ =	swait.ge [sflag:s18], $0x800  }
0x277: {  	[sflag:s18] =	ssyncset.done $0x0  }
0x278: {  	[sflag:s18] =	ssyncadd.s32 $0xFFFFF800  }
0x279: {  	v16 =	vld [tilespmem:$0x400]  }
0x27a: {  	v12 =	vld [tilespmem:$0x1400]  }
0x27b: {  	v13 =	vld [tilespmem:$0x410]  }
0x27c: {  	v6 =	vld [tilespmem:$0x1410]  }
0x27d: {  	v19 =	vld [tilespmem:$0x420]  }
0x27e: {  	v17 =	vld [tilespmem:$0x1420]  }
0x27f: {  	v44 =	vld [tilespmem:$0x430]  }
0x280: {  	v60 =	vld [tilespmem:$0x1430]  }
0x281: {  	v46 =	vld [tilespmem:$0x440]  }
0x282: {  	v35 =	vld [tilespmem:$0x1440]  }
0x283: {  	v38 =	vld [tilespmem:$0x44A]  }
0x284: {  	v47 =	vld [tilespmem:$0x144A]  }
0x285: {  	v3 =	vld [tilespmem:$0x480]  }
0x286: {  	v2 =	vld [tilespmem:$0x1480]  }
0x287: {  	v1 =	vld [tilespmem:$0x490]  }
0x288: {  	v0 =	vld [tilespmem:$0x1490]  }
0x289: {  	v5 =	vld [tilespmem:$0x4A0]  }
0x28a: {  	v4 =	vld [tilespmem:$0x14A0]  }
0x28b: {  	v21 =	vld [tilespmem:$0x4B0]  }
0x28c: {  	v20 =	vld [tilespmem:$0x14B0]  }
0x28d: {  	v53 =	vld [tilespmem:$0x4C0]  }
0x28e: {  	v30 =	vld [tilespmem:$0x14C0]  }
0x28f: {  	v31 =	vld [tilespmem:$0x4CA]  }
0x290: {  	v27 =	vld [tilespmem:$0x14CA]  }
0x291: {  	v61 =	vld [tilespmem:$0x6C0]  }
0x292: {  	v18 =	vld [tilespmem:$0x500]  }
0x293: {  	v14 =	vld [tilespmem:$0x1500]  }
0x294: {  	v9 =	vld [tilespmem:$0x510]  }
0x295: {  	v7 =	vld [tilespmem:$0x1510]  }
0x296: {  	[tilespmem:$0x1FC50] =	vst v61;
	v61 =	vld [tilespmem:$0x730]  }
0x297: {  	v24 =	vld [tilespmem:$0x520]  }
0x298: {  	v22 =	vld [tilespmem:$0x1520]  }
0x299: {  	v45 =	vld [tilespmem:$0x530]  }
0x29a: {  	v40 =	vld [tilespmem:$0x1530]  }
0x29b: {  	[tilespmem:$0x1FCB0] =	vst v61;
	v61 =	vld [tilespmem:$0x74A]  }
0x29c: {  	v8 =	vld [tilespmem:$0x540]  }
0x29d: {  	v41 =	vld [tilespmem:$0x1540]  }
0x29e: {  	v42 =	vld [tilespmem:$0x54A]  }
0x29f: {  	v43 =	vld [tilespmem:$0x154A]  }
0x2a0: {  	[tilespmem:$0x1FD10] =	vst v61;
	v61 =	vld [tilespmem:$0x7A0]  }
0x2a1: {  	v15 =	vld [tilespmem:$0x580]  }
0x2a2: {  	v10 =	vld [tilespmem:$0x1580]  }
0x2a3: {  	v11 =	vld [tilespmem:$0x590]  }
0x2a4: {  	v25 =	vld [tilespmem:$0x5A0]  }
0x2a5: {  	[tilespmem:$0x1FCD0] =	vst v61;
	v61 =	vld [tilespmem:$0x17A0]  }
0x2a6: {  	v23 =	vld [tilespmem:$0x15A0]  }
0x2a7: {  	v39 =	vld [tilespmem:$0x15B0]  }
0x2a8: {  	v26 =	vld [tilespmem:$0x5C0]  }
0x2a9: {  	v56 =	vld [tilespmem:$0x15C0]  }
0x2aa: {  	[tilespmem:$0x1FCE0] =	vst v61;
	v61 =	vld [tilespmem:$0x7B0]  }
0x2ab: {  	v57 =	vld [tilespmem:$0x5CA]  }
0x2ac: {  	v52 =	vld [tilespmem:$0x15CA]  }
0x2ad: {  	v36 =	vld [tilespmem:$0x600]  }
0x2ae: {  	v32 =	vld [tilespmem:$0x1600]  }
0x2af: {  	[tilespmem:$0x1FD30] =	vst v61;
	v61 =	vld [tilespmem:$0x17B0]  }
0x2b0: {  	v33 =	vld [tilespmem:$0x610]  }
0x2b1: {  	v28 =	vld [tilespmem:$0x1610]  }
0x2b2: {  	v49 =	vld [tilespmem:$0x620]  }
0x2b3: {  	v48 =	vld [tilespmem:$0x630]  }
0x2b4: {  	[tilespmem:$0x1FD40] =	vst v61;
	v61 =	vld [tilespmem:$0x7C0]  }
0x2b5: {  	v50 =	vld [tilespmem:$0x1630]  }
0x2b6: {  	v51 =	vld [tilespmem:$0x640]  }
0x2b7: {  	v54 =	vld [tilespmem:$0x1640]  }
0x2b8: {  	v55 =	vld [tilespmem:$0x64A]  }
0x2b9: {  	[tilespmem:$0x1FD90] =	vst v61;
	v61 =	vld [tilespmem:$0x17C0]  }
0x2ba: {  	v58 =	vld [tilespmem:$0x164A]  }
0x2bb: {  	v37 =	vld [tilespmem:$0x680]  }
0x2bc: {  	v34 =	vld [tilespmem:$0x1680]  }
0x2bd: {  	v29 =	vld [tilespmem:$0x690]  }
0x2be: {  	[tilespmem:$0x1FDA0] =	vst v61;
	v61 =	vld [tilespmem:$0x7CA]  }
0x2bf: {  	v59 =	vld [tilespmem:$0x16B0]  }
0x2c0: {  	v62 =	vld [tilespmem:$0x16C0]  }
0x2c1: {  	v63 =	vld [tilespmem:$0x6CA]  }
0x2c2: {  	[tilespmem:$0x1FB80] =	vst v8;
	v8 =	vld [tilespmem:$0x1590]  }
0x2c3: {  	[tilespmem:$0x1FDB0] =	vst v61;
	v61 =	vld [tilespmem:$0x17CA]  }
0x2c4: {  	[tilespmem:$0x1FBB0] =	vst v43;
	v43 =	vld [tilespmem:$0x5B0]  }
0x2c5: {  	[tilespmem:$0x1FB90] =	vst v41;
	v41 =	vld [tilespmem:$0x1620]  }
0x2c6: {  	[tilespmem:$0x1FBC0] =	vst v26;
	v26 =	vld [tilespmem:$0x1690]  }
0x2c7: {  	[tilespmem:$0x1FBD0] =	vst v48;
	v48 =	vld [tilespmem:$0x6A0]  }
0x2c8: {  	[tilespmem:$0x1FDC0] =	vst v61;
	v61 =	vld [tilespmem:$0x800]  }
0x2c9: {  	[tilespmem:$0x1FBA0] =	vst v42;
	v42 =	vld [tilespmem:$0x16A0]  }
0x2ca: {  	[tilespmem:$0x1FBE0] =	vst v50;
	v50 =	vld [tilespmem:$0x6B0]  }
0x2cb: {  	[tilespmem:$0x1FC00] =	vst v54;
	v54 =	vld [tilespmem:$0x16CA]  }
0x2cc: {  	[tilespmem:$0x1FC60] =	vst v62;
	v62 =	vld [tilespmem:$0x700]  }
0x2cd: {  	[tilespmem:$0x1FD50] =	vst v61;
	v61 =	vld [tilespmem:$0x1800]  }
0x2ce: {  	[tilespmem:$0x1FC20] =	vst v58;
	v58 =	vld [tilespmem:$0x1700]  }
0x2cf: {  	[tilespmem:$0x1FC40] =	vst v59;
	v59 =	vld [tilespmem:$0x710]  }
0x2d0: {  	[tilespmem:$0x1FBF0] =	vst v51;
	v51 =	vld [tilespmem:$0x720]  }
0x2d1: {  	[tilespmem:$0x1FC10] =	vst v55;
	v55 =	vld [tilespmem:$0x1720]  }
0x2d2: {  	[tilespmem:$0x1FD60] =	vst v61;
	v61 =	vld [tilespmem:$0x810]  }
0x2d3: {  	[tilespmem:$0x1FC70] =	vst v63;
	v63 =	vld [tilespmem:$0x1730]  }
0x2d4: {  	v12 =	vmul.f32 v12, v16;
	v16 =	vld [tilespmem:$0x94A]  }
0x2d5: {  	v17 =	vmul.f32 v17, v19;
	v19 =	vld [tilespmem:$0x980]  }
0x2d6: {  	v6 =	vmul.f32 v6, v13;
	v13 =	vld [tilespmem:$0x1980]  }
0x2d7: {  	[tilespmem:$0x1FD70] =	vst v61;
	v61 =	vld [tilespmem:$0x1810]  }
0x2d8: {  	v35 =	vmul.f32 v35, v46;
	v46 =	vld [tilespmem:$0x9A0]  }
0x2d9: {  	v18 =	vmul.f32 v14, v18;
	v14 =	vld [tilespmem:$0x1FB90]  }
0x2da: {  	v40 =	vmul.f32 v40, v45;
	v45 =	vmul.f32 v23, v25;
	v25 =	vld [tilespmem:$0x1FBD0]  }
0x2db: {  	v2 =	vmul.f32 v2, v3;
	v0 =	vmul.f32 v0, v1;
	v6 =	vadd.f32 v6, v12;
	v12 =	vld [tilespmem:$0x19A0]  }
0x2dc: {  	[tilespmem:$0x1FD80] =	vst v61;
	v61 =	vld [tilespmem:$0x820]  }
0x2dd: {  	v0 =	vadd.f32 v0, v2;
	v2 =	vld [tilespmem:$0x19CA]  }
0x2de: {  	[tilespmem:$0x1FC30] =	vst v50;
	v50 =	vld [tilespmem:$0x1710]  }
0x2df: {  	[tilespmem:$0x1FC80] =	vst v54;
	v54 =	vld [tilespmem:$0x740]  }
0x2e0: {  	[tilespmem:$0x1FCA0] =	vst v55;
	v55 =	vld [tilespmem:$0x1740]  }
0x2e1: {  	[tilespmem:$0x1FDD0] =	vst v61;
	v61 =	vld [tilespmem:$0x1820]  }
0x2e2: {  	[tilespmem:$0x1FCC0] =	vst v63;
	v63 =	vld [tilespmem:$0x174A]  }
0x2e3: {  	[tilespmem:$0x1FC90] =	vst v51;
	v51 =	vld [tilespmem:$0x1790]  }
0x2e4: {  	[tilespmem:$0x1FFC0] =	vst v16;
	v16 =	vld [tilespmem:$0x194A]  }
0x2e5: {  	[tilespmem:$0x1FF80] =	vst v13;
	v13 =	vld [tilespmem:$0x1FB80]  }
0x2e6: {  	v24 =	vmul.f32 v22, v24;
	[tilespmem:$0x1FDE0] =	vst v61;
	v61 =	vld [tilespmem:$0x830]  }
0x2e7: {  	[tilespmem:$0x1FF70] =	vst v19;
	v19 =	vmul.f32 v4, v5;
	v22 =	vmul.f32 v41, v49;
	v41 =	vld [tilespmem:$0x1FC60]  }
0x2e8: {  	v23 =	vmul.f32 v34, v37;
	v34 =	vld [tilespmem:$0x1FC30]  }
0x2e9: {  	v0 =	vadd.f32 v19, v0;
	v19 =	vmul.f32 v7, v9;
	v9 =	vld [tilespmem:$0x9CA]  }
0x2ea: {  	v7 =	vld [tilespmem:$0x1A00]  }
0x2eb: {  	[tilespmem:$0x1FE30] =	vst v61;
	v61 =	vld [tilespmem:$0x1830]  }
0x2ec: {  	v3 =	vadd.f32 v19, v18;
	v18 =	vmul.f32 v32, v36;
	v32 =	vld [tilespmem:$0x1FC10]  }
0x2ed: {  	v19 =	vmul.f32 v28, v33;
	v33 =	vld [tilespmem:$0x1FC20]  }
0x2ee: {  	v36 =	vld [tilespmem:$0x1FC40]  }
0x2ef: {  	[tilespmem:$0x1FD20] =	vst v63;
	v63 =	vld [tilespmem:$0x780]  }
0x2f0: {  	[tilespmem:$0x1FE40] =	vst v61;
	v61 =	vld [tilespmem:$0x840]  }
0x2f1: {  	[tilespmem:$0x1FCF0] =	vst v54;
	v54 =	vld [tilespmem:$0x1780]  }
0x2f2: {  	[tilespmem:$0x1FD00] =	vst v55;
	v55 =	vld [tilespmem:$0x790]  }
0x2f3: {  	[tilespmem:$0x1FFD0] =	vst v16;
	v16 =	vadd.f32 v17, v6;
	v17 =	vmul.f32 v60, v44;
	v60 =	vld [tilespmem:$0x990]  }
0x2f4: {  	v44 =	vld [tilespmem:$0x1990]  }
0x2f5: {  	[tilespmem:$0x1FE70] =	vst v61;
	v61 =	vld [tilespmem:$0x1840]  }
0x2f6: {  	v3 =	vadd.f32 v24, v3;
	v24 =	vmul.f32 v26, v29;
	v26 =	vld [tilespmem:$0x1FBE0]  }
0x2f7: {  	v29 =	vld [tilespmem:$0x1FBF0]  }
0x2f8: {  	v1 =	vadd.f32 v17, v16;
	v16 =	vmul.f32 v47, v38;
	v47 =	vld [tilespmem:$0x9B0]  }
0x2f9: {  	v17 =	vmul.f32 v20, v21;
	v20 =	vmul.f32 v30, v53;
	v53 =	vld [tilespmem:$0x9C0]  }
0x2fa: {  	[tilespmem:$0x1FE80] =	vst v61;
	v61 =	vld [tilespmem:$0x84A]  }
0x2fb: {  	v30 =	vld [tilespmem:$0x19C0]  }
0x2fc: {  	v21 =	vmul.f32 v27, v31;
	v27 =	vmul.f32 v10, v15;
	v15 =	vld [tilespmem:$0x1FBA0]  }
0x2fd: {  	v31 =	vld [tilespmem:$0x1FC00]  }
0x2fe: {  	v38 =	vmul.f32 v8, v11;
	v11 =	vadd.f32 v40, v3;
	v3 =	vmul.f32 v14, v13;
	v13 =	vld [tilespmem:$0x1A10]  }
0x2ff: {  	[tilespmem:$0x1FE90] =	vst v61;
	v61 =	vld [tilespmem:$0x184A]  }
0x300: {  	v14 =	vld [tilespmem:$0xA20]  }
0x301: {  	v40 =	vld [tilespmem:$0x1FC50]  }
0x302: {  	v1 =	vadd.f32 v35, v1;
	v35 =	vld [tilespmem:$0x19B0]  }
0x303: {  	v4 =	vsel vm0, $0x0, v16;
	v16 =	vld [tilespmem:$0x1FBB0]  }
0x304: {  	[tilespmem:$0x1FEA0] =	vst v61;
	v61 =	vld [tilespmem:$0x880]  }
0x305: {  	v0 =	vadd.f32 v17, v0;
	v17 =	vmul.f32 v39, v43;
	v43 =	vld [tilespmem:$0x1FC80]  }
0x306: {  	v10 =	vsel vm0, $0x0, v21;
	v21 =	vmul.f32 v52, v57;
	v52 =	vld [tilespmem:$0x1FCB0]  }
0x307: {  	v57 =	vld [tilespmem:$0x1FCF0]  }
0x308: {  	v39 =	vmul.f32 v50, v59;
	v59 =	vld [tilespmem:$0x1FD10]  }
0x309: {  	[tilespmem:$0x1FDF0] =	vst v61;
	v61 =	vld [tilespmem:$0x1880]  }
0x30a: {  	v49 =	vmul.f32 v54, v63;
	v54 =	vld [tilespmem:$0x1FCC0]  }
0x30b: {  	v44 =	vmul.f32 v44, v60;
	v60 =	vld [tilespmem:$0x1B80]  }
0x30c: {  	v0 =	vadd.f32 v20, v0;
	v20 =	vld [tilespmem:$0x1FBC0]  }
0x30d: {  	v1 =	vadd.f32 v4, v1;
	v4 =	vadd.f32 v38, v27;
	v27 =	vmul.f32 v42, v48;
	v42 =	vld [tilespmem:$0x1FC70]  }
0x30e: {  	[tilespmem:$0x1FE00] =	vst v61;
	v61 =	vld [tilespmem:$0x890]  }
0x30f: {  	v48 =	vld [tilespmem:$0x1FCA0]  }
0x310: {  	v8 =	vmul.f32 v26, v25;
	v26 =	vld [tilespmem:$0x1A80]  }
0x311: {  	v50 =	vmul.f32 v51, v55;
	v55 =	vld [tilespmem:$0x1FCD0]  }
0x312: {  	v38 =	vmul.f32 v58, v62;
	v58 =	vld [tilespmem:$0x1FD00]  }
0x313: {  	[tilespmem:$0x1FE10] =	vst v61;
	v61 =	vld [tilespmem:$0x1890]  }
0x314: {  	v62 =	vld [tilespmem:$0x1FD20]  }
0x315: {  	[tilespmem:$0x1FFE0] =	vst v1;
	v1 =	vld [tilespmem:$0xA00]  }
0x316: {  	v0 =	vadd.f32 v10, v0;
	v10 =	vld [tilespmem:$0xA10]  }
0x317: {  	v4 =	vadd.f32 v45, v4;
	v45 =	vld [tilespmem:$0x1FC90]  }
0x318: {  	[tilespmem:$0x1FE20] =	vst v61;
	v61 =	vld [tilespmem:$0x8A0]  }
0x319: {  	v5 =	vmul.f32 v16, v15;
	v16 =	vld [tilespmem:$0x1A20]  }
0x31a: {  	v15 =	vadd.f32 v24, v23;
	v24 =	vld [tilespmem:$0xA80]  }
0x31b: {  	v35 =	vmul.f32 v35, v47;
	v47 =	vld [tilespmem:$0x1BA0]  }
0x31c: {  	v4 =	vadd.f32 v17, v4;
	v17 =	vld [tilespmem:$0xA30]  }
0x31d: {  	[tilespmem:$0x1FE50] =	vst v61;
	v61 =	vld [tilespmem:$0x18A0]  }
0x31e: {  	[tilespmem:$0x1FFF0] =	vst v0;
	v0 =	vadd.f32 v3, v11;
	v11 =	vld [tilespmem:$0x1A30]  }
0x31f: {  	v3 =	vadd.f32 v19, v18;
	v19 =	vld [tilespmem:$0x1A40]  }
0x320: {  	v6 =	vmul.f32 v56, v20;
	v56 =	vld [tilespmem:$0x1FCE0]  }
0x321: {  	v15 =	vadd.f32 v27, v15;
	v27 =	vld [tilespmem:$0x1A90]  }
0x322: {  	v28 =	vsel vm0, $0x0, v21;
	v21 =	vadd.f32 v39, v38;
	v5 =	vsel vm0, $0x0, v5;
	[tilespmem:$0x1FE60] =	vst v61;
	v61 =	vld [tilespmem:$0x8B0]  }
0x323: {  	v0 =	vadd.f32 v5, v0;
	v3 =	vadd.f32 v22, v3;
	v5 =	vld [tilespmem:$0xA40];
	v22 =	vmul.f32 v48, v45  }
0x324: {  	v4 =	vadd.f32 v6, v4;
	v24 =	vmul.f32 v26, v24;
	v26 =	vld [tilespmem:$0x1BCA]  }
0x325: {  	v51 =	vadd.f32 v22, v21;
	v22 =	vld [tilespmem:$0xA90]  }
0x326: {  	v6 =	vadd.f32 v28, v4;
	v4 =	vmul.f32 v31, v29;
	v29 =	vld [tilespmem:$0x1AA0]  }
0x327: {  	v18 =	vmul.f32 v36, v34;
	[tilespmem:$0x1FEB0] =	vst v61;
	v61 =	vld [tilespmem:$0x18B0]  }
0x328: {  	v3 =	vadd.f32 v8, v3;
	v63 =	vld [tilespmem:$0x1FD30]  }
0x329: {  	v15 =	vadd.f32 v18, v15;
	v18 =	vmul.f32 v41, v40;
	v8 =	vmul.f32 v33, v32;
	v32 =	vld [tilespmem:$0x1FD40]  }
0x32a: {  	v23 =	vmul.f32 v43, v42;
	v37 =	vadd.f32 v4, v3;
	v3 =	vld [tilespmem:$0xA4A]  }
0x32b: {  	v15 =	vadd.f32 v18, v15;
	v4 =	vld [tilespmem:$0x1A4A]  }
0x32c: {  	v20 =	vadd.f32 v50, v49;
	v23 =	vsel vm0, $0x0, v23;
	v25 =	vmul.f32 v56, v55;
	[tilespmem:$0x1FEC0] =	vst v61;
	v61 =	vld [tilespmem:$0x8C0]  }
0x32d: {  	v15 =	vadd.f32 v23, v15;
	v23 =	vld [tilespmem:$0xAA0]  }
0x32e: {  	v20 =	vadd.f32 v25, v20;
	v25 =	vmul.f32 v32, v63;
	v32 =	vld [tilespmem:$0xAB0]  }
0x32f: {  	v38 =	vld [tilespmem:$0x1FD90]  }
0x330: {  	v39 =	vld [tilespmem:$0x1FDA0]  }
0x331: {  	[tilespmem:$0x1FF10] =	vst v61;
	v61 =	vld [tilespmem:$0x18C0]  }
0x332: {  	v40 =	vld [tilespmem:$0x1FDB0]  }
0x333: {  	v41 =	vld [tilespmem:$0x1FDC0]  }
0x334: {  	v33 =	vld [tilespmem:$0x1FD50]  }
0x335: {  	v34 =	vld [tilespmem:$0x1FD60]  }
0x336: {  	v21 =	vmul.f32 v54, v52;
	[tilespmem:$0x1FF20] =	vst v61;
	v61 =	vld [tilespmem:$0x8CA]  }
0x337: {  	v20 =	vadd.f32 v25, v20;
	v25 =	vmul.f32 v39, v38;
	v38 =	vld [tilespmem:$0x1AC0]  }
0x338: {  	v18 =	vadd.f32 v21, v51;
	v21 =	vmul.f32 v58, v57;
	v39 =	vld [tilespmem:$0x1ACA]  }
0x339: {  	v36 =	vld [tilespmem:$0x1FD70]  }
0x33a: {  	v18 =	vadd.f32 v21, v18;
	v21 =	vmul.f32 v34, v33;
	v33 =	vmul.f32 v41, v40;
	v34 =	vld [tilespmem:$0x1AB0]  }
0x33b: {  	v20 =	vadd.f32 v25, v20;
	[tilespmem:$0x1FF30] =	vst v61;
	v61 =	vld [tilespmem:$0x18CA]  }
0x33c: {  	v41 =	vld [tilespmem:$0x1B00];
	v33 =	vsel vm0, $0x0, v33  }
0x33d: {  	v8 =	vsel vm0, $0x0, v8;
	v20 =	vadd.f32 v33, v20;
	v33 =	vld [tilespmem:$0xB00]  }
0x33e: {  	v8 =	vadd.f32 v8, v37;
	v37 =	vld [tilespmem:$0x1FD80]  }
0x33f: {  	v42 =	vld [tilespmem:$0x1FDD0]  }
0x340: {  	[tilespmem:$0x1FF40] =	vst v61;
	v61 =	vld [tilespmem:$0x900]  }
0x341: {  	v43 =	vld [tilespmem:$0x1FDE0]  }
0x342: {  	v51 =	vld [tilespmem:$0x1FE30]  }
0x343: {  	v52 =	vld [tilespmem:$0x1FE40]  }
0x344: {  	v58 =	vld [tilespmem:$0x1FE90]  }
0x345: {  	[tilespmem:$0x1FED0] =	vst v61;
	v61 =	vld [tilespmem:$0x1900]  }
0x346: {  	v28 =	vmul.f32 v62, v59;
	v59 =	vld [tilespmem:$0x1FEA0]  }
0x347: {  	v31 =	vmul.f32 v37, v36;
	v56 =	vld [tilespmem:$0x1FE70]  }
0x348: {  	v57 =	vld [tilespmem:$0x1FE80]  }
0x349: {  	v36 =	vld [tilespmem:$0xAC0];
	v21 =	vadd.f32 v31, v21;
	v31 =	vmul.f32 v43, v42  }
0x34a: {  	[tilespmem:$0x1FEE0] =	vst v61;
	v61 =	vld [tilespmem:$0x910]  }
0x34b: {  	v21 =	vadd.f32 v31, v21;
	v25 =	vmul.f32 v52, v51;
	v40 =	vmul.f32 v59, v58;
	v58 =	vld [tilespmem:$0x1FF70]  }
0x34c: {  	v59 =	vld [tilespmem:$0x1FF80]  }
0x34d: {  	v43 =	vld [tilespmem:$0xB10];
	v21 =	vadd.f32 v25, v21;
	v25 =	vmul.f32 v57, v56  }
0x34e: {  	v31 =	vld [tilespmem:$0xACA]  }
0x34f: {  	v21 =	vadd.f32 v25, v21;
	[tilespmem:$0x1FEF0] =	vst v61;
	v61 =	vld [tilespmem:$0x1910]  }
0x350: {  	v45 =	vld [tilespmem:$0x1FDF0];
	v40 =	vsel vm0, $0x0, v40  }
0x351: {  	v21 =	vadd.f32 v40, v21;
	v48 =	vld [tilespmem:$0x1FE00];
	v40 =	vmul.f32 v59, v58  }
0x352: {  	v58 =	vld [tilespmem:$0xB80]  }
0x353: {  	v40 =	vadd.f32 v44, v40;
	v44 =	vld [tilespmem:$0xB40]  }
0x354: {  	[tilespmem:$0x1FF00] =	vst v61;
	v61 =	vld [tilespmem:$0x920]  }
0x355: {  	v49 =	vld [tilespmem:$0x1FE10]  }
0x356: {  	v50 =	vld [tilespmem:$0x1FE20]  }
0x357: {  	v54 =	vld [tilespmem:$0x1FE50]  }
0x358: {  	v12 =	vmul.f32 v12, v46;
	v55 =	vld [tilespmem:$0x1FE60]  }
0x359: {  	[tilespmem:$0x1FF50] =	vst v61;
	v61 =	vld [tilespmem:$0x1920]  }
0x35a: {  	v28 =	vsel vm0, $0x0, v28;
	v12 =	vadd.f32 v12, v40;
	v40 =	vld [tilespmem:$0x1B40]  }
0x35b: {  	v18 =	vadd.f32 v28, v18;
	v28 =	vmul.f32 v48, v45;
	v37 =	vmul.f32 v50, v49;
	v62 =	vld [tilespmem:$0x1FEB0]  }
0x35c: {  	v63 =	vld [tilespmem:$0x1FEC0]  }
0x35d: {  	v28 =	vadd.f32 v37, v28;
	v37 =	vmul.f32 v55, v54;
	v54 =	vld [tilespmem:$0x1FF30]  }
0x35e: {  	[tilespmem:$0x1FF60] =	vst v61;
	v61 =	vld [tilespmem:$0x930]  }
0x35f: {  	v55 =	vld [tilespmem:$0x1FF40]  }
0x360: {  	v45 =	vld [tilespmem:$0x1FED0]  }
0x361: {  	v48 =	vld [tilespmem:$0x1FEE0]  }
0x362: {  	v51 =	vld [tilespmem:$0x1FF10]  }
0x363: {  	[tilespmem:$0x1FF90] =	vst v61;
	v61 =	vld [tilespmem:$0x1930]  }
0x364: {  	v52 =	vld [tilespmem:$0x1FF20]  }
0x365: {  	v49 =	vld [tilespmem:$0x1FEF0]  }
0x366: {  	v25 =	vmul.f32 v48, v45;
	v45 =	vmul.f32 v55, v54;
	v54 =	vld [tilespmem:$0x1FFC0]  }
0x367: {  	v50 =	vld [tilespmem:$0x1FF00]  }
0x368: {  	[tilespmem:$0x1FFA0] =	vst v61;
	v61 =	vld [tilespmem:$0x940]  }
0x369: {  	v56 =	vld [tilespmem:$0x1FF50]  }
0x36a: {  	v57 =	vld [tilespmem:$0x1FF60]  }
0x36b: {  	v28 =	vadd.f32 v37, v28;
	v37 =	vmul.f32 v63, v62;
	v62 =	vld [tilespmem:$0x1FF90]  }
0x36c: {  	v63 =	vld [tilespmem:$0x1FFA0]  }
0x36d: {  	v42 =	vmul.f32 v50, v49;
	[tilespmem:$0x1FFB0] =	vst v61;
	v61 =	vld [tilespmem:$0x1940]  }
0x36e: {  	v28 =	vadd.f32 v37, v28;
	v37 =	vmul.f32 v52, v51;
	v52 =	vld [tilespmem:$0x1FFB0]  }
0x36f: {  	v55 =	vld [tilespmem:$0x1FFD0];
	v25 =	vadd.f32 v42, v25;
	v42 =	vmul.f32 v57, v56  }
0x370: {  	v12 =	vadd.f32 v35, v12;
	v35 =	vld [tilespmem:$0xBA0]  }
0x371: {  	v28 =	vadd.f32 v37, v28;
	v48 =	vld [tilespmem:$0x1B10];
	v25 =	vadd.f32 v42, v25;
	v37 =	vmul.f32 v63, v62  }
0x372: {  	v51 =	vsel vm0, $0x0, v45;
	v45 =	vld [tilespmem:$0x1B30]  }
0x373: {  	v49 =	vld [tilespmem:$0xB20];
	v25 =	vadd.f32 v37, v25;
	v37 =	vmul.f32 v61, v52  }
0x374: {  	v2 =	vmul.f32 v2, v9;
	v46 =	vmul.f32 v55, v54;
	v50 =	vld [tilespmem:$0x1B20]  }
0x375: {  	v1 =	vmul.f32 v7, v1;
	v56 =	vmul.f32 v13, v10;
	v25 =	vadd.f32 v37, v25;
	v37 =	vld [tilespmem:$0x1FFE0]  }
0x376: {  	v14 =	vmul.f32 v16, v14;
	v59 =	vsel vm0, $0x0, v46;
	v46 =	vmul.f32 v48, v43;
	v48 =	vld [tilespmem:$0x1FFF0]  }
0x377: {  	v11 =	vmul.f32 v11, v17;
	v5 =	vmul.f32 v19, v5;
	v55 =	vld [tilespmem:$0xBB0];
	v1 =	vadd.f32 v56, v1  }
0x378: {  	v2 =	vsel vm0, $0x0, v2;
	v22 =	vmul.f32 v27, v22;
	v10 =	vld [tilespmem:$0xB4A];
	v57 =	vmul.f32 v30, v53  }
0x379: {  	v3 =	vmul.f32 v4, v3;
	v41 =	vmul.f32 v41, v33;
	v1 =	vadd.f32 v14, v1;
	v62 =	vld [tilespmem:$0x1B90]  }
0x37a: {  	v28 =	vadd.f32 v51, v28;
	v54 =	vmul.f32 v50, v49;
	v12 =	vadd.f32 v57, v12;
	v61 =	vld [tilespmem:$0xB90];
	(xrf2) =	vadd.scan.msk.f32 $0xffff, v37  }
0x37b: {  	v30 =	vmul.f32 v29, v23;
	v23 =	vmul.f32 v39, v31;
	v42 =	vld [tilespmem:$0xB30];
	v1 =	vadd.f32 v11, v1;
	(xrf2) =	vadd.scan.msk.f32 $0xffff, v48  }
0x37c: {  	v56 =	vmul.f32 v60, v58;
	v58 =	vld [tilespmem:$0x1BB0];
	v2 =	vadd.f32 v2, v12;
	v12 =	vadd.f32 v46, v41;
	(xrf2) =	vadd.scan.msk.f32 $0xffff, v0  }
0x37d: {  	v3 =	vsel vm0, $0x0, v3;
	v1 =	vadd.f32 v5, v1;
	v63 =	vadd.f32 v22, v24;
	v52 =	vld [tilespmem:$0x1B4A];
	(xrf2) =	vadd.scan.msk.f32 $0xffff, v6  }
0x37e: {  	v53 =	vmul.f32 v34, v32;
	v4 =	vsel vm0, $0x0, v23;
	v60 =	vadd.f32 v54, v12;
	v22 =	vld [tilespmem:$0x1BC0];
	(xrf2) =	vadd.scan.msk.f32 $0xffff, v8  }
0x37f: {  	v1 =	vadd.f32 v3, v1;
	v51 =	vadd.f32 v30, v63;
	v57 =	vmul.f32 v62, v61;
	v61 =	vld [tilespmem:$0xBC0];
	(xrf2) =	vadd.scan.msk.f32 $0xffff, v15  }
0x380: {  	v24 =	vld [tilespmem:$0xBCA];
	v63 =	vmul.f32 v47, v35;
	v7 =	vadd.f32 v59, v25;
	v62 =	vmul.f32 v45, v42;
	(xrf2) =	vadd.scan.msk.f32 $0xffff, v18  }
0x381: {  	v59 =	vmul.f32 v38, v36;
	v5 =	vadd.f32 v57, v56;
	v0 =	vadd.f32 v53, v51;
	(xrf2) =	vadd.scan.msk.f32 $0xffff, v20  }
0x382: {  	v25 =	vmul.f32 v40, v44;
	v27 =	vmul.f32 v52, v10;
	v11 =	vadd.f32 v62, v60;
	(xrf2) =	vadd.scan.msk.f32 $0xffff, v21  }
0x383: {  	v9 =	vmul.f32 v58, v55;
	v5 =	vadd.f32 v63, v5;
	v0 =	vadd.f32 v59, v0;
	(xrf2) =	vadd.scan.msk.f32 $0xffff, v28  }
0x384: {  	v3 =	vsel vm0, $0x0, v27;
	v29 =	vadd.f32 v25, v11;
	v32 =	vmul.f32 v22, v61;
	v28, _, _ =	vpop (xrf2);
	(xrf2) =	vadd.scan.msk.f32 $0xffff, v7  }
0x385: {  	v6 =	vmul.f32 v26, v24;
	v5 =	vadd.f32 v9, v5;
	v0 =	vadd.f32 v4, v0;
	v30, _, _ =	vpop (xrf2);
	(xrf2) =	vadd.scan.msk.f32 $0xffff, v2  }
0x386: {  	v34 =	vadd.f32 v3, v29;
	v31 =	vbroadcast v28, $0xF;
	v33, _, _ =	vpop (xrf2);
	(xrf2) =	vadd.scan.msk.f32 $0xffff, v1;
	v35 =	vbroadcast v30, $0xF  }
0x387: {  	v37 =	vadd.f32 v32, v5;
	v36, _, _ =	vpop (xrf2);
	(xrf2) =	vadd.scan.msk.f32 $0xffff, v0;
	v38 =	vbroadcast v33, $0xF  }
0x388: {  	v41 =	vsel vm0, $0x0, v6;
	v2 =	vsel vm1, v31, v35;
	v39 =	vbroadcast v36, $0xF;
	v40, _, _ =	vpop (xrf2);
	(xrf2) =	vadd.scan.msk.f32 $0xffff, v34  }
0x389: {  	v0 =	vadd.f32 v41, v37;
	v42, _, _ =	vpop (xrf2);
	v2 =	vsel vm2, v2, v38;
	v43 =	vbroadcast v40, $0xF  }
0x38a: {  	v44, _, _ =	vpop (xrf2);
	v2 =	vsel vm3, v2, v39;
	v45 =	vbroadcast v42, $0xF  }
0x38b: {  	(xrf2) =	vadd.scan.msk.f32 $0xffff, v0;
	v2 =	vsel vm4, v2, v43;
	v1 =	vbroadcast v44, $0xF;
	v46, _, _ =	vpop (xrf2)  }
0x38c: {  	v47, _, _ =	vpop (xrf2);
	v2 =	vsel vm5, v2, v45;
	v48 =	vbroadcast v46, $0xF  }
0x38d: {  	v49, _, _ =	vpop (xrf2);
	v1 =	vsel vm0, v2, v1;
	v0 =	vbroadcast v47, $0xF  }
0x38e: {  	v50, _, _ =	vpop (xrf2);
	v1 =	vsel vm6, v1, v48;
	v51 =	vbroadcast v49, $0xF  }
0x38f: {  	v52, _, _ =	vpop (xrf2);
	v0 =	vsel vm7, v1, v0;
	v53 =	vbroadcast v50, $0xF  }
0x390: {  	v54, _, _ =	vpop (xrf2);
	v0 =	vsel vm8, v0, v51;
	v55 =	vbroadcast v52, $0xF  }
0x391: {  	v56, _, _ =	vpop (xrf2);
	v0 =	vsel vm9, v0, v53;
	v57 =	vbroadcast v54, $0xF  }
0x392: {  	v60 =	vld [tilespmem:s21+$0x2400];
	v58, _, _ =	vpop (xrf2);
	v0 =	vsel vm10, v0, v55;
	v59 =	vbroadcast v56, $0xF  }
0x393: {  	v0 =	vsel vm11, v0, v57;
	v61 =	vbroadcast v58, $0xF  }
0x394: {  	v62 =	vld [tilespmem:s21+$0x2600];
	v0 =	vsel vm12, v0, v59  }
0x395: {  	v63, _, _ =	vpop (xrf2);
	v0 =	vsel vm13, v0, v61  }
0x396: {  	v0 =	vsel vm14, v0, v63  }
0x397: {  	v0 =	vadd.f32 v0, v60  }
0x398: {  	p0 =	seq.s32 s20, $0x780  }
.Ltmp4:
0x399: {  	v0 =	vadd.f32 v0, v62;
	(pc) =	sbr.rel @p0 .LBB2_4-.Ltmp4, $3  }
0x39a: {  	_ = 	snop  }
0x39b: {  	v0 =	vadd.f32 $3.500000000e+00, v0;
	_ =	sdelay $0x1  }
0x39c: {  	[tilespmem:s21+$0x2800] =	vst v0  }
0x39d: {  	v0 =	vld [tilespmem:s21+$0x20];
	_ =	sdelay $0x1  }
0x39e: {  	v2 =	vld [tilespmem:s21+$0x220];
	_ =	sdelay $0x2  }
0x39f: {  	v1 =	vshll.u32 v0, $0x4  }
0x3a0: {  	(v2sf) =	vpush v1, $0x0  }
0x3a1: {  	v63 =	vshll.u32 v2, $0x4  }
0x3a2: {  	(v2sf) =	vpush v63, $0x0;
	_ =	sdelay $0x4  }
0x3a3: {  	(v2sf) =	vpush v1, $0x1;
	_ =	sdelay $0x3  }
0x3a4: {  	(v2sf) =	vpush v63, $0x1;
	_ =	sdelay $0x3  }
0x3a5: {  	s22 =	spop (v2sf);
	(v2sf) =	vpush v1, $0x2  }
0x3a6: {  	s22 =	sand.u32 $0x1FFFFFF0, s22  }
0x3a7: {  	s24 =	spop (v2sf);
	s22 =	sadd.s32 s5, s22  }
0x3a8: {  	[tilespmem:s23], [sflag:$0x2] =	stream.linear.gather [hbm4b:s22+s3], $0x80, $0x38;
	[tilespmem:$0x2A00] =	vst v63  }
0x3a9: {  	(v2sf) =	vpush v63, $0x2;
	s22 =	sand.u32 $0x1FFFFFF0, s24  }
0x3aa: {  	s24 =	simm.s32 $0x1400;
	s22 =	sadd.s32 s6, s22  }
0x3ab: {  	[tilespmem:s24], [sflag:$0x2] =	stream.linear.gather [hbm4b:s22+s3], $0x80, $0x38;
	[tilespmem:$0x2A00] =	vst v63  }
0x3ac: {  	s24 =	spop (v2sf)  }
0x3ad: {  	(v2sf) =	vpush v1, $0x3;
	s22 =	sand.u32 $0x1FFFFFF0, s24  }
0x3ae: {  	s24 =	simm.s32 $0x480;
	s22 =	sadd.s32 s5, s22  }
0x3af: {  	[tilespmem:s24], [sflag:$0x2] =	stream.linear.gather [hbm4b:s22+s3], $0x80, $0x38;
	[tilespmem:$0x2A00] =	vst v63  }
0x3b0: {  	s24 =	spop (v2sf)  }
0x3b1: {  	(v2sf) =	vpush v63, $0x3;
	s22 =	sand.u32 $0x1FFFFFF0, s24  }
0x3b2: {  	s24 =	simm.s32 $0x1480;
	s22 =	sadd.s32 s6, s22  }
0x3b3: {  	[tilespmem:s24], [sflag:$0x2] =	stream.linear.gather [hbm4b:s22+s3], $0x80, $0x38;
	[tilespmem:$0x2A00] =	vst v63  }
0x3b4: {  	s24 =	spop (v2sf)  }
0x3b5: {  	(v2sf) =	vpush v1, $0x4;
	s22 =	sand.u32 $0x1FFFFFF0, s24  }
0x3b6: {  	s24 =	simm.s32 $0x500;
	s22 =	sadd.s32 s5, s22  }
0x3b7: {  	[tilespmem:s24], [sflag:$0x2] =	stream.linear.gather [hbm4b:s22+s3], $0x80, $0x38;
	[tilespmem:$0x2A00] =	vst v63  }
0x3b8: {  	s24 =	spop (v2sf)  }
0x3b9: {  	(v2sf) =	vpush v63, $0x4;
	s22 =	sand.u32 $0x1FFFFFF0, s24  }
0x3ba: {  	s24 =	simm.s32 $0x1500;
	s22 =	sadd.s32 s6, s22  }
0x3bb: {  	[tilespmem:s24], [sflag:$0x2] =	stream.linear.gather [hbm4b:s22+s3], $0x80, $0x38;
	[tilespmem:$0x2A00] =	vst v63  }
0x3bc: {  	s24 =	spop (v2sf)  }
0x3bd: {  	(v2sf) =	vpush v1, $0x5;
	s22 =	sand.u32 $0x1FFFFFF0, s24  }
0x3be: {  	s24 =	simm.s32 $0x580;
	s22 =	sadd.s32 s5, s22  }
0x3bf: {  	[tilespmem:s24], [sflag:$0x2] =	stream.linear.gather [hbm4b:s22+s3], $0x80, $0x38;
	[tilespmem:$0x2A00] =	vst v63  }
0x3c0: {  	s24 =	spop (v2sf)  }
0x3c1: {  	(v2sf) =	vpush v63, $0x5;
	s22 =	sand.u32 $0x1FFFFFF0, s24  }
0x3c2: {  	s24 =	simm.s32 $0x1580;
	s22 =	sadd.s32 s6, s22  }
0x3c3: {  	[tilespmem:s24], [sflag:$0x2] =	stream.linear.gather [hbm4b:s22+s3], $0x80, $0x38;
	[tilespmem:$0x2A00] =	vst v63  }
0x3c4: {  	s24 =	spop (v2sf)  }
0x3c5: {  	(v2sf) =	vpush v1, $0x6;
	s22 =	sand.u32 $0x1FFFFFF0, s24  }
0x3c6: {  	s24 =	simm.s32 $0x600;
	s22 =	sadd.s32 s5, s22  }
0x3c7: {  	[tilespmem:s24], [sflag:$0x2] =	stream.linear.gather [hbm4b:s22+s3], $0x80, $0x38;
	[tilespmem:$0x2A00] =	vst v63  }
0x3c8: {  	s24 =	spop (v2sf)  }
0x3c9: {  	(v2sf) =	vpush v63, $0x6;
	s22 =	sand.u32 $0x1FFFFFF0, s24  }
0x3ca: {  	s24 =	simm.s32 $0x1600;
	s22 =	sadd.s32 s6, s22  }
0x3cb: {  	[tilespmem:s24], [sflag:$0x2] =	stream.linear.gather [hbm4b:s22+s3], $0x80, $0x38;
	[tilespmem:$0x2A00] =	vst v63  }
0x3cc: {  	s24 =	spop (v2sf)  }
0x3cd: {  	(v2sf) =	vpush v1, $0x7;
	s22 =	sand.u32 $0x1FFFFFF0, s24  }
0x3ce: {  	s24 =	simm.s32 $0x680;
	s22 =	sadd.s32 s5, s22  }
0x3cf: {  	[tilespmem:s24], [sflag:$0x2] =	stream.linear.gather [hbm4b:s22+s3], $0x80, $0x38;
	[tilespmem:$0x2A00] =	vst v63  }
0x3d0: {  	s24 =	spop (v2sf)  }
0x3d1: {  	(v2sf) =	vpush v63, $0x7;
	s22 =	sand.u32 $0x1FFFFFF0, s24  }
0x3d2: {  	s24 =	simm.s32 $0x1680;
	s22 =	sadd.s32 s6, s22  }
0x3d3: {  	[tilespmem:s24], [sflag:$0x2] =	stream.linear.gather [hbm4b:s22+s3], $0x80, $0x38;
	[tilespmem:$0x2A00] =	vst v63  }
0x3d4: {  	s24 =	spop (v2sf)  }
0x3d5: {  	(v2sf) =	vpush v1, $0x8;
	s22 =	sand.u32 $0x1FFFFFF0, s24  }
0x3d6: {  	s24 =	simm.s32 $0x700;
	s22 =	sadd.s32 s5, s22  }
0x3d7: {  	[tilespmem:s24], [sflag:$0x2] =	stream.linear.gather [hbm4b:s22+s3], $0x80, $0x38;
	[tilespmem:$0x2A00] =	vst v63  }
0x3d8: {  	s24 =	spop (v2sf)  }
0x3d9: {  	(v2sf) =	vpush v63, $0x8;
	s22 =	sand.u32 $0x1FFFFFF0, s24  }
0x3da: {  	s24 =	simm.s32 $0x1700;
	s22 =	sadd.s32 s6, s22  }
0x3db: {  	[tilespmem:s24], [sflag:$0x2] =	stream.linear.gather [hbm4b:s22+s3], $0x80, $0x38;
	[tilespmem:$0x2A00] =	vst v63  }
0x3dc: {  	s24 =	spop (v2sf)  }
0x3dd: {  	(v2sf) =	vpush v1, $0x9;
	s22 =	sand.u32 $0x1FFFFFF0, s24  }
0x3de: {  	s24 =	simm.s32 $0x780;
	s22 =	sadd.s32 s5, s22  }
0x3df: {  	[tilespmem:s24], [sflag:$0x2] =	stream.linear.gather [hbm4b:s22+s3], $0x80, $0x38;
	[tilespmem:$0x2A00] =	vst v63  }
0x3e0: {  	s24 =	spop (v2sf)  }
0x3e1: {  	(v2sf) =	vpush v63, $0x9;
	s22 =	sand.u32 $0x1FFFFFF0, s24  }
0x3e2: {  	s24 =	simm.s32 $0x1780;
	s22 =	sadd.s32 s6, s22  }
0x3e3: {  	[tilespmem:s24], [sflag:$0x2] =	stream.linear.gather [hbm4b:s22+s3], $0x80, $0x38;
	[tilespmem:$0x2A00] =	vst v63  }
0x3e4: {  	s24 =	spop (v2sf)  }
0x3e5: {  	(v2sf) =	vpush v1, $0xA;
	s22 =	sand.u32 $0x1FFFFFF0, s24  }
0x3e6: {  	s24 =	simm.s32 $0x800;
	s22 =	sadd.s32 s5, s22  }
0x3e7: {  	[tilespmem:s24], [sflag:$0x2] =	stream.linear.gather [hbm4b:s22+s3], $0x80, $0x38;
	[tilespmem:$0x2A00] =	vst v63  }
0x3e8: {  	s24 =	spop (v2sf)  }
0x3e9: {  	(v2sf) =	vpush v63, $0xA;
	s22 =	sand.u32 $0x1FFFFFF0, s24  }
0x3ea: {  	s24 =	simm.s32 $0x1800;
	s22 =	sadd.s32 s6, s22  }
0x3eb: {  	[tilespmem:s24], [sflag:$0x2] =	stream.linear.gather [hbm4b:s22+s3], $0x80, $0x38;
	[tilespmem:$0x2A00] =	vst v63  }
0x3ec: {  	s24 =	spop (v2sf)  }
0x3ed: {  	(v2sf) =	vpush v1, $0xB;
	s22 =	sand.u32 $0x1FFFFFF0, s24  }
0x3ee: {  	s24 =	simm.s32 $0x880;
	s22 =	sadd.s32 s5, s22  }
0x3ef: {  	[tilespmem:s24], [sflag:$0x2] =	stream.linear.gather [hbm4b:s22+s3], $0x80, $0x38;
	[tilespmem:$0x2A00] =	vst v63  }
0x3f0: {  	s24 =	spop (v2sf)  }
0x3f1: {  	(v2sf) =	vpush v63, $0xB;
	s22 =	sand.u32 $0x1FFFFFF0, s24  }
0x3f2: {  	s24 =	simm.s32 $0x1880;
	s22 =	sadd.s32 s6, s22  }
0x3f3: {  	[tilespmem:s24], [sflag:$0x2] =	stream.linear.gather [hbm4b:s22+s3], $0x80, $0x38;
	[tilespmem:$0x2A00] =	vst v63  }
0x3f4: {  	s24 =	spop (v2sf)  }
0x3f5: {  	(v2sf) =	vpush v1, $0xC;
	s22 =	sand.u32 $0x1FFFFFF0, s24  }
0x3f6: {  	s24 =	simm.s32 $0x900;
	s22 =	sadd.s32 s5, s22  }
0x3f7: {  	[tilespmem:s24], [sflag:$0x2] =	stream.linear.gather [hbm4b:s22+s3], $0x80, $0x38;
	[tilespmem:$0x2A00] =	vst v63  }
0x3f8: {  	s24 =	spop (v2sf)  }
0x3f9: {  	(v2sf) =	vpush v63, $0xC;
	s22 =	sand.u32 $0x1FFFFFF0, s24  }
0x3fa: {  	s24 =	simm.s32 $0x1900;
	s22 =	sadd.s32 s6, s22  }
0x3fb: {  	[tilespmem:s24], [sflag:$0x2] =	stream.linear.gather [hbm4b:s22+s3], $0x80, $0x38;
	[tilespmem:$0x2A00] =	vst v63  }
0x3fc: {  	s24 =	spop (v2sf)  }
0x3fd: {  	(v2sf) =	vpush v1, $0xD;
	s22 =	sand.u32 $0x1FFFFFF0, s24  }
0x3fe: {  	s24 =	simm.s32 $0x980;
	s22 =	sadd.s32 s5, s22  }
0x3ff: {  	[tilespmem:s24], [sflag:$0x2] =	stream.linear.gather [hbm4b:s22+s3], $0x80, $0x38;
	[tilespmem:$0x2A00] =	vst v63  }
0x400: {  	s24 =	spop (v2sf)  }
0x401: {  	(v2sf) =	vpush v63, $0xD;
	s22 =	sand.u32 $0x1FFFFFF0, s24  }
0x402: {  	s24 =	simm.s32 $0x1980;
	s22 =	sadd.s32 s6, s22  }
0x403: {  	[tilespmem:s24], [sflag:$0x2] =	stream.linear.gather [hbm4b:s22+s3], $0x80, $0x38;
	[tilespmem:$0x2A00] =	vst v63  }
0x404: {  	s24 =	spop (v2sf)  }
0x405: {  	(v2sf) =	vpush v1, $0xE;
	s22 =	sand.u32 $0x1FFFFFF0, s24  }
0x406: {  	s24 =	simm.s32 $0xA00;
	s22 =	sadd.s32 s5, s22  }
0x407: {  	[tilespmem:s24], [sflag:$0x2] =	stream.linear.gather [hbm4b:s22+s3], $0x80, $0x38;
	[tilespmem:$0x2A00] =	vst v63  }
0x408: {  	s24 =	spop (v2sf)  }
0x409: {  	(v2sf) =	vpush v63, $0xE;
	s22 =	sand.u32 $0x1FFFFFF0, s24  }
0x40a: {  	s24 =	simm.s32 $0x1A00;
	s22 =	sadd.s32 s6, s22  }
0x40b: {  	[tilespmem:s24], [sflag:$0x2] =	stream.linear.gather [hbm4b:s22+s3], $0x80, $0x38;
	[tilespmem:$0x2A00] =	vst v63  }
0x40c: {  	s24 =	spop (v2sf)  }
0x40d: {  	(v2sf) =	vpush v1, $0xF;
	s22 =	sand.u32 $0x1FFFFFF0, s24  }
0x40e: {  	s24 =	simm.s32 $0xA80;
	s22 =	sadd.s32 s5, s22  }
0x40f: {  	[tilespmem:s24], [sflag:$0x2] =	stream.linear.gather [hbm4b:s22+s3], $0x80, $0x38;
	[tilespmem:$0x2A00] =	vst v63  }
0x410: {  	s24 =	spop (v2sf)  }
0x411: {  	s22 =	sand.u32 $0x1FFFFFF0, s24  }
0x412: {  	(v2sf) =	vpush v63, $0xF;
	s24 =	simm.s32 $0x1A80;
	s22 =	sadd.s32 s6, s22  }
0x413: {  	[tilespmem:s24], [sflag:$0x2] =	stream.linear.gather [hbm4b:s22+s3], $0x80, $0x38;
	[tilespmem:$0x2A00] =	vst v63  }
0x414: {  	s24 =	spop (v2sf)  }
0x415: {  	s22 =	sand.u32 $0x1FFFFFF0, s24  }
0x416: {  	s24 =	simm.s32 $0xB00;
	s22 =	sadd.s32 s5, s22  }
0x417: {  	[tilespmem:s24], [sflag:$0x2] =	stream.linear.gather [hbm4b:s22+s3], $0x80, $0x38;
	[tilespmem:$0x2A00] =	vst v63  }
0x418: {  	s24 =	spop (v2sf)  }
0x419: {  	s22 =	sand.u32 $0x1FFFFFF0, s24  }
0x41a: {  	s24 =	simm.s32 $0x1B00;
	s22 =	sadd.s32 s6, s22  }
0x41b: {  	[tilespmem:s24], [sflag:$0x2] =	stream.linear.gather [hbm4b:s22+s3], $0x80, $0x38;
	[tilespmem:$0x2A00] =	vst v63  }
0x41c: {  	s24 =	spop (v2sf)  }
0x41d: {  	s22 =	sand.u32 $0x1FFFFFF0, s24  }
0x41e: {  	s24 =	simm.s32 $0xB80;
	s22 =	sadd.s32 s5, s22  }
0x41f: {  	[tilespmem:s24], [sflag:$0x2] =	stream.linear.gather [hbm4b:s22+s3], $0x80, $0x38;
	[tilespmem:$0x2A00] =	vst v63  }
.Ltmp5:
0x420: {  	_ = 	snop;
	(pc) =	sbr.rel .LBB2_4-.Ltmp5, $4  }
0x421: {  	s24 =	spop (v2sf)  }
0x422: {  	s22 =	sand.u32 $0x1FFFFFF0, s24  }
0x423: {  	s24 =	simm.s32 $0x1B80;
	s22 =	sadd.s32 s6, s22  }
0x424: {  	[tilespmem:s24], [sflag:$0x2] =	stream.linear.gather [hbm4b:s22+s3], $0x80, $0x38;
	[tilespmem:$0x2A00] =	vst v63  }
.LBB2_6:
0x425: {  	_ =	sfence.sel $0x180000  }
0x426: {  	[bflag:$0x0] =	sbarrier.arrive $0xFFFF  }
0x427: {  	_ =	strace $0x90000047  }
0x428: {  	s0 =	stileid.u32;
	[bflag:$0x2] =	sbarrier.arrive $0xFFFF  }
0x429: {  	p0 =	sne.s32 s0, $0x0;
	s0 =	rddreg [dreg:$0x6]  }
0x42a: {  	s0 =	sadd.s32 @!p0 $0x100000, s0  }
0x42b: {  	[sflag:s0] =	ssyncadd.tile.s32 @!p0 $0x1;
	_ =	shalt  }
.Lfunc_end2:
_tile_overlayer_lowered:
.L_overlay_start_2:
0x42c: {  	(tag) =	ssettag $0x2  }
0x42d: {  	s0 =	rddreg [dreg:$0x0];
	s2 =	stileid.u32  }
0x42e: {  	s1 =	rddreg [dreg:$0x1];
	p0 =	sne.s32 s2, $0x0  }
0x42f: {  	s3 =	rddreg [dreg:$0x2];
	[bflag:$0x3] =	sbarrier.arrive $0xFFFF;
	s2 =	simm.s32 @!p0 $0x1C04  }
0x430: {  	[timem:s3], [sflag:s2] =	dma.local @!p0 [hbm:s0], s1  }
0x431: {  	s0 =	simm.s32 @!p0 $0x4  }
0x432: {  	_ =	swait.ge @!p0 [sflag:s0], s1  }
0x433: {  	s1 =	ssub.s32 @!p0 $0x0, s1;
	[sflag:s0] =	ssyncset.done @!p0 $0x0  }
0x434: {  	[sflag:s0] =	ssyncadd.s32 @!p0 s1  }
0x435: {  	[bflag:$0x3] =	sbarrier.arrive $0xFFFF  }
0x436: {  	_ =	shalt  }

</sc_bundles>
